<compile_context>
chip_gen: v7x
topology: tpu7x:2x2x1
jax: 0.10.2.dev20260603
libtpu: 0.0.44.dev20260713+nightly
codegen_flags: <defaults>
</compile_context>

<pallas_src>
import functools

import jax
import jax.numpy as jnp
from jax import lax
from jax.experimental import pallas as pl
from jax.experimental.pallas import tpu as pltpu
from jax.experimental.pallas import tpu_sc as plsc

N_CHEM = 10000
N_GENE = 10000
E = 320000
D = 128
CHUNK = 64
NSUB = 16
NCHUNKS = 5024
N_PER_TILE = NCHUNKS // NSUB
EPAD = NCHUNKS * CHUNK
DW = D // 2
NPAD = 10000
ZONE = 640
LAST_ZONE = NPAD - 15 * ZONE
VALID_GATE = 50
GATE_ROWS = 64
NBLK = 10
BLK = N_CHEM // NBLK


def _sigmoid(x):
    return 1.0 / (1.0 + jnp.exp(-x))


def _prep_body(xc, xg, wscg, bscg, wdcg, bdcg, wsgc, bsgc, wdgc, bdgc,
               cat, wccg, bccg, wcgc, bcgc,
               xs_cg, xd_cg, xs_gc, xd_gc, g_cg, g_gc):
    def _pack32(x):
        u = lax.bitcast_convert_type(x, jnp.int32)
        r = (u + 0x7FFF + ((u >> 16) & 1)) >> 16
        lo = r[:, :DW] & 0xFFFF
        hi = r[:, DW:]
        return lo | (hi << 16)

    c = xc[...]
    g = xg[...]
    xs_cg[...] = _pack32(
        jnp.dot(c, wscg[...], preferred_element_type=jnp.float32) + bscg[...])
    xd_cg[...] = _pack32(
        jnp.dot(g, wdcg[...], preferred_element_type=jnp.float32) + bdcg[...])
    xs_gc[...] = _pack32(
        jnp.dot(g, wsgc[...], preferred_element_type=jnp.float32) + bsgc[...])
    xd_gc[...] = _pack32(
        jnp.dot(c, wdgc[...], preferred_element_type=jnp.float32) + bdgc[...])

    @pl.when(pl.program_id(0) == 0)
    def _():
        t = cat[...]
        row = lax.broadcasted_iota(jnp.int32, (GATE_ROWS, D), 0)
        valid = row < VALID_GATE
        g_cg[...] = _pack32(jnp.where(valid, _sigmoid(
            jnp.dot(t, wccg[...], preferred_element_type=jnp.float32)
            + bccg[...]) * 0.25, 0.0))
        g_gc[...] = _pack32(jnp.where(valid, _sigmoid(
            jnp.dot(t, wcgc[...], preferred_element_type=jnp.float32)
            + bcgc[...]) * 0.25, 0.0))


def _out_body(ac, woc, boc, ag, wog, bog, oc, og):
    oc[...] = jnp.dot(ac[...], woc[...], preferred_element_type=jnp.float32) + boc[...]
    og[...] = jnp.dot(ag[...], wog[...], preferred_element_type=jnp.float32) + bog[...]


def _sc_body(xs0, xd0, g0, idx0h,
             xs1, xd1, g1, idx1h,
             out_g, out_c,
             idx_a, idx_b, di_sc_a, di_sc_b,
             src_a, dst_a, gate_a, msg_a, src_b, dst_b, gate_b, msg_b,
             acc, isem_a, isem_b, gsem_a, gsem_b, ssem_a, ssem_b):
    c = lax.axis_index("c")
    s = lax.axis_index("s")

    def _z(e, carry):
        for t in range(D // 16):
            msg_a[e, pl.ds(t * 16, 16)] = jnp.zeros((16,), jnp.float32)
        return carry
    lax.fori_loop(0, CHUNK, _z, 0)
    for k in range(6):
        pltpu.sync_copy(msg_a, acc.at[pl.ds(s * ZONE + k * CHUNK, CHUNK)])

    @pl.when(s < NSUB - 1)
    def _():
        for k in range(6, 10):
            pltpu.sync_copy(msg_a, acc.at[pl.ds(s * ZONE + k * CHUNK, CHUNK)])

    @pl.when(s == NSUB - 1)
    def _():
        pltpu.sync_copy(msg_a.at[pl.ds(0, 16)],
                        acc.at[pl.ds(s * ZONE + 6 * CHUNK, 16)])
    plsc.subcore_barrier()

    def _process(xs, xd, gt, idxh):
        n = N_PER_TILE
        sets = (
            (idx_a, di_sc_a, src_a, dst_a, gate_a, msg_a, isem_a, gsem_a, ssem_a),
            (idx_b, di_sc_b, src_b, dst_b, gate_b, msg_b, isem_b, gsem_b, ssem_b),
        )

        def fire_idx(j, st):
            idx, isem = st[0], st[6]
            pltpu.async_copy(idxh.at[s + NSUB * j], idx, isem)

        def gather_stage(j, st):
            idx, di_sc, src, dst, gate, msg, isem, gsem, ssem = st
            pltpu.make_async_copy(idxh.at[s + NSUB * j], idx, isem).wait()
            pltpu.async_copy(xs.at[idx.at[0]], src, gsem)
            pltpu.async_copy(xd.at[idx.at[1]], dst, gsem)
            pltpu.async_copy(gt.at[idx.at[2]], gate, gsem)

        def compute_stage(j, st):
            idx, di_sc, src, dst, gate, msg, isem, gsem, ssem = st
            pltpu.make_async_copy(xs.at[idx.at[0]], src, gsem).wait()
            pltpu.make_async_copy(xd.at[idx.at[1]], dst, gsem).wait()
            pltpu.make_async_copy(gt.at[idx.at[2]], gate, gsem).wait()

            @pl.when(j >= 3)
            def _():
                pltpu.make_async_copy(msg, acc.at[di_sc], ssem).wait()

            for k in range(CHUNK // 16):
                sl = pl.ds(k * 16, 16)
                di_sc[sl] = idx[1, sl]

            @pl.when(j < n - 1)
            def _():
                fire_idx(j + 1, st)

            @plsc.parallel_loop(0, CHUNK, 1, unroll=2)
            def _(e):
                hi_mask = jnp.int32(-65536)
                for t in range(DW // 16):
                    sl = pl.ds(t * 16, 16)
                    sw = src[e, sl]
                    dw = dst[e, sl]
                    gw = gate[e, sl]
                    s_lo = lax.bitcast_convert_type(sw << 16, jnp.float32)
                    d_lo = lax.bitcast_convert_type(dw << 16, jnp.float32)
                    g_lo = lax.bitcast_convert_type(gw << 16, jnp.float32)
                    s_hi = lax.bitcast_convert_type(sw & hi_mask, jnp.float32)
                    d_hi = lax.bitcast_convert_type(dw & hi_mask, jnp.float32)
                    g_hi = lax.bitcast_convert_type(gw & hi_mask, jnp.float32)
                    msg[e, pl.ds(t * 16, 16)] = (s_lo + d_lo) * g_lo
                    msg[e, pl.ds(DW + t * 16, 16)] = (s_hi + d_hi) * g_hi

            pltpu.async_copy(msg, acc.at[di_sc], ssem, add=True)

        fire_idx(0, sets[0])
        fire_idx(1, sets[1])

        def iter_body(j, carry):
            @pl.when(j % 2 == 0)
            def _():
                @pl.when(j < n)
                def _():
                    gather_stage(j, sets[0])

                @pl.when(j >= 1)
                def _():
                    compute_stage(j, sets[1])

            @pl.when(j % 2 == 1)
            def _():
                @pl.when(j < n)
                def _():
                    gather_stage(j, sets[1])
                compute_stage(j, sets[0])
            return carry
        lax.fori_loop(0, n + 1, iter_body, 0)

        pltpu.make_async_copy(msg_b, acc.at[di_sc_b], ssem_b).wait()
        pltpu.make_async_copy(msg_a, acc.at[di_sc_a], ssem_a).wait()

    @pl.when(c == 0)
    def _():
        _process(xs0, xd0, g0, idx0h)

    @pl.when(c == 1)
    def _():
        _process(xs1, xd1, g1, idx1h)

    plsc.subcore_barrier()

    def _copy_out(dst):
        @pl.when(s < NSUB - 1)
        def _():
            pltpu.sync_copy(acc.at[pl.ds(s * ZONE, ZONE)],
                            dst.at[pl.ds(s * ZONE, ZONE)])

        @pl.when(s == NSUB - 1)
        def _():
            pltpu.sync_copy(acc.at[pl.ds(s * ZONE, LAST_ZONE)],
                            dst.at[pl.ds(s * ZONE, LAST_ZONE)])

    @pl.when(c == 0)
    def _():
        _copy_out(out_g)

    @pl.when(c == 1)
    def _():
        _copy_out(out_c)


_full128 = pl.BlockSpec((D, D), lambda i: (0, 0))
_full1x = pl.BlockSpec((1, D), lambda i: (0, 0))
_blk = pl.BlockSpec((BLK, D), lambda i: (i, 0))

_prep_call = pl.pallas_call(
    _prep_body,
    grid=(NBLK,),
    in_specs=[
        _blk, _blk,
        _full128, _full1x, _full128, _full1x,
        _full128, _full1x, _full128, _full1x,
        pl.BlockSpec((GATE_ROWS, GATE_ROWS), lambda i: (0, 0)),
        pl.BlockSpec((GATE_ROWS, D), lambda i: (0, 0)), _full1x,
        pl.BlockSpec((GATE_ROWS, D), lambda i: (0, 0)), _full1x,
    ],
    out_specs=[
        pl.BlockSpec((BLK, DW), lambda i: (i, 0)),
        pl.BlockSpec((BLK, DW), lambda i: (i, 0)),
        pl.BlockSpec((BLK, DW), lambda i: (i, 0)),
        pl.BlockSpec((BLK, DW), lambda i: (i, 0)),
        pl.BlockSpec((GATE_ROWS, DW), lambda i: (0, 0)),
        pl.BlockSpec((GATE_ROWS, DW), lambda i: (0, 0)),
    ],
    out_shape=[
        jax.ShapeDtypeStruct((N_CHEM, DW), jnp.int32),
        jax.ShapeDtypeStruct((N_GENE, DW), jnp.int32),
        jax.ShapeDtypeStruct((N_GENE, DW), jnp.int32),
        jax.ShapeDtypeStruct((N_CHEM, DW), jnp.int32),
        jax.ShapeDtypeStruct((GATE_ROWS, DW), jnp.int32),
        jax.ShapeDtypeStruct((GATE_ROWS, DW), jnp.int32),
    ],
)

_out_call = pl.pallas_call(
    _out_body,
    grid=(NBLK,),
    in_specs=[_blk, _full128, _full1x, _blk, _full128, _full1x],
    out_specs=[_blk, _blk],
    out_shape=[
        jax.ShapeDtypeStruct((N_CHEM, D), jnp.float32),
        jax.ShapeDtypeStruct((N_GENE, D), jnp.float32),
    ],
)

_sc_call = pl.kernel(
    _sc_body,
    out_type=[
        jax.ShapeDtypeStruct((NPAD, D), jnp.float32),
        jax.ShapeDtypeStruct((NPAD, D), jnp.float32),
    ],
    mesh=plsc.VectorSubcoreMesh(core_axis_name="c", subcore_axis_name="s"),
    compiler_params=pltpu.CompilerParams(use_tc_tiling_on_sc=False),
    scratch_types=[
        pltpu.VMEM((3, CHUNK), jnp.int32),
        pltpu.VMEM((3, CHUNK), jnp.int32),
        pltpu.VMEM((CHUNK,), jnp.int32),
        pltpu.VMEM((CHUNK,), jnp.int32),
        pltpu.VMEM((CHUNK, DW), jnp.int32),
        pltpu.VMEM((CHUNK, DW), jnp.int32),
        pltpu.VMEM((CHUNK, DW), jnp.int32),
        pltpu.VMEM((CHUNK, D), jnp.float32),
        pltpu.VMEM((CHUNK, DW), jnp.int32),
        pltpu.VMEM((CHUNK, DW), jnp.int32),
        pltpu.VMEM((CHUNK, DW), jnp.int32),
        pltpu.VMEM((CHUNK, D), jnp.float32),
        pltpu.VMEM_SHARED((NPAD, D), jnp.float32),
        pltpu.SemaphoreType.DMA,
        pltpu.SemaphoreType.DMA,
        pltpu.SemaphoreType.DMA,
        pltpu.SemaphoreType.DMA,
        pltpu.SemaphoreType.DMA,
        pltpu.SemaphoreType.DMA,
    ],
)


def kernel(x_chemical, x_gene, edge_index_cg, edge_index_gc, edge_attr_cg,
           edge_attr_gc, W_src_cg, b_src_cg, W_dst_cg, b_dst_cg, W_cat_cg,
           b_cat_cg, attn_cg, W_src_gc, b_src_gc, W_dst_gc, b_dst_gc,
           W_cat_gc, b_cat_gc, attn_gc, emb_action_type, emb_action_subject,
           W_out_chemical, b_out_chemical, W_out_gene, b_out_gene):
    num_as = emb_action_subject.shape[0]
    num_at = emb_action_type.shape[0]

    def _pack(edge_index, edge_attr):
        si = edge_index[0].astype(jnp.int32)
        di = edge_index[1].astype(jnp.int32)
        code = (edge_attr[:, 0] * num_as + edge_attr[:, 1]).astype(jnp.int32)
        pad = EPAD - si.shape[0]
        si = jnp.pad(si, (0, pad))
        di = jnp.pad(di, (0, pad))
        code = jnp.pad(code, (0, pad), constant_values=GATE_ROWS - 1)
        return jnp.stack([si.reshape(NCHUNKS, CHUNK),
                          di.reshape(NCHUNKS, CHUNK),
                          code.reshape(NCHUNKS, CHUNK)], axis=1)

    idx_cg = _pack(edge_index_cg, edge_attr_cg)
    idx_gc = _pack(edge_index_gc, edge_attr_gc)

    cat = jnp.concatenate(
        [jnp.repeat(emb_action_type, num_as, axis=0),
         jnp.tile(emb_action_subject, (num_at, 1))], axis=1)
    cat = jnp.pad(cat, ((0, GATE_ROWS - num_at * num_as), (0, 0)))

    xs_cg, xd_cg, xs_gc, xd_gc, g_cg, g_gc = _prep_call(
        x_chemical, x_gene,
        W_src_cg, b_src_cg.reshape(1, D), W_dst_cg, b_dst_cg.reshape(1, D),
        W_src_gc, b_src_gc.reshape(1, D), W_dst_gc, b_dst_gc.reshape(1, D),
        cat, W_cat_cg, b_cat_cg.reshape(1, D), W_cat_gc, b_cat_gc.reshape(1, D))

    aggr_gene_p, aggr_chem_p = _sc_call(
        xs_cg, xd_cg, g_cg, idx_cg,
        xs_gc, xd_gc, g_gc, idx_gc)
    aggr_gene = aggr_gene_p
    aggr_chem = aggr_chem_p

    out_chem, out_gene = _out_call(
        aggr_chem, W_out_chemical, b_out_chemical.reshape(1, D),
        aggr_gene, W_out_gene, b_out_gene.reshape(1, D))
    return (out_chem, out_gene)

# --- scband reference (transcript-rebuilt; emitter-appended) ---
"""Pipeline reference for scband-edge-attr-hetero-conv-13091060318486 (READ-ONLY COPY).

The authoritative reference and input builder live on the scoring server;
editing this copy changes nothing except your own understanding.
"""

import jax, jax.numpy as jnp
import numpy as np

N_CHEM = 10000
N_GENE = 10000
E = 320000
D_IN = 128
D_OUT = 128
HEADS = 4
DH = D_OUT // HEADS
EA = 32
NUM_AT = 10
NUM_AS = 5


def setup_inputs(seed: int = 0) -> dict:
    key = jax.random.key(seed)
    ks = jax.random.split(key, 24)
    s = 0.05
    inp = {}
    inp["x_chemical"] = jax.random.normal(ks[0], (N_CHEM, D_IN), dtype=jnp.float32)
    inp["x_gene"] = jax.random.normal(ks[1], (N_GENE, D_IN), dtype=jnp.float32)
    inp["edge_index_cg"] = jax.random.randint(ks[2], (2, E), 0, N_GENE)
    inp["edge_index_gc"] = jax.random.randint(ks[3], (2, E), 0, N_CHEM)
    inp["edge_attr_cg"] = jax.random.randint(ks[4], (E, 2), 0, NUM_AS)
    inp["edge_attr_gc"] = jax.random.randint(ks[5], (E, 2), 0, NUM_AS)
    i = 6
    for nme in ["cg", "gc"]:
        inp["W_src_" + nme] = jax.random.normal(ks[i], (D_IN, D_OUT), dtype=jnp.float32) * s; i += 1
        inp["b_src_" + nme] = jnp.zeros((D_OUT,), jnp.float32)
        inp["W_dst_" + nme] = jax.random.normal(ks[i], (D_IN, D_OUT), dtype=jnp.float32) * s; i += 1
        inp["b_dst_" + nme] = jnp.zeros((D_OUT,), jnp.float32)
        inp["W_cat_" + nme] = jax.random.normal(ks[i], (2 * EA, D_OUT), dtype=jnp.float32) * s; i += 1
        inp["b_cat_" + nme] = jnp.zeros((D_OUT,), jnp.float32)
        inp["attn_" + nme] = jax.random.normal(ks[i], (1, HEADS, DH), dtype=jnp.float32) * s; i += 1
    inp["emb_action_type"] = jax.random.normal(ks[i], (NUM_AT, EA), dtype=jnp.float32); i += 1
    inp["emb_action_subject"] = jax.random.normal(ks[i], (NUM_AS, EA), dtype=jnp.float32); i += 1
    inp["W_out_chemical"] = jax.random.normal(ks[i], (D_OUT, D_OUT), dtype=jnp.float32) * s; i += 1
    inp["b_out_chemical"] = jnp.zeros((D_OUT,), jnp.float32)
    inp["W_out_gene"] = jax.random.normal(ks[i], (D_OUT, D_OUT), dtype=jnp.float32) * s; i += 1
    inp["b_out_gene"] = jnp.zeros((D_OUT,), jnp.float32)
    return inp


def reference(x_chemical, x_gene, edge_index_cg, edge_index_gc, edge_attr_cg, edge_attr_gc,
              W_src_cg, b_src_cg, W_dst_cg, b_dst_cg, W_cat_cg, b_cat_cg, attn_cg,
              W_src_gc, b_src_gc, W_dst_gc, b_dst_gc, W_cat_gc, b_cat_gc, attn_gc,
              emb_action_type, emb_action_subject,
              W_out_chemical, b_out_chemical, W_out_gene, b_out_gene):
    def edge_pass(src_x, dst_x, ei, ea, Ws, bs, Wd, bd, Wc, bc, attn, num_dst):
        si = ei[0]
        di = ei[1]
        msg_src = src_x[si] @ Ws + bs
        msg_dst = dst_x[di] @ Wd + bd
        msg = msg_src + msg_dst
        te = emb_action_type[ea[:, 0]]
        se = emb_action_subject[ea[:, 1]]
        edge_emb = jnp.concatenate([te, se], axis=-1)
        gate = jax.nn.sigmoid(edge_emb @ Wc + bc)
        msg = msg * gate
        aw = (msg.reshape(-1, HEADS, DH) * attn).sum(axis=-1)
        aw = jax.nn.softmax(aw, axis=-1)
        msg = msg * aw.mean(axis=-1, keepdims=True)
        return jax.ops.segment_sum(msg, di, num_segments=num_dst)

    aggr_gene = edge_pass(x_chemical, x_gene, edge_index_cg, edge_attr_cg,
                          W_src_cg, b_src_cg, W_dst_cg, b_dst_cg, W_cat_cg, b_cat_cg, attn_cg, N_GENE)
    aggr_chem = edge_pass(x_gene, x_chemical, edge_index_gc, edge_attr_gc,
                          W_src_gc, b_src_gc, W_dst_gc, b_dst_gc, W_cat_gc, b_cat_gc, attn_gc, N_CHEM)
    # each node type receives exactly one message tensor, so stack+mean is identity
    out_chem = aggr_chem @ W_out_chemical + b_out_chemical
    out_gene = aggr_gene @ W_out_gene + b_out_gene
    return (out_chem, out_gene)

if __name__ == "__main__":
    import jax
    _d = setup_inputs()
    print(jax.jit(kernel)(*tuple(_d.values())))

</pallas_src>

<mosaic_0001>
#map = affine_map<(d0, d1) -> (0, 0)>
#map1 = affine_map<(d0, d1) -> (0, 0, 0)>
module attributes {stable_mosaic.version = 14 : i64} {
  func.func @_sc_body(%arg0: i32, %arg1: i32, %arg2: memref<10000x64xi32, #tpu.memory_space<hbm>>, %arg3: memref<10000x64xi32, #tpu.memory_space<hbm>>, %arg4: memref<64x64xi32, #tpu.memory_space<hbm>>, %arg5: memref<5024x3x64xi32, #tpu.memory_space<hbm>>, %arg6: memref<10000x64xi32, #tpu.memory_space<hbm>>, %arg7: memref<10000x64xi32, #tpu.memory_space<hbm>>, %arg8: memref<64x64xi32, #tpu.memory_space<hbm>>, %arg9: memref<5024x3x64xi32, #tpu.memory_space<hbm>>, %arg10: memref<10000x128xf32, #tpu.memory_space<hbm>>, %arg11: memref<10000x128xf32, #tpu.memory_space<hbm>>, %arg12: memref<3x64xi32, #tpu.memory_space<vmem>>, %arg13: memref<3x64xi32, #tpu.memory_space<vmem>>, %arg14: memref<64xi32, #tpu.memory_space<vmem>>, %arg15: memref<64xi32, #tpu.memory_space<vmem>>, %arg16: memref<64x64xi32, #tpu.memory_space<vmem>>, %arg17: memref<64x64xi32, #tpu.memory_space<vmem>>, %arg18: memref<64x64xi32, #tpu.memory_space<vmem>>, %arg19: memref<64x128xf32, #tpu.memory_space<vmem>>, %arg20: memref<64x64xi32, #tpu.memory_space<vmem>>, %arg21: memref<64x64xi32, #tpu.memory_space<vmem>>, %arg22: memref<64x64xi32, #tpu.memory_space<vmem>>, %arg23: memref<64x128xf32, #tpu.memory_space<vmem>>, %arg24: memref<10000x128xf32, #tpu.memory_space<vmem_shared>>, %arg25: memref<!tpu.dma_semaphore, #tpu.memory_space<semaphore_mem>>, %arg26: memref<!tpu.dma_semaphore, #tpu.memory_space<semaphore_mem>>, %arg27: memref<!tpu.dma_semaphore, #tpu.memory_space<semaphore_mem>>, %arg28: memref<!tpu.dma_semaphore, #tpu.memory_space<semaphore_mem>>, %arg29: memref<!tpu.dma_semaphore, #tpu.memory_space<semaphore_mem>>, %arg30: memref<!tpu.dma_semaphore, #tpu.memory_space<semaphore_mem>>) attributes {dimension_semantics = [#tpu.dimension_semantics<core_parallel>, #tpu.dimension_semantics<subcore_parallel>], iteration_bounds = array<i64: 2, 16>, scalar_prefetch = 0 : i64, scratch_operands = 19 : i64, tpu.core_type = #tpu.core_type<sc_vector_subcore>, window_params = [{transform_indices = #map}, {transform_indices = #map}, {transform_indices = #map}, {transform_indices = #map1}, {transform_indices = #map}, {transform_indices = #map}, {transform_indices = #map}, {transform_indices = #map1}, {transform_indices = #map}, {transform_indices = #map}]} {
    %scan3A = arith.constant 0 : i32
    %scan3A_0 = arith.constant 0 : i32
    %scan3A_1 = arith.constant 64 : i32
    %scan3A_2 = arith.addi %scan3A_0, %scan3A_1 : i32
    %scan3A_3 = arith.constant 1 : i32
    scf.for %scan3A_54 = %scan3A_0 to %scan3A_2 step %scan3A_3  : i32 {
      %broadcast_in_dim3A = arith.constant 0.000000e+00 : f32
      %broadcast_in_dim3A_55 = vector.broadcast %broadcast_in_dim3A : f32 to vector<16xf32>
      %swap3A = arith.index_cast %scan3A_54 : i32 to index
      %swap3A_56 = arith.constant 0 : index
      %swap3A_57 = tpu.vector_load %arg19[%swap3A, %swap3A_56] {strides = array<i32>} : memref<64x128xf32, #tpu.memory_space<vmem>>, vector<1x16xf32>,
      %swap3A_58 = vector.shape_cast %swap3A_57 : vector<1x16xf32> to vector<16xf32>
      %swap3A_59 = vector.shape_cast %broadcast_in_dim3A_55 : vector<16xf32> to vector<1x16xf32>
      tpu.vector_store %arg19[%swap3A, %swap3A_56], %swap3A_59 {strides = array<i32>} : memref<64x128xf32, #tpu.memory_space<vmem>>, vector<1x16xf32>,
      %broadcast_in_dim3A_60 = arith.constant 0.000000e+00 : f32
      %broadcast_in_dim3A_61 = vector.broadcast %broadcast_in_dim3A_60 : f32 to vector<16xf32>
      %swap3A_62 = arith.index_cast %scan3A_54 : i32 to index
      %swap3A_63 = arith.constant 16 : index
      %swap3A_64 = tpu.vector_load %arg19[%swap3A_62, %swap3A_63] {strides = array<i32>} : memref<64x128xf32, #tpu.memory_space<vmem>>, vector<1x16xf32>,
      %swap3A_65 = vector.shape_cast %swap3A_64 : vector<1x16xf32> to vector<16xf32>
      %swap3A_66 = vector.shape_cast %broadcast_in_dim3A_61 : vector<16xf32> to vector<1x16xf32>
      tpu.vector_store %arg19[%swap3A_62, %swap3A_63], %swap3A_66 {strides = array<i32>} : memref<64x128xf32, #tpu.memory_space<vmem>>, vector<1x16xf32>,
      %broadcast_in_dim3A_67 = arith.constant 0.000000e+00 : f32
      %broadcast_in_dim3A_68 = vector.broadcast %broadcast_in_dim3A_67 : f32 to vector<16xf32>
      %swap3A_69 = arith.index_cast %scan3A_54 : i32 to index
      %swap3A_70 = arith.constant 32 : index
      %swap3A_71 = tpu.vector_load %arg19[%swap3A_69, %swap3A_70] {strides = array<i32>} : memref<64x128xf32, #tpu.memory_space<vmem>>, vector<1x16xf32>,
      %swap3A_72 = vector.shape_cast %swap3A_71 : vector<1x16xf32> to vector<16xf32>
      %swap3A_73 = vector.shape_cast %broadcast_in_dim3A_68 : vector<16xf32> to vector<1x16xf32>
      tpu.vector_store %arg19[%swap3A_69, %swap3A_70], %swap3A_73 {strides = array<i32>} : memref<64x128xf32, #tpu.memory_space<vmem>>, vector<1x16xf32>,
      %broadcast_in_dim3A_74 = arith.constant 0.000000e+00 : f32
      %broadcast_in_dim3A_75 = vector.broadcast %broadcast_in_dim3A_74 : f32 to vector<16xf32>
      %swap3A_76 = arith.index_cast %scan3A_54 : i32 to index
      %swap3A_77 = arith.constant 48 : index
      %swap3A_78 = tpu.vector_load %arg19[%swap3A_76, %swap3A_77] {strides = array<i32>} : memref<64x128xf32, #tpu.memory_space<vmem>>, vector<1x16xf32>,
      %swap3A_79 = vector.shape_cast %swap3A_78 : vector<1x16xf32> to vector<16xf32>
      %swap3A_80 = vector.shape_cast %broadcast_in_dim3A_75 : vector<16xf32> to vector<1x16xf32>
      tpu.vector_store %arg19[%swap3A_76, %swap3A_77], %swap3A_80 {strides = array<i32>} : memref<64x128xf32, #tpu.memory_space<vmem>>, vector<1x16xf32>,
      %broadcast_in_dim3A_81 = arith.constant 0.000000e+00 : f32
      %broadcast_in_dim3A_82 = vector.broadcast %broadcast_in_dim3A_81 : f32 to vector<16xf32>
      %swap3A_83 = arith.index_cast %scan3A_54 : i32 to index
      %swap3A_84 = arith.constant 64 : index
      %swap3A_85 = tpu.vector_load %arg19[%swap3A_83, %swap3A_84] {strides = array<i32>} : memref<64x128xf32, #tpu.memory_space<vmem>>, vector<1x16xf32>,
      %swap3A_86 = vector.shape_cast %swap3A_85 : vector<1x16xf32> to vector<16xf32>
      %swap3A_87 = vector.shape_cast %broadcast_in_dim3A_82 : vector<16xf32> to vector<1x16xf32>
      tpu.vector_store %arg19[%swap3A_83, %swap3A_84], %swap3A_87 {strides = array<i32>} : memref<64x128xf32, #tpu.memory_space<vmem>>, vector<1x16xf32>,
      %broadcast_in_dim3A_88 = arith.constant 0.000000e+00 : f32
      %broadcast_in_dim3A_89 = vector.broadcast %broadcast_in_dim3A_88 : f32 to vector<16xf32>
      %swap3A_90 = arith.index_cast %scan3A_54 : i32 to index
      %swap3A_91 = arith.constant 80 : index
      %swap3A_92 = tpu.vector_load %arg19[%swap3A_90, %swap3A_91] {strides = array<i32>} : memref<64x128xf32, #tpu.memory_space<vmem>>, vector<1x16xf32>,
      %swap3A_93 = vector.shape_cast %swap3A_92 : vector<1x16xf32> to vector<16xf32>
      %swap3A_94 = vector.shape_cast %broadcast_in_dim3A_89 : vector<16xf32> to vector<1x16xf32>
      tpu.vector_store %arg19[%swap3A_90, %swap3A_91], %swap3A_94 {strides = array<i32>} : memref<64x128xf32, #tpu.memory_space<vmem>>, vector<1x16xf32>,
      %broadcast_in_dim3A_95 = arith.constant 0.000000e+00 : f32
      %broadcast_in_dim3A_96 = vector.broadcast %broadcast_in_dim3A_95 : f32 to vector<16xf32>
      %swap3A_97 = arith.index_cast %scan3A_54 : i32 to index
      %swap3A_98 = arith.constant 96 : index
      %swap3A_99 = tpu.vector_load %arg19[%swap3A_97, %swap3A_98] {strides = array<i32>} : memref<64x128xf32, #tpu.memory_space<vmem>>, vector<1x16xf32>,
      %swap3A_100 = vector.shape_cast %swap3A_99 : vector<1x16xf32> to vector<16xf32>
      %swap3A_101 = vector.shape_cast %broadcast_in_dim3A_96 : vector<16xf32> to vector<1x16xf32>
      tpu.vector_store %arg19[%swap3A_97, %swap3A_98], %swap3A_101 {strides = array<i32>} : memref<64x128xf32, #tpu.memory_space<vmem>>, vector<1x16xf32>,
      %broadcast_in_dim3A_102 = arith.constant 0.000000e+00 : f32
      %broadcast_in_dim3A_103 = vector.broadcast %broadcast_in_dim3A_102 : f32 to vector<16xf32>
      %swap3A_104 = arith.index_cast %scan3A_54 : i32 to index
      %swap3A_105 = arith.constant 112 : index
      %swap3A_106 = tpu.vector_load %arg19[%swap3A_104, %swap3A_105] {strides = array<i32>} : memref<64x128xf32, #tpu.memory_space<vmem>>, vector<1x16xf32>,
      %swap3A_107 = vector.shape_cast %swap3A_106 : vector<1x16xf32> to vector<16xf32>
      %swap3A_108 = vector.shape_cast %broadcast_in_dim3A_103 : vector<16xf32> to vector<1x16xf32>
      tpu.vector_store %arg19[%swap3A_104, %swap3A_105], %swap3A_108 {strides = array<i32>} : memref<64x128xf32, #tpu.memory_space<vmem>>, vector<1x16xf32>,
    }
    %scan3A_4 = arith.constant 64 : i32
    %mul3A = arith.constant 640 : i32
    %mul3A_5 = arith.muli %arg1, %mul3A : i32
    %add3A = arith.constant 0 : i32
    %add3A_6 = arith.addi %mul3A_5, %add3A : i32
    "tpu.region"() ({
      %run_scoped3A = tpu.sem_alloc : memref<!tpu.dma_semaphore, #tpu.memory_space<semaphore_mem>>
      %dma_start3A = arith.constant 0 : i32
      %dma_start3A_54 = tpu.memref_slice %arg24[%add3A_6, %dma_start3A] : memref<10000x128xf32, #tpu.memory_space<vmem_shared>> -> memref<64x128xf32, #tpu.memory_space<vmem_shared>>
      %dma_start3A_55 = arith.constant 0 : i32
      %dma_start3A_56 = tpu.memref_slice %arg24[%add3A_6, %dma_start3A_55] : memref<10000x128xf32, #tpu.memory_space<vmem_shared>> -> memref<64x128xf32, #tpu.memory_space<vmem_shared>>
      tpu.enqueue_dma source(%arg19 : memref<64x128xf32, #tpu.memory_space<vmem>>) target(%dma_start3A_56 : memref<64x128xf32, #tpu.memory_space<vmem_shared>>) target_semaphore(%run_scoped3A : memref<!tpu.dma_semaphore, #tpu.memory_space<semaphore_mem>>)
      %dma_wait3A = arith.constant 0 : i32
      %dma_wait3A_57 = tpu.memref_slice %arg24[%add3A_6, %dma_wait3A] : memref<10000x128xf32, #tpu.memory_space<vmem_shared>> -> memref<64x128xf32, #tpu.memory_space<vmem_shared>>
      %dma_wait3A_58 = arith.constant 0 : i32
      %dma_wait3A_59 = tpu.memref_slice %arg24[%add3A_6, %dma_wait3A_58] : memref<10000x128xf32, #tpu.memory_space<vmem_shared>> -> memref<64x128xf32, #tpu.memory_space<vmem_shared>>
      tpu.wait_dma2 semaphore(%run_scoped3A : memref<!tpu.dma_semaphore, #tpu.memory_space<semaphore_mem>>) src(%arg19 : memref<64x128xf32, #tpu.memory_space<vmem>>) dst(%dma_wait3A_59 : memref<64x128xf32, #tpu.memory_space<vmem_shared>>)
      tpu.yield
    }) : () -> ()
    %mul3A_7 = arith.constant 640 : i32
    %mul3A_8 = arith.muli %arg1, %mul3A_7 : i32
    %add3A_9 = arith.constant 64 : i32
    %add3A_10 = arith.addi %mul3A_8, %add3A_9 : i32
    "tpu.region"() ({
      %run_scoped3A = tpu.sem_alloc : memref<!tpu.dma_semaphore, #tpu.memory_space<semaphore_mem>>
      %dma_start3A = arith.constant 0 : i32
      %dma_start3A_54 = tpu.memref_slice %arg24[%add3A_10, %dma_start3A] : memref<10000x128xf32, #tpu.memory_space<vmem_shared>> -> memref<64x128xf32, #tpu.memory_space<vmem_shared>>
      %dma_start3A_55 = arith.constant 0 : i32
      %dma_start3A_56 = tpu.memref_slice %arg24[%add3A_10, %dma_start3A_55] : memref<10000x128xf32, #tpu.memory_space<vmem_shared>> -> memref<64x128xf32, #tpu.memory_space<vmem_shared>>
      tpu.enqueue_dma source(%arg19 : memref<64x128xf32, #tpu.memory_space<vmem>>) target(%dma_start3A_56 : memref<64x128xf32, #tpu.memory_space<vmem_shared>>) target_semaphore(%run_scoped3A : memref<!tpu.dma_semaphore, #tpu.memory_space<semaphore_mem>>)
      %dma_wait3A = arith.constant 0 : i32
      %dma_wait3A_57 = tpu.memref_slice %arg24[%add3A_10, %dma_wait3A] : memref<10000x128xf32, #tpu.memory_space<vmem_shared>> -> memref<64x128xf32, #tpu.memory_space<vmem_shared>>
      %dma_wait3A_58 = arith.constant 0 : i32
      %dma_wait3A_59 = tpu.memref_slice %arg24[%add3A_10, %dma_wait3A_58] : memref<10000x128xf32, #tpu.memory_space<vmem_shared>> -> memref<64x128xf32, #tpu.memory_space<vmem_shared>>
      tpu.wait_dma2 semaphore(%run_scoped3A : memref<!tpu.dma_semaphore, #tpu.memory_space<semaphore_mem>>) src(%arg19 : memref<64x128xf32, #tpu.memory_space<vmem>>) dst(%dma_wait3A_59 : memref<64x128xf32, #tpu.memory_space<vmem_shared>>)
      tpu.yield
    }) : () -> ()
    %mul3A_11 = arith.constant 640 : i32
    %mul3A_12 = arith.muli %arg1, %mul3A_11 : i32
    %add3A_13 = arith.constant 128 : i32
    %add3A_14 = arith.addi %mul3A_12, %add3A_13 : i32
    "tpu.region"() ({
      %run_scoped3A = tpu.sem_alloc : memref<!tpu.dma_semaphore, #tpu.memory_space<semaphore_mem>>
      %dma_start3A = arith.constant 0 : i32
      %dma_start3A_54 = tpu.memref_slice %arg24[%add3A_14, %dma_start3A] : memref<10000x128xf32, #tpu.memory_space<vmem_shared>> -> memref<64x128xf32, #tpu.memory_space<vmem_shared>>
      %dma_start3A_55 = arith.constant 0 : i32
      %dma_start3A_56 = tpu.memref_slice %arg24[%add3A_14, %dma_start3A_55] : memref<10000x128xf32, #tpu.memory_space<vmem_shared>> -> memref<64x128xf32, #tpu.memory_space<vmem_shared>>
      tpu.enqueue_dma source(%arg19 : memref<64x128xf32, #tpu.memory_space<vmem>>) target(%dma_start3A_56 : memref<64x128xf32, #tpu.memory_space<vmem_shared>>) target_semaphore(%run_scoped3A : memref<!tpu.dma_semaphore, #tpu.memory_space<semaphore_mem>>)
      %dma_wait3A = arith.constant 0 : i32
      %dma_wait3A_57 = tpu.memref_slice %arg24[%add3A_14, %dma_wait3A] : memref<10000x128xf32, #tpu.memory_space<vmem_shared>> -> memref<64x128xf32, #tpu.memory_space<vmem_shared>>
      %dma_wait3A_58 = arith.constant 0 : i32
      %dma_wait3A_59 = tpu.memref_slice %arg24[%add3A_14, %dma_wait3A_58] : memref<10000x128xf32, #tpu.memory_space<vmem_shared>> -> memref<64x128xf32, #tpu.memory_space<vmem_shared>>
      tpu.wait_dma2 semaphore(%run_scoped3A : memref<!tpu.dma_semaphore, #tpu.memory_space<semaphore_mem>>) src(%arg19 : memref<64x128xf32, #tpu.memory_space<vmem>>) dst(%dma_wait3A_59 : memref<64x128xf32, #tpu.memory_space<vmem_shared>>)
      tpu.yield
    }) : () -> ()
    %mul3A_15 = arith.constant 640 : i32
    %mul3A_16 = arith.muli %arg1, %mul3A_15 : i32
    %add3A_17 = arith.constant 192 : i32
    %add3A_18 = arith.addi %mul3A_16, %add3A_17 : i32
    "tpu.region"() ({
      %run_scoped3A = tpu.sem_alloc : memref<!tpu.dma_semaphore, #tpu.memory_space<semaphore_mem>>
      %dma_start3A = arith.constant 0 : i32
      %dma_start3A_54 = tpu.memref_slice %arg24[%add3A_18, %dma_start3A] : memref<10000x128xf32, #tpu.memory_space<vmem_shared>> -> memref<64x128xf32, #tpu.memory_space<vmem_shared>>
      %dma_start3A_55 = arith.constant 0 : i32
      %dma_start3A_56 = tpu.memref_slice %arg24[%add3A_18, %dma_start3A_55] : memref<10000x128xf32, #tpu.memory_space<vmem_shared>> -> memref<64x128xf32, #tpu.memory_space<vmem_shared>>
      tpu.enqueue_dma source(%arg19 : memref<64x128xf32, #tpu.memory_space<vmem>>) target(%dma_start3A_56 : memref<64x128xf32, #tpu.memory_space<vmem_shared>>) target_semaphore(%run_scoped3A : memref<!tpu.dma_semaphore, #tpu.memory_space<semaphore_mem>>)
      %dma_wait3A = arith.constant 0 : i32
      %dma_wait3A_57 = tpu.memref_slice %arg24[%add3A_18, %dma_wait3A] : memref<10000x128xf32, #tpu.memory_space<vmem_shared>> -> memref<64x128xf32, #tpu.memory_space<vmem_shared>>
      %dma_wait3A_58 = arith.constant 0 : i32
      %dma_wait3A_59 = tpu.memref_slice %arg24[%add3A_18, %dma_wait3A_58] : memref<10000x128xf32, #tpu.memory_space<vmem_shared>> -> memref<64x128xf32, #tpu.memory_space<vmem_shared>>
      tpu.wait_dma2 semaphore(%run_scoped3A : memref<!tpu.dma_semaphore, #tpu.memory_space<semaphore_mem>>) src(%arg19 : memref<64x128xf32, #tpu.memory_space<vmem>>) dst(%dma_wait3A_59 : memref<64x128xf32, #tpu.memory_space<vmem_shared>>)
      tpu.yield
    }) : () -> ()
    %mul3A_19 = arith.constant 640 : i32
    %mul3A_20 = arith.muli %arg1, %mul3A_19 : i32
    %add3A_21 = arith.constant 256 : i32
    %add3A_22 = arith.addi %mul3A_20, %add3A_21 : i32
    "tpu.region"() ({
      %run_scoped3A = tpu.sem_alloc : memref<!tpu.dma_semaphore, #tpu.memory_space<semaphore_mem>>
      %dma_start3A = arith.constant 0 : i32
      %dma_start3A_54 = tpu.memref_slice %arg24[%add3A_22, %dma_start3A] : memref<10000x128xf32, #tpu.memory_space<vmem_shared>> -> memref<64x128xf32, #tpu.memory_space<vmem_shared>>
      %dma_start3A_55 = arith.constant 0 : i32
      %dma_start3A_56 = tpu.memref_slice %arg24[%add3A_22, %dma_start3A_55] : memref<10000x128xf32, #tpu.memory_space<vmem_shared>> -> memref<64x128xf32, #tpu.memory_space<vmem_shared>>
      tpu.enqueue_dma source(%arg19 : memref<64x128xf32, #tpu.memory_space<vmem>>) target(%dma_start3A_56 : memref<64x128xf32, #tpu.memory_space<vmem_shared>>) target_semaphore(%run_scoped3A : memref<!tpu.dma_semaphore, #tpu.memory_space<semaphore_mem>>)
      %dma_wait3A = arith.constant 0 : i32
      %dma_wait3A_57 = tpu.memref_slice %arg24[%add3A_22, %dma_wait3A] : memref<10000x128xf32, #tpu.memory_space<vmem_shared>> -> memref<64x128xf32, #tpu.memory_space<vmem_shared>>
      %dma_wait3A_58 = arith.constant 0 : i32
      %dma_wait3A_59 = tpu.memref_slice %arg24[%add3A_22, %dma_wait3A_58] : memref<10000x128xf32, #tpu.memory_space<vmem_shared>> -> memref<64x128xf32, #tpu.memory_space<vmem_shared>>
      tpu.wait_dma2 semaphore(%run_scoped3A : memref<!tpu.dma_semaphore, #tpu.memory_space<semaphore_mem>>) src(%arg19 : memref<64x128xf32, #tpu.memory_space<vmem>>) dst(%dma_wait3A_59 : memref<64x128xf32, #tpu.memory_space<vmem_shared>>)
      tpu.yield
    }) : () -> ()
    %mul3A_23 = arith.constant 640 : i32
    %mul3A_24 = arith.muli %arg1, %mul3A_23 : i32
    %add3A_25 = arith.constant 320 : i32
    %add3A_26 = arith.addi %mul3A_24, %add3A_25 : i32
    "tpu.region"() ({
      %run_scoped3A = tpu.sem_alloc : memref<!tpu.dma_semaphore, #tpu.memory_space<semaphore_mem>>
      %dma_start3A = arith.constant 0 : i32
      %dma_start3A_54 = tpu.memref_slice %arg24[%add3A_26, %dma_start3A] : memref<10000x128xf32, #tpu.memory_space<vmem_shared>> -> memref<64x128xf32, #tpu.memory_space<vmem_shared>>
      %dma_start3A_55 = arith.constant 0 : i32
      %dma_start3A_56 = tpu.memref_slice %arg24[%add3A_26, %dma_start3A_55] : memref<10000x128xf32, #tpu.memory_space<vmem_shared>> -> memref<64x128xf32, #tpu.memory_space<vmem_shared>>
      tpu.enqueue_dma source(%arg19 : memref<64x128xf32, #tpu.memory_space<vmem>>) target(%dma_start3A_56 : memref<64x128xf32, #tpu.memory_space<vmem_shared>>) target_semaphore(%run_scoped3A : memref<!tpu.dma_semaphore, #tpu.memory_space<semaphore_mem>>)
      %dma_wait3A = arith.constant 0 : i32
      %dma_wait3A_57 = tpu.memref_slice %arg24[%add3A_26, %dma_wait3A] : memref<10000x128xf32, #tpu.memory_space<vmem_shared>> -> memref<64x128xf32, #tpu.memory_space<vmem_shared>>
      %dma_wait3A_58 = arith.constant 0 : i32
      %dma_wait3A_59 = tpu.memref_slice %arg24[%add3A_26, %dma_wait3A_58] : memref<10000x128xf32, #tpu.memory_space<vmem_shared>> -> memref<64x128xf32, #tpu.memory_space<vmem_shared>>
      tpu.wait_dma2 semaphore(%run_scoped3A : memref<!tpu.dma_semaphore, #tpu.memory_space<semaphore_mem>>) src(%arg19 : memref<64x128xf32, #tpu.memory_space<vmem>>) dst(%dma_wait3A_59 : memref<64x128xf32, #tpu.memory_space<vmem_shared>>)
      tpu.yield
    }) : () -> ()
    %lt3A = arith.constant 15 : i32
    %lt3A_27 = arith.cmpi slt, %arg1, %lt3A : i32
    %convert_element_type3A = arith.extui %lt3A_27 : i1 to i32
    %cond3A = arith.constant 0 : i32
    %cond3A_28 = arith.cmpi ne, %convert_element_type3A, %cond3A : i32
    scf.if %cond3A_28 {
      %mul3A_54 = arith.constant 640 : i32
      %mul3A_55 = arith.muli %arg1, %mul3A_54 : i32
      %add3A_56 = arith.constant 384 : i32
      %add3A_57 = arith.addi %mul3A_55, %add3A_56 : i32
      "tpu.region"() ({
        %run_scoped3A = tpu.sem_alloc : memref<!tpu.dma_semaphore, #tpu.memory_space<semaphore_mem>>
        %dma_start3A = arith.constant 0 : i32
        %dma_start3A_70 = tpu.memref_slice %arg24[%add3A_57, %dma_start3A] : memref<10000x128xf32, #tpu.memory_space<vmem_shared>> -> memref<64x128xf32, #tpu.memory_space<vmem_shared>>
        %dma_start3A_71 = arith.constant 0 : i32
        %dma_start3A_72 = tpu.memref_slice %arg24[%add3A_57, %dma_start3A_71] : memref<10000x128xf32, #tpu.memory_space<vmem_shared>> -> memref<64x128xf32, #tpu.memory_space<vmem_shared>>
        tpu.enqueue_dma source(%arg19 : memref<64x128xf32, #tpu.memory_space<vmem>>) target(%dma_start3A_72 : memref<64x128xf32, #tpu.memory_space<vmem_shared>>) target_semaphore(%run_scoped3A : memref<!tpu.dma_semaphore, #tpu.memory_space<semaphore_mem>>)
        %dma_wait3A = arith.constant 0 : i32
        %dma_wait3A_73 = tpu.memref_slice %arg24[%add3A_57, %dma_wait3A] : memref<10000x128xf32, #tpu.memory_space<vmem_shared>> -> memref<64x128xf32, #tpu.memory_space<vmem_shared>>
        %dma_wait3A_74 = arith.constant 0 : i32
        %dma_wait3A_75 = tpu.memref_slice %arg24[%add3A_57, %dma_wait3A_74] : memref<10000x128xf32, #tpu.memory_space<vmem_shared>> -> memref<64x128xf32, #tpu.memory_space<vmem_shared>>
        tpu.wait_dma2 semaphore(%run_scoped3A : memref<!tpu.dma_semaphore, #tpu.memory_space<semaphore_mem>>) src(%arg19 : memref<64x128xf32, #tpu.memory_space<vmem>>) dst(%dma_wait3A_75 : memref<64x128xf32, #tpu.memory_space<vmem_shared>>)
        tpu.yield
      }) : () -> ()
      %mul3A_58 = arith.constant 640 : i32
      %mul3A_59 = arith.muli %arg1, %mul3A_58 : i32
      %add3A_60 = arith.constant 448 : i32
      %add3A_61 = arith.addi %mul3A_59, %add3A_60 : i32
      "tpu.region"() ({
        %run_scoped3A = tpu.sem_alloc : memref<!tpu.dma_semaphore, #tpu.memory_space<semaphore_mem>>
        %dma_start3A = arith.constant 0 : i32
        %dma_start3A_70 = tpu.memref_slice %arg24[%add3A_61, %dma_start3A] : memref<10000x128xf32, #tpu.memory_space<vmem_shared>> -> memref<64x128xf32, #tpu.memory_space<vmem_shared>>
        %dma_start3A_71 = arith.constant 0 : i32
        %dma_start3A_72 = tpu.memref_slice %arg24[%add3A_61, %dma_start3A_71] : memref<10000x128xf32, #tpu.memory_space<vmem_shared>> -> memref<64x128xf32, #tpu.memory_space<vmem_shared>>
        tpu.enqueue_dma source(%arg19 : memref<64x128xf32, #tpu.memory_space<vmem>>) target(%dma_start3A_72 : memref<64x128xf32, #tpu.memory_space<vmem_shared>>) target_semaphore(%run_scoped3A : memref<!tpu.dma_semaphore, #tpu.memory_space<semaphore_mem>>)
        %dma_wait3A = arith.constant 0 : i32
        %dma_wait3A_73 = tpu.memref_slice %arg24[%add3A_61, %dma_wait3A] : memref<10000x128xf32, #tpu.memory_space<vmem_shared>> -> memref<64x128xf32, #tpu.memory_space<vmem_shared>>
        %dma_wait3A_74 = arith.constant 0 : i32
        %dma_wait3A_75 = tpu.memref_slice %arg24[%add3A_61, %dma_wait3A_74] : memref<10000x128xf32, #tpu.memory_space<vmem_shared>> -> memref<64x128xf32, #tpu.memory_space<vmem_shared>>
        tpu.wait_dma2 semaphore(%run_scoped3A : memref<!tpu.dma_semaphore, #tpu.memory_space<semaphore_mem>>) src(%arg19 : memref<64x128xf32, #tpu.memory_space<vmem>>) dst(%dma_wait3A_75 : memref<64x128xf32, #tpu.memory_space<vmem_shared>>)
        tpu.yield
      }) : () -> ()
      %mul3A_62 = arith.constant 640 : i32
      %mul3A_63 = arith.muli %arg1, %mul3A_62 : i32
      %add3A_64 = arith.constant 512 : i32
      %add3A_65 = arith.addi %mul3A_63, %add3A_64 : i32
      "tpu.region"() ({
        %run_scoped3A = tpu.sem_alloc : memref<!tpu.dma_semaphore, #tpu.memory_space<semaphore_mem>>
        %dma_start3A = arith.constant 0 : i32
        %dma_start3A_70 = tpu.memref_slice %arg24[%add3A_65, %dma_start3A] : memref<10000x128xf32, #tpu.memory_space<vmem_shared>> -> memref<64x128xf32, #tpu.memory_space<vmem_shared>>
        %dma_start3A_71 = arith.constant 0 : i32
        %dma_start3A_72 = tpu.memref_slice %arg24[%add3A_65, %dma_start3A_71] : memref<10000x128xf32, #tpu.memory_space<vmem_shared>> -> memref<64x128xf32, #tpu.memory_space<vmem_shared>>
        tpu.enqueue_dma source(%arg19 : memref<64x128xf32, #tpu.memory_space<vmem>>) target(%dma_start3A_72 : memref<64x128xf32, #tpu.memory_space<vmem_shared>>) target_semaphore(%run_scoped3A : memref<!tpu.dma_semaphore, #tpu.memory_space<semaphore_mem>>)
        %dma_wait3A = arith.constant 0 : i32
        %dma_wait3A_73 = tpu.memref_slice %arg24[%add3A_65, %dma_wait3A] : memref<10000x128xf32, #tpu.memory_space<vmem_shared>> -> memref<64x128xf32, #tpu.memory_space<vmem_shared>>
        %dma_wait3A_74 = arith.constant 0 : i32
        %dma_wait3A_75 = tpu.memref_slice %arg24[%add3A_65, %dma_wait3A_74] : memref<10000x128xf32, #tpu.memory_space<vmem_shared>> -> memref<64x128xf32, #tpu.memory_space<vmem_shared>>
        tpu.wait_dma2 semaphore(%run_scoped3A : memref<!tpu.dma_semaphore, #tpu.memory_space<semaphore_mem>>) src(%arg19 : memref<64x128xf32, #tpu.memory_space<vmem>>) dst(%dma_wait3A_75 : memref<64x128xf32, #tpu.memory_space<vmem_shared>>)
        tpu.yield
      }) : () -> ()
      %mul3A_66 = arith.constant 640 : i32
      %mul3A_67 = arith.muli %arg1, %mul3A_66 : i32
      %add3A_68 = arith.constant 576 : i32
      %add3A_69 = arith.addi %mul3A_67, %add3A_68 : i32
      "tpu.region"() ({
        %run_scoped3A = tpu.sem_alloc : memref<!tpu.dma_semaphore, #tpu.memory_space<semaphore_mem>>
        %dma_start3A = arith.constant 0 : i32
        %dma_start3A_70 = tpu.memref_slice %arg24[%add3A_69, %dma_start3A] : memref<10000x128xf32, #tpu.memory_space<vmem_shared>> -> memref<64x128xf32, #tpu.memory_space<vmem_shared>>
        %dma_start3A_71 = arith.constant 0 : i32
        %dma_start3A_72 = tpu.memref_slice %arg24[%add3A_69, %dma_start3A_71] : memref<10000x128xf32, #tpu.memory_space<vmem_shared>> -> memref<64x128xf32, #tpu.memory_space<vmem_shared>>
        tpu.enqueue_dma source(%arg19 : memref<64x128xf32, #tpu.memory_space<vmem>>) target(%dma_start3A_72 : memref<64x128xf32, #tpu.memory_space<vmem_shared>>) target_semaphore(%run_scoped3A : memref<!tpu.dma_semaphore, #tpu.memory_space<semaphore_mem>>)
        %dma_wait3A = arith.constant 0 : i32
        %dma_wait3A_73 = tpu.memref_slice %arg24[%add3A_69, %dma_wait3A] : memref<10000x128xf32, #tpu.memory_space<vmem_shared>> -> memref<64x128xf32, #tpu.memory_space<vmem_shared>>
        %dma_wait3A_74 = arith.constant 0 : i32
        %dma_wait3A_75 = tpu.memref_slice %arg24[%add3A_69, %dma_wait3A_74] : memref<10000x128xf32, #tpu.memory_space<vmem_shared>> -> memref<64x128xf32, #tpu.memory_space<vmem_shared>>
        tpu.wait_dma2 semaphore(%run_scoped3A : memref<!tpu.dma_semaphore, #tpu.memory_space<semaphore_mem>>) src(%arg19 : memref<64x128xf32, #tpu.memory_space<vmem>>) dst(%dma_wait3A_75 : memref<64x128xf32, #tpu.memory_space<vmem_shared>>)
        tpu.yield
      }) : () -> ()
    } else {
    }
    %eq3A = arith.constant 15 : i32
    %eq3A_29 = arith.cmpi eq, %arg1, %eq3A : i32
    %convert_element_type3A_30 = arith.extui %eq3A_29 : i1 to i32
    %cond3A_31 = arith.constant 0 : i32
    %cond3A_32 = arith.cmpi ne, %convert_element_type3A_30, %cond3A_31 : i32
    scf.if %cond3A_32 {
      %mul3A_54 = arith.constant 640 : i32
      %mul3A_55 = arith.muli %arg1, %mul3A_54 : i32
      %add3A_56 = arith.constant 384 : i32
      %add3A_57 = arith.addi %mul3A_55, %add3A_56 : i32
      "tpu.region"() ({
        %run_scoped3A = tpu.sem_alloc : memref<!tpu.dma_semaphore, #tpu.memory_space<semaphore_mem>>
        %dma_start3A = arith.constant 0 : i32
        %dma_start3A_58 = arith.constant 0 : i32
        %dma_start3A_59 = tpu.memref_slice %arg19[%dma_start3A, %dma_start3A_58] : memref<64x128xf32, #tpu.memory_space<vmem>> -> memref<16x128xf32, #tpu.memory_space<vmem>>
        %dma_start3A_60 = arith.constant 0 : i32
        %dma_start3A_61 = tpu.memref_slice %arg24[%add3A_57, %dma_start3A_60] : memref<10000x128xf32, #tpu.memory_space<vmem_shared>> -> memref<16x128xf32, #tpu.memory_space<vmem_shared>>
        %dma_start3A_62 = arith.constant 0 : i32
        %dma_start3A_63 = tpu.memref_slice %arg24[%add3A_57, %dma_start3A_62] : memref<10000x128xf32, #tpu.memory_space<vmem_shared>> -> memref<16x128xf32, #tpu.memory_space<vmem_shared>>
        %dma_start3A_64 = arith.constant 0 : i32
        %dma_start3A_65 = arith.constant 0 : i32
        %dma_start3A_66 = tpu.memref_slice %arg19[%dma_start3A_64, %dma_start3A_65] : memref<64x128xf32, #tpu.memory_space<vmem>> -> memref<16x128xf32, #tpu.memory_space<vmem>>
        tpu.enqueue_dma source(%dma_start3A_66 : memref<16x128xf32, #tpu.memory_space<vmem>>) target(%dma_start3A_63 : memref<16x128xf32, #tpu.memory_space<vmem_shared>>) target_semaphore(%run_scoped3A : memref<!tpu.dma_semaphore, #tpu.memory_space<semaphore_mem>>)
        %dma_wait3A = arith.constant 0 : i32
        %dma_wait3A_67 = arith.constant 0 : i32
        %dma_wait3A_68 = tpu.memref_slice %arg19[%dma_wait3A, %dma_wait3A_67] : memref<64x128xf32, #tpu.memory_space<vmem>> -> memref<16x128xf32, #tpu.memory_space<vmem>>
        %dma_wait3A_69 = arith.constant 0 : i32
        %dma_wait3A_70 = tpu.memref_slice %arg24[%add3A_57, %dma_wait3A_69] : memref<10000x128xf32, #tpu.memory_space<vmem_shared>> -> memref<16x128xf32, #tpu.memory_space<vmem_shared>>
        %dma_wait3A_71 = arith.constant 0 : i32
        %dma_wait3A_72 = tpu.memref_slice %arg24[%add3A_57, %dma_wait3A_71] : memref<10000x128xf32, #tpu.memory_space<vmem_shared>> -> memref<16x128xf32, #tpu.memory_space<vmem_shared>>
        %dma_wait3A_73 = arith.constant 0 : i32
        %dma_wait3A_74 = arith.constant 0 : i32
        %dma_wait3A_75 = tpu.memref_slice %arg19[%dma_wait3A_73, %dma_wait3A_74] : memref<64x128xf32, #tpu.memory_space<vmem>> -> memref<16x128xf32, #tpu.memory_space<vmem>>
        tpu.wait_dma2 semaphore(%run_scoped3A : memref<!tpu.dma_semaphore, #tpu.memory_space<semaphore_mem>>) src(%dma_wait3A_75 : memref<16x128xf32, #tpu.memory_space<vmem>>) dst(%dma_wait3A_72 : memref<16x128xf32, #tpu.memory_space<vmem_shared>>)
        tpu.yield
      }) : () -> ()
    } else {
    }
    %barrier3A = arith.constant 0 : index
    tpu.barrier barrier_id(%barrier3A)
    %eq3A_33 = arith.constant 0 : i32
    %eq3A_34 = arith.cmpi eq, %arg0, %eq3A_33 : i32
    %convert_element_type3A_35 = arith.extui %eq3A_34 : i1 to i32
    %cond3A_36 = arith.constant 0 : i32
    %cond3A_37 = arith.cmpi ne, %convert_element_type3A_35, %cond3A_36 : i32
    scf.if %cond3A_37 {
      %add3A_54 = arith.constant 0 : i32
      %add3A_55 = arith.addi %arg1, %add3A_54 : i32
      %dma_start3A = arith.constant 0 : i32
      %dma_start3A_56 = arith.constant 0 : i32
      %dma_start3A_57 = tpu.memref_slice %arg5[%add3A_55, %dma_start3A, %dma_start3A_56] : memref<5024x3x64xi32, #tpu.memory_space<hbm>> -> memref<1x3x64xi32, #tpu.memory_space<hbm>>
      %dma_start3A_58 = tpu.memref_squeeze %dma_start3A_57 : memref<1x3x64xi32, #tpu.memory_space<hbm>> -> memref<3x64xi32, #tpu.memory_space<hbm>>
      %dma_start3A_59 = arith.constant 0 : i32
      %dma_start3A_60 = arith.constant 0 : i32
      %dma_start3A_61 = tpu.memref_slice %arg5[%add3A_55, %dma_start3A_59, %dma_start3A_60] : memref<5024x3x64xi32, #tpu.memory_space<hbm>> -> memref<1x3x64xi32, #tpu.memory_space<hbm>>
      %dma_start3A_62 = tpu.memref_squeeze %dma_start3A_61 : memref<1x3x64xi32, #tpu.memory_space<hbm>> -> memref<3x64xi32, #tpu.memory_space<hbm>>
      tpu.enqueue_dma source(%dma_start3A_62 : memref<3x64xi32, #tpu.memory_space<hbm>>) target(%arg12 : memref<3x64xi32, #tpu.memory_space<vmem>>) target_semaphore(%arg25 : memref<!tpu.dma_semaphore, #tpu.memory_space<semaphore_mem>>)
      %add3A_63 = arith.constant 16 : i32
      %add3A_64 = arith.addi %arg1, %add3A_63 : i32
      %dma_start3A_65 = arith.constant 0 : i32
      %dma_start3A_66 = arith.constant 0 : i32
      %dma_start3A_67 = tpu.memref_slice %arg5[%add3A_64, %dma_start3A_65, %dma_start3A_66] : memref<5024x3x64xi32, #tpu.memory_space<hbm>> -> memref<1x3x64xi32, #tpu.memory_space<hbm>>
      %dma_start3A_68 = tpu.memref_squeeze %dma_start3A_67 : memref<1x3x64xi32, #tpu.memory_space<hbm>> -> memref<3x64xi32, #tpu.memory_space<hbm>>
      %dma_start3A_69 = arith.constant 0 : i32
      %dma_start3A_70 = arith.constant 0 : i32
      %dma_start3A_71 = tpu.memref_slice %arg5[%add3A_64, %dma_start3A_69, %dma_start3A_70] : memref<5024x3x64xi32, #tpu.memory_space<hbm>> -> memref<1x3x64xi32, #tpu.memory_space<hbm>>
      %dma_start3A_72 = tpu.memref_squeeze %dma_start3A_71 : memref<1x3x64xi32, #tpu.memory_space<hbm>> -> memref<3x64xi32, #tpu.memory_space<hbm>>
      tpu.enqueue_dma source(%dma_start3A_72 : memref<3x64xi32, #tpu.memory_space<hbm>>) target(%arg13 : memref<3x64xi32, #tpu.memory_space<vmem>>) target_semaphore(%arg26 : memref<!tpu.dma_semaphore, #tpu.memory_space<semaphore_mem>>)
      %scan3A_73 = arith.constant 0 : i32
      %scan3A_74 = arith.constant 0 : i32
      %scan3A_75 = arith.constant 315 : i32
      %scan3A_76 = arith.addi %scan3A_74, %scan3A_75 : i32
      %scan3A_77 = arith.constant 1 : i32
      scf.for %scan3A_84 = %scan3A_74 to %scan3A_76 step %scan3A_77  : i32 {
        %jit3A = arith.constant 2 : i32
        %eq3A_85 = arith.constant 0 : i32
        %eq3A_86 = arith.cmpi eq, %jit3A, %eq3A_85 : i32
        %jit3A_87 = arith.constant 1 : i32
        %select_n3A = arith.select %eq3A_86, %jit3A_87, %jit3A : i32
        %rem3A = arith.remsi %scan3A_84, %select_n3A : i32
        %ne3A = arith.constant 0 : i32
        %ne3A_88 = arith.cmpi ne, %rem3A, %ne3A : i32
        %lt3A_89 = arith.constant 0 : i32
        %lt3A_90 = arith.cmpi slt, %rem3A, %lt3A_89 : i32
        %lt3A_91 = arith.constant 0 : i32
        %lt3A_92 = arith.cmpi slt, %select_n3A, %lt3A_91 : i32
        %ne3A_93 = arith.xori %lt3A_90, %lt3A_92 : i1
        %and3A = arith.andi %ne3A_93, %ne3A_88 : i1
        %add3A_94 = arith.addi %rem3A, %select_n3A : i32
        %select_n3A_95 = arith.select %and3A, %add3A_94, %rem3A : i32
        %eq3A_96 = arith.constant 0 : i32
        %eq3A_97 = arith.cmpi eq, %select_n3A_95, %eq3A_96 : i32
        %convert_element_type3A_98 = arith.extui %eq3A_97 : i1 to i32
        %cond3A_99 = arith.constant 0 : i32
        %cond3A_100 = arith.cmpi ne, %convert_element_type3A_98, %cond3A_99 : i32
        scf.if %cond3A_100 {
          %lt3A_122 = arith.constant 314 : i32
          %lt3A_123 = arith.cmpi slt, %scan3A_84, %lt3A_122 : i32
          %convert_element_type3A_124 = arith.extui %lt3A_123 : i1 to i32
          %cond3A_125 = arith.constant 0 : i32
          %cond3A_126 = arith.cmpi ne, %convert_element_type3A_124, %cond3A_125 : i32
          scf.if %cond3A_126 {
            %mul3A_131 = arith.constant 16 : i32
            %mul3A_132 = arith.muli %mul3A_131, %scan3A_84 : i32
            %add3A_133 = arith.addi %arg1, %mul3A_132 : i32
            %dma_wait3A_134 = arith.constant 0 : i32
            %dma_wait3A_135 = arith.constant 0 : i32
            %dma_wait3A_136 = tpu.memref_slice %arg5[%add3A_133, %dma_wait3A_134, %dma_wait3A_135] : memref<5024x3x64xi32, #tpu.memory_space<hbm>> -> memref<1x3x64xi32, #tpu.memory_space<hbm>>
            %dma_wait3A_137 = tpu.memref_squeeze %dma_wait3A_136 : memref<1x3x64xi32, #tpu.memory_space<hbm>> -> memref<3x64xi32, #tpu.memory_space<hbm>>
            %dma_wait3A_138 = arith.constant 0 : i32
            %dma_wait3A_139 = arith.constant 0 : i32
            %dma_wait3A_140 = tpu.memref_slice %arg5[%add3A_133, %dma_wait3A_138, %dma_wait3A_139] : memref<5024x3x64xi32, #tpu.memory_space<hbm>> -> memref<1x3x64xi32, #tpu.memory_space<hbm>>
            %dma_wait3A_141 = tpu.memref_squeeze %dma_wait3A_140 : memref<1x3x64xi32, #tpu.memory_space<hbm>> -> memref<3x64xi32, #tpu.memory_space<hbm>>
            tpu.wait_dma2 semaphore(%arg25 : memref<!tpu.dma_semaphore, #tpu.memory_space<semaphore_mem>>) src(%dma_wait3A_141 : memref<3x64xi32, #tpu.memory_space<hbm>>) dst(%arg12 : memref<3x64xi32, #tpu.memory_space<vmem>>)
            %dma_start3A_142 = arith.constant 0 : i32
            %dma_start3A_143 = arith.constant 0 : i32
            %dma_start3A_144 = tpu.memref_slice %arg12[%dma_start3A_142, %dma_start3A_143] : memref<3x64xi32, #tpu.memory_space<vmem>> -> memref<1x64xi32, #tpu.memory_space<vmem>>
            %dma_start3A_145 = tpu.memref_squeeze %dma_start3A_144 : memref<1x64xi32, #tpu.memory_space<vmem>> -> memref<64xi32, #tpu.memory_space<vmem>>
            %dma_start3A_146 = arith.constant 0 : i32
            %dma_start3A_147 = arith.constant 0 : i32
            %dma_start3A_148 = tpu.memref_slice %arg2[%dma_start3A_146, %dma_start3A_147] : memref<10000x64xi32, #tpu.memory_space<hbm>> -> memref<10000x64xi32, #tpu.memory_space<hbm>>
            tpu.enqueue_indirect_dma source(%dma_start3A_148 : memref<10000x64xi32, #tpu.memory_space<hbm>>) target(%arg16 : memref<64x64xi32, #tpu.memory_space<vmem>>) offsets(%dma_start3A_145 : memref<64xi32, #tpu.memory_space<vmem>>) semaphore(%arg27 : memref<!tpu.dma_semaphore, #tpu.memory_space<semaphore_mem>>)
            %dma_start3A_149 = arith.constant 1 : i32
            %dma_start3A_150 = arith.constant 0 : i32
            %dma_start3A_151 = tpu.memref_slice %arg12[%dma_start3A_149, %dma_start3A_150] : memref<3x64xi32, #tpu.memory_space<vmem>> -> memref<1x64xi32, #tpu.memory_space<vmem>>
            %dma_start3A_152 = tpu.memref_squeeze %dma_start3A_151 : memref<1x64xi32, #tpu.memory_space<vmem>> -> memref<64xi32, #tpu.memory_space<vmem>>
            %dma_start3A_153 = arith.constant 0 : i32
            %dma_start3A_154 = arith.constant 0 : i32
            %dma_start3A_155 = tpu.memref_slice %arg3[%dma_start3A_153, %dma_start3A_154] : memref<10000x64xi32, #tpu.memory_space<hbm>> -> memref<10000x64xi32, #tpu.memory_space<hbm>>
            tpu.enqueue_indirect_dma source(%dma_start3A_155 : memref<10000x64xi32, #tpu.memory_space<hbm>>) target(%arg17 : memref<64x64xi32, #tpu.memory_space<vmem>>) offsets(%dma_start3A_152 : memref<64xi32, #tpu.memory_space<vmem>>) semaphore(%arg27 : memref<!tpu.dma_semaphore, #tpu.memory_space<semaphore_mem>>)
            %dma_start3A_156 = arith.constant 2 : i32
            %dma_start3A_157 = arith.constant 0 : i32
            %dma_start3A_158 = tpu.memref_slice %arg12[%dma_start3A_156, %dma_start3A_157] : memref<3x64xi32, #tpu.memory_space<vmem>> -> memref<1x64xi32, #tpu.memory_space<vmem>>
            %dma_start3A_159 = tpu.memref_squeeze %dma_start3A_158 : memref<1x64xi32, #tpu.memory_space<vmem>> -> memref<64xi32, #tpu.memory_space<vmem>>
            %dma_start3A_160 = arith.constant 0 : i32
            %dma_start3A_161 = arith.constant 0 : i32
            %dma_start3A_162 = tpu.memref_slice %arg4[%dma_start3A_160, %dma_start3A_161] : memref<64x64xi32, #tpu.memory_space<hbm>> -> memref<64x64xi32, #tpu.memory_space<hbm>>
            tpu.enqueue_indirect_dma source(%dma_start3A_162 : memref<64x64xi32, #tpu.memory_space<hbm>>) target(%arg18 : memref<64x64xi32, #tpu.memory_space<vmem>>) offsets(%dma_start3A_159 : memref<64xi32, #tpu.memory_space<vmem>>) semaphore(%arg27 : memref<!tpu.dma_semaphore, #tpu.memory_space<semaphore_mem>>)
          } else {
          }
          %ge3A = arith.constant 1 : i32
          %ge3A_127 = arith.cmpi sge, %scan3A_84, %ge3A : i32
          %convert_element_type3A_128 = arith.extui %ge3A_127 : i1 to i32
          %cond3A_129 = arith.constant 0 : i32
          %cond3A_130 = arith.cmpi ne, %convert_element_type3A_128, %cond3A_129 : i32
          scf.if %cond3A_130 {
            %dma_wait3A_131 = arith.constant 0 : i32
            %dma_wait3A_132 = arith.constant 0 : i32
            %dma_wait3A_133 = tpu.memref_slice %arg13[%dma_wait3A_131, %dma_wait3A_132] : memref<3x64xi32, #tpu.memory_space<vmem>> -> memref<1x64xi32, #tpu.memory_space<vmem>>
            %dma_wait3A_134 = tpu.memref_squeeze %dma_wait3A_133 : memref<1x64xi32, #tpu.memory_space<vmem>> -> memref<64xi32, #tpu.memory_space<vmem>>
            %dma_wait3A_135 = arith.constant 0 : i32
            %dma_wait3A_136 = arith.constant 0 : i32
            %dma_wait3A_137 = tpu.memref_slice %arg2[%dma_wait3A_135, %dma_wait3A_136] : memref<10000x64xi32, #tpu.memory_space<hbm>> -> memref<10000x64xi32, #tpu.memory_space<hbm>>
            tpu.wait_indirect_dma semaphore(%arg28 : memref<!tpu.dma_semaphore, #tpu.memory_space<semaphore_mem>>) src(%dma_wait3A_137 : memref<10000x64xi32, #tpu.memory_space<hbm>>) dst(%arg20 : memref<64x64xi32, #tpu.memory_space<vmem>>)
            %dma_wait3A_138 = arith.constant 1 : i32
            %dma_wait3A_139 = arith.constant 0 : i32
            %dma_wait3A_140 = tpu.memref_slice %arg13[%dma_wait3A_138, %dma_wait3A_139] : memref<3x64xi32, #tpu.memory_space<vmem>> -> memref<1x64xi32, #tpu.memory_space<vmem>>
            %dma_wait3A_141 = tpu.memref_squeeze %dma_wait3A_140 : memref<1x64xi32, #tpu.memory_space<vmem>> -> memref<64xi32, #tpu.memory_space<vmem>>
            %dma_wait3A_142 = arith.constant 0 : i32
            %dma_wait3A_143 = arith.constant 0 : i32
            %dma_wait3A_144 = tpu.memref_slice %arg3[%dma_wait3A_142, %dma_wait3A_143] : memref<10000x64xi32, #tpu.memory_space<hbm>> -> memref<10000x64xi32, #tpu.memory_space<hbm>>
            tpu.wait_indirect_dma semaphore(%arg28 : memref<!tpu.dma_semaphore, #tpu.memory_space<semaphore_mem>>) src(%dma_wait3A_144 : memref<10000x64xi32, #tpu.memory_space<hbm>>) dst(%arg21 : memref<64x64xi32, #tpu.memory_space<vmem>>)
            %dma_wait3A_145 = arith.constant 2 : i32
            %dma_wait3A_146 = arith.constant 0 : i32
            %dma_wait3A_147 = tpu.memref_slice %arg13[%dma_wait3A_145, %dma_wait3A_146] : memref<3x64xi32, #tpu.memory_space<vmem>> -> memref<1x64xi32, #tpu.memory_space<vmem>>
            %dma_wait3A_148 = tpu.memref_squeeze %dma_wait3A_147 : memref<1x64xi32, #tpu.memory_space<vmem>> -> memref<64xi32, #tpu.memory_space<vmem>>
            %dma_wait3A_149 = arith.constant 0 : i32
            %dma_wait3A_150 = arith.constant 0 : i32
            %dma_wait3A_151 = tpu.memref_slice %arg4[%dma_wait3A_149, %dma_wait3A_150] : memref<64x64xi32, #tpu.memory_space<hbm>> -> memref<64x64xi32, #tpu.memory_space<hbm>>
            tpu.wait_indirect_dma semaphore(%arg28 : memref<!tpu.dma_semaphore, #tpu.memory_space<semaphore_mem>>) src(%dma_wait3A_151 : memref<64x64xi32, #tpu.memory_space<hbm>>) dst(%arg22 : memref<64x64xi32, #tpu.memory_space<vmem>>)
            %ge3A_152 = arith.constant 3 : i32
            %ge3A_153 = arith.cmpi sge, %scan3A_84, %ge3A_152 : i32
            %convert_element_type3A_154 = arith.extui %ge3A_153 : i1 to i32
            %cond3A_155 = arith.constant 0 : i32
            %cond3A_156 = arith.cmpi ne, %convert_element_type3A_154, %cond3A_155 : i32
            scf.if %cond3A_156 {
              %dma_wait3A_201 = arith.constant 0 : i32
              %dma_wait3A_202 = arith.constant 0 : i32
              %dma_wait3A_203 = tpu.memref_slice %arg24[%dma_wait3A_201, %dma_wait3A_202] : memref<10000x128xf32, #tpu.memory_space<vmem_shared>> -> memref<10000x128xf32, #tpu.memory_space<vmem_shared>>
              tpu.wait_indirect_dma semaphore(%arg30 : memref<!tpu.dma_semaphore, #tpu.memory_space<semaphore_mem>>) src(%arg23 : memref<64x128xf32, #tpu.memory_space<vmem>>) dst(%dma_wait3A_203 : memref<10000x128xf32, #tpu.memory_space<vmem_shared>>)
            } else {
            }
            %get3A = arith.constant 1 : i32
            %get3A_157 = arith.index_cast %get3A : i32 to index
            %get3A_158 = arith.constant 0 : index
            %get3A_159 = tpu.vector_load %arg13[%get3A_157, %get3A_158] {strides = array<i32>} : memref<3x64xi32, #tpu.memory_space<vmem>>, vector<1x16xi32>,
            %get3A_160 = vector.shape_cast %get3A_159 : vector<1x16xi32> to vector<16xi32>
            %swap3A = arith.constant 0 : index
            %swap3A_161 = tpu.vector_load %arg15[%swap3A] {strides = array<i32>} : memref<64xi32, #tpu.memory_space<vmem>>, vector<16xi32>,
            %swap3A_162 = vector.shape_cast %swap3A_161 : vector<16xi32> to vector<16xi32>
            %swap3A_163 = vector.shape_cast %get3A_160 : vector<16xi32> to vector<16xi32>
            tpu.vector_store %arg15[%swap3A], %swap3A_163 {strides = array<i32>} : memref<64xi32, #tpu.memory_space<vmem>>, vector<16xi32>,
            %get3A_164 = arith.constant 1 : i32
            %get3A_165 = arith.index_cast %get3A_164 : i32 to index
            %get3A_166 = arith.constant 16 : index
            %get3A_167 = tpu.vector_load %arg13[%get3A_165, %get3A_166] {strides = array<i32>} : memref<3x64xi32, #tpu.memory_space<vmem>>, vector<1x16xi32>,
            %get3A_168 = vector.shape_cast %get3A_167 : vector<1x16xi32> to vector<16xi32>
            %swap3A_169 = arith.constant 16 : index
            %swap3A_170 = tpu.vector_load %arg15[%swap3A_169] {strides = array<i32>} : memref<64xi32, #tpu.memory_space<vmem>>, vector<16xi32>,
            %swap3A_171 = vector.shape_cast %swap3A_170 : vector<16xi32> to vector<16xi32>
            %swap3A_172 = vector.shape_cast %get3A_168 : vector<16xi32> to vector<16xi32>
            tpu.vector_store %arg15[%swap3A_169], %swap3A_172 {strides = array<i32>} : memref<64xi32, #tpu.memory_space<vmem>>, vector<16xi32>,
            %get3A_173 = arith.constant 1 : i32
            %get3A_174 = arith.index_cast %get3A_173 : i32 to index
            %get3A_175 = arith.constant 32 : index
            %get3A_176 = tpu.vector_load %arg13[%get3A_174, %get3A_175] {strides = array<i32>} : memref<3x64xi32, #tpu.memory_space<vmem>>, vector<1x16xi32>,
            %get3A_177 = vector.shape_cast %get3A_176 : vector<1x16xi32> to vector<16xi32>
            %swap3A_178 = arith.constant 32 : index
            %swap3A_179 = tpu.vector_load %arg15[%swap3A_178] {strides = array<i32>} : memref<64xi32, #tpu.memory_space<vmem>>, vector<16xi32>,
            %swap3A_180 = vector.shape_cast %swap3A_179 : vector<16xi32> to vector<16xi32>
            %swap3A_181 = vector.shape_cast %get3A_177 : vector<16xi32> to vector<16xi32>
            tpu.vector_store %arg15[%swap3A_178], %swap3A_181 {strides = array<i32>} : memref<64xi32, #tpu.memory_space<vmem>>, vector<16xi32>,
            %get3A_182 = arith.constant 1 : i32
            %get3A_183 = arith.index_cast %get3A_182 : i32 to index
            %get3A_184 = arith.constant 48 : index
            %get3A_185 = tpu.vector_load %arg13[%get3A_183, %get3A_184] {strides = array<i32>} : memref<3x64xi32, #tpu.memory_space<vmem>>, vector<1x16xi32>,
            %get3A_186 = vector.shape_cast %get3A_185 : vector<1x16xi32> to vector<16xi32>
            %swap3A_187 = arith.constant 48 : index
            %swap3A_188 = tpu.vector_load %arg15[%swap3A_187] {strides = array<i32>} : memref<64xi32, #tpu.memory_space<vmem>>, vector<16xi32>,
            %swap3A_189 = vector.shape_cast %swap3A_188 : vector<16xi32> to vector<16xi32>
            %swap3A_190 = vector.shape_cast %get3A_186 : vector<16xi32> to vector<16xi32>
            tpu.vector_store %arg15[%swap3A_187], %swap3A_190 {strides = array<i32>} : memref<64xi32, #tpu.memory_space<vmem>>, vector<16xi32>,
            %lt3A_191 = arith.constant 313 : i32
            %lt3A_192 = arith.cmpi slt, %scan3A_84, %lt3A_191 : i32
            %convert_element_type3A_193 = arith.extui %lt3A_192 : i1 to i32
            %cond3A_194 = arith.constant 0 : i32
            %cond3A_195 = arith.cmpi ne, %convert_element_type3A_193, %cond3A_194 : i32
            scf.if %cond3A_195 {
              %add3A_201 = arith.constant 1 : i32
              %add3A_202 = arith.addi %scan3A_84, %add3A_201 : i32
              %mul3A_203 = arith.constant 16 : i32
              %mul3A_204 = arith.muli %mul3A_203, %add3A_202 : i32
              %add3A_205 = arith.addi %arg1, %mul3A_204 : i32
              %dma_start3A_206 = arith.constant 0 : i32
              %dma_start3A_207 = arith.constant 0 : i32
              %dma_start3A_208 = tpu.memref_slice %arg5[%add3A_205, %dma_start3A_206, %dma_start3A_207] : memref<5024x3x64xi32, #tpu.memory_space<hbm>> -> memref<1x3x64xi32, #tpu.memory_space<hbm>>
              %dma_start3A_209 = tpu.memref_squeeze %dma_start3A_208 : memref<1x3x64xi32, #tpu.memory_space<hbm>> -> memref<3x64xi32, #tpu.memory_space<hbm>>
              %dma_start3A_210 = arith.constant 0 : i32
              %dma_start3A_211 = arith.constant 0 : i32
              %dma_start3A_212 = tpu.memref_slice %arg5[%add3A_205, %dma_start3A_210, %dma_start3A_211] : memref<5024x3x64xi32, #tpu.memory_space<hbm>> -> memref<1x3x64xi32, #tpu.memory_space<hbm>>
              %dma_start3A_213 = tpu.memref_squeeze %dma_start3A_212 : memref<1x3x64xi32, #tpu.memory_space<hbm>> -> memref<3x64xi32, #tpu.memory_space<hbm>>
              tpu.enqueue_dma source(%dma_start3A_213 : memref<3x64xi32, #tpu.memory_space<hbm>>) target(%arg13 : memref<3x64xi32, #tpu.memory_space<vmem>>) target_semaphore(%arg26 : memref<!tpu.dma_semaphore, #tpu.memory_space<semaphore_mem>>)
            } else {
            }
            %parallel_loop3A = arith.constant 0 : i32
            %parallel_loop3A_196 = arith.constant 64 : i32
            %parallel_loop3A_197 = arith.constant 1 : i32
            scf.for %parallel_loop3A_201 = %parallel_loop3A to %parallel_loop3A_196 step %parallel_loop3A_197  : i32 {
              %parallel_loop3A_202 = arith.index_cast %parallel_loop3A_201 : i32 to index
              %parallel_loop3A_203 = arith.constant 0 : index
              %parallel_loop3A_204 = tpu.vector_load %arg20[%parallel_loop3A_202, %parallel_loop3A_203] {strides = array<i32>} : memref<64x64xi32, #tpu.memory_space<vmem>>, vector<1x16xi32>,
              %parallel_loop3A_205 = vector.shape_cast %parallel_loop3A_204 : vector<1x16xi32> to vector<16xi32>
              %parallel_loop3A_206 = arith.index_cast %parallel_loop3A_201 : i32 to index
              %parallel_loop3A_207 = arith.constant 0 : index
              %parallel_loop3A_208 = tpu.vector_load %arg21[%parallel_loop3A_206, %parallel_loop3A_207] {strides = array<i32>} : memref<64x64xi32, #tpu.memory_space<vmem>>, vector<1x16xi32>,
              %parallel_loop3A_209 = vector.shape_cast %parallel_loop3A_208 : vector<1x16xi32> to vector<16xi32>
              %parallel_loop3A_210 = arith.index_cast %parallel_loop3A_201 : i32 to index
              %parallel_loop3A_211 = arith.constant 0 : index
              %parallel_loop3A_212 = tpu.vector_load %arg22[%parallel_loop3A_210, %parallel_loop3A_211] {strides = array<i32>} : memref<64x64xi32, #tpu.memory_space<vmem>>, vector<1x16xi32>,
              %parallel_loop3A_213 = vector.shape_cast %parallel_loop3A_212 : vector<1x16xi32> to vector<16xi32>
              %parallel_loop3A_214 = arith.constant 16 : i32
              %parallel_loop3A_215 = vector.broadcast %parallel_loop3A_214 : i32 to vector<16xi32>
              %parallel_loop3A_216 = arith.shli %parallel_loop3A_205, %parallel_loop3A_215 : vector<16xi32>
              %parallel_loop3A_217 = tpu.bitcast %parallel_loop3A_216 : vector<16xi32> -> vector<16xf32>
              %parallel_loop3A_218 = arith.constant 16 : i32
              %parallel_loop3A_219 = vector.broadcast %parallel_loop3A_218 : i32 to vector<16xi32>
              %parallel_loop3A_220 = arith.shli %parallel_loop3A_209, %parallel_loop3A_219 : vector<16xi32>
              %parallel_loop3A_221 = tpu.bitcast %parallel_loop3A_220 : vector<16xi32> -> vector<16xf32>
              %parallel_loop3A_222 = arith.constant 16 : i32
              %parallel_loop3A_223 = vector.broadcast %parallel_loop3A_222 : i32 to vector<16xi32>
              %parallel_loop3A_224 = arith.shli %parallel_loop3A_213, %parallel_loop3A_223 : vector<16xi32>
              %parallel_loop3A_225 = tpu.bitcast %parallel_loop3A_224 : vector<16xi32> -> vector<16xf32>
              %parallel_loop3A_226 = arith.constant -65536 : i32
              %parallel_loop3A_227 = vector.broadcast %parallel_loop3A_226 : i32 to vector<16xi32>
              %parallel_loop3A_228 = arith.andi %parallel_loop3A_205, %parallel_loop3A_227 : vector<16xi32>
              %parallel_loop3A_229 = tpu.bitcast %parallel_loop3A_228 : vector<16xi32> -> vector<16xf32>
              %parallel_loop3A_230 = arith.constant -65536 : i32
              %parallel_loop3A_231 = vector.broadcast %parallel_loop3A_230 : i32 to vector<16xi32>
              %parallel_loop3A_232 = arith.andi %parallel_loop3A_209, %parallel_loop3A_231 : vector<16xi32>
              %parallel_loop3A_233 = tpu.bitcast %parallel_loop3A_232 : vector<16xi32> -> vector<16xf32>
              %parallel_loop3A_234 = arith.constant -65536 : i32
              %parallel_loop3A_235 = vector.broadcast %parallel_loop3A_234 : i32 to vector<16xi32>
              %parallel_loop3A_236 = arith.andi %parallel_loop3A_213, %parallel_loop3A_235 : vector<16xi32>
              %parallel_loop3A_237 = tpu.bitcast %parallel_loop3A_236 : vector<16xi32> -> vector<16xf32>
              %parallel_loop3A_238 = arith.addf %parallel_loop3A_217, %parallel_loop3A_221 : vector<16xf32>
              %parallel_loop3A_239 = arith.mulf %parallel_loop3A_238, %parallel_loop3A_225 : vector<16xf32>
              %parallel_loop3A_240 = arith.index_cast %parallel_loop3A_201 : i32 to index
              %parallel_loop3A_241 = arith.constant 0 : index
              %parallel_loop3A_242 = tpu.vector_load %arg23[%parallel_loop3A_240, %parallel_loop3A_241] {strides = array<i32>} : memref<64x128xf32, #tpu.memory_space<vmem>>, vector<1x16xf32>,
              %parallel_loop3A_243 = vector.shape_cast %parallel_loop3A_242 : vector<1x16xf32> to vector<16xf32>
              %parallel_loop3A_244 = vector.shape_cast %parallel_loop3A_239 : vector<16xf32> to vector<1x16xf32>
              tpu.vector_store %arg23[%parallel_loop3A_240, %parallel_loop3A_241], %parallel_loop3A_244 {strides = array<i32>} : memref<64x128xf32, #tpu.memory_space<vmem>>, vector<1x16xf32>,
              %parallel_loop3A_245 = arith.addf %parallel_loop3A_229, %parallel_loop3A_233 : vector<16xf32>
              %parallel_loop3A_246 = arith.mulf %parallel_loop3A_245, %parallel_loop3A_237 : vector<16xf32>
              %parallel_loop3A_247 = arith.index_cast %parallel_loop3A_201 : i32 to index
              %parallel_loop3A_248 = arith.constant 64 : index
              %parallel_loop3A_249 = tpu.vector_load %arg23[%parallel_loop3A_247, %parallel_loop3A_248] {strides = array<i32>} : memref<64x128xf32, #tpu.memory_space<vmem>>, vector<1x16xf32>,
              %parallel_loop3A_250 = vector.shape_cast %parallel_loop3A_249 : vector<1x16xf32> to vector<16xf32>
              %parallel_loop3A_251 = vector.shape_cast %parallel_loop3A_246 : vector<16xf32> to vector<1x16xf32>
              tpu.vector_store %arg23[%parallel_loop3A_247, %parallel_loop3A_248], %parallel_loop3A_251 {strides = array<i32>} : memref<64x128xf32, #tpu.memory_space<vmem>>, vector<1x16xf32>,
              %parallel_loop3A_252 = arith.index_cast %parallel_loop3A_201 : i32 to index
              %parallel_loop3A_253 = arith.constant 16 : index
              %parallel_loop3A_254 = tpu.vector_load %arg20[%parallel_loop3A_252, %parallel_loop3A_253] {strides = array<i32>} : memref<64x64xi32, #tpu.memory_space<vmem>>, vector<1x16xi32>,
              %parallel_loop3A_255 = vector.shape_cast %parallel_loop3A_254 : vector<1x16xi32> to vector<16xi32>
              %parallel_loop3A_256 = arith.index_cast %parallel_loop3A_201 : i32 to index
              %parallel_loop3A_257 = arith.constant 16 : index
              %parallel_loop3A_258 = tpu.vector_load %arg21[%parallel_loop3A_256, %parallel_loop3A_257] {strides = array<i32>} : memref<64x64xi32, #tpu.memory_space<vmem>>, vector<1x16xi32>,
              %parallel_loop3A_259 = vector.shape_cast %parallel_loop3A_258 : vector<1x16xi32> to vector<16xi32>
              %parallel_loop3A_260 = arith.index_cast %parallel_loop3A_201 : i32 to index
              %parallel_loop3A_261 = arith.constant 16 : index
              %parallel_loop3A_262 = tpu.vector_load %arg22[%parallel_loop3A_260, %parallel_loop3A_261] {strides = array<i32>} : memref<64x64xi32, #tpu.memory_space<vmem>>, vector<1x16xi32>,
              %parallel_loop3A_263 = vector.shape_cast %parallel_loop3A_262 : vector<1x16xi32> to vector<16xi32>
              %parallel_loop3A_264 = arith.constant 16 : i32
              %parallel_loop3A_265 = vector.broadcast %parallel_loop3A_264 : i32 to vector<16xi32>
              %parallel_loop3A_266 = arith.shli %parallel_loop3A_255, %parallel_loop3A_265 : vector<16xi32>
              %parallel_loop3A_267 = tpu.bitcast %parallel_loop3A_266 : vector<16xi32> -> vector<16xf32>
              %parallel_loop3A_268 = arith.constant 16 : i32
              %parallel_loop3A_269 = vector.broadcast %parallel_loop3A_268 : i32 to vector<16xi32>
              %parallel_loop3A_270 = arith.shli %parallel_loop3A_259, %parallel_loop3A_269 : vector<16xi32>
              %parallel_loop3A_271 = tpu.bitcast %parallel_loop3A_270 : vector<16xi32> -> vector<16xf32>
              %parallel_loop3A_272 = arith.constant 16 : i32
              %parallel_loop3A_273 = vector.broadcast %parallel_loop3A_272 : i32 to vector<16xi32>
              %parallel_loop3A_274 = arith.shli %parallel_loop3A_263, %parallel_loop3A_273 : vector<16xi32>
              %parallel_loop3A_275 = tpu.bitcast %parallel_loop3A_274 : vector<16xi32> -> vector<16xf32>
              %parallel_loop3A_276 = arith.constant -65536 : i32
              %parallel_loop3A_277 = vector.broadcast %parallel_loop3A_276 : i32 to vector<16xi32>
              %parallel_loop3A_278 = arith.andi %parallel_loop3A_255, %parallel_loop3A_277 : vector<16xi32>
              %parallel_loop3A_279 = tpu.bitcast %parallel_loop3A_278 : vector<16xi32> -> vector<16xf32>
              %parallel_loop3A_280 = arith.constant -65536 : i32
              %parallel_loop3A_281 = vector.broadcast %parallel_loop3A_280 : i32 to vector<16xi32>
              %parallel_loop3A_282 = arith.andi %parallel_loop3A_259, %parallel_loop3A_281 : vector<16xi32>
              %parallel_loop3A_283 = tpu.bitcast %parallel_loop3A_282 : vector<16xi32> -> vector<16xf32>
              %parallel_loop3A_284 = arith.constant -65536 : i32
              %parallel_loop3A_285 = vector.broadcast %parallel_loop3A_284 : i32 to vector<16xi32>
              %parallel_loop3A_286 = arith.andi %parallel_loop3A_263, %parallel_loop3A_285 : vector<16xi32>
              %parallel_loop3A_287 = tpu.bitcast %parallel_loop3A_286 : vector<16xi32> -> vector<16xf32>
              %parallel_loop3A_288 = arith.addf %parallel_loop3A_267, %parallel_loop3A_271 : vector<16xf32>
              %parallel_loop3A_289 = arith.mulf %parallel_loop3A_288, %parallel_loop3A_275 : vector<16xf32>
              %parallel_loop3A_290 = arith.index_cast %parallel_loop3A_201 : i32 to index
              %parallel_loop3A_291 = arith.constant 16 : index
              %parallel_loop3A_292 = tpu.vector_load %arg23[%parallel_loop3A_290, %parallel_loop3A_291] {strides = array<i32>} : memref<64x128xf32, #tpu.memory_space<vmem>>, vector<1x16xf32>,
              %parallel_loop3A_293 = vector.shape_cast %parallel_loop3A_292 : vector<1x16xf32> to vector<16xf32>
              %parallel_loop3A_294 = vector.shape_cast %parallel_loop3A_289 : vector<16xf32> to vector<1x16xf32>
              tpu.vector_store %arg23[%parallel_loop3A_290, %parallel_loop3A_291], %parallel_loop3A_294 {strides = array<i32>} : memref<64x128xf32, #tpu.memory_space<vmem>>, vector<1x16xf32>,
              %parallel_loop3A_295 = arith.addf %parallel_loop3A_279, %parallel_loop3A_283 : vector<16xf32>
              %parallel_loop3A_296 = arith.mulf %parallel_loop3A_295, %parallel_loop3A_287 : vector<16xf32>
              %parallel_loop3A_297 = arith.index_cast %parallel_loop3A_201 : i32 to index
              %parallel_loop3A_298 = arith.constant 80 : index
              %parallel_loop3A_299 = tpu.vector_load %arg23[%parallel_loop3A_297, %parallel_loop3A_298] {strides = array<i32>} : memref<64x128xf32, #tpu.memory_space<vmem>>, vector<1x16xf32>,
              %parallel_loop3A_300 = vector.shape_cast %parallel_loop3A_299 : vector<1x16xf32> to vector<16xf32>
              %parallel_loop3A_301 = vector.shape_cast %parallel_loop3A_296 : vector<16xf32> to vector<1x16xf32>
              tpu.vector_store %arg23[%parallel_loop3A_297, %parallel_loop3A_298], %parallel_loop3A_301 {strides = array<i32>} : memref<64x128xf32, #tpu.memory_space<vmem>>, vector<1x16xf32>,
              %parallel_loop3A_302 = arith.index_cast %parallel_loop3A_201 : i32 to index
              %parallel_loop3A_303 = arith.constant 32 : index
              %parallel_loop3A_304 = tpu.vector_load %arg20[%parallel_loop3A_302, %parallel_loop3A_303] {strides = array<i32>} : memref<64x64xi32, #tpu.memory_space<vmem>>, vector<1x16xi32>,
              %parallel_loop3A_305 = vector.shape_cast %parallel_loop3A_304 : vector<1x16xi32> to vector<16xi32>
              %parallel_loop3A_306 = arith.index_cast %parallel_loop3A_201 : i32 to index
              %parallel_loop3A_307 = arith.constant 32 : index
              %parallel_loop3A_308 = tpu.vector_load %arg21[%parallel_loop3A_306, %parallel_loop3A_307] {strides = array<i32>} : memref<64x64xi32, #tpu.memory_space<vmem>>, vector<1x16xi32>,
              %parallel_loop3A_309 = vector.shape_cast %parallel_loop3A_308 : vector<1x16xi32> to vector<16xi32>
              %parallel_loop3A_310 = arith.index_cast %parallel_loop3A_201 : i32 to index
              %parallel_loop3A_311 = arith.constant 32 : index
              %parallel_loop3A_312 = tpu.vector_load %arg22[%parallel_loop3A_310, %parallel_loop3A_311] {strides = array<i32>} : memref<64x64xi32, #tpu.memory_space<vmem>>, vector<1x16xi32>,
              %parallel_loop3A_313 = vector.shape_cast %parallel_loop3A_312 : vector<1x16xi32> to vector<16xi32>
              %parallel_loop3A_314 = arith.constant 16 : i32
              %parallel_loop3A_315 = vector.broadcast %parallel_loop3A_314 : i32 to vector<16xi32>
              %parallel_loop3A_316 = arith.shli %parallel_loop3A_305, %parallel_loop3A_315 : vector<16xi32>
              %parallel_loop3A_317 = tpu.bitcast %parallel_loop3A_316 : vector<16xi32> -> vector<16xf32>
              %parallel_loop3A_318 = arith.constant 16 : i32
              %parallel_loop3A_319 = vector.broadcast %parallel_loop3A_318 : i32 to vector<16xi32>
              %parallel_loop3A_320 = arith.shli %parallel_loop3A_309, %parallel_loop3A_319 : vector<16xi32>
              %parallel_loop3A_321 = tpu.bitcast %parallel_loop3A_320 : vector<16xi32> -> vector<16xf32>
              %parallel_loop3A_322 = arith.constant 16 : i32
              %parallel_loop3A_323 = vector.broadcast %parallel_loop3A_322 : i32 to vector<16xi32>
              %parallel_loop3A_324 = arith.shli %parallel_loop3A_313, %parallel_loop3A_323 : vector<16xi32>
              %parallel_loop3A_325 = tpu.bitcast %parallel_loop3A_324 : vector<16xi32> -> vector<16xf32>
              %parallel_loop3A_326 = arith.constant -65536 : i32
              %parallel_loop3A_327 = vector.broadcast %parallel_loop3A_326 : i32 to vector<16xi32>
              %parallel_loop3A_328 = arith.andi %parallel_loop3A_305, %parallel_loop3A_327 : vector<16xi32>
              %parallel_loop3A_329 = tpu.bitcast %parallel_loop3A_328 : vector<16xi32> -> vector<16xf32>
              %parallel_loop3A_330 = arith.constant -65536 : i32
              %parallel_loop3A_331 = vector.broadcast %parallel_loop3A_330 : i32 to vector<16xi32>
              %parallel_loop3A_332 = arith.andi %parallel_loop3A_309, %parallel_loop3A_331 : vector<16xi32>
              %parallel_loop3A_333 = tpu.bitcast %parallel_loop3A_332 : vector<16xi32> -> vector<16xf32>
              %parallel_loop3A_334 = arith.constant -65536 : i32
              %parallel_loop3A_335 = vector.broadcast %parallel_loop3A_334 : i32 to vector<16xi32>
              %parallel_loop3A_336 = arith.andi %parallel_loop3A_313, %parallel_loop3A_335 : vector<16xi32>
              %parallel_loop3A_337 = tpu.bitcast %parallel_loop3A_336 : vector<16xi32> -> vector<16xf32>
              %parallel_loop3A_338 = arith.addf %parallel_loop3A_317, %parallel_loop3A_321 : vector<16xf32>
              %parallel_loop3A_339 = arith.mulf %parallel_loop3A_338, %parallel_loop3A_325 : vector<16xf32>
              %parallel_loop3A_340 = arith.index_cast %parallel_loop3A_201 : i32 to index
              %parallel_loop3A_341 = arith.constant 32 : index
              %parallel_loop3A_342 = tpu.vector_load %arg23[%parallel_loop3A_340, %parallel_loop3A_341] {strides = array<i32>} : memref<64x128xf32, #tpu.memory_space<vmem>>, vector<1x16xf32>,
              %parallel_loop3A_343 = vector.shape_cast %parallel_loop3A_342 : vector<1x16xf32> to vector<16xf32>
              %parallel_loop3A_344 = vector.shape_cast %parallel_loop3A_339 : vector<16xf32> to vector<1x16xf32>
              tpu.vector_store %arg23[%parallel_loop3A_340, %parallel_loop3A_341], %parallel_loop3A_344 {strides = array<i32>} : memref<64x128xf32, #tpu.memory_space<vmem>>, vector<1x16xf32>,
              %parallel_loop3A_345 = arith.addf %parallel_loop3A_329, %parallel_loop3A_333 : vector<16xf32>
              %parallel_loop3A_346 = arith.mulf %parallel_loop3A_345, %parallel_loop3A_337 : vector<16xf32>
              %parallel_loop3A_347 = arith.index_cast %parallel_loop3A_201 : i32 to index
              %parallel_loop3A_348 = arith.constant 96 : index
              %parallel_loop3A_349 = tpu.vector_load %arg23[%parallel_loop3A_347, %parallel_loop3A_348] {strides = array<i32>} : memref<64x128xf32, #tpu.memory_space<vmem>>, vector<1x16xf32>,
              %parallel_loop3A_350 = vector.shape_cast %parallel_loop3A_349 : vector<1x16xf32> to vector<16xf32>
              %parallel_loop3A_351 = vector.shape_cast %parallel_loop3A_346 : vector<16xf32> to vector<1x16xf32>
              tpu.vector_store %arg23[%parallel_loop3A_347, %parallel_loop3A_348], %parallel_loop3A_351 {strides = array<i32>} : memref<64x128xf32, #tpu.memory_space<vmem>>, vector<1x16xf32>,
              %parallel_loop3A_352 = arith.index_cast %parallel_loop3A_201 : i32 to index
              %parallel_loop3A_353 = arith.constant 48 : index
              %parallel_loop3A_354 = tpu.vector_load %arg20[%parallel_loop3A_352, %parallel_loop3A_353] {strides = array<i32>} : memref<64x64xi32, #tpu.memory_space<vmem>>, vector<1x16xi32>,
              %parallel_loop3A_355 = vector.shape_cast %parallel_loop3A_354 : vector<1x16xi32> to vector<16xi32>
              %parallel_loop3A_356 = arith.index_cast %parallel_loop3A_201 : i32 to index
              %parallel_loop3A_357 = arith.constant 48 : index
              %parallel_loop3A_358 = tpu.vector_load %arg21[%parallel_loop3A_356, %parallel_loop3A_357] {strides = array<i32>} : memref<64x64xi32, #tpu.memory_space<vmem>>, vector<1x16xi32>,
              %parallel_loop3A_359 = vector.shape_cast %parallel_loop3A_358 : vector<1x16xi32> to vector<16xi32>
              %parallel_loop3A_360 = arith.index_cast %parallel_loop3A_201 : i32 to index
              %parallel_loop3A_361 = arith.constant 48 : index
              %parallel_loop3A_362 = tpu.vector_load %arg22[%parallel_loop3A_360, %parallel_loop3A_361] {strides = array<i32>} : memref<64x64xi32, #tpu.memory_space<vmem>>, vector<1x16xi32>,
              %parallel_loop3A_363 = vector.shape_cast %parallel_loop3A_362 : vector<1x16xi32> to vector<16xi32>
              %parallel_loop3A_364 = arith.constant 16 : i32
              %parallel_loop3A_365 = vector.broadcast %parallel_loop3A_364 : i32 to vector<16xi32>
              %parallel_loop3A_366 = arith.shli %parallel_loop3A_355, %parallel_loop3A_365 : vector<16xi32>
              %parallel_loop3A_367 = tpu.bitcast %parallel_loop3A_366 : vector<16xi32> -> vector<16xf32>
              %parallel_loop3A_368 = arith.constant 16 : i32
              %parallel_loop3A_369 = vector.broadcast %parallel_loop3A_368 : i32 to vector<16xi32>
              %parallel_loop3A_370 = arith.shli %parallel_loop3A_359, %parallel_loop3A_369 : vector<16xi32>
              %parallel_loop3A_371 = tpu.bitcast %parallel_loop3A_370 : vector<16xi32> -> vector<16xf32>
              %parallel_loop3A_372 = arith.constant 16 : i32
              %parallel_loop3A_373 = vector.broadcast %parallel_loop3A_372 : i32 to vector<16xi32>
              %parallel_loop3A_374 = arith.shli %parallel_loop3A_363, %parallel_loop3A_373 : vector<16xi32>
              %parallel_loop3A_375 = tpu.bitcast %parallel_loop3A_374 : vector<16xi32> -> vector<16xf32>
              %parallel_loop3A_376 = arith.constant -65536 : i32
              %parallel_loop3A_377 = vector.broadcast %parallel_loop3A_376 : i32 to vector<16xi32>
              %parallel_loop3A_378 = arith.andi %parallel_loop3A_355, %parallel_loop3A_377 : vector<16xi32>
              %parallel_loop3A_379 = tpu.bitcast %parallel_loop3A_378 : vector<16xi32> -> vector<16xf32>
              %parallel_loop3A_380 = arith.constant -65536 : i32
              %parallel_loop3A_381 = vector.broadcast %parallel_loop3A_380 : i32 to vector<16xi32>
              %parallel_loop3A_382 = arith.andi %parallel_loop3A_359, %parallel_loop3A_381 : vector<16xi32>
              %parallel_loop3A_383 = tpu.bitcast %parallel_loop3A_382 : vector<16xi32> -> vector<16xf32>
              %parallel_loop3A_384 = arith.constant -65536 : i32
              %parallel_loop3A_385 = vector.broadcast %parallel_loop3A_384 : i32 to vector<16xi32>
              %parallel_loop3A_386 = arith.andi %parallel_loop3A_363, %parallel_loop3A_385 : vector<16xi32>
              %parallel_loop3A_387 = tpu.bitcast %parallel_loop3A_386 : vector<16xi32> -> vector<16xf32>
              %parallel_loop3A_388 = arith.addf %parallel_loop3A_367, %parallel_loop3A_371 : vector<16xf32>
              %parallel_loop3A_389 = arith.mulf %parallel_loop3A_388, %parallel_loop3A_375 : vector<16xf32>
              %parallel_loop3A_390 = arith.index_cast %parallel_loop3A_201 : i32 to index
              %parallel_loop3A_391 = arith.constant 48 : index
              %parallel_loop3A_392 = tpu.vector_load %arg23[%parallel_loop3A_390, %parallel_loop3A_391] {strides = array<i32>} : memref<64x128xf32, #tpu.memory_space<vmem>>, vector<1x16xf32>,
              %parallel_loop3A_393 = vector.shape_cast %parallel_loop3A_392 : vector<1x16xf32> to vector<16xf32>
              %parallel_loop3A_394 = vector.shape_cast %parallel_loop3A_389 : vector<16xf32> to vector<1x16xf32>
              tpu.vector_store %arg23[%parallel_loop3A_390, %parallel_loop3A_391], %parallel_loop3A_394 {strides = array<i32>} : memref<64x128xf32, #tpu.memory_space<vmem>>, vector<1x16xf32>,
              %parallel_loop3A_395 = arith.addf %parallel_loop3A_379, %parallel_loop3A_383 : vector<16xf32>
              %parallel_loop3A_396 = arith.mulf %parallel_loop3A_395, %parallel_loop3A_387 : vector<16xf32>
              %parallel_loop3A_397 = arith.index_cast %parallel_loop3A_201 : i32 to index
              %parallel_loop3A_398 = arith.constant 112 : index
              %parallel_loop3A_399 = tpu.vector_load %arg23[%parallel_loop3A_397, %parallel_loop3A_398] {strides = array<i32>} : memref<64x128xf32, #tpu.memory_space<vmem>>, vector<1x16xf32>,
              %parallel_loop3A_400 = vector.shape_cast %parallel_loop3A_399 : vector<1x16xf32> to vector<16xf32>
              %parallel_loop3A_401 = vector.shape_cast %parallel_loop3A_396 : vector<16xf32> to vector<1x16xf32>
              tpu.vector_store %arg23[%parallel_loop3A_397, %parallel_loop3A_398], %parallel_loop3A_401 {strides = array<i32>} : memref<64x128xf32, #tpu.memory_space<vmem>>, vector<1x16xf32>,
            } {sc.loop_unroll_factor = 2 : i64, sc.parallel_access}
            %dma_start3A_198 = arith.constant 0 : i32
            %dma_start3A_199 = arith.constant 0 : i32
            %dma_start3A_200 = tpu.memref_slice %arg24[%dma_start3A_198, %dma_start3A_199] : memref<10000x128xf32, #tpu.memory_space<vmem_shared>> -> memref<10000x128xf32, #tpu.memory_space<vmem_shared>>
            tpu.enqueue_indirect_dma source(%arg23 : memref<64x128xf32, #tpu.memory_space<vmem>>) target(%dma_start3A_200 : memref<10000x128xf32, #tpu.memory_space<vmem_shared>>) offsets(%arg15 : memref<64xi32, #tpu.memory_space<vmem>>) semaphore(%arg30 : memref<!tpu.dma_semaphore, #tpu.memory_space<semaphore_mem>>) {add = true}
          } else {
          }
        } else {
        }
        %jit3A_101 = arith.constant 2 : i32
        %eq3A_102 = arith.constant 0 : i32
        %eq3A_103 = arith.cmpi eq, %jit3A_101, %eq3A_102 : i32
        %jit3A_104 = arith.constant 1 : i32
        %select_n3A_105 = arith.select %eq3A_103, %jit3A_104, %jit3A_101 : i32
        %rem3A_106 = arith.remsi %scan3A_84, %select_n3A_105 : i32
        %ne3A_107 = arith.constant 0 : i32
        %ne3A_108 = arith.cmpi ne, %rem3A_106, %ne3A_107 : i32
        %lt3A_109 = arith.constant 0 : i32
        %lt3A_110 = arith.cmpi slt, %rem3A_106, %lt3A_109 : i32
        %lt3A_111 = arith.constant 0 : i32
        %lt3A_112 = arith.cmpi slt, %select_n3A_105, %lt3A_111 : i32
        %ne3A_113 = arith.xori %lt3A_110, %lt3A_112 : i1
        %and3A_114 = arith.andi %ne3A_113, %ne3A_108 : i1
        %add3A_115 = arith.addi %rem3A_106, %select_n3A_105 : i32
        %select_n3A_116 = arith.select %and3A_114, %add3A_115, %rem3A_106 : i32
        %eq3A_117 = arith.constant 1 : i32
        %eq3A_118 = arith.cmpi eq, %select_n3A_116, %eq3A_117 : i32
        %convert_element_type3A_119 = arith.extui %eq3A_118 : i1 to i32
        %cond3A_120 = arith.constant 0 : i32
        %cond3A_121 = arith.cmpi ne, %convert_element_type3A_119, %cond3A_120 : i32
        scf.if %cond3A_121 {
          %lt3A_122 = arith.constant 314 : i32
          %lt3A_123 = arith.cmpi slt, %scan3A_84, %lt3A_122 : i32
          %convert_element_type3A_124 = arith.extui %lt3A_123 : i1 to i32
          %cond3A_125 = arith.constant 0 : i32
          %cond3A_126 = arith.cmpi ne, %convert_element_type3A_124, %cond3A_125 : i32
          scf.if %cond3A_126 {
            %mul3A_196 = arith.constant 16 : i32
            %mul3A_197 = arith.muli %mul3A_196, %scan3A_84 : i32
            %add3A_198 = arith.addi %arg1, %mul3A_197 : i32
            %dma_wait3A_199 = arith.constant 0 : i32
            %dma_wait3A_200 = arith.constant 0 : i32
            %dma_wait3A_201 = tpu.memref_slice %arg5[%add3A_198, %dma_wait3A_199, %dma_wait3A_200] : memref<5024x3x64xi32, #tpu.memory_space<hbm>> -> memref<1x3x64xi32, #tpu.memory_space<hbm>>
            %dma_wait3A_202 = tpu.memref_squeeze %dma_wait3A_201 : memref<1x3x64xi32, #tpu.memory_space<hbm>> -> memref<3x64xi32, #tpu.memory_space<hbm>>
            %dma_wait3A_203 = arith.constant 0 : i32
            %dma_wait3A_204 = arith.constant 0 : i32
            %dma_wait3A_205 = tpu.memref_slice %arg5[%add3A_198, %dma_wait3A_203, %dma_wait3A_204] : memref<5024x3x64xi32, #tpu.memory_space<hbm>> -> memref<1x3x64xi32, #tpu.memory_space<hbm>>
            %dma_wait3A_206 = tpu.memref_squeeze %dma_wait3A_205 : memref<1x3x64xi32, #tpu.memory_space<hbm>> -> memref<3x64xi32, #tpu.memory_space<hbm>>
            tpu.wait_dma2 semaphore(%arg26 : memref<!tpu.dma_semaphore, #tpu.memory_space<semaphore_mem>>) src(%dma_wait3A_206 : memref<3x64xi32, #tpu.memory_space<hbm>>) dst(%arg13 : memref<3x64xi32, #tpu.memory_space<vmem>>)
            %dma_start3A_207 = arith.constant 0 : i32
            %dma_start3A_208 = arith.constant 0 : i32
            %dma_start3A_209 = tpu.memref_slice %arg13[%dma_start3A_207, %dma_start3A_208] : memref<3x64xi32, #tpu.memory_space<vmem>> -> memref<1x64xi32, #tpu.memory_space<vmem>>
            %dma_start3A_210 = tpu.memref_squeeze %dma_start3A_209 : memref<1x64xi32, #tpu.memory_space<vmem>> -> memref<64xi32, #tpu.memory_space<vmem>>
            %dma_start3A_211 = arith.constant 0 : i32
            %dma_start3A_212 = arith.constant 0 : i32
            %dma_start3A_213 = tpu.memref_slice %arg2[%dma_start3A_211, %dma_start3A_212] : memref<10000x64xi32, #tpu.memory_space<hbm>> -> memref<10000x64xi32, #tpu.memory_space<hbm>>
            tpu.enqueue_indirect_dma source(%dma_start3A_213 : memref<10000x64xi32, #tpu.memory_space<hbm>>) target(%arg20 : memref<64x64xi32, #tpu.memory_space<vmem>>) offsets(%dma_start3A_210 : memref<64xi32, #tpu.memory_space<vmem>>) semaphore(%arg28 : memref<!tpu.dma_semaphore, #tpu.memory_space<semaphore_mem>>)
            %dma_start3A_214 = arith.constant 1 : i32
            %dma_start3A_215 = arith.constant 0 : i32
            %dma_start3A_216 = tpu.memref_slice %arg13[%dma_start3A_214, %dma_start3A_215] : memref<3x64xi32, #tpu.memory_space<vmem>> -> memref<1x64xi32, #tpu.memory_space<vmem>>
            %dma_start3A_217 = tpu.memref_squeeze %dma_start3A_216 : memref<1x64xi32, #tpu.memory_space<vmem>> -> memref<64xi32, #tpu.memory_space<vmem>>
            %dma_start3A_218 = arith.constant 0 : i32
            %dma_start3A_219 = arith.constant 0 : i32
            %dma_start3A_220 = tpu.memref_slice %arg3[%dma_start3A_218, %dma_start3A_219] : memref<10000x64xi32, #tpu.memory_space<hbm>> -> memref<10000x64xi32, #tpu.memory_space<hbm>>
            tpu.enqueue_indirect_dma source(%dma_start3A_220 : memref<10000x64xi32, #tpu.memory_space<hbm>>) target(%arg21 : memref<64x64xi32, #tpu.memory_space<vmem>>) offsets(%dma_start3A_217 : memref<64xi32, #tpu.memory_space<vmem>>) semaphore(%arg28 : memref<!tpu.dma_semaphore, #tpu.memory_space<semaphore_mem>>)
            %dma_start3A_221 = arith.constant 2 : i32
            %dma_start3A_222 = arith.constant 0 : i32
            %dma_start3A_223 = tpu.memref_slice %arg13[%dma_start3A_221, %dma_start3A_222] : memref<3x64xi32, #tpu.memory_space<vmem>> -> memref<1x64xi32, #tpu.memory_space<vmem>>
            %dma_start3A_224 = tpu.memref_squeeze %dma_start3A_223 : memref<1x64xi32, #tpu.memory_space<vmem>> -> memref<64xi32, #tpu.memory_space<vmem>>
            %dma_start3A_225 = arith.constant 0 : i32
            %dma_start3A_226 = arith.constant 0 : i32
            %dma_start3A_227 = tpu.memref_slice %arg4[%dma_start3A_225, %dma_start3A_226] : memref<64x64xi32, #tpu.memory_space<hbm>> -> memref<64x64xi32, #tpu.memory_space<hbm>>
            tpu.enqueue_indirect_dma source(%dma_start3A_227 : memref<64x64xi32, #tpu.memory_space<hbm>>) target(%arg22 : memref<64x64xi32, #tpu.memory_space<vmem>>) offsets(%dma_start3A_224 : memref<64xi32, #tpu.memory_space<vmem>>) semaphore(%arg28 : memref<!tpu.dma_semaphore, #tpu.memory_space<semaphore_mem>>)
          } else {
          }
          %dma_wait3A_127 = arith.constant 0 : i32
          %dma_wait3A_128 = arith.constant 0 : i32
          %dma_wait3A_129 = tpu.memref_slice %arg12[%dma_wait3A_127, %dma_wait3A_128] : memref<3x64xi32, #tpu.memory_space<vmem>> -> memref<1x64xi32, #tpu.memory_space<vmem>>
          %dma_wait3A_130 = tpu.memref_squeeze %dma_wait3A_129 : memref<1x64xi32, #tpu.memory_space<vmem>> -> memref<64xi32, #tpu.memory_space<vmem>>
          %dma_wait3A_131 = arith.constant 0 : i32
          %dma_wait3A_132 = arith.constant 0 : i32
          %dma_wait3A_133 = tpu.memref_slice %arg2[%dma_wait3A_131, %dma_wait3A_132] : memref<10000x64xi32, #tpu.memory_space<hbm>> -> memref<10000x64xi32, #tpu.memory_space<hbm>>
          tpu.wait_indirect_dma semaphore(%arg27 : memref<!tpu.dma_semaphore, #tpu.memory_space<semaphore_mem>>) src(%dma_wait3A_133 : memref<10000x64xi32, #tpu.memory_space<hbm>>) dst(%arg16 : memref<64x64xi32, #tpu.memory_space<vmem>>)
          %dma_wait3A_134 = arith.constant 1 : i32
          %dma_wait3A_135 = arith.constant 0 : i32
          %dma_wait3A_136 = tpu.memref_slice %arg12[%dma_wait3A_134, %dma_wait3A_135] : memref<3x64xi32, #tpu.memory_space<vmem>> -> memref<1x64xi32, #tpu.memory_space<vmem>>
          %dma_wait3A_137 = tpu.memref_squeeze %dma_wait3A_136 : memref<1x64xi32, #tpu.memory_space<vmem>> -> memref<64xi32, #tpu.memory_space<vmem>>
          %dma_wait3A_138 = arith.constant 0 : i32
          %dma_wait3A_139 = arith.constant 0 : i32
          %dma_wait3A_140 = tpu.memref_slice %arg3[%dma_wait3A_138, %dma_wait3A_139] : memref<10000x64xi32, #tpu.memory_space<hbm>> -> memref<10000x64xi32, #tpu.memory_space<hbm>>
          tpu.wait_indirect_dma semaphore(%arg27 : memref<!tpu.dma_semaphore, #tpu.memory_space<semaphore_mem>>) src(%dma_wait3A_140 : memref<10000x64xi32, #tpu.memory_space<hbm>>) dst(%arg17 : memref<64x64xi32, #tpu.memory_space<vmem>>)
          %dma_wait3A_141 = arith.constant 2 : i32
          %dma_wait3A_142 = arith.constant 0 : i32
          %dma_wait3A_143 = tpu.memref_slice %arg12[%dma_wait3A_141, %dma_wait3A_142] : memref<3x64xi32, #tpu.memory_space<vmem>> -> memref<1x64xi32, #tpu.memory_space<vmem>>
          %dma_wait3A_144 = tpu.memref_squeeze %dma_wait3A_143 : memref<1x64xi32, #tpu.memory_space<vmem>> -> memref<64xi32, #tpu.memory_space<vmem>>
          %dma_wait3A_145 = arith.constant 0 : i32
          %dma_wait3A_146 = arith.constant 0 : i32
          %dma_wait3A_147 = tpu.memref_slice %arg4[%dma_wait3A_145, %dma_wait3A_146] : memref<64x64xi32, #tpu.memory_space<hbm>> -> memref<64x64xi32, #tpu.memory_space<hbm>>
          tpu.wait_indirect_dma semaphore(%arg27 : memref<!tpu.dma_semaphore, #tpu.memory_space<semaphore_mem>>) src(%dma_wait3A_147 : memref<64x64xi32, #tpu.memory_space<hbm>>) dst(%arg18 : memref<64x64xi32, #tpu.memory_space<vmem>>)
          %ge3A = arith.constant 3 : i32
          %ge3A_148 = arith.cmpi sge, %scan3A_84, %ge3A : i32
          %convert_element_type3A_149 = arith.extui %ge3A_148 : i1 to i32
          %cond3A_150 = arith.constant 0 : i32
          %cond3A_151 = arith.cmpi ne, %convert_element_type3A_149, %cond3A_150 : i32
          scf.if %cond3A_151 {
            %dma_wait3A_196 = arith.constant 0 : i32
            %dma_wait3A_197 = arith.constant 0 : i32
            %dma_wait3A_198 = tpu.memref_slice %arg24[%dma_wait3A_196, %dma_wait3A_197] : memref<10000x128xf32, #tpu.memory_space<vmem_shared>> -> memref<10000x128xf32, #tpu.memory_space<vmem_shared>>
            tpu.wait_indirect_dma semaphore(%arg29 : memref<!tpu.dma_semaphore, #tpu.memory_space<semaphore_mem>>) src(%arg19 : memref<64x128xf32, #tpu.memory_space<vmem>>) dst(%dma_wait3A_198 : memref<10000x128xf32, #tpu.memory_space<vmem_shared>>)
          } else {
          }
          %get3A = arith.constant 1 : i32
          %get3A_152 = arith.index_cast %get3A : i32 to index
          %get3A_153 = arith.constant 0 : index
          %get3A_154 = tpu.vector_load %arg12[%get3A_152, %get3A_153] {strides = array<i32>} : memref<3x64xi32, #tpu.memory_space<vmem>>, vector<1x16xi32>,
          %get3A_155 = vector.shape_cast %get3A_154 : vector<1x16xi32> to vector<16xi32>
          %swap3A = arith.constant 0 : index
          %swap3A_156 = tpu.vector_load %arg14[%swap3A] {strides = array<i32>} : memref<64xi32, #tpu.memory_space<vmem>>, vector<16xi32>,
          %swap3A_157 = vector.shape_cast %swap3A_156 : vector<16xi32> to vector<16xi32>
          %swap3A_158 = vector.shape_cast %get3A_155 : vector<16xi32> to vector<16xi32>
          tpu.vector_store %arg14[%swap3A], %swap3A_158 {strides = array<i32>} : memref<64xi32, #tpu.memory_space<vmem>>, vector<16xi32>,
          %get3A_159 = arith.constant 1 : i32
          %get3A_160 = arith.index_cast %get3A_159 : i32 to index
          %get3A_161 = arith.constant 16 : index
          %get3A_162 = tpu.vector_load %arg12[%get3A_160, %get3A_161] {strides = array<i32>} : memref<3x64xi32, #tpu.memory_space<vmem>>, vector<1x16xi32>,
          %get3A_163 = vector.shape_cast %get3A_162 : vector<1x16xi32> to vector<16xi32>
          %swap3A_164 = arith.constant 16 : index
          %swap3A_165 = tpu.vector_load %arg14[%swap3A_164] {strides = array<i32>} : memref<64xi32, #tpu.memory_space<vmem>>, vector<16xi32>,
          %swap3A_166 = vector.shape_cast %swap3A_165 : vector<16xi32> to vector<16xi32>
          %swap3A_167 = vector.shape_cast %get3A_163 : vector<16xi32> to vector<16xi32>
          tpu.vector_store %arg14[%swap3A_164], %swap3A_167 {strides = array<i32>} : memref<64xi32, #tpu.memory_space<vmem>>, vector<16xi32>,
          %get3A_168 = arith.constant 1 : i32
          %get3A_169 = arith.index_cast %get3A_168 : i32 to index
          %get3A_170 = arith.constant 32 : index
          %get3A_171 = tpu.vector_load %arg12[%get3A_169, %get3A_170] {strides = array<i32>} : memref<3x64xi32, #tpu.memory_space<vmem>>, vector<1x16xi32>,
          %get3A_172 = vector.shape_cast %get3A_171 : vector<1x16xi32> to vector<16xi32>
          %swap3A_173 = arith.constant 32 : index
          %swap3A_174 = tpu.vector_load %arg14[%swap3A_173] {strides = array<i32>} : memref<64xi32, #tpu.memory_space<vmem>>, vector<16xi32>,
          %swap3A_175 = vector.shape_cast %swap3A_174 : vector<16xi32> to vector<16xi32>
          %swap3A_176 = vector.shape_cast %get3A_172 : vector<16xi32> to vector<16xi32>
          tpu.vector_store %arg14[%swap3A_173], %swap3A_176 {strides = array<i32>} : memref<64xi32, #tpu.memory_space<vmem>>, vector<16xi32>,
          %get3A_177 = arith.constant 1 : i32
          %get3A_178 = arith.index_cast %get3A_177 : i32 to index
          %get3A_179 = arith.constant 48 : index
          %get3A_180 = tpu.vector_load %arg12[%get3A_178, %get3A_179] {strides = array<i32>} : memref<3x64xi32, #tpu.memory_space<vmem>>, vector<1x16xi32>,
          %get3A_181 = vector.shape_cast %get3A_180 : vector<1x16xi32> to vector<16xi32>
          %swap3A_182 = arith.constant 48 : index
          %swap3A_183 = tpu.vector_load %arg14[%swap3A_182] {strides = array<i32>} : memref<64xi32, #tpu.memory_space<vmem>>, vector<16xi32>,
          %swap3A_184 = vector.shape_cast %swap3A_183 : vector<16xi32> to vector<16xi32>
          %swap3A_185 = vector.shape_cast %get3A_181 : vector<16xi32> to vector<16xi32>
          tpu.vector_store %arg14[%swap3A_182], %swap3A_185 {strides = array<i32>} : memref<64xi32, #tpu.memory_space<vmem>>, vector<16xi32>,
          %lt3A_186 = arith.constant 313 : i32
          %lt3A_187 = arith.cmpi slt, %scan3A_84, %lt3A_186 : i32
          %convert_element_type3A_188 = arith.extui %lt3A_187 : i1 to i32
          %cond3A_189 = arith.constant 0 : i32
          %cond3A_190 = arith.cmpi ne, %convert_element_type3A_188, %cond3A_189 : i32
          scf.if %cond3A_190 {
            %add3A_196 = arith.constant 1 : i32
            %add3A_197 = arith.addi %scan3A_84, %add3A_196 : i32
            %mul3A_198 = arith.constant 16 : i32
            %mul3A_199 = arith.muli %mul3A_198, %add3A_197 : i32
            %add3A_200 = arith.addi %arg1, %mul3A_199 : i32
            %dma_start3A_201 = arith.constant 0 : i32
            %dma_start3A_202 = arith.constant 0 : i32
            %dma_start3A_203 = tpu.memref_slice %arg5[%add3A_200, %dma_start3A_201, %dma_start3A_202] : memref<5024x3x64xi32, #tpu.memory_space<hbm>> -> memref<1x3x64xi32, #tpu.memory_space<hbm>>
            %dma_start3A_204 = tpu.memref_squeeze %dma_start3A_203 : memref<1x3x64xi32, #tpu.memory_space<hbm>> -> memref<3x64xi32, #tpu.memory_space<hbm>>
            %dma_start3A_205 = arith.constant 0 : i32
            %dma_start3A_206 = arith.constant 0 : i32
            %dma_start3A_207 = tpu.memref_slice %arg5[%add3A_200, %dma_start3A_205, %dma_start3A_206] : memref<5024x3x64xi32, #tpu.memory_space<hbm>> -> memref<1x3x64xi32, #tpu.memory_space<hbm>>
            %dma_start3A_208 = tpu.memref_squeeze %dma_start3A_207 : memref<1x3x64xi32, #tpu.memory_space<hbm>> -> memref<3x64xi32, #tpu.memory_space<hbm>>
            tpu.enqueue_dma source(%dma_start3A_208 : memref<3x64xi32, #tpu.memory_space<hbm>>) target(%arg12 : memref<3x64xi32, #tpu.memory_space<vmem>>) target_semaphore(%arg25 : memref<!tpu.dma_semaphore, #tpu.memory_space<semaphore_mem>>)
          } else {
          }
          %parallel_loop3A = arith.constant 0 : i32
          %parallel_loop3A_191 = arith.constant 64 : i32
          %parallel_loop3A_192 = arith.constant 1 : i32
          scf.for %parallel_loop3A_196 = %parallel_loop3A to %parallel_loop3A_191 step %parallel_loop3A_192  : i32 {
            %parallel_loop3A_197 = arith.index_cast %parallel_loop3A_196 : i32 to index
            %parallel_loop3A_198 = arith.constant 0 : index
            %parallel_loop3A_199 = tpu.vector_load %arg16[%parallel_loop3A_197, %parallel_loop3A_198] {strides = array<i32>} : memref<64x64xi32, #tpu.memory_space<vmem>>, vector<1x16xi32>,
            %parallel_loop3A_200 = vector.shape_cast %parallel_loop3A_199 : vector<1x16xi32> to vector<16xi32>
            %parallel_loop3A_201 = arith.index_cast %parallel_loop3A_196 : i32 to index
            %parallel_loop3A_202 = arith.constant 0 : index
            %parallel_loop3A_203 = tpu.vector_load %arg17[%parallel_loop3A_201, %parallel_loop3A_202] {strides = array<i32>} : memref<64x64xi32, #tpu.memory_space<vmem>>, vector<1x16xi32>,
            %parallel_loop3A_204 = vector.shape_cast %parallel_loop3A_203 : vector<1x16xi32> to vector<16xi32>
            %parallel_loop3A_205 = arith.index_cast %parallel_loop3A_196 : i32 to index
            %parallel_loop3A_206 = arith.constant 0 : index
            %parallel_loop3A_207 = tpu.vector_load %arg18[%parallel_loop3A_205, %parallel_loop3A_206] {strides = array<i32>} : memref<64x64xi32, #tpu.memory_space<vmem>>, vector<1x16xi32>,
            %parallel_loop3A_208 = vector.shape_cast %parallel_loop3A_207 : vector<1x16xi32> to vector<16xi32>
            %parallel_loop3A_209 = arith.constant 16 : i32
            %parallel_loop3A_210 = vector.broadcast %parallel_loop3A_209 : i32 to vector<16xi32>
            %parallel_loop3A_211 = arith.shli %parallel_loop3A_200, %parallel_loop3A_210 : vector<16xi32>
            %parallel_loop3A_212 = tpu.bitcast %parallel_loop3A_211 : vector<16xi32> -> vector<16xf32>
            %parallel_loop3A_213 = arith.constant 16 : i32
            %parallel_loop3A_214 = vector.broadcast %parallel_loop3A_213 : i32 to vector<16xi32>
            %parallel_loop3A_215 = arith.shli %parallel_loop3A_204, %parallel_loop3A_214 : vector<16xi32>
            %parallel_loop3A_216 = tpu.bitcast %parallel_loop3A_215 : vector<16xi32> -> vector<16xf32>
            %parallel_loop3A_217 = arith.constant 16 : i32
            %parallel_loop3A_218 = vector.broadcast %parallel_loop3A_217 : i32 to vector<16xi32>
            %parallel_loop3A_219 = arith.shli %parallel_loop3A_208, %parallel_loop3A_218 : vector<16xi32>
            %parallel_loop3A_220 = tpu.bitcast %parallel_loop3A_219 : vector<16xi32> -> vector<16xf32>
            %parallel_loop3A_221 = arith.constant -65536 : i32
            %parallel_loop3A_222 = vector.broadcast %parallel_loop3A_221 : i32 to vector<16xi32>
            %parallel_loop3A_223 = arith.andi %parallel_loop3A_200, %parallel_loop3A_222 : vector<16xi32>
            %parallel_loop3A_224 = tpu.bitcast %parallel_loop3A_223 : vector<16xi32> -> vector<16xf32>
            %parallel_loop3A_225 = arith.constant -65536 : i32
            %parallel_loop3A_226 = vector.broadcast %parallel_loop3A_225 : i32 to vector<16xi32>
            %parallel_loop3A_227 = arith.andi %parallel_loop3A_204, %parallel_loop3A_226 : vector<16xi32>
            %parallel_loop3A_228 = tpu.bitcast %parallel_loop3A_227 : vector<16xi32> -> vector<16xf32>
            %parallel_loop3A_229 = arith.constant -65536 : i32
            %parallel_loop3A_230 = vector.broadcast %parallel_loop3A_229 : i32 to vector<16xi32>
            %parallel_loop3A_231 = arith.andi %parallel_loop3A_208, %parallel_loop3A_230 : vector<16xi32>
            %parallel_loop3A_232 = tpu.bitcast %parallel_loop3A_231 : vector<16xi32> -> vector<16xf32>
            %parallel_loop3A_233 = arith.addf %parallel_loop3A_212, %parallel_loop3A_216 : vector<16xf32>
            %parallel_loop3A_234 = arith.mulf %parallel_loop3A_233, %parallel_loop3A_220 : vector<16xf32>
            %parallel_loop3A_235 = arith.index_cast %parallel_loop3A_196 : i32 to index
            %parallel_loop3A_236 = arith.constant 0 : index
            %parallel_loop3A_237 = tpu.vector_load %arg19[%parallel_loop3A_235, %parallel_loop3A_236] {strides = array<i32>} : memref<64x128xf32, #tpu.memory_space<vmem>>, vector<1x16xf32>,
            %parallel_loop3A_238 = vector.shape_cast %parallel_loop3A_237 : vector<1x16xf32> to vector<16xf32>
            %parallel_loop3A_239 = vector.shape_cast %parallel_loop3A_234 : vector<16xf32> to vector<1x16xf32>
            tpu.vector_store %arg19[%parallel_loop3A_235, %parallel_loop3A_236], %parallel_loop3A_239 {strides = array<i32>} : memref<64x128xf32, #tpu.memory_space<vmem>>, vector<1x16xf32>,
            %parallel_loop3A_240 = arith.addf %parallel_loop3A_224, %parallel_loop3A_228 : vector<16xf32>
            %parallel_loop3A_241 = arith.mulf %parallel_loop3A_240, %parallel_loop3A_232 : vector<16xf32>
            %parallel_loop3A_242 = arith.index_cast %parallel_loop3A_196 : i32 to index
            %parallel_loop3A_243 = arith.constant 64 : index
            %parallel_loop3A_244 = tpu.vector_load %arg19[%parallel_loop3A_242, %parallel_loop3A_243] {strides = array<i32>} : memref<64x128xf32, #tpu.memory_space<vmem>>, vector<1x16xf32>,
            %parallel_loop3A_245 = vector.shape_cast %parallel_loop3A_244 : vector<1x16xf32> to vector<16xf32>
            %parallel_loop3A_246 = vector.shape_cast %parallel_loop3A_241 : vector<16xf32> to vector<1x16xf32>
            tpu.vector_store %arg19[%parallel_loop3A_242, %parallel_loop3A_243], %parallel_loop3A_246 {strides = array<i32>} : memref<64x128xf32, #tpu.memory_space<vmem>>, vector<1x16xf32>,
            %parallel_loop3A_247 = arith.index_cast %parallel_loop3A_196 : i32 to index
            %parallel_loop3A_248 = arith.constant 16 : index
            %parallel_loop3A_249 = tpu.vector_load %arg16[%parallel_loop3A_247, %parallel_loop3A_248] {strides = array<i32>} : memref<64x64xi32, #tpu.memory_space<vmem>>, vector<1x16xi32>,
            %parallel_loop3A_250 = vector.shape_cast %parallel_loop3A_249 : vector<1x16xi32> to vector<16xi32>
            %parallel_loop3A_251 = arith.index_cast %parallel_loop3A_196 : i32 to index
            %parallel_loop3A_252 = arith.constant 16 : index
            %parallel_loop3A_253 = tpu.vector_load %arg17[%parallel_loop3A_251, %parallel_loop3A_252] {strides = array<i32>} : memref<64x64xi32, #tpu.memory_space<vmem>>, vector<1x16xi32>,
            %parallel_loop3A_254 = vector.shape_cast %parallel_loop3A_253 : vector<1x16xi32> to vector<16xi32>
            %parallel_loop3A_255 = arith.index_cast %parallel_loop3A_196 : i32 to index
            %parallel_loop3A_256 = arith.constant 16 : index
            %parallel_loop3A_257 = tpu.vector_load %arg18[%parallel_loop3A_255, %parallel_loop3A_256] {strides = array<i32>} : memref<64x64xi32, #tpu.memory_space<vmem>>, vector<1x16xi32>,
            %parallel_loop3A_258 = vector.shape_cast %parallel_loop3A_257 : vector<1x16xi32> to vector<16xi32>
            %parallel_loop3A_259 = arith.constant 16 : i32
            %parallel_loop3A_260 = vector.broadcast %parallel_loop3A_259 : i32 to vector<16xi32>
            %parallel_loop3A_261 = arith.shli %parallel_loop3A_250, %parallel_loop3A_260 : vector<16xi32>
            %parallel_loop3A_262 = tpu.bitcast %parallel_loop3A_261 : vector<16xi32> -> vector<16xf32>
            %parallel_loop3A_263 = arith.constant 16 : i32
            %parallel_loop3A_264 = vector.broadcast %parallel_loop3A_263 : i32 to vector<16xi32>
            %parallel_loop3A_265 = arith.shli %parallel_loop3A_254, %parallel_loop3A_264 : vector<16xi32>
            %parallel_loop3A_266 = tpu.bitcast %parallel_loop3A_265 : vector<16xi32> -> vector<16xf32>
            %parallel_loop3A_267 = arith.constant 16 : i32
            %parallel_loop3A_268 = vector.broadcast %parallel_loop3A_267 : i32 to vector<16xi32>
            %parallel_loop3A_269 = arith.shli %parallel_loop3A_258, %parallel_loop3A_268 : vector<16xi32>
            %parallel_loop3A_270 = tpu.bitcast %parallel_loop3A_269 : vector<16xi32> -> vector<16xf32>
            %parallel_loop3A_271 = arith.constant -65536 : i32
            %parallel_loop3A_272 = vector.broadcast %parallel_loop3A_271 : i32 to vector<16xi32>
            %parallel_loop3A_273 = arith.andi %parallel_loop3A_250, %parallel_loop3A_272 : vector<16xi32>
            %parallel_loop3A_274 = tpu.bitcast %parallel_loop3A_273 : vector<16xi32> -> vector<16xf32>
            %parallel_loop3A_275 = arith.constant -65536 : i32
            %parallel_loop3A_276 = vector.broadcast %parallel_loop3A_275 : i32 to vector<16xi32>
            %parallel_loop3A_277 = arith.andi %parallel_loop3A_254, %parallel_loop3A_276 : vector<16xi32>
            %parallel_loop3A_278 = tpu.bitcast %parallel_loop3A_277 : vector<16xi32> -> vector<16xf32>
            %parallel_loop3A_279 = arith.constant -65536 : i32
            %parallel_loop3A_280 = vector.broadcast %parallel_loop3A_279 : i32 to vector<16xi32>
            %parallel_loop3A_281 = arith.andi %parallel_loop3A_258, %parallel_loop3A_280 : vector<16xi32>
            %parallel_loop3A_282 = tpu.bitcast %parallel_loop3A_281 : vector<16xi32> -> vector<16xf32>
            %parallel_loop3A_283 = arith.addf %parallel_loop3A_262, %parallel_loop3A_266 : vector<16xf32>
            %parallel_loop3A_284 = arith.mulf %parallel_loop3A_283, %parallel_loop3A_270 : vector<16xf32>
            %parallel_loop3A_285 = arith.index_cast %parallel_loop3A_196 : i32 to index
            %parallel_loop3A_286 = arith.constant 16 : index
            %parallel_loop3A_287 = tpu.vector_load %arg19[%parallel_loop3A_285, %parallel_loop3A_286] {strides = array<i32>} : memref<64x128xf32, #tpu.memory_space<vmem>>, vector<1x16xf32>,
            %parallel_loop3A_288 = vector.shape_cast %parallel_loop3A_287 : vector<1x16xf32> to vector<16xf32>
            %parallel_loop3A_289 = vector.shape_cast %parallel_loop3A_284 : vector<16xf32> to vector<1x16xf32>
            tpu.vector_store %arg19[%parallel_loop3A_285, %parallel_loop3A_286], %parallel_loop3A_289 {strides = array<i32>} : memref<64x128xf32, #tpu.memory_space<vmem>>, vector<1x16xf32>,
            %parallel_loop3A_290 = arith.addf %parallel_loop3A_274, %parallel_loop3A_278 : vector<16xf32>
            %parallel_loop3A_291 = arith.mulf %parallel_loop3A_290, %parallel_loop3A_282 : vector<16xf32>
            %parallel_loop3A_292 = arith.index_cast %parallel_loop3A_196 : i32 to index
            %parallel_loop3A_293 = arith.constant 80 : index
            %parallel_loop3A_294 = tpu.vector_load %arg19[%parallel_loop3A_292, %parallel_loop3A_293] {strides = array<i32>} : memref<64x128xf32, #tpu.memory_space<vmem>>, vector<1x16xf32>,
            %parallel_loop3A_295 = vector.shape_cast %parallel_loop3A_294 : vector<1x16xf32> to vector<16xf32>
            %parallel_loop3A_296 = vector.shape_cast %parallel_loop3A_291 : vector<16xf32> to vector<1x16xf32>
            tpu.vector_store %arg19[%parallel_loop3A_292, %parallel_loop3A_293], %parallel_loop3A_296 {strides = array<i32>} : memref<64x128xf32, #tpu.memory_space<vmem>>, vector<1x16xf32>,
            %parallel_loop3A_297 = arith.index_cast %parallel_loop3A_196 : i32 to index
            %parallel_loop3A_298 = arith.constant 32 : index
            %parallel_loop3A_299 = tpu.vector_load %arg16[%parallel_loop3A_297, %parallel_loop3A_298] {strides = array<i32>} : memref<64x64xi32, #tpu.memory_space<vmem>>, vector<1x16xi32>,
            %parallel_loop3A_300 = vector.shape_cast %parallel_loop3A_299 : vector<1x16xi32> to vector<16xi32>
            %parallel_loop3A_301 = arith.index_cast %parallel_loop3A_196 : i32 to index
            %parallel_loop3A_302 = arith.constant 32 : index
            %parallel_loop3A_303 = tpu.vector_load %arg17[%parallel_loop3A_301, %parallel_loop3A_302] {strides = array<i32>} : memref<64x64xi32, #tpu.memory_space<vmem>>, vector<1x16xi32>,
            %parallel_loop3A_304 = vector.shape_cast %parallel_loop3A_303 : vector<1x16xi32> to vector<16xi32>
            %parallel_loop3A_305 = arith.index_cast %parallel_loop3A_196 : i32 to index
            %parallel_loop3A_306 = arith.constant 32 : index
            %parallel_loop3A_307 = tpu.vector_load %arg18[%parallel_loop3A_305, %parallel_loop3A_306] {strides = array<i32>} : memref<64x64xi32, #tpu.memory_space<vmem>>, vector<1x16xi32>,
            %parallel_loop3A_308 = vector.shape_cast %parallel_loop3A_307 : vector<1x16xi32> to vector<16xi32>
            %parallel_loop3A_309 = arith.constant 16 : i32
            %parallel_loop3A_310 = vector.broadcast %parallel_loop3A_309 : i32 to vector<16xi32>
            %parallel_loop3A_311 = arith.shli %parallel_loop3A_300, %parallel_loop3A_310 : vector<16xi32>
            %parallel_loop3A_312 = tpu.bitcast %parallel_loop3A_311 : vector<16xi32> -> vector<16xf32>
            %parallel_loop3A_313 = arith.constant 16 : i32
            %parallel_loop3A_314 = vector.broadcast %parallel_loop3A_313 : i32 to vector<16xi32>
            %parallel_loop3A_315 = arith.shli %parallel_loop3A_304, %parallel_loop3A_314 : vector<16xi32>
            %parallel_loop3A_316 = tpu.bitcast %parallel_loop3A_315 : vector<16xi32> -> vector<16xf32>
            %parallel_loop3A_317 = arith.constant 16 : i32
            %parallel_loop3A_318 = vector.broadcast %parallel_loop3A_317 : i32 to vector<16xi32>
            %parallel_loop3A_319 = arith.shli %parallel_loop3A_308, %parallel_loop3A_318 : vector<16xi32>
            %parallel_loop3A_320 = tpu.bitcast %parallel_loop3A_319 : vector<16xi32> -> vector<16xf32>
            %parallel_loop3A_321 = arith.constant -65536 : i32
            %parallel_loop3A_322 = vector.broadcast %parallel_loop3A_321 : i32 to vector<16xi32>
            %parallel_loop3A_323 = arith.andi %parallel_loop3A_300, %parallel_loop3A_322 : vector<16xi32>
            %parallel_loop3A_324 = tpu.bitcast %parallel_loop3A_323 : vector<16xi32> -> vector<16xf32>
            %parallel_loop3A_325 = arith.constant -65536 : i32
            %parallel_loop3A_326 = vector.broadcast %parallel_loop3A_325 : i32 to vector<16xi32>
            %parallel_loop3A_327 = arith.andi %parallel_loop3A_304, %parallel_loop3A_326 : vector<16xi32>
            %parallel_loop3A_328 = tpu.bitcast %parallel_loop3A_327 : vector<16xi32> -> vector<16xf32>
            %parallel_loop3A_329 = arith.constant -65536 : i32
            %parallel_loop3A_330 = vector.broadcast %parallel_loop3A_329 : i32 to vector<16xi32>
            %parallel_loop3A_331 = arith.andi %parallel_loop3A_308, %parallel_loop3A_330 : vector<16xi32>
            %parallel_loop3A_332 = tpu.bitcast %parallel_loop3A_331 : vector<16xi32> -> vector<16xf32>
            %parallel_loop3A_333 = arith.addf %parallel_loop3A_312, %parallel_loop3A_316 : vector<16xf32>
            %parallel_loop3A_334 = arith.mulf %parallel_loop3A_333, %parallel_loop3A_320 : vector<16xf32>
            %parallel_loop3A_335 = arith.index_cast %parallel_loop3A_196 : i32 to index
            %parallel_loop3A_336 = arith.constant 32 : index
            %parallel_loop3A_337 = tpu.vector_load %arg19[%parallel_loop3A_335, %parallel_loop3A_336] {strides = array<i32>} : memref<64x128xf32, #tpu.memory_space<vmem>>, vector<1x16xf32>,
            %parallel_loop3A_338 = vector.shape_cast %parallel_loop3A_337 : vector<1x16xf32> to vector<16xf32>
            %parallel_loop3A_339 = vector.shape_cast %parallel_loop3A_334 : vector<16xf32> to vector<1x16xf32>
            tpu.vector_store %arg19[%parallel_loop3A_335, %parallel_loop3A_336], %parallel_loop3A_339 {strides = array<i32>} : memref<64x128xf32, #tpu.memory_space<vmem>>, vector<1x16xf32>,
            %parallel_loop3A_340 = arith.addf %parallel_loop3A_324, %parallel_loop3A_328 : vector<16xf32>
            %parallel_loop3A_341 = arith.mulf %parallel_loop3A_340, %parallel_loop3A_332 : vector<16xf32>
            %parallel_loop3A_342 = arith.index_cast %parallel_loop3A_196 : i32 to index
            %parallel_loop3A_343 = arith.constant 96 : index
            %parallel_loop3A_344 = tpu.vector_load %arg19[%parallel_loop3A_342, %parallel_loop3A_343] {strides = array<i32>} : memref<64x128xf32, #tpu.memory_space<vmem>>, vector<1x16xf32>,
            %parallel_loop3A_345 = vector.shape_cast %parallel_loop3A_344 : vector<1x16xf32> to vector<16xf32>
            %parallel_loop3A_346 = vector.shape_cast %parallel_loop3A_341 : vector<16xf32> to vector<1x16xf32>
            tpu.vector_store %arg19[%parallel_loop3A_342, %parallel_loop3A_343], %parallel_loop3A_346 {strides = array<i32>} : memref<64x128xf32, #tpu.memory_space<vmem>>, vector<1x16xf32>,
            %parallel_loop3A_347 = arith.index_cast %parallel_loop3A_196 : i32 to index
            %parallel_loop3A_348 = arith.constant 48 : index
            %parallel_loop3A_349 = tpu.vector_load %arg16[%parallel_loop3A_347, %parallel_loop3A_348] {strides = array<i32>} : memref<64x64xi32, #tpu.memory_space<vmem>>, vector<1x16xi32>,
            %parallel_loop3A_350 = vector.shape_cast %parallel_loop3A_349 : vector<1x16xi32> to vector<16xi32>
            %parallel_loop3A_351 = arith.index_cast %parallel_loop3A_196 : i32 to index
            %parallel_loop3A_352 = arith.constant 48 : index
            %parallel_loop3A_353 = tpu.vector_load %arg17[%parallel_loop3A_351, %parallel_loop3A_352] {strides = array<i32>} : memref<64x64xi32, #tpu.memory_space<vmem>>, vector<1x16xi32>,
            %parallel_loop3A_354 = vector.shape_cast %parallel_loop3A_353 : vector<1x16xi32> to vector<16xi32>
            %parallel_loop3A_355 = arith.index_cast %parallel_loop3A_196 : i32 to index
            %parallel_loop3A_356 = arith.constant 48 : index
            %parallel_loop3A_357 = tpu.vector_load %arg18[%parallel_loop3A_355, %parallel_loop3A_356] {strides = array<i32>} : memref<64x64xi32, #tpu.memory_space<vmem>>, vector<1x16xi32>,
            %parallel_loop3A_358 = vector.shape_cast %parallel_loop3A_357 : vector<1x16xi32> to vector<16xi32>
            %parallel_loop3A_359 = arith.constant 16 : i32
            %parallel_loop3A_360 = vector.broadcast %parallel_loop3A_359 : i32 to vector<16xi32>
            %parallel_loop3A_361 = arith.shli %parallel_loop3A_350, %parallel_loop3A_360 : vector<16xi32>
            %parallel_loop3A_362 = tpu.bitcast %parallel_loop3A_361 : vector<16xi32> -> vector<16xf32>
            %parallel_loop3A_363 = arith.constant 16 : i32
            %parallel_loop3A_364 = vector.broadcast %parallel_loop3A_363 : i32 to vector<16xi32>
            %parallel_loop3A_365 = arith.shli %parallel_loop3A_354, %parallel_loop3A_364 : vector<16xi32>
            %parallel_loop3A_366 = tpu.bitcast %parallel_loop3A_365 : vector<16xi32> -> vector<16xf32>
            %parallel_loop3A_367 = arith.constant 16 : i32
            %parallel_loop3A_368 = vector.broadcast %parallel_loop3A_367 : i32 to vector<16xi32>
            %parallel_loop3A_369 = arith.shli %parallel_loop3A_358, %parallel_loop3A_368 : vector<16xi32>
            %parallel_loop3A_370 = tpu.bitcast %parallel_loop3A_369 : vector<16xi32> -> vector<16xf32>
            %parallel_loop3A_371 = arith.constant -65536 : i32
            %parallel_loop3A_372 = vector.broadcast %parallel_loop3A_371 : i32 to vector<16xi32>
            %parallel_loop3A_373 = arith.andi %parallel_loop3A_350, %parallel_loop3A_372 : vector<16xi32>
            %parallel_loop3A_374 = tpu.bitcast %parallel_loop3A_373 : vector<16xi32> -> vector<16xf32>
            %parallel_loop3A_375 = arith.constant -65536 : i32
            %parallel_loop3A_376 = vector.broadcast %parallel_loop3A_375 : i32 to vector<16xi32>
            %parallel_loop3A_377 = arith.andi %parallel_loop3A_354, %parallel_loop3A_376 : vector<16xi32>
            %parallel_loop3A_378 = tpu.bitcast %parallel_loop3A_377 : vector<16xi32> -> vector<16xf32>
            %parallel_loop3A_379 = arith.constant -65536 : i32
            %parallel_loop3A_380 = vector.broadcast %parallel_loop3A_379 : i32 to vector<16xi32>
            %parallel_loop3A_381 = arith.andi %parallel_loop3A_358, %parallel_loop3A_380 : vector<16xi32>
            %parallel_loop3A_382 = tpu.bitcast %parallel_loop3A_381 : vector<16xi32> -> vector<16xf32>
            %parallel_loop3A_383 = arith.addf %parallel_loop3A_362, %parallel_loop3A_366 : vector<16xf32>
            %parallel_loop3A_384 = arith.mulf %parallel_loop3A_383, %parallel_loop3A_370 : vector<16xf32>
            %parallel_loop3A_385 = arith.index_cast %parallel_loop3A_196 : i32 to index
            %parallel_loop3A_386 = arith.constant 48 : index
            %parallel_loop3A_387 = tpu.vector_load %arg19[%parallel_loop3A_385, %parallel_loop3A_386] {strides = array<i32>} : memref<64x128xf32, #tpu.memory_space<vmem>>, vector<1x16xf32>,
            %parallel_loop3A_388 = vector.shape_cast %parallel_loop3A_387 : vector<1x16xf32> to vector<16xf32>
            %parallel_loop3A_389 = vector.shape_cast %parallel_loop3A_384 : vector<16xf32> to vector<1x16xf32>
            tpu.vector_store %arg19[%parallel_loop3A_385, %parallel_loop3A_386], %parallel_loop3A_389 {strides = array<i32>} : memref<64x128xf32, #tpu.memory_space<vmem>>, vector<1x16xf32>,
            %parallel_loop3A_390 = arith.addf %parallel_loop3A_374, %parallel_loop3A_378 : vector<16xf32>
            %parallel_loop3A_391 = arith.mulf %parallel_loop3A_390, %parallel_loop3A_382 : vector<16xf32>
            %parallel_loop3A_392 = arith.index_cast %parallel_loop3A_196 : i32 to index
            %parallel_loop3A_393 = arith.constant 112 : index
            %parallel_loop3A_394 = tpu.vector_load %arg19[%parallel_loop3A_392, %parallel_loop3A_393] {strides = array<i32>} : memref<64x128xf32, #tpu.memory_space<vmem>>, vector<1x16xf32>,
            %parallel_loop3A_395 = vector.shape_cast %parallel_loop3A_394 : vector<1x16xf32> to vector<16xf32>
            %parallel_loop3A_396 = vector.shape_cast %parallel_loop3A_391 : vector<16xf32> to vector<1x16xf32>
            tpu.vector_store %arg19[%parallel_loop3A_392, %parallel_loop3A_393], %parallel_loop3A_396 {strides = array<i32>} : memref<64x128xf32, #tpu.memory_space<vmem>>, vector<1x16xf32>,
          } {sc.loop_unroll_factor = 2 : i64, sc.parallel_access}
          %dma_start3A_193 = arith.constant 0 : i32
          %dma_start3A_194 = arith.constant 0 : i32
          %dma_start3A_195 = tpu.memref_slice %arg24[%dma_start3A_193, %dma_start3A_194] : memref<10000x128xf32, #tpu.memory_space<vmem_shared>> -> memref<10000x128xf32, #tpu.memory_space<vmem_shared>>
          tpu.enqueue_indirect_dma source(%arg19 : memref<64x128xf32, #tpu.memory_space<vmem>>) target(%dma_start3A_195 : memref<10000x128xf32, #tpu.memory_space<vmem_shared>>) offsets(%arg14 : memref<64xi32, #tpu.memory_space<vmem>>) semaphore(%arg29 : memref<!tpu.dma_semaphore, #tpu.memory_space<semaphore_mem>>) {add = true}
        } else {
        }
      }
      %scan3A_78 = arith.constant 315 : i32
      %dma_wait3A = arith.constant 0 : i32
      %dma_wait3A_79 = arith.constant 0 : i32
      %dma_wait3A_80 = tpu.memref_slice %arg24[%dma_wait3A, %dma_wait3A_79] : memref<10000x128xf32, #tpu.memory_space<vmem_shared>> -> memref<10000x128xf32, #tpu.memory_space<vmem_shared>>
      tpu.wait_indirect_dma semaphore(%arg30 : memref<!tpu.dma_semaphore, #tpu.memory_space<semaphore_mem>>) src(%arg23 : memref<64x128xf32, #tpu.memory_space<vmem>>) dst(%dma_wait3A_80 : memref<10000x128xf32, #tpu.memory_space<vmem_shared>>)
      %dma_wait3A_81 = arith.constant 0 : i32
      %dma_wait3A_82 = arith.constant 0 : i32
      %dma_wait3A_83 = tpu.memref_slice %arg24[%dma_wait3A_81, %dma_wait3A_82] : memref<10000x128xf32, #tpu.memory_space<vmem_shared>> -> memref<10000x128xf32, #tpu.memory_space<vmem_shared>>
      tpu.wait_indirect_dma semaphore(%arg29 : memref<!tpu.dma_semaphore, #tpu.memory_space<semaphore_mem>>) src(%arg19 : memref<64x128xf32, #tpu.memory_space<vmem>>) dst(%dma_wait3A_83 : memref<10000x128xf32, #tpu.memory_space<vmem_shared>>)
    } else {
    }
    %eq3A_38 = arith.constant 1 : i32
    %eq3A_39 = arith.cmpi eq, %arg0, %eq3A_38 : i32
    %convert_element_type3A_40 = arith.extui %eq3A_39 : i1 to i32
    %cond3A_41 = arith.constant 0 : i32
    %cond3A_42 = arith.cmpi ne, %convert_element_type3A_40, %cond3A_41 : i32
    scf.if %cond3A_42 {
      %add3A_54 = arith.constant 0 : i32
      %add3A_55 = arith.addi %arg1, %add3A_54 : i32
      %dma_start3A = arith.constant 0 : i32
      %dma_start3A_56 = arith.constant 0 : i32
      %dma_start3A_57 = tpu.memref_slice %arg9[%add3A_55, %dma_start3A, %dma_start3A_56] : memref<5024x3x64xi32, #tpu.memory_space<hbm>> -> memref<1x3x64xi32, #tpu.memory_space<hbm>>
      %dma_start3A_58 = tpu.memref_squeeze %dma_start3A_57 : memref<1x3x64xi32, #tpu.memory_space<hbm>> -> memref<3x64xi32, #tpu.memory_space<hbm>>
      %dma_start3A_59 = arith.constant 0 : i32
      %dma_start3A_60 = arith.constant 0 : i32
      %dma_start3A_61 = tpu.memref_slice %arg9[%add3A_55, %dma_start3A_59, %dma_start3A_60] : memref<5024x3x64xi32, #tpu.memory_space<hbm>> -> memref<1x3x64xi32, #tpu.memory_space<hbm>>
      %dma_start3A_62 = tpu.memref_squeeze %dma_start3A_61 : memref<1x3x64xi32, #tpu.memory_space<hbm>> -> memref<3x64xi32, #tpu.memory_space<hbm>>
      tpu.enqueue_dma source(%dma_start3A_62 : memref<3x64xi32, #tpu.memory_space<hbm>>) target(%arg12 : memref<3x64xi32, #tpu.memory_space<vmem>>) target_semaphore(%arg25 : memref<!tpu.dma_semaphore, #tpu.memory_space<semaphore_mem>>)
      %add3A_63 = arith.constant 16 : i32
      %add3A_64 = arith.addi %arg1, %add3A_63 : i32
      %dma_start3A_65 = arith.constant 0 : i32
      %dma_start3A_66 = arith.constant 0 : i32
      %dma_start3A_67 = tpu.memref_slice %arg9[%add3A_64, %dma_start3A_65, %dma_start3A_66] : memref<5024x3x64xi32, #tpu.memory_space<hbm>> -> memref<1x3x64xi32, #tpu.memory_space<hbm>>
      %dma_start3A_68 = tpu.memref_squeeze %dma_start3A_67 : memref<1x3x64xi32, #tpu.memory_space<hbm>> -> memref<3x64xi32, #tpu.memory_space<hbm>>
      %dma_start3A_69 = arith.constant 0 : i32
      %dma_start3A_70 = arith.constant 0 : i32
      %dma_start3A_71 = tpu.memref_slice %arg9[%add3A_64, %dma_start3A_69, %dma_start3A_70] : memref<5024x3x64xi32, #tpu.memory_space<hbm>> -> memref<1x3x64xi32, #tpu.memory_space<hbm>>
      %dma_start3A_72 = tpu.memref_squeeze %dma_start3A_71 : memref<1x3x64xi32, #tpu.memory_space<hbm>> -> memref<3x64xi32, #tpu.memory_space<hbm>>
      tpu.enqueue_dma source(%dma_start3A_72 : memref<3x64xi32, #tpu.memory_space<hbm>>) target(%arg13 : memref<3x64xi32, #tpu.memory_space<vmem>>) target_semaphore(%arg26 : memref<!tpu.dma_semaphore, #tpu.memory_space<semaphore_mem>>)
      %scan3A_73 = arith.constant 0 : i32
      %scan3A_74 = arith.constant 0 : i32
      %scan3A_75 = arith.constant 315 : i32
      %scan3A_76 = arith.addi %scan3A_74, %scan3A_75 : i32
      %scan3A_77 = arith.constant 1 : i32
      scf.for %scan3A_84 = %scan3A_74 to %scan3A_76 step %scan3A_77  : i32 {
        %jit3A = arith.constant 2 : i32
        %eq3A_85 = arith.constant 0 : i32
        %eq3A_86 = arith.cmpi eq, %jit3A, %eq3A_85 : i32
        %jit3A_87 = arith.constant 1 : i32
        %select_n3A = arith.select %eq3A_86, %jit3A_87, %jit3A : i32
        %rem3A = arith.remsi %scan3A_84, %select_n3A : i32
        %ne3A = arith.constant 0 : i32
        %ne3A_88 = arith.cmpi ne, %rem3A, %ne3A : i32
        %lt3A_89 = arith.constant 0 : i32
        %lt3A_90 = arith.cmpi slt, %rem3A, %lt3A_89 : i32
        %lt3A_91 = arith.constant 0 : i32
        %lt3A_92 = arith.cmpi slt, %select_n3A, %lt3A_91 : i32
        %ne3A_93 = arith.xori %lt3A_90, %lt3A_92 : i1
        %and3A = arith.andi %ne3A_93, %ne3A_88 : i1
        %add3A_94 = arith.addi %rem3A, %select_n3A : i32
        %select_n3A_95 = arith.select %and3A, %add3A_94, %rem3A : i32
        %eq3A_96 = arith.constant 0 : i32
        %eq3A_97 = arith.cmpi eq, %select_n3A_95, %eq3A_96 : i32
        %convert_element_type3A_98 = arith.extui %eq3A_97 : i1 to i32
        %cond3A_99 = arith.constant 0 : i32
        %cond3A_100 = arith.cmpi ne, %convert_element_type3A_98, %cond3A_99 : i32
        scf.if %cond3A_100 {
          %lt3A_122 = arith.constant 314 : i32
          %lt3A_123 = arith.cmpi slt, %scan3A_84, %lt3A_122 : i32
          %convert_element_type3A_124 = arith.extui %lt3A_123 : i1 to i32
          %cond3A_125 = arith.constant 0 : i32
          %cond3A_126 = arith.cmpi ne, %convert_element_type3A_124, %cond3A_125 : i32
          scf.if %cond3A_126 {
            %mul3A_131 = arith.constant 16 : i32
            %mul3A_132 = arith.muli %mul3A_131, %scan3A_84 : i32
            %add3A_133 = arith.addi %arg1, %mul3A_132 : i32
            %dma_wait3A_134 = arith.constant 0 : i32
            %dma_wait3A_135 = arith.constant 0 : i32
            %dma_wait3A_136 = tpu.memref_slice %arg9[%add3A_133, %dma_wait3A_134, %dma_wait3A_135] : memref<5024x3x64xi32, #tpu.memory_space<hbm>> -> memref<1x3x64xi32, #tpu.memory_space<hbm>>
            %dma_wait3A_137 = tpu.memref_squeeze %dma_wait3A_136 : memref<1x3x64xi32, #tpu.memory_space<hbm>> -> memref<3x64xi32, #tpu.memory_space<hbm>>
            %dma_wait3A_138 = arith.constant 0 : i32
            %dma_wait3A_139 = arith.constant 0 : i32
            %dma_wait3A_140 = tpu.memref_slice %arg9[%add3A_133, %dma_wait3A_138, %dma_wait3A_139] : memref<5024x3x64xi32, #tpu.memory_space<hbm>> -> memref<1x3x64xi32, #tpu.memory_space<hbm>>
            %dma_wait3A_141 = tpu.memref_squeeze %dma_wait3A_140 : memref<1x3x64xi32, #tpu.memory_space<hbm>> -> memref<3x64xi32, #tpu.memory_space<hbm>>
            tpu.wait_dma2 semaphore(%arg25 : memref<!tpu.dma_semaphore, #tpu.memory_space<semaphore_mem>>) src(%dma_wait3A_141 : memref<3x64xi32, #tpu.memory_space<hbm>>) dst(%arg12 : memref<3x64xi32, #tpu.memory_space<vmem>>)
            %dma_start3A_142 = arith.constant 0 : i32
            %dma_start3A_143 = arith.constant 0 : i32
            %dma_start3A_144 = tpu.memref_slice %arg12[%dma_start3A_142, %dma_start3A_143] : memref<3x64xi32, #tpu.memory_space<vmem>> -> memref<1x64xi32, #tpu.memory_space<vmem>>
            %dma_start3A_145 = tpu.memref_squeeze %dma_start3A_144 : memref<1x64xi32, #tpu.memory_space<vmem>> -> memref<64xi32, #tpu.memory_space<vmem>>
            %dma_start3A_146 = arith.constant 0 : i32
            %dma_start3A_147 = arith.constant 0 : i32
            %dma_start3A_148 = tpu.memref_slice %arg6[%dma_start3A_146, %dma_start3A_147] : memref<10000x64xi32, #tpu.memory_space<hbm>> -> memref<10000x64xi32, #tpu.memory_space<hbm>>
            tpu.enqueue_indirect_dma source(%dma_start3A_148 : memref<10000x64xi32, #tpu.memory_space<hbm>>) target(%arg16 : memref<64x64xi32, #tpu.memory_space<vmem>>) offsets(%dma_start3A_145 : memref<64xi32, #tpu.memory_space<vmem>>) semaphore(%arg27 : memref<!tpu.dma_semaphore, #tpu.memory_space<semaphore_mem>>)
            %dma_start3A_149 = arith.constant 1 : i32
            %dma_start3A_150 = arith.constant 0 : i32
            %dma_start3A_151 = tpu.memref_slice %arg12[%dma_start3A_149, %dma_start3A_150] : memref<3x64xi32, #tpu.memory_space<vmem>> -> memref<1x64xi32, #tpu.memory_space<vmem>>
            %dma_start3A_152 = tpu.memref_squeeze %dma_start3A_151 : memref<1x64xi32, #tpu.memory_space<vmem>> -> memref<64xi32, #tpu.memory_space<vmem>>
            %dma_start3A_153 = arith.constant 0 : i32
            %dma_start3A_154 = arith.constant 0 : i32
            %dma_start3A_155 = tpu.memref_slice %arg7[%dma_start3A_153, %dma_start3A_154] : memref<10000x64xi32, #tpu.memory_space<hbm>> -> memref<10000x64xi32, #tpu.memory_space<hbm>>
            tpu.enqueue_indirect_dma source(%dma_start3A_155 : memref<10000x64xi32, #tpu.memory_space<hbm>>) target(%arg17 : memref<64x64xi32, #tpu.memory_space<vmem>>) offsets(%dma_start3A_152 : memref<64xi32, #tpu.memory_space<vmem>>) semaphore(%arg27 : memref<!tpu.dma_semaphore, #tpu.memory_space<semaphore_mem>>)
            %dma_start3A_156 = arith.constant 2 : i32
            %dma_start3A_157 = arith.constant 0 : i32
            %dma_start3A_158 = tpu.memref_slice %arg12[%dma_start3A_156, %dma_start3A_157] : memref<3x64xi32, #tpu.memory_space<vmem>> -> memref<1x64xi32, #tpu.memory_space<vmem>>
            %dma_start3A_159 = tpu.memref_squeeze %dma_start3A_158 : memref<1x64xi32, #tpu.memory_space<vmem>> -> memref<64xi32, #tpu.memory_space<vmem>>
            %dma_start3A_160 = arith.constant 0 : i32
            %dma_start3A_161 = arith.constant 0 : i32
            %dma_start3A_162 = tpu.memref_slice %arg8[%dma_start3A_160, %dma_start3A_161] : memref<64x64xi32, #tpu.memory_space<hbm>> -> memref<64x64xi32, #tpu.memory_space<hbm>>
            tpu.enqueue_indirect_dma source(%dma_start3A_162 : memref<64x64xi32, #tpu.memory_space<hbm>>) target(%arg18 : memref<64x64xi32, #tpu.memory_space<vmem>>) offsets(%dma_start3A_159 : memref<64xi32, #tpu.memory_space<vmem>>) semaphore(%arg27 : memref<!tpu.dma_semaphore, #tpu.memory_space<semaphore_mem>>)
          } else {
          }
          %ge3A = arith.constant 1 : i32
          %ge3A_127 = arith.cmpi sge, %scan3A_84, %ge3A : i32
          %convert_element_type3A_128 = arith.extui %ge3A_127 : i1 to i32
          %cond3A_129 = arith.constant 0 : i32
          %cond3A_130 = arith.cmpi ne, %convert_element_type3A_128, %cond3A_129 : i32
          scf.if %cond3A_130 {
            %dma_wait3A_131 = arith.constant 0 : i32
            %dma_wait3A_132 = arith.constant 0 : i32
            %dma_wait3A_133 = tpu.memref_slice %arg13[%dma_wait3A_131, %dma_wait3A_132] : memref<3x64xi32, #tpu.memory_space<vmem>> -> memref<1x64xi32, #tpu.memory_space<vmem>>
            %dma_wait3A_134 = tpu.memref_squeeze %dma_wait3A_133 : memref<1x64xi32, #tpu.memory_space<vmem>> -> memref<64xi32, #tpu.memory_space<vmem>>
            %dma_wait3A_135 = arith.constant 0 : i32
            %dma_wait3A_136 = arith.constant 0 : i32
            %dma_wait3A_137 = tpu.memref_slice %arg6[%dma_wait3A_135, %dma_wait3A_136] : memref<10000x64xi32, #tpu.memory_space<hbm>> -> memref<10000x64xi32, #tpu.memory_space<hbm>>
            tpu.wait_indirect_dma semaphore(%arg28 : memref<!tpu.dma_semaphore, #tpu.memory_space<semaphore_mem>>) src(%dma_wait3A_137 : memref<10000x64xi32, #tpu.memory_space<hbm>>) dst(%arg20 : memref<64x64xi32, #tpu.memory_space<vmem>>)
            %dma_wait3A_138 = arith.constant 1 : i32
            %dma_wait3A_139 = arith.constant 0 : i32
            %dma_wait3A_140 = tpu.memref_slice %arg13[%dma_wait3A_138, %dma_wait3A_139] : memref<3x64xi32, #tpu.memory_space<vmem>> -> memref<1x64xi32, #tpu.memory_space<vmem>>
            %dma_wait3A_141 = tpu.memref_squeeze %dma_wait3A_140 : memref<1x64xi32, #tpu.memory_space<vmem>> -> memref<64xi32, #tpu.memory_space<vmem>>
            %dma_wait3A_142 = arith.constant 0 : i32
            %dma_wait3A_143 = arith.constant 0 : i32
            %dma_wait3A_144 = tpu.memref_slice %arg7[%dma_wait3A_142, %dma_wait3A_143] : memref<10000x64xi32, #tpu.memory_space<hbm>> -> memref<10000x64xi32, #tpu.memory_space<hbm>>
            tpu.wait_indirect_dma semaphore(%arg28 : memref<!tpu.dma_semaphore, #tpu.memory_space<semaphore_mem>>) src(%dma_wait3A_144 : memref<10000x64xi32, #tpu.memory_space<hbm>>) dst(%arg21 : memref<64x64xi32, #tpu.memory_space<vmem>>)
            %dma_wait3A_145 = arith.constant 2 : i32
            %dma_wait3A_146 = arith.constant 0 : i32
            %dma_wait3A_147 = tpu.memref_slice %arg13[%dma_wait3A_145, %dma_wait3A_146] : memref<3x64xi32, #tpu.memory_space<vmem>> -> memref<1x64xi32, #tpu.memory_space<vmem>>
            %dma_wait3A_148 = tpu.memref_squeeze %dma_wait3A_147 : memref<1x64xi32, #tpu.memory_space<vmem>> -> memref<64xi32, #tpu.memory_space<vmem>>
            %dma_wait3A_149 = arith.constant 0 : i32
            %dma_wait3A_150 = arith.constant 0 : i32
            %dma_wait3A_151 = tpu.memref_slice %arg8[%dma_wait3A_149, %dma_wait3A_150] : memref<64x64xi32, #tpu.memory_space<hbm>> -> memref<64x64xi32, #tpu.memory_space<hbm>>
            tpu.wait_indirect_dma semaphore(%arg28 : memref<!tpu.dma_semaphore, #tpu.memory_space<semaphore_mem>>) src(%dma_wait3A_151 : memref<64x64xi32, #tpu.memory_space<hbm>>) dst(%arg22 : memref<64x64xi32, #tpu.memory_space<vmem>>)
            %ge3A_152 = arith.constant 3 : i32
            %ge3A_153 = arith.cmpi sge, %scan3A_84, %ge3A_152 : i32
            %convert_element_type3A_154 = arith.extui %ge3A_153 : i1 to i32
            %cond3A_155 = arith.constant 0 : i32
            %cond3A_156 = arith.cmpi ne, %convert_element_type3A_154, %cond3A_155 : i32
            scf.if %cond3A_156 {
              %dma_wait3A_201 = arith.constant 0 : i32
              %dma_wait3A_202 = arith.constant 0 : i32
              %dma_wait3A_203 = tpu.memref_slice %arg24[%dma_wait3A_201, %dma_wait3A_202] : memref<10000x128xf32, #tpu.memory_space<vmem_shared>> -> memref<10000x128xf32, #tpu.memory_space<vmem_shared>>
              tpu.wait_indirect_dma semaphore(%arg30 : memref<!tpu.dma_semaphore, #tpu.memory_space<semaphore_mem>>) src(%arg23 : memref<64x128xf32, #tpu.memory_space<vmem>>) dst(%dma_wait3A_203 : memref<10000x128xf32, #tpu.memory_space<vmem_shared>>)
            } else {
            }
            %get3A = arith.constant 1 : i32
            %get3A_157 = arith.index_cast %get3A : i32 to index
            %get3A_158 = arith.constant 0 : index
            %get3A_159 = tpu.vector_load %arg13[%get3A_157, %get3A_158] {strides = array<i32>} : memref<3x64xi32, #tpu.memory_space<vmem>>, vector<1x16xi32>,
            %get3A_160 = vector.shape_cast %get3A_159 : vector<1x16xi32> to vector<16xi32>
            %swap3A = arith.constant 0 : index
            %swap3A_161 = tpu.vector_load %arg15[%swap3A] {strides = array<i32>} : memref<64xi32, #tpu.memory_space<vmem>>, vector<16xi32>,
            %swap3A_162 = vector.shape_cast %swap3A_161 : vector<16xi32> to vector<16xi32>
            %swap3A_163 = vector.shape_cast %get3A_160 : vector<16xi32> to vector<16xi32>
            tpu.vector_store %arg15[%swap3A], %swap3A_163 {strides = array<i32>} : memref<64xi32, #tpu.memory_space<vmem>>, vector<16xi32>,
            %get3A_164 = arith.constant 1 : i32
            %get3A_165 = arith.index_cast %get3A_164 : i32 to index
            %get3A_166 = arith.constant 16 : index
            %get3A_167 = tpu.vector_load %arg13[%get3A_165, %get3A_166] {strides = array<i32>} : memref<3x64xi32, #tpu.memory_space<vmem>>, vector<1x16xi32>,
            %get3A_168 = vector.shape_cast %get3A_167 : vector<1x16xi32> to vector<16xi32>
            %swap3A_169 = arith.constant 16 : index
            %swap3A_170 = tpu.vector_load %arg15[%swap3A_169] {strides = array<i32>} : memref<64xi32, #tpu.memory_space<vmem>>, vector<16xi32>,
            %swap3A_171 = vector.shape_cast %swap3A_170 : vector<16xi32> to vector<16xi32>
            %swap3A_172 = vector.shape_cast %get3A_168 : vector<16xi32> to vector<16xi32>
            tpu.vector_store %arg15[%swap3A_169], %swap3A_172 {strides = array<i32>} : memref<64xi32, #tpu.memory_space<vmem>>, vector<16xi32>,
            %get3A_173 = arith.constant 1 : i32
            %get3A_174 = arith.index_cast %get3A_173 : i32 to index
            %get3A_175 = arith.constant 32 : index
            %get3A_176 = tpu.vector_load %arg13[%get3A_174, %get3A_175] {strides = array<i32>} : memref<3x64xi32, #tpu.memory_space<vmem>>, vector<1x16xi32>,
            %get3A_177 = vector.shape_cast %get3A_176 : vector<1x16xi32> to vector<16xi32>
            %swap3A_178 = arith.constant 32 : index
            %swap3A_179 = tpu.vector_load %arg15[%swap3A_178] {strides = array<i32>} : memref<64xi32, #tpu.memory_space<vmem>>, vector<16xi32>,
            %swap3A_180 = vector.shape_cast %swap3A_179 : vector<16xi32> to vector<16xi32>
            %swap3A_181 = vector.shape_cast %get3A_177 : vector<16xi32> to vector<16xi32>
            tpu.vector_store %arg15[%swap3A_178], %swap3A_181 {strides = array<i32>} : memref<64xi32, #tpu.memory_space<vmem>>, vector<16xi32>,
            %get3A_182 = arith.constant 1 : i32
            %get3A_183 = arith.index_cast %get3A_182 : i32 to index
            %get3A_184 = arith.constant 48 : index
            %get3A_185 = tpu.vector_load %arg13[%get3A_183, %get3A_184] {strides = array<i32>} : memref<3x64xi32, #tpu.memory_space<vmem>>, vector<1x16xi32>,
            %get3A_186 = vector.shape_cast %get3A_185 : vector<1x16xi32> to vector<16xi32>
            %swap3A_187 = arith.constant 48 : index
            %swap3A_188 = tpu.vector_load %arg15[%swap3A_187] {strides = array<i32>} : memref<64xi32, #tpu.memory_space<vmem>>, vector<16xi32>,
            %swap3A_189 = vector.shape_cast %swap3A_188 : vector<16xi32> to vector<16xi32>
            %swap3A_190 = vector.shape_cast %get3A_186 : vector<16xi32> to vector<16xi32>
            tpu.vector_store %arg15[%swap3A_187], %swap3A_190 {strides = array<i32>} : memref<64xi32, #tpu.memory_space<vmem>>, vector<16xi32>,
            %lt3A_191 = arith.constant 313 : i32
            %lt3A_192 = arith.cmpi slt, %scan3A_84, %lt3A_191 : i32
            %convert_element_type3A_193 = arith.extui %lt3A_192 : i1 to i32
            %cond3A_194 = arith.constant 0 : i32
            %cond3A_195 = arith.cmpi ne, %convert_element_type3A_193, %cond3A_194 : i32
            scf.if %cond3A_195 {
              %add3A_201 = arith.constant 1 : i32
              %add3A_202 = arith.addi %scan3A_84, %add3A_201 : i32
              %mul3A_203 = arith.constant 16 : i32
              %mul3A_204 = arith.muli %mul3A_203, %add3A_202 : i32
              %add3A_205 = arith.addi %arg1, %mul3A_204 : i32
              %dma_start3A_206 = arith.constant 0 : i32
              %dma_start3A_207 = arith.constant 0 : i32
              %dma_start3A_208 = tpu.memref_slice %arg9[%add3A_205, %dma_start3A_206, %dma_start3A_207] : memref<5024x3x64xi32, #tpu.memory_space<hbm>> -> memref<1x3x64xi32, #tpu.memory_space<hbm>>
              %dma_start3A_209 = tpu.memref_squeeze %dma_start3A_208 : memref<1x3x64xi32, #tpu.memory_space<hbm>> -> memref<3x64xi32, #tpu.memory_space<hbm>>
              %dma_start3A_210 = arith.constant 0 : i32
              %dma_start3A_211 = arith.constant 0 : i32
              %dma_start3A_212 = tpu.memref_slice %arg9[%add3A_205, %dma_start3A_210, %dma_start3A_211] : memref<5024x3x64xi32, #tpu.memory_space<hbm>> -> memref<1x3x64xi32, #tpu.memory_space<hbm>>
              %dma_start3A_213 = tpu.memref_squeeze %dma_start3A_212 : memref<1x3x64xi32, #tpu.memory_space<hbm>> -> memref<3x64xi32, #tpu.memory_space<hbm>>
              tpu.enqueue_dma source(%dma_start3A_213 : memref<3x64xi32, #tpu.memory_space<hbm>>) target(%arg13 : memref<3x64xi32, #tpu.memory_space<vmem>>) target_semaphore(%arg26 : memref<!tpu.dma_semaphore, #tpu.memory_space<semaphore_mem>>)
            } else {
            }
            %parallel_loop3A = arith.constant 0 : i32
            %parallel_loop3A_196 = arith.constant 64 : i32
            %parallel_loop3A_197 = arith.constant 1 : i32
            scf.for %parallel_loop3A_201 = %parallel_loop3A to %parallel_loop3A_196 step %parallel_loop3A_197  : i32 {
              %parallel_loop3A_202 = arith.index_cast %parallel_loop3A_201 : i32 to index
              %parallel_loop3A_203 = arith.constant 0 : index
              %parallel_loop3A_204 = tpu.vector_load %arg20[%parallel_loop3A_202, %parallel_loop3A_203] {strides = array<i32>} : memref<64x64xi32, #tpu.memory_space<vmem>>, vector<1x16xi32>,
              %parallel_loop3A_205 = vector.shape_cast %parallel_loop3A_204 : vector<1x16xi32> to vector<16xi32>
              %parallel_loop3A_206 = arith.index_cast %parallel_loop3A_201 : i32 to index
              %parallel_loop3A_207 = arith.constant 0 : index
              %parallel_loop3A_208 = tpu.vector_load %arg21[%parallel_loop3A_206, %parallel_loop3A_207] {strides = array<i32>} : memref<64x64xi32, #tpu.memory_space<vmem>>, vector<1x16xi32>,
              %parallel_loop3A_209 = vector.shape_cast %parallel_loop3A_208 : vector<1x16xi32> to vector<16xi32>
              %parallel_loop3A_210 = arith.index_cast %parallel_loop3A_201 : i32 to index
              %parallel_loop3A_211 = arith.constant 0 : index
              %parallel_loop3A_212 = tpu.vector_load %arg22[%parallel_loop3A_210, %parallel_loop3A_211] {strides = array<i32>} : memref<64x64xi32, #tpu.memory_space<vmem>>, vector<1x16xi32>,
              %parallel_loop3A_213 = vector.shape_cast %parallel_loop3A_212 : vector<1x16xi32> to vector<16xi32>
              %parallel_loop3A_214 = arith.constant 16 : i32
              %parallel_loop3A_215 = vector.broadcast %parallel_loop3A_214 : i32 to vector<16xi32>
              %parallel_loop3A_216 = arith.shli %parallel_loop3A_205, %parallel_loop3A_215 : vector<16xi32>
              %parallel_loop3A_217 = tpu.bitcast %parallel_loop3A_216 : vector<16xi32> -> vector<16xf32>
              %parallel_loop3A_218 = arith.constant 16 : i32
              %parallel_loop3A_219 = vector.broadcast %parallel_loop3A_218 : i32 to vector<16xi32>
              %parallel_loop3A_220 = arith.shli %parallel_loop3A_209, %parallel_loop3A_219 : vector<16xi32>
              %parallel_loop3A_221 = tpu.bitcast %parallel_loop3A_220 : vector<16xi32> -> vector<16xf32>
              %parallel_loop3A_222 = arith.constant 16 : i32
              %parallel_loop3A_223 = vector.broadcast %parallel_loop3A_222 : i32 to vector<16xi32>
              %parallel_loop3A_224 = arith.shli %parallel_loop3A_213, %parallel_loop3A_223 : vector<16xi32>
              %parallel_loop3A_225 = tpu.bitcast %parallel_loop3A_224 : vector<16xi32> -> vector<16xf32>
              %parallel_loop3A_226 = arith.constant -65536 : i32
              %parallel_loop3A_227 = vector.broadcast %parallel_loop3A_226 : i32 to vector<16xi32>
              %parallel_loop3A_228 = arith.andi %parallel_loop3A_205, %parallel_loop3A_227 : vector<16xi32>
              %parallel_loop3A_229 = tpu.bitcast %parallel_loop3A_228 : vector<16xi32> -> vector<16xf32>
              %parallel_loop3A_230 = arith.constant -65536 : i32
              %parallel_loop3A_231 = vector.broadcast %parallel_loop3A_230 : i32 to vector<16xi32>
              %parallel_loop3A_232 = arith.andi %parallel_loop3A_209, %parallel_loop3A_231 : vector<16xi32>
              %parallel_loop3A_233 = tpu.bitcast %parallel_loop3A_232 : vector<16xi32> -> vector<16xf32>
              %parallel_loop3A_234 = arith.constant -65536 : i32
              %parallel_loop3A_235 = vector.broadcast %parallel_loop3A_234 : i32 to vector<16xi32>
              %parallel_loop3A_236 = arith.andi %parallel_loop3A_213, %parallel_loop3A_235 : vector<16xi32>
              %parallel_loop3A_237 = tpu.bitcast %parallel_loop3A_236 : vector<16xi32> -> vector<16xf32>
              %parallel_loop3A_238 = arith.addf %parallel_loop3A_217, %parallel_loop3A_221 : vector<16xf32>
              %parallel_loop3A_239 = arith.mulf %parallel_loop3A_238, %parallel_loop3A_225 : vector<16xf32>
              %parallel_loop3A_240 = arith.index_cast %parallel_loop3A_201 : i32 to index
              %parallel_loop3A_241 = arith.constant 0 : index
              %parallel_loop3A_242 = tpu.vector_load %arg23[%parallel_loop3A_240, %parallel_loop3A_241] {strides = array<i32>} : memref<64x128xf32, #tpu.memory_space<vmem>>, vector<1x16xf32>,
              %parallel_loop3A_243 = vector.shape_cast %parallel_loop3A_242 : vector<1x16xf32> to vector<16xf32>
              %parallel_loop3A_244 = vector.shape_cast %parallel_loop3A_239 : vector<16xf32> to vector<1x16xf32>
              tpu.vector_store %arg23[%parallel_loop3A_240, %parallel_loop3A_241], %parallel_loop3A_244 {strides = array<i32>} : memref<64x128xf32, #tpu.memory_space<vmem>>, vector<1x16xf32>,
              %parallel_loop3A_245 = arith.addf %parallel_loop3A_229, %parallel_loop3A_233 : vector<16xf32>
              %parallel_loop3A_246 = arith.mulf %parallel_loop3A_245, %parallel_loop3A_237 : vector<16xf32>
              %parallel_loop3A_247 = arith.index_cast %parallel_loop3A_201 : i32 to index
              %parallel_loop3A_248 = arith.constant 64 : index
              %parallel_loop3A_249 = tpu.vector_load %arg23[%parallel_loop3A_247, %parallel_loop3A_248] {strides = array<i32>} : memref<64x128xf32, #tpu.memory_space<vmem>>, vector<1x16xf32>,
              %parallel_loop3A_250 = vector.shape_cast %parallel_loop3A_249 : vector<1x16xf32> to vector<16xf32>
              %parallel_loop3A_251 = vector.shape_cast %parallel_loop3A_246 : vector<16xf32> to vector<1x16xf32>
              tpu.vector_store %arg23[%parallel_loop3A_247, %parallel_loop3A_248], %parallel_loop3A_251 {strides = array<i32>} : memref<64x128xf32, #tpu.memory_space<vmem>>, vector<1x16xf32>,
              %parallel_loop3A_252 = arith.index_cast %parallel_loop3A_201 : i32 to index
              %parallel_loop3A_253 = arith.constant 16 : index
              %parallel_loop3A_254 = tpu.vector_load %arg20[%parallel_loop3A_252, %parallel_loop3A_253] {strides = array<i32>} : memref<64x64xi32, #tpu.memory_space<vmem>>, vector<1x16xi32>,
              %parallel_loop3A_255 = vector.shape_cast %parallel_loop3A_254 : vector<1x16xi32> to vector<16xi32>
              %parallel_loop3A_256 = arith.index_cast %parallel_loop3A_201 : i32 to index
              %parallel_loop3A_257 = arith.constant 16 : index
              %parallel_loop3A_258 = tpu.vector_load %arg21[%parallel_loop3A_256, %parallel_loop3A_257] {strides = array<i32>} : memref<64x64xi32, #tpu.memory_space<vmem>>, vector<1x16xi32>,
              %parallel_loop3A_259 = vector.shape_cast %parallel_loop3A_258 : vector<1x16xi32> to vector<16xi32>
              %parallel_loop3A_260 = arith.index_cast %parallel_loop3A_201 : i32 to index
              %parallel_loop3A_261 = arith.constant 16 : index
              %parallel_loop3A_262 = tpu.vector_load %arg22[%parallel_loop3A_260, %parallel_loop3A_261] {strides = array<i32>} : memref<64x64xi32, #tpu.memory_space<vmem>>, vector<1x16xi32>,
              %parallel_loop3A_263 = vector.shape_cast %parallel_loop3A_262 : vector<1x16xi32> to vector<16xi32>
              %parallel_loop3A_264 = arith.constant 16 : i32
              %parallel_loop3A_265 = vector.broadcast %parallel_loop3A_264 : i32 to vector<16xi32>
              %parallel_loop3A_266 = arith.shli %parallel_loop3A_255, %parallel_loop3A_265 : vector<16xi32>
              %parallel_loop3A_267 = tpu.bitcast %parallel_loop3A_266 : vector<16xi32> -> vector<16xf32>
              %parallel_loop3A_268 = arith.constant 16 : i32
              %parallel_loop3A_269 = vector.broadcast %parallel_loop3A_268 : i32 to vector<16xi32>
              %parallel_loop3A_270 = arith.shli %parallel_loop3A_259, %parallel_loop3A_269 : vector<16xi32>
              %parallel_loop3A_271 = tpu.bitcast %parallel_loop3A_270 : vector<16xi32> -> vector<16xf32>
              %parallel_loop3A_272 = arith.constant 16 : i32
              %parallel_loop3A_273 = vector.broadcast %parallel_loop3A_272 : i32 to vector<16xi32>
              %parallel_loop3A_274 = arith.shli %parallel_loop3A_263, %parallel_loop3A_273 : vector<16xi32>
              %parallel_loop3A_275 = tpu.bitcast %parallel_loop3A_274 : vector<16xi32> -> vector<16xf32>
              %parallel_loop3A_276 = arith.constant -65536 : i32
              %parallel_loop3A_277 = vector.broadcast %parallel_loop3A_276 : i32 to vector<16xi32>
              %parallel_loop3A_278 = arith.andi %parallel_loop3A_255, %parallel_loop3A_277 : vector<16xi32>
              %parallel_loop3A_279 = tpu.bitcast %parallel_loop3A_278 : vector<16xi32> -> vector<16xf32>
              %parallel_loop3A_280 = arith.constant -65536 : i32
              %parallel_loop3A_281 = vector.broadcast %parallel_loop3A_280 : i32 to vector<16xi32>
              %parallel_loop3A_282 = arith.andi %parallel_loop3A_259, %parallel_loop3A_281 : vector<16xi32>
              %parallel_loop3A_283 = tpu.bitcast %parallel_loop3A_282 : vector<16xi32> -> vector<16xf32>
              %parallel_loop3A_284 = arith.constant -65536 : i32
              %parallel_loop3A_285 = vector.broadcast %parallel_loop3A_284 : i32 to vector<16xi32>
              %parallel_loop3A_286 = arith.andi %parallel_loop3A_263, %parallel_loop3A_285 : vector<16xi32>
              %parallel_loop3A_287 = tpu.bitcast %parallel_loop3A_286 : vector<16xi32> -> vector<16xf32>
              %parallel_loop3A_288 = arith.addf %parallel_loop3A_267, %parallel_loop3A_271 : vector<16xf32>
              %parallel_loop3A_289 = arith.mulf %parallel_loop3A_288, %parallel_loop3A_275 : vector<16xf32>
              %parallel_loop3A_290 = arith.index_cast %parallel_loop3A_201 : i32 to index
              %parallel_loop3A_291 = arith.constant 16 : index
              %parallel_loop3A_292 = tpu.vector_load %arg23[%parallel_loop3A_290, %parallel_loop3A_291] {strides = array<i32>} : memref<64x128xf32, #tpu.memory_space<vmem>>, vector<1x16xf32>,
              %parallel_loop3A_293 = vector.shape_cast %parallel_loop3A_292 : vector<1x16xf32> to vector<16xf32>
              %parallel_loop3A_294 = vector.shape_cast %parallel_loop3A_289 : vector<16xf32> to vector<1x16xf32>
              tpu.vector_store %arg23[%parallel_loop3A_290, %parallel_loop3A_291], %parallel_loop3A_294 {strides = array<i32>} : memref<64x128xf32, #tpu.memory_space<vmem>>, vector<1x16xf32>,
              %parallel_loop3A_295 = arith.addf %parallel_loop3A_279, %parallel_loop3A_283 : vector<16xf32>
              %parallel_loop3A_296 = arith.mulf %parallel_loop3A_295, %parallel_loop3A_287 : vector<16xf32>
              %parallel_loop3A_297 = arith.index_cast %parallel_loop3A_201 : i32 to index
              %parallel_loop3A_298 = arith.constant 80 : index
              %parallel_loop3A_299 = tpu.vector_load %arg23[%parallel_loop3A_297, %parallel_loop3A_298] {strides = array<i32>} : memref<64x128xf32, #tpu.memory_space<vmem>>, vector<1x16xf32>,
              %parallel_loop3A_300 = vector.shape_cast %parallel_loop3A_299 : vector<1x16xf32> to vector<16xf32>
              %parallel_loop3A_301 = vector.shape_cast %parallel_loop3A_296 : vector<16xf32> to vector<1x16xf32>
              tpu.vector_store %arg23[%parallel_loop3A_297, %parallel_loop3A_298], %parallel_loop3A_301 {strides = array<i32>} : memref<64x128xf32, #tpu.memory_space<vmem>>, vector<1x16xf32>,
              %parallel_loop3A_302 = arith.index_cast %parallel_loop3A_201 : i32 to index
              %parallel_loop3A_303 = arith.constant 32 : index
              %parallel_loop3A_304 = tpu.vector_load %arg20[%parallel_loop3A_302, %parallel_loop3A_303] {strides = array<i32>} : memref<64x64xi32, #tpu.memory_space<vmem>>, vector<1x16xi32>,
              %parallel_loop3A_305 = vector.shape_cast %parallel_loop3A_304 : vector<1x16xi32> to vector<16xi32>
              %parallel_loop3A_306 = arith.index_cast %parallel_loop3A_201 : i32 to index
              %parallel_loop3A_307 = arith.constant 32 : index
              %parallel_loop3A_308 = tpu.vector_load %arg21[%parallel_loop3A_306, %parallel_loop3A_307] {strides = array<i32>} : memref<64x64xi32, #tpu.memory_space<vmem>>, vector<1x16xi32>,
              %parallel_loop3A_309 = vector.shape_cast %parallel_loop3A_308 : vector<1x16xi32> to vector<16xi32>
              %parallel_loop3A_310 = arith.index_cast %parallel_loop3A_201 : i32 to index
              %parallel_loop3A_311 = arith.constant 32 : index
              %parallel_loop3A_312 = tpu.vector_load %arg22[%parallel_loop3A_310, %parallel_loop3A_311] {strides = array<i32>} : memref<64x64xi32, #tpu.memory_space<vmem>>, vector<1x16xi32>,
              %parallel_loop3A_313 = vector.shape_cast %parallel_loop3A_312 : vector<1x16xi32> to vector<16xi32>
              %parallel_loop3A_314 = arith.constant 16 : i32
              %parallel_loop3A_315 = vector.broadcast %parallel_loop3A_314 : i32 to vector<16xi32>
              %parallel_loop3A_316 = arith.shli %parallel_loop3A_305, %parallel_loop3A_315 : vector<16xi32>
              %parallel_loop3A_317 = tpu.bitcast %parallel_loop3A_316 : vector<16xi32> -> vector<16xf32>
              %parallel_loop3A_318 = arith.constant 16 : i32
              %parallel_loop3A_319 = vector.broadcast %parallel_loop3A_318 : i32 to vector<16xi32>
              %parallel_loop3A_320 = arith.shli %parallel_loop3A_309, %parallel_loop3A_319 : vector<16xi32>
              %parallel_loop3A_321 = tpu.bitcast %parallel_loop3A_320 : vector<16xi32> -> vector<16xf32>
              %parallel_loop3A_322 = arith.constant 16 : i32
              %parallel_loop3A_323 = vector.broadcast %parallel_loop3A_322 : i32 to vector<16xi32>
              %parallel_loop3A_324 = arith.shli %parallel_loop3A_313, %parallel_loop3A_323 : vector<16xi32>
              %parallel_loop3A_325 = tpu.bitcast %parallel_loop3A_324 : vector<16xi32> -> vector<16xf32>
              %parallel_loop3A_326 = arith.constant -65536 : i32
              %parallel_loop3A_327 = vector.broadcast %parallel_loop3A_326 : i32 to vector<16xi32>
              %parallel_loop3A_328 = arith.andi %parallel_loop3A_305, %parallel_loop3A_327 : vector<16xi32>
              %parallel_loop3A_329 = tpu.bitcast %parallel_loop3A_328 : vector<16xi32> -> vector<16xf32>
              %parallel_loop3A_330 = arith.constant -65536 : i32
              %parallel_loop3A_331 = vector.broadcast %parallel_loop3A_330 : i32 to vector<16xi32>
              %parallel_loop3A_332 = arith.andi %parallel_loop3A_309, %parallel_loop3A_331 : vector<16xi32>
              %parallel_loop3A_333 = tpu.bitcast %parallel_loop3A_332 : vector<16xi32> -> vector<16xf32>
              %parallel_loop3A_334 = arith.constant -65536 : i32
              %parallel_loop3A_335 = vector.broadcast %parallel_loop3A_334 : i32 to vector<16xi32>
              %parallel_loop3A_336 = arith.andi %parallel_loop3A_313, %parallel_loop3A_335 : vector<16xi32>
              %parallel_loop3A_337 = tpu.bitcast %parallel_loop3A_336 : vector<16xi32> -> vector<16xf32>
              %parallel_loop3A_338 = arith.addf %parallel_loop3A_317, %parallel_loop3A_321 : vector<16xf32>
              %parallel_loop3A_339 = arith.mulf %parallel_loop3A_338, %parallel_loop3A_325 : vector<16xf32>
              %parallel_loop3A_340 = arith.index_cast %parallel_loop3A_201 : i32 to index
              %parallel_loop3A_341 = arith.constant 32 : index
              %parallel_loop3A_342 = tpu.vector_load %arg23[%parallel_loop3A_340, %parallel_loop3A_341] {strides = array<i32>} : memref<64x128xf32, #tpu.memory_space<vmem>>, vector<1x16xf32>,
              %parallel_loop3A_343 = vector.shape_cast %parallel_loop3A_342 : vector<1x16xf32> to vector<16xf32>
              %parallel_loop3A_344 = vector.shape_cast %parallel_loop3A_339 : vector<16xf32> to vector<1x16xf32>
              tpu.vector_store %arg23[%parallel_loop3A_340, %parallel_loop3A_341], %parallel_loop3A_344 {strides = array<i32>} : memref<64x128xf32, #tpu.memory_space<vmem>>, vector<1x16xf32>,
              %parallel_loop3A_345 = arith.addf %parallel_loop3A_329, %parallel_loop3A_333 : vector<16xf32>
              %parallel_loop3A_346 = arith.mulf %parallel_loop3A_345, %parallel_loop3A_337 : vector<16xf32>
              %parallel_loop3A_347 = arith.index_cast %parallel_loop3A_201 : i32 to index
              %parallel_loop3A_348 = arith.constant 96 : index
              %parallel_loop3A_349 = tpu.vector_load %arg23[%parallel_loop3A_347, %parallel_loop3A_348] {strides = array<i32>} : memref<64x128xf32, #tpu.memory_space<vmem>>, vector<1x16xf32>,
              %parallel_loop3A_350 = vector.shape_cast %parallel_loop3A_349 : vector<1x16xf32> to vector<16xf32>
              %parallel_loop3A_351 = vector.shape_cast %parallel_loop3A_346 : vector<16xf32> to vector<1x16xf32>
              tpu.vector_store %arg23[%parallel_loop3A_347, %parallel_loop3A_348], %parallel_loop3A_351 {strides = array<i32>} : memref<64x128xf32, #tpu.memory_space<vmem>>, vector<1x16xf32>,
              %parallel_loop3A_352 = arith.index_cast %parallel_loop3A_201 : i32 to index
              %parallel_loop3A_353 = arith.constant 48 : index
              %parallel_loop3A_354 = tpu.vector_load %arg20[%parallel_loop3A_352, %parallel_loop3A_353] {strides = array<i32>} : memref<64x64xi32, #tpu.memory_space<vmem>>, vector<1x16xi32>,
              %parallel_loop3A_355 = vector.shape_cast %parallel_loop3A_354 : vector<1x16xi32> to vector<16xi32>
              %parallel_loop3A_356 = arith.index_cast %parallel_loop3A_201 : i32 to index
              %parallel_loop3A_357 = arith.constant 48 : index
              %parallel_loop3A_358 = tpu.vector_load %arg21[%parallel_loop3A_356, %parallel_loop3A_357] {strides = array<i32>} : memref<64x64xi32, #tpu.memory_space<vmem>>, vector<1x16xi32>,
              %parallel_loop3A_359 = vector.shape_cast %parallel_loop3A_358 : vector<1x16xi32> to vector<16xi32>
              %parallel_loop3A_360 = arith.index_cast %parallel_loop3A_201 : i32 to index
              %parallel_loop3A_361 = arith.constant 48 : index
              %parallel_loop3A_362 = tpu.vector_load %arg22[%parallel_loop3A_360, %parallel_loop3A_361] {strides = array<i32>} : memref<64x64xi32, #tpu.memory_space<vmem>>, vector<1x16xi32>,
              %parallel_loop3A_363 = vector.shape_cast %parallel_loop3A_362 : vector<1x16xi32> to vector<16xi32>
              %parallel_loop3A_364 = arith.constant 16 : i32
              %parallel_loop3A_365 = vector.broadcast %parallel_loop3A_364 : i32 to vector<16xi32>
              %parallel_loop3A_366 = arith.shli %parallel_loop3A_355, %parallel_loop3A_365 : vector<16xi32>
              %parallel_loop3A_367 = tpu.bitcast %parallel_loop3A_366 : vector<16xi32> -> vector<16xf32>
              %parallel_loop3A_368 = arith.constant 16 : i32
              %parallel_loop3A_369 = vector.broadcast %parallel_loop3A_368 : i32 to vector<16xi32>
              %parallel_loop3A_370 = arith.shli %parallel_loop3A_359, %parallel_loop3A_369 : vector<16xi32>
              %parallel_loop3A_371 = tpu.bitcast %parallel_loop3A_370 : vector<16xi32> -> vector<16xf32>
              %parallel_loop3A_372 = arith.constant 16 : i32
              %parallel_loop3A_373 = vector.broadcast %parallel_loop3A_372 : i32 to vector<16xi32>
              %parallel_loop3A_374 = arith.shli %parallel_loop3A_363, %parallel_loop3A_373 : vector<16xi32>
              %parallel_loop3A_375 = tpu.bitcast %parallel_loop3A_374 : vector<16xi32> -> vector<16xf32>
              %parallel_loop3A_376 = arith.constant -65536 : i32
              %parallel_loop3A_377 = vector.broadcast %parallel_loop3A_376 : i32 to vector<16xi32>
              %parallel_loop3A_378 = arith.andi %parallel_loop3A_355, %parallel_loop3A_377 : vector<16xi32>
              %parallel_loop3A_379 = tpu.bitcast %parallel_loop3A_378 : vector<16xi32> -> vector<16xf32>
              %parallel_loop3A_380 = arith.constant -65536 : i32
              %parallel_loop3A_381 = vector.broadcast %parallel_loop3A_380 : i32 to vector<16xi32>
              %parallel_loop3A_382 = arith.andi %parallel_loop3A_359, %parallel_loop3A_381 : vector<16xi32>
              %parallel_loop3A_383 = tpu.bitcast %parallel_loop3A_382 : vector<16xi32> -> vector<16xf32>
              %parallel_loop3A_384 = arith.constant -65536 : i32
              %parallel_loop3A_385 = vector.broadcast %parallel_loop3A_384 : i32 to vector<16xi32>
              %parallel_loop3A_386 = arith.andi %parallel_loop3A_363, %parallel_loop3A_385 : vector<16xi32>
              %parallel_loop3A_387 = tpu.bitcast %parallel_loop3A_386 : vector<16xi32> -> vector<16xf32>
              %parallel_loop3A_388 = arith.addf %parallel_loop3A_367, %parallel_loop3A_371 : vector<16xf32>
              %parallel_loop3A_389 = arith.mulf %parallel_loop3A_388, %parallel_loop3A_375 : vector<16xf32>
              %parallel_loop3A_390 = arith.index_cast %parallel_loop3A_201 : i32 to index
              %parallel_loop3A_391 = arith.constant 48 : index
              %parallel_loop3A_392 = tpu.vector_load %arg23[%parallel_loop3A_390, %parallel_loop3A_391] {strides = array<i32>} : memref<64x128xf32, #tpu.memory_space<vmem>>, vector<1x16xf32>,
              %parallel_loop3A_393 = vector.shape_cast %parallel_loop3A_392 : vector<1x16xf32> to vector<16xf32>
              %parallel_loop3A_394 = vector.shape_cast %parallel_loop3A_389 : vector<16xf32> to vector<1x16xf32>
              tpu.vector_store %arg23[%parallel_loop3A_390, %parallel_loop3A_391], %parallel_loop3A_394 {strides = array<i32>} : memref<64x128xf32, #tpu.memory_space<vmem>>, vector<1x16xf32>,
              %parallel_loop3A_395 = arith.addf %parallel_loop3A_379, %parallel_loop3A_383 : vector<16xf32>
              %parallel_loop3A_396 = arith.mulf %parallel_loop3A_395, %parallel_loop3A_387 : vector<16xf32>
              %parallel_loop3A_397 = arith.index_cast %parallel_loop3A_201 : i32 to index
              %parallel_loop3A_398 = arith.constant 112 : index
              %parallel_loop3A_399 = tpu.vector_load %arg23[%parallel_loop3A_397, %parallel_loop3A_398] {strides = array<i32>} : memref<64x128xf32, #tpu.memory_space<vmem>>, vector<1x16xf32>,
              %parallel_loop3A_400 = vector.shape_cast %parallel_loop3A_399 : vector<1x16xf32> to vector<16xf32>
              %parallel_loop3A_401 = vector.shape_cast %parallel_loop3A_396 : vector<16xf32> to vector<1x16xf32>
              tpu.vector_store %arg23[%parallel_loop3A_397, %parallel_loop3A_398], %parallel_loop3A_401 {strides = array<i32>} : memref<64x128xf32, #tpu.memory_space<vmem>>, vector<1x16xf32>,
            } {sc.loop_unroll_factor = 2 : i64, sc.parallel_access}
            %dma_start3A_198 = arith.constant 0 : i32
            %dma_start3A_199 = arith.constant 0 : i32
            %dma_start3A_200 = tpu.memref_slice %arg24[%dma_start3A_198, %dma_start3A_199] : memref<10000x128xf32, #tpu.memory_space<vmem_shared>> -> memref<10000x128xf32, #tpu.memory_space<vmem_shared>>
            tpu.enqueue_indirect_dma source(%arg23 : memref<64x128xf32, #tpu.memory_space<vmem>>) target(%dma_start3A_200 : memref<10000x128xf32, #tpu.memory_space<vmem_shared>>) offsets(%arg15 : memref<64xi32, #tpu.memory_space<vmem>>) semaphore(%arg30 : memref<!tpu.dma_semaphore, #tpu.memory_space<semaphore_mem>>) {add = true}
          } else {
          }
        } else {
        }
        %jit3A_101 = arith.constant 2 : i32
        %eq3A_102 = arith.constant 0 : i32
        %eq3A_103 = arith.cmpi eq, %jit3A_101, %eq3A_102 : i32
        %jit3A_104 = arith.constant 1 : i32
        %select_n3A_105 = arith.select %eq3A_103, %jit3A_104, %jit3A_101 : i32
        %rem3A_106 = arith.remsi %scan3A_84, %select_n3A_105 : i32
        %ne3A_107 = arith.constant 0 : i32
        %ne3A_108 = arith.cmpi ne, %rem3A_106, %ne3A_107 : i32
        %lt3A_109 = arith.constant 0 : i32
        %lt3A_110 = arith.cmpi slt, %rem3A_106, %lt3A_109 : i32
        %lt3A_111 = arith.constant 0 : i32
        %lt3A_112 = arith.cmpi slt, %select_n3A_105, %lt3A_111 : i32
        %ne3A_113 = arith.xori %lt3A_110, %lt3A_112 : i1
        %and3A_114 = arith.andi %ne3A_113, %ne3A_108 : i1
        %add3A_115 = arith.addi %rem3A_106, %select_n3A_105 : i32
        %select_n3A_116 = arith.select %and3A_114, %add3A_115, %rem3A_106 : i32
        %eq3A_117 = arith.constant 1 : i32
        %eq3A_118 = arith.cmpi eq, %select_n3A_116, %eq3A_117 : i32
        %convert_element_type3A_119 = arith.extui %eq3A_118 : i1 to i32
        %cond3A_120 = arith.constant 0 : i32
        %cond3A_121 = arith.cmpi ne, %convert_element_type3A_119, %cond3A_120 : i32
        scf.if %cond3A_121 {
          %lt3A_122 = arith.constant 314 : i32
          %lt3A_123 = arith.cmpi slt, %scan3A_84, %lt3A_122 : i32
          %convert_element_type3A_124 = arith.extui %lt3A_123 : i1 to i32
          %cond3A_125 = arith.constant 0 : i32
          %cond3A_126 = arith.cmpi ne, %convert_element_type3A_124, %cond3A_125 : i32
          scf.if %cond3A_126 {
            %mul3A_196 = arith.constant 16 : i32
            %mul3A_197 = arith.muli %mul3A_196, %scan3A_84 : i32
            %add3A_198 = arith.addi %arg1, %mul3A_197 : i32
            %dma_wait3A_199 = arith.constant 0 : i32
            %dma_wait3A_200 = arith.constant 0 : i32
            %dma_wait3A_201 = tpu.memref_slice %arg9[%add3A_198, %dma_wait3A_199, %dma_wait3A_200] : memref<5024x3x64xi32, #tpu.memory_space<hbm>> -> memref<1x3x64xi32, #tpu.memory_space<hbm>>
            %dma_wait3A_202 = tpu.memref_squeeze %dma_wait3A_201 : memref<1x3x64xi32, #tpu.memory_space<hbm>> -> memref<3x64xi32, #tpu.memory_space<hbm>>
            %dma_wait3A_203 = arith.constant 0 : i32
            %dma_wait3A_204 = arith.constant 0 : i32
            %dma_wait3A_205 = tpu.memref_slice %arg9[%add3A_198, %dma_wait3A_203, %dma_wait3A_204] : memref<5024x3x64xi32, #tpu.memory_space<hbm>> -> memref<1x3x64xi32, #tpu.memory_space<hbm>>
            %dma_wait3A_206 = tpu.memref_squeeze %dma_wait3A_205 : memref<1x3x64xi32, #tpu.memory_space<hbm>> -> memref<3x64xi32, #tpu.memory_space<hbm>>
            tpu.wait_dma2 semaphore(%arg26 : memref<!tpu.dma_semaphore, #tpu.memory_space<semaphore_mem>>) src(%dma_wait3A_206 : memref<3x64xi32, #tpu.memory_space<hbm>>) dst(%arg13 : memref<3x64xi32, #tpu.memory_space<vmem>>)
            %dma_start3A_207 = arith.constant 0 : i32
            %dma_start3A_208 = arith.constant 0 : i32
            %dma_start3A_209 = tpu.memref_slice %arg13[%dma_start3A_207, %dma_start3A_208] : memref<3x64xi32, #tpu.memory_space<vmem>> -> memref<1x64xi32, #tpu.memory_space<vmem>>
            %dma_start3A_210 = tpu.memref_squeeze %dma_start3A_209 : memref<1x64xi32, #tpu.memory_space<vmem>> -> memref<64xi32, #tpu.memory_space<vmem>>
            %dma_start3A_211 = arith.constant 0 : i32
            %dma_start3A_212 = arith.constant 0 : i32
            %dma_start3A_213 = tpu.memref_slice %arg6[%dma_start3A_211, %dma_start3A_212] : memref<10000x64xi32, #tpu.memory_space<hbm>> -> memref<10000x64xi32, #tpu.memory_space<hbm>>
            tpu.enqueue_indirect_dma source(%dma_start3A_213 : memref<10000x64xi32, #tpu.memory_space<hbm>>) target(%arg20 : memref<64x64xi32, #tpu.memory_space<vmem>>) offsets(%dma_start3A_210 : memref<64xi32, #tpu.memory_space<vmem>>) semaphore(%arg28 : memref<!tpu.dma_semaphore, #tpu.memory_space<semaphore_mem>>)
            %dma_start3A_214 = arith.constant 1 : i32
            %dma_start3A_215 = arith.constant 0 : i32
            %dma_start3A_216 = tpu.memref_slice %arg13[%dma_start3A_214, %dma_start3A_215] : memref<3x64xi32, #tpu.memory_space<vmem>> -> memref<1x64xi32, #tpu.memory_space<vmem>>
            %dma_start3A_217 = tpu.memref_squeeze %dma_start3A_216 : memref<1x64xi32, #tpu.memory_space<vmem>> -> memref<64xi32, #tpu.memory_space<vmem>>
            %dma_start3A_218 = arith.constant 0 : i32
            %dma_start3A_219 = arith.constant 0 : i32
            %dma_start3A_220 = tpu.memref_slice %arg7[%dma_start3A_218, %dma_start3A_219] : memref<10000x64xi32, #tpu.memory_space<hbm>> -> memref<10000x64xi32, #tpu.memory_space<hbm>>
            tpu.enqueue_indirect_dma source(%dma_start3A_220 : memref<10000x64xi32, #tpu.memory_space<hbm>>) target(%arg21 : memref<64x64xi32, #tpu.memory_space<vmem>>) offsets(%dma_start3A_217 : memref<64xi32, #tpu.memory_space<vmem>>) semaphore(%arg28 : memref<!tpu.dma_semaphore, #tpu.memory_space<semaphore_mem>>)
            %dma_start3A_221 = arith.constant 2 : i32
            %dma_start3A_222 = arith.constant 0 : i32
            %dma_start3A_223 = tpu.memref_slice %arg13[%dma_start3A_221, %dma_start3A_222] : memref<3x64xi32, #tpu.memory_space<vmem>> -> memref<1x64xi32, #tpu.memory_space<vmem>>
            %dma_start3A_224 = tpu.memref_squeeze %dma_start3A_223 : memref<1x64xi32, #tpu.memory_space<vmem>> -> memref<64xi32, #tpu.memory_space<vmem>>
            %dma_start3A_225 = arith.constant 0 : i32
            %dma_start3A_226 = arith.constant 0 : i32
            %dma_start3A_227 = tpu.memref_slice %arg8[%dma_start3A_225, %dma_start3A_226] : memref<64x64xi32, #tpu.memory_space<hbm>> -> memref<64x64xi32, #tpu.memory_space<hbm>>
            tpu.enqueue_indirect_dma source(%dma_start3A_227 : memref<64x64xi32, #tpu.memory_space<hbm>>) target(%arg22 : memref<64x64xi32, #tpu.memory_space<vmem>>) offsets(%dma_start3A_224 : memref<64xi32, #tpu.memory_space<vmem>>) semaphore(%arg28 : memref<!tpu.dma_semaphore, #tpu.memory_space<semaphore_mem>>)
          } else {
          }
          %dma_wait3A_127 = arith.constant 0 : i32
          %dma_wait3A_128 = arith.constant 0 : i32
          %dma_wait3A_129 = tpu.memref_slice %arg12[%dma_wait3A_127, %dma_wait3A_128] : memref<3x64xi32, #tpu.memory_space<vmem>> -> memref<1x64xi32, #tpu.memory_space<vmem>>
          %dma_wait3A_130 = tpu.memref_squeeze %dma_wait3A_129 : memref<1x64xi32, #tpu.memory_space<vmem>> -> memref<64xi32, #tpu.memory_space<vmem>>
          %dma_wait3A_131 = arith.constant 0 : i32
          %dma_wait3A_132 = arith.constant 0 : i32
          %dma_wait3A_133 = tpu.memref_slice %arg6[%dma_wait3A_131, %dma_wait3A_132] : memref<10000x64xi32, #tpu.memory_space<hbm>> -> memref<10000x64xi32, #tpu.memory_space<hbm>>
          tpu.wait_indirect_dma semaphore(%arg27 : memref<!tpu.dma_semaphore, #tpu.memory_space<semaphore_mem>>) src(%dma_wait3A_133 : memref<10000x64xi32, #tpu.memory_space<hbm>>) dst(%arg16 : memref<64x64xi32, #tpu.memory_space<vmem>>)
          %dma_wait3A_134 = arith.constant 1 : i32
          %dma_wait3A_135 = arith.constant 0 : i32
          %dma_wait3A_136 = tpu.memref_slice %arg12[%dma_wait3A_134, %dma_wait3A_135] : memref<3x64xi32, #tpu.memory_space<vmem>> -> memref<1x64xi32, #tpu.memory_space<vmem>>
          %dma_wait3A_137 = tpu.memref_squeeze %dma_wait3A_136 : memref<1x64xi32, #tpu.memory_space<vmem>> -> memref<64xi32, #tpu.memory_space<vmem>>
          %dma_wait3A_138 = arith.constant 0 : i32
          %dma_wait3A_139 = arith.constant 0 : i32
          %dma_wait3A_140 = tpu.memref_slice %arg7[%dma_wait3A_138, %dma_wait3A_139] : memref<10000x64xi32, #tpu.memory_space<hbm>> -> memref<10000x64xi32, #tpu.memory_space<hbm>>
          tpu.wait_indirect_dma semaphore(%arg27 : memref<!tpu.dma_semaphore, #tpu.memory_space<semaphore_mem>>) src(%dma_wait3A_140 : memref<10000x64xi32, #tpu.memory_space<hbm>>) dst(%arg17 : memref<64x64xi32, #tpu.memory_space<vmem>>)
          %dma_wait3A_141 = arith.constant 2 : i32
          %dma_wait3A_142 = arith.constant 0 : i32
          %dma_wait3A_143 = tpu.memref_slice %arg12[%dma_wait3A_141, %dma_wait3A_142] : memref<3x64xi32, #tpu.memory_space<vmem>> -> memref<1x64xi32, #tpu.memory_space<vmem>>
          %dma_wait3A_144 = tpu.memref_squeeze %dma_wait3A_143 : memref<1x64xi32, #tpu.memory_space<vmem>> -> memref<64xi32, #tpu.memory_space<vmem>>
          %dma_wait3A_145 = arith.constant 0 : i32
          %dma_wait3A_146 = arith.constant 0 : i32
          %dma_wait3A_147 = tpu.memref_slice %arg8[%dma_wait3A_145, %dma_wait3A_146] : memref<64x64xi32, #tpu.memory_space<hbm>> -> memref<64x64xi32, #tpu.memory_space<hbm>>
          tpu.wait_indirect_dma semaphore(%arg27 : memref<!tpu.dma_semaphore, #tpu.memory_space<semaphore_mem>>) src(%dma_wait3A_147 : memref<64x64xi32, #tpu.memory_space<hbm>>) dst(%arg18 : memref<64x64xi32, #tpu.memory_space<vmem>>)
          %ge3A = arith.constant 3 : i32
          %ge3A_148 = arith.cmpi sge, %scan3A_84, %ge3A : i32
          %convert_element_type3A_149 = arith.extui %ge3A_148 : i1 to i32
          %cond3A_150 = arith.constant 0 : i32
          %cond3A_151 = arith.cmpi ne, %convert_element_type3A_149, %cond3A_150 : i32
          scf.if %cond3A_151 {
            %dma_wait3A_196 = arith.constant 0 : i32
            %dma_wait3A_197 = arith.constant 0 : i32
            %dma_wait3A_198 = tpu.memref_slice %arg24[%dma_wait3A_196, %dma_wait3A_197] : memref<10000x128xf32, #tpu.memory_space<vmem_shared>> -> memref<10000x128xf32, #tpu.memory_space<vmem_shared>>
            tpu.wait_indirect_dma semaphore(%arg29 : memref<!tpu.dma_semaphore, #tpu.memory_space<semaphore_mem>>) src(%arg19 : memref<64x128xf32, #tpu.memory_space<vmem>>) dst(%dma_wait3A_198 : memref<10000x128xf32, #tpu.memory_space<vmem_shared>>)
          } else {
          }
          %get3A = arith.constant 1 : i32
          %get3A_152 = arith.index_cast %get3A : i32 to index
          %get3A_153 = arith.constant 0 : index
          %get3A_154 = tpu.vector_load %arg12[%get3A_152, %get3A_153] {strides = array<i32>} : memref<3x64xi32, #tpu.memory_space<vmem>>, vector<1x16xi32>,
          %get3A_155 = vector.shape_cast %get3A_154 : vector<1x16xi32> to vector<16xi32>
          %swap3A = arith.constant 0 : index
          %swap3A_156 = tpu.vector_load %arg14[%swap3A] {strides = array<i32>} : memref<64xi32, #tpu.memory_space<vmem>>, vector<16xi32>,
          %swap3A_157 = vector.shape_cast %swap3A_156 : vector<16xi32> to vector<16xi32>
          %swap3A_158 = vector.shape_cast %get3A_155 : vector<16xi32> to vector<16xi32>
          tpu.vector_store %arg14[%swap3A], %swap3A_158 {strides = array<i32>} : memref<64xi32, #tpu.memory_space<vmem>>, vector<16xi32>,
          %get3A_159 = arith.constant 1 : i32
          %get3A_160 = arith.index_cast %get3A_159 : i32 to index
          %get3A_161 = arith.constant 16 : index
          %get3A_162 = tpu.vector_load %arg12[%get3A_160, %get3A_161] {strides = array<i32>} : memref<3x64xi32, #tpu.memory_space<vmem>>, vector<1x16xi32>,
          %get3A_163 = vector.shape_cast %get3A_162 : vector<1x16xi32> to vector<16xi32>
          %swap3A_164 = arith.constant 16 : index
          %swap3A_165 = tpu.vector_load %arg14[%swap3A_164] {strides = array<i32>} : memref<64xi32, #tpu.memory_space<vmem>>, vector<16xi32>,
          %swap3A_166 = vector.shape_cast %swap3A_165 : vector<16xi32> to vector<16xi32>
          %swap3A_167 = vector.shape_cast %get3A_163 : vector<16xi32> to vector<16xi32>
          tpu.vector_store %arg14[%swap3A_164], %swap3A_167 {strides = array<i32>} : memref<64xi32, #tpu.memory_space<vmem>>, vector<16xi32>,
          %get3A_168 = arith.constant 1 : i32
          %get3A_169 = arith.index_cast %get3A_168 : i32 to index
          %get3A_170 = arith.constant 32 : index
          %get3A_171 = tpu.vector_load %arg12[%get3A_169, %get3A_170] {strides = array<i32>} : memref<3x64xi32, #tpu.memory_space<vmem>>, vector<1x16xi32>,
          %get3A_172 = vector.shape_cast %get3A_171 : vector<1x16xi32> to vector<16xi32>
          %swap3A_173 = arith.constant 32 : index
          %swap3A_174 = tpu.vector_load %arg14[%swap3A_173] {strides = array<i32>} : memref<64xi32, #tpu.memory_space<vmem>>, vector<16xi32>,
          %swap3A_175 = vector.shape_cast %swap3A_174 : vector<16xi32> to vector<16xi32>
          %swap3A_176 = vector.shape_cast %get3A_172 : vector<16xi32> to vector<16xi32>
          tpu.vector_store %arg14[%swap3A_173], %swap3A_176 {strides = array<i32>} : memref<64xi32, #tpu.memory_space<vmem>>, vector<16xi32>,
          %get3A_177 = arith.constant 1 : i32
          %get3A_178 = arith.index_cast %get3A_177 : i32 to index
          %get3A_179 = arith.constant 48 : index
          %get3A_180 = tpu.vector_load %arg12[%get3A_178, %get3A_179] {strides = array<i32>} : memref<3x64xi32, #tpu.memory_space<vmem>>, vector<1x16xi32>,
          %get3A_181 = vector.shape_cast %get3A_180 : vector<1x16xi32> to vector<16xi32>
          %swap3A_182 = arith.constant 48 : index
          %swap3A_183 = tpu.vector_load %arg14[%swap3A_182] {strides = array<i32>} : memref<64xi32, #tpu.memory_space<vmem>>, vector<16xi32>,
          %swap3A_184 = vector.shape_cast %swap3A_183 : vector<16xi32> to vector<16xi32>
          %swap3A_185 = vector.shape_cast %get3A_181 : vector<16xi32> to vector<16xi32>
          tpu.vector_store %arg14[%swap3A_182], %swap3A_185 {strides = array<i32>} : memref<64xi32, #tpu.memory_space<vmem>>, vector<16xi32>,
          %lt3A_186 = arith.constant 313 : i32
          %lt3A_187 = arith.cmpi slt, %scan3A_84, %lt3A_186 : i32
          %convert_element_type3A_188 = arith.extui %lt3A_187 : i1 to i32
          %cond3A_189 = arith.constant 0 : i32
          %cond3A_190 = arith.cmpi ne, %convert_element_type3A_188, %cond3A_189 : i32
          scf.if %cond3A_190 {
            %add3A_196 = arith.constant 1 : i32
            %add3A_197 = arith.addi %scan3A_84, %add3A_196 : i32
            %mul3A_198 = arith.constant 16 : i32
            %mul3A_199 = arith.muli %mul3A_198, %add3A_197 : i32
            %add3A_200 = arith.addi %arg1, %mul3A_199 : i32
            %dma_start3A_201 = arith.constant 0 : i32
            %dma_start3A_202 = arith.constant 0 : i32
            %dma_start3A_203 = tpu.memref_slice %arg9[%add3A_200, %dma_start3A_201, %dma_start3A_202] : memref<5024x3x64xi32, #tpu.memory_space<hbm>> -> memref<1x3x64xi32, #tpu.memory_space<hbm>>
            %dma_start3A_204 = tpu.memref_squeeze %dma_start3A_203 : memref<1x3x64xi32, #tpu.memory_space<hbm>> -> memref<3x64xi32, #tpu.memory_space<hbm>>
            %dma_start3A_205 = arith.constant 0 : i32
            %dma_start3A_206 = arith.constant 0 : i32
            %dma_start3A_207 = tpu.memref_slice %arg9[%add3A_200, %dma_start3A_205, %dma_start3A_206] : memref<5024x3x64xi32, #tpu.memory_space<hbm>> -> memref<1x3x64xi32, #tpu.memory_space<hbm>>
            %dma_start3A_208 = tpu.memref_squeeze %dma_start3A_207 : memref<1x3x64xi32, #tpu.memory_space<hbm>> -> memref<3x64xi32, #tpu.memory_space<hbm>>
            tpu.enqueue_dma source(%dma_start3A_208 : memref<3x64xi32, #tpu.memory_space<hbm>>) target(%arg12 : memref<3x64xi32, #tpu.memory_space<vmem>>) target_semaphore(%arg25 : memref<!tpu.dma_semaphore, #tpu.memory_space<semaphore_mem>>)
          } else {
          }
          %parallel_loop3A = arith.constant 0 : i32
          %parallel_loop3A_191 = arith.constant 64 : i32
          %parallel_loop3A_192 = arith.constant 1 : i32
          scf.for %parallel_loop3A_196 = %parallel_loop3A to %parallel_loop3A_191 step %parallel_loop3A_192  : i32 {
            %parallel_loop3A_197 = arith.index_cast %parallel_loop3A_196 : i32 to index
            %parallel_loop3A_198 = arith.constant 0 : index
            %parallel_loop3A_199 = tpu.vector_load %arg16[%parallel_loop3A_197, %parallel_loop3A_198] {strides = array<i32>} : memref<64x64xi32, #tpu.memory_space<vmem>>, vector<1x16xi32>,
            %parallel_loop3A_200 = vector.shape_cast %parallel_loop3A_199 : vector<1x16xi32> to vector<16xi32>
            %parallel_loop3A_201 = arith.index_cast %parallel_loop3A_196 : i32 to index
            %parallel_loop3A_202 = arith.constant 0 : index
            %parallel_loop3A_203 = tpu.vector_load %arg17[%parallel_loop3A_201, %parallel_loop3A_202] {strides = array<i32>} : memref<64x64xi32, #tpu.memory_space<vmem>>, vector<1x16xi32>,
            %parallel_loop3A_204 = vector.shape_cast %parallel_loop3A_203 : vector<1x16xi32> to vector<16xi32>
            %parallel_loop3A_205 = arith.index_cast %parallel_loop3A_196 : i32 to index
            %parallel_loop3A_206 = arith.constant 0 : index
            %parallel_loop3A_207 = tpu.vector_load %arg18[%parallel_loop3A_205, %parallel_loop3A_206] {strides = array<i32>} : memref<64x64xi32, #tpu.memory_space<vmem>>, vector<1x16xi32>,
            %parallel_loop3A_208 = vector.shape_cast %parallel_loop3A_207 : vector<1x16xi32> to vector<16xi32>
            %parallel_loop3A_209 = arith.constant 16 : i32
            %parallel_loop3A_210 = vector.broadcast %parallel_loop3A_209 : i32 to vector<16xi32>
            %parallel_loop3A_211 = arith.shli %parallel_loop3A_200, %parallel_loop3A_210 : vector<16xi32>
            %parallel_loop3A_212 = tpu.bitcast %parallel_loop3A_211 : vector<16xi32> -> vector<16xf32>
            %parallel_loop3A_213 = arith.constant 16 : i32
            %parallel_loop3A_214 = vector.broadcast %parallel_loop3A_213 : i32 to vector<16xi32>
            %parallel_loop3A_215 = arith.shli %parallel_loop3A_204, %parallel_loop3A_214 : vector<16xi32>
            %parallel_loop3A_216 = tpu.bitcast %parallel_loop3A_215 : vector<16xi32> -> vector<16xf32>
            %parallel_loop3A_217 = arith.constant 16 : i32
            %parallel_loop3A_218 = vector.broadcast %parallel_loop3A_217 : i32 to vector<16xi32>
            %parallel_loop3A_219 = arith.shli %parallel_loop3A_208, %parallel_loop3A_218 : vector<16xi32>
            %parallel_loop3A_220 = tpu.bitcast %parallel_loop3A_219 : vector<16xi32> -> vector<16xf32>
            %parallel_loop3A_221 = arith.constant -65536 : i32
            %parallel_loop3A_222 = vector.broadcast %parallel_loop3A_221 : i32 to vector<16xi32>
            %parallel_loop3A_223 = arith.andi %parallel_loop3A_200, %parallel_loop3A_222 : vector<16xi32>
            %parallel_loop3A_224 = tpu.bitcast %parallel_loop3A_223 : vector<16xi32> -> vector<16xf32>
            %parallel_loop3A_225 = arith.constant -65536 : i32
            %parallel_loop3A_226 = vector.broadcast %parallel_loop3A_225 : i32 to vector<16xi32>
            %parallel_loop3A_227 = arith.andi %parallel_loop3A_204, %parallel_loop3A_226 : vector<16xi32>
            %parallel_loop3A_228 = tpu.bitcast %parallel_loop3A_227 : vector<16xi32> -> vector<16xf32>
            %parallel_loop3A_229 = arith.constant -65536 : i32
            %parallel_loop3A_230 = vector.broadcast %parallel_loop3A_229 : i32 to vector<16xi32>
            %parallel_loop3A_231 = arith.andi %parallel_loop3A_208, %parallel_loop3A_230 : vector<16xi32>
            %parallel_loop3A_232 = tpu.bitcast %parallel_loop3A_231 : vector<16xi32> -> vector<16xf32>
            %parallel_loop3A_233 = arith.addf %parallel_loop3A_212, %parallel_loop3A_216 : vector<16xf32>
            %parallel_loop3A_234 = arith.mulf %parallel_loop3A_233, %parallel_loop3A_220 : vector<16xf32>
            %parallel_loop3A_235 = arith.index_cast %parallel_loop3A_196 : i32 to index
            %parallel_loop3A_236 = arith.constant 0 : index
            %parallel_loop3A_237 = tpu.vector_load %arg19[%parallel_loop3A_235, %parallel_loop3A_236] {strides = array<i32>} : memref<64x128xf32, #tpu.memory_space<vmem>>, vector<1x16xf32>,
            %parallel_loop3A_238 = vector.shape_cast %parallel_loop3A_237 : vector<1x16xf32> to vector<16xf32>
            %parallel_loop3A_239 = vector.shape_cast %parallel_loop3A_234 : vector<16xf32> to vector<1x16xf32>
            tpu.vector_store %arg19[%parallel_loop3A_235, %parallel_loop3A_236], %parallel_loop3A_239 {strides = array<i32>} : memref<64x128xf32, #tpu.memory_space<vmem>>, vector<1x16xf32>,
            %parallel_loop3A_240 = arith.addf %parallel_loop3A_224, %parallel_loop3A_228 : vector<16xf32>
            %parallel_loop3A_241 = arith.mulf %parallel_loop3A_240, %parallel_loop3A_232 : vector<16xf32>
            %parallel_loop3A_242 = arith.index_cast %parallel_loop3A_196 : i32 to index
            %parallel_loop3A_243 = arith.constant 64 : index
            %parallel_loop3A_244 = tpu.vector_load %arg19[%parallel_loop3A_242, %parallel_loop3A_243] {strides = array<i32>} : memref<64x128xf32, #tpu.memory_space<vmem>>, vector<1x16xf32>,
            %parallel_loop3A_245 = vector.shape_cast %parallel_loop3A_244 : vector<1x16xf32> to vector<16xf32>
            %parallel_loop3A_246 = vector.shape_cast %parallel_loop3A_241 : vector<16xf32> to vector<1x16xf32>
            tpu.vector_store %arg19[%parallel_loop3A_242, %parallel_loop3A_243], %parallel_loop3A_246 {strides = array<i32>} : memref<64x128xf32, #tpu.memory_space<vmem>>, vector<1x16xf32>,
            %parallel_loop3A_247 = arith.index_cast %parallel_loop3A_196 : i32 to index
            %parallel_loop3A_248 = arith.constant 16 : index
            %parallel_loop3A_249 = tpu.vector_load %arg16[%parallel_loop3A_247, %parallel_loop3A_248] {strides = array<i32>} : memref<64x64xi32, #tpu.memory_space<vmem>>, vector<1x16xi32>,
            %parallel_loop3A_250 = vector.shape_cast %parallel_loop3A_249 : vector<1x16xi32> to vector<16xi32>
            %parallel_loop3A_251 = arith.index_cast %parallel_loop3A_196 : i32 to index
            %parallel_loop3A_252 = arith.constant 16 : index
            %parallel_loop3A_253 = tpu.vector_load %arg17[%parallel_loop3A_251, %parallel_loop3A_252] {strides = array<i32>} : memref<64x64xi32, #tpu.memory_space<vmem>>, vector<1x16xi32>,
            %parallel_loop3A_254 = vector.shape_cast %parallel_loop3A_253 : vector<1x16xi32> to vector<16xi32>
            %parallel_loop3A_255 = arith.index_cast %parallel_loop3A_196 : i32 to index
            %parallel_loop3A_256 = arith.constant 16 : index
            %parallel_loop3A_257 = tpu.vector_load %arg18[%parallel_loop3A_255, %parallel_loop3A_256] {strides = array<i32>} : memref<64x64xi32, #tpu.memory_space<vmem>>, vector<1x16xi32>,
            %parallel_loop3A_258 = vector.shape_cast %parallel_loop3A_257 : vector<1x16xi32> to vector<16xi32>
            %parallel_loop3A_259 = arith.constant 16 : i32
            %parallel_loop3A_260 = vector.broadcast %parallel_loop3A_259 : i32 to vector<16xi32>
            %parallel_loop3A_261 = arith.shli %parallel_loop3A_250, %parallel_loop3A_260 : vector<16xi32>
            %parallel_loop3A_262 = tpu.bitcast %parallel_loop3A_261 : vector<16xi32> -> vector<16xf32>
            %parallel_loop3A_263 = arith.constant 16 : i32
            %parallel_loop3A_264 = vector.broadcast %parallel_loop3A_263 : i32 to vector<16xi32>
            %parallel_loop3A_265 = arith.shli %parallel_loop3A_254, %parallel_loop3A_264 : vector<16xi32>
            %parallel_loop3A_266 = tpu.bitcast %parallel_loop3A_265 : vector<16xi32> -> vector<16xf32>
            %parallel_loop3A_267 = arith.constant 16 : i32
            %parallel_loop3A_268 = vector.broadcast %parallel_loop3A_267 : i32 to vector<16xi32>
            %parallel_loop3A_269 = arith.shli %parallel_loop3A_258, %parallel_loop3A_268 : vector<16xi32>
            %parallel_loop3A_270 = tpu.bitcast %parallel_loop3A_269 : vector<16xi32> -> vector<16xf32>
            %parallel_loop3A_271 = arith.constant -65536 : i32
            %parallel_loop3A_272 = vector.broadcast %parallel_loop3A_271 : i32 to vector<16xi32>
            %parallel_loop3A_273 = arith.andi %parallel_loop3A_250, %parallel_loop3A_272 : vector<16xi32>
            %parallel_loop3A_274 = tpu.bitcast %parallel_loop3A_273 : vector<16xi32> -> vector<16xf32>
            %parallel_loop3A_275 = arith.constant -65536 : i32
            %parallel_loop3A_276 = vector.broadcast %parallel_loop3A_275 : i32 to vector<16xi32>
            %parallel_loop3A_277 = arith.andi %parallel_loop3A_254, %parallel_loop3A_276 : vector<16xi32>
            %parallel_loop3A_278 = tpu.bitcast %parallel_loop3A_277 : vector<16xi32> -> vector<16xf32>
            %parallel_loop3A_279 = arith.constant -65536 : i32
            %parallel_loop3A_280 = vector.broadcast %parallel_loop3A_279 : i32 to vector<16xi32>
            %parallel_loop3A_281 = arith.andi %parallel_loop3A_258, %parallel_loop3A_280 : vector<16xi32>
            %parallel_loop3A_282 = tpu.bitcast %parallel_loop3A_281 : vector<16xi32> -> vector<16xf32>
            %parallel_loop3A_283 = arith.addf %parallel_loop3A_262, %parallel_loop3A_266 : vector<16xf32>
            %parallel_loop3A_284 = arith.mulf %parallel_loop3A_283, %parallel_loop3A_270 : vector<16xf32>
            %parallel_loop3A_285 = arith.index_cast %parallel_loop3A_196 : i32 to index
            %parallel_loop3A_286 = arith.constant 16 : index
            %parallel_loop3A_287 = tpu.vector_load %arg19[%parallel_loop3A_285, %parallel_loop3A_286] {strides = array<i32>} : memref<64x128xf32, #tpu.memory_space<vmem>>, vector<1x16xf32>,
            %parallel_loop3A_288 = vector.shape_cast %parallel_loop3A_287 : vector<1x16xf32> to vector<16xf32>
            %parallel_loop3A_289 = vector.shape_cast %parallel_loop3A_284 : vector<16xf32> to vector<1x16xf32>
            tpu.vector_store %arg19[%parallel_loop3A_285, %parallel_loop3A_286], %parallel_loop3A_289 {strides = array<i32>} : memref<64x128xf32, #tpu.memory_space<vmem>>, vector<1x16xf32>,
            %parallel_loop3A_290 = arith.addf %parallel_loop3A_274, %parallel_loop3A_278 : vector<16xf32>
            %parallel_loop3A_291 = arith.mulf %parallel_loop3A_290, %parallel_loop3A_282 : vector<16xf32>
            %parallel_loop3A_292 = arith.index_cast %parallel_loop3A_196 : i32 to index
            %parallel_loop3A_293 = arith.constant 80 : index
            %parallel_loop3A_294 = tpu.vector_load %arg19[%parallel_loop3A_292, %parallel_loop3A_293] {strides = array<i32>} : memref<64x128xf32, #tpu.memory_space<vmem>>, vector<1x16xf32>,
            %parallel_loop3A_295 = vector.shape_cast %parallel_loop3A_294 : vector<1x16xf32> to vector<16xf32>
            %parallel_loop3A_296 = vector.shape_cast %parallel_loop3A_291 : vector<16xf32> to vector<1x16xf32>
            tpu.vector_store %arg19[%parallel_loop3A_292, %parallel_loop3A_293], %parallel_loop3A_296 {strides = array<i32>} : memref<64x128xf32, #tpu.memory_space<vmem>>, vector<1x16xf32>,
            %parallel_loop3A_297 = arith.index_cast %parallel_loop3A_196 : i32 to index
            %parallel_loop3A_298 = arith.constant 32 : index
            %parallel_loop3A_299 = tpu.vector_load %arg16[%parallel_loop3A_297, %parallel_loop3A_298] {strides = array<i32>} : memref<64x64xi32, #tpu.memory_space<vmem>>, vector<1x16xi32>,
            %parallel_loop3A_300 = vector.shape_cast %parallel_loop3A_299 : vector<1x16xi32> to vector<16xi32>
            %parallel_loop3A_301 = arith.index_cast %parallel_loop3A_196 : i32 to index
            %parallel_loop3A_302 = arith.constant 32 : index
            %parallel_loop3A_303 = tpu.vector_load %arg17[%parallel_loop3A_301, %parallel_loop3A_302] {strides = array<i32>} : memref<64x64xi32, #tpu.memory_space<vmem>>, vector<1x16xi32>,
            %parallel_loop3A_304 = vector.shape_cast %parallel_loop3A_303 : vector<1x16xi32> to vector<16xi32>
            %parallel_loop3A_305 = arith.index_cast %parallel_loop3A_196 : i32 to index
            %parallel_loop3A_306 = arith.constant 32 : index
            %parallel_loop3A_307 = tpu.vector_load %arg18[%parallel_loop3A_305, %parallel_loop3A_306] {strides = array<i32>} : memref<64x64xi32, #tpu.memory_space<vmem>>, vector<1x16xi32>,
            %parallel_loop3A_308 = vector.shape_cast %parallel_loop3A_307 : vector<1x16xi32> to vector<16xi32>
            %parallel_loop3A_309 = arith.constant 16 : i32
            %parallel_loop3A_310 = vector.broadcast %parallel_loop3A_309 : i32 to vector<16xi32>
            %parallel_loop3A_311 = arith.shli %parallel_loop3A_300, %parallel_loop3A_310 : vector<16xi32>
            %parallel_loop3A_312 = tpu.bitcast %parallel_loop3A_311 : vector<16xi32> -> vector<16xf32>
            %parallel_loop3A_313 = arith.constant 16 : i32
            %parallel_loop3A_314 = vector.broadcast %parallel_loop3A_313 : i32 to vector<16xi32>
            %parallel_loop3A_315 = arith.shli %parallel_loop3A_304, %parallel_loop3A_314 : vector<16xi32>
            %parallel_loop3A_316 = tpu.bitcast %parallel_loop3A_315 : vector<16xi32> -> vector<16xf32>
            %parallel_loop3A_317 = arith.constant 16 : i32
            %parallel_loop3A_318 = vector.broadcast %parallel_loop3A_317 : i32 to vector<16xi32>
            %parallel_loop3A_319 = arith.shli %parallel_loop3A_308, %parallel_loop3A_318 : vector<16xi32>
            %parallel_loop3A_320 = tpu.bitcast %parallel_loop3A_319 : vector<16xi32> -> vector<16xf32>
            %parallel_loop3A_321 = arith.constant -65536 : i32
            %parallel_loop3A_322 = vector.broadcast %parallel_loop3A_321 : i32 to vector<16xi32>
            %parallel_loop3A_323 = arith.andi %parallel_loop3A_300, %parallel_loop3A_322 : vector<16xi32>
            %parallel_loop3A_324 = tpu.bitcast %parallel_loop3A_323 : vector<16xi32> -> vector<16xf32>
            %parallel_loop3A_325 = arith.constant -65536 : i32
            %parallel_loop3A_326 = vector.broadcast %parallel_loop3A_325 : i32 to vector<16xi32>
            %parallel_loop3A_327 = arith.andi %parallel_loop3A_304, %parallel_loop3A_326 : vector<16xi32>
            %parallel_loop3A_328 = tpu.bitcast %parallel_loop3A_327 : vector<16xi32> -> vector<16xf32>
            %parallel_loop3A_329 = arith.constant -65536 : i32
            %parallel_loop3A_330 = vector.broadcast %parallel_loop3A_329 : i32 to vector<16xi32>
            %parallel_loop3A_331 = arith.andi %parallel_loop3A_308, %parallel_loop3A_330 : vector<16xi32>
            %parallel_loop3A_332 = tpu.bitcast %parallel_loop3A_331 : vector<16xi32> -> vector<16xf32>
            %parallel_loop3A_333 = arith.addf %parallel_loop3A_312, %parallel_loop3A_316 : vector<16xf32>
            %parallel_loop3A_334 = arith.mulf %parallel_loop3A_333, %parallel_loop3A_320 : vector<16xf32>
            %parallel_loop3A_335 = arith.index_cast %parallel_loop3A_196 : i32 to index
            %parallel_loop3A_336 = arith.constant 32 : index
            %parallel_loop3A_337 = tpu.vector_load %arg19[%parallel_loop3A_335, %parallel_loop3A_336] {strides = array<i32>} : memref<64x128xf32, #tpu.memory_space<vmem>>, vector<1x16xf32>,
            %parallel_loop3A_338 = vector.shape_cast %parallel_loop3A_337 : vector<1x16xf32> to vector<16xf32>
            %parallel_loop3A_339 = vector.shape_cast %parallel_loop3A_334 : vector<16xf32> to vector<1x16xf32>
            tpu.vector_store %arg19[%parallel_loop3A_335, %parallel_loop3A_336], %parallel_loop3A_339 {strides = array<i32>} : memref<64x128xf32, #tpu.memory_space<vmem>>, vector<1x16xf32>,
            %parallel_loop3A_340 = arith.addf %parallel_loop3A_324, %parallel_loop3A_328 : vector<16xf32>
            %parallel_loop3A_341 = arith.mulf %parallel_loop3A_340, %parallel_loop3A_332 : vector<16xf32>
            %parallel_loop3A_342 = arith.index_cast %parallel_loop3A_196 : i32 to index
            %parallel_loop3A_343 = arith.constant 96 : index
            %parallel_loop3A_344 = tpu.vector_load %arg19[%parallel_loop3A_342, %parallel_loop3A_343] {strides = array<i32>} : memref<64x128xf32, #tpu.memory_space<vmem>>, vector<1x16xf32>,
            %parallel_loop3A_345 = vector.shape_cast %parallel_loop3A_344 : vector<1x16xf32> to vector<16xf32>
            %parallel_loop3A_346 = vector.shape_cast %parallel_loop3A_341 : vector<16xf32> to vector<1x16xf32>
            tpu.vector_store %arg19[%parallel_loop3A_342, %parallel_loop3A_343], %parallel_loop3A_346 {strides = array<i32>} : memref<64x128xf32, #tpu.memory_space<vmem>>, vector<1x16xf32>,
            %parallel_loop3A_347 = arith.index_cast %parallel_loop3A_196 : i32 to index
            %parallel_loop3A_348 = arith.constant 48 : index
            %parallel_loop3A_349 = tpu.vector_load %arg16[%parallel_loop3A_347, %parallel_loop3A_348] {strides = array<i32>} : memref<64x64xi32, #tpu.memory_space<vmem>>, vector<1x16xi32>,
            %parallel_loop3A_350 = vector.shape_cast %parallel_loop3A_349 : vector<1x16xi32> to vector<16xi32>
            %parallel_loop3A_351 = arith.index_cast %parallel_loop3A_196 : i32 to index
            %parallel_loop3A_352 = arith.constant 48 : index
            %parallel_loop3A_353 = tpu.vector_load %arg17[%parallel_loop3A_351, %parallel_loop3A_352] {strides = array<i32>} : memref<64x64xi32, #tpu.memory_space<vmem>>, vector<1x16xi32>,
            %parallel_loop3A_354 = vector.shape_cast %parallel_loop3A_353 : vector<1x16xi32> to vector<16xi32>
            %parallel_loop3A_355 = arith.index_cast %parallel_loop3A_196 : i32 to index
            %parallel_loop3A_356 = arith.constant 48 : index
            %parallel_loop3A_357 = tpu.vector_load %arg18[%parallel_loop3A_355, %parallel_loop3A_356] {strides = array<i32>} : memref<64x64xi32, #tpu.memory_space<vmem>>, vector<1x16xi32>,
            %parallel_loop3A_358 = vector.shape_cast %parallel_loop3A_357 : vector<1x16xi32> to vector<16xi32>
            %parallel_loop3A_359 = arith.constant 16 : i32
            %parallel_loop3A_360 = vector.broadcast %parallel_loop3A_359 : i32 to vector<16xi32>
            %parallel_loop3A_361 = arith.shli %parallel_loop3A_350, %parallel_loop3A_360 : vector<16xi32>
            %parallel_loop3A_362 = tpu.bitcast %parallel_loop3A_361 : vector<16xi32> -> vector<16xf32>
            %parallel_loop3A_363 = arith.constant 16 : i32
            %parallel_loop3A_364 = vector.broadcast %parallel_loop3A_363 : i32 to vector<16xi32>
            %parallel_loop3A_365 = arith.shli %parallel_loop3A_354, %parallel_loop3A_364 : vector<16xi32>
            %parallel_loop3A_366 = tpu.bitcast %parallel_loop3A_365 : vector<16xi32> -> vector<16xf32>
            %parallel_loop3A_367 = arith.constant 16 : i32
            %parallel_loop3A_368 = vector.broadcast %parallel_loop3A_367 : i32 to vector<16xi32>
            %parallel_loop3A_369 = arith.shli %parallel_loop3A_358, %parallel_loop3A_368 : vector<16xi32>
            %parallel_loop3A_370 = tpu.bitcast %parallel_loop3A_369 : vector<16xi32> -> vector<16xf32>
            %parallel_loop3A_371 = arith.constant -65536 : i32
            %parallel_loop3A_372 = vector.broadcast %parallel_loop3A_371 : i32 to vector<16xi32>
            %parallel_loop3A_373 = arith.andi %parallel_loop3A_350, %parallel_loop3A_372 : vector<16xi32>
            %parallel_loop3A_374 = tpu.bitcast %parallel_loop3A_373 : vector<16xi32> -> vector<16xf32>
            %parallel_loop3A_375 = arith.constant -65536 : i32
            %parallel_loop3A_376 = vector.broadcast %parallel_loop3A_375 : i32 to vector<16xi32>
            %parallel_loop3A_377 = arith.andi %parallel_loop3A_354, %parallel_loop3A_376 : vector<16xi32>
            %parallel_loop3A_378 = tpu.bitcast %parallel_loop3A_377 : vector<16xi32> -> vector<16xf32>
            %parallel_loop3A_379 = arith.constant -65536 : i32
            %parallel_loop3A_380 = vector.broadcast %parallel_loop3A_379 : i32 to vector<16xi32>
            %parallel_loop3A_381 = arith.andi %parallel_loop3A_358, %parallel_loop3A_380 : vector<16xi32>
            %parallel_loop3A_382 = tpu.bitcast %parallel_loop3A_381 : vector<16xi32> -> vector<16xf32>
            %parallel_loop3A_383 = arith.addf %parallel_loop3A_362, %parallel_loop3A_366 : vector<16xf32>
            %parallel_loop3A_384 = arith.mulf %parallel_loop3A_383, %parallel_loop3A_370 : vector<16xf32>
            %parallel_loop3A_385 = arith.index_cast %parallel_loop3A_196 : i32 to index
            %parallel_loop3A_386 = arith.constant 48 : index
            %parallel_loop3A_387 = tpu.vector_load %arg19[%parallel_loop3A_385, %parallel_loop3A_386] {strides = array<i32>} : memref<64x128xf32, #tpu.memory_space<vmem>>, vector<1x16xf32>,
            %parallel_loop3A_388 = vector.shape_cast %parallel_loop3A_387 : vector<1x16xf32> to vector<16xf32>
            %parallel_loop3A_389 = vector.shape_cast %parallel_loop3A_384 : vector<16xf32> to vector<1x16xf32>
            tpu.vector_store %arg19[%parallel_loop3A_385, %parallel_loop3A_386], %parallel_loop3A_389 {strides = array<i32>} : memref<64x128xf32, #tpu.memory_space<vmem>>, vector<1x16xf32>,
            %parallel_loop3A_390 = arith.addf %parallel_loop3A_374, %parallel_loop3A_378 : vector<16xf32>
            %parallel_loop3A_391 = arith.mulf %parallel_loop3A_390, %parallel_loop3A_382 : vector<16xf32>
            %parallel_loop3A_392 = arith.index_cast %parallel_loop3A_196 : i32 to index
            %parallel_loop3A_393 = arith.constant 112 : index
            %parallel_loop3A_394 = tpu.vector_load %arg19[%parallel_loop3A_392, %parallel_loop3A_393] {strides = array<i32>} : memref<64x128xf32, #tpu.memory_space<vmem>>, vector<1x16xf32>,
            %parallel_loop3A_395 = vector.shape_cast %parallel_loop3A_394 : vector<1x16xf32> to vector<16xf32>
            %parallel_loop3A_396 = vector.shape_cast %parallel_loop3A_391 : vector<16xf32> to vector<1x16xf32>
            tpu.vector_store %arg19[%parallel_loop3A_392, %parallel_loop3A_393], %parallel_loop3A_396 {strides = array<i32>} : memref<64x128xf32, #tpu.memory_space<vmem>>, vector<1x16xf32>,
          } {sc.loop_unroll_factor = 2 : i64, sc.parallel_access}
          %dma_start3A_193 = arith.constant 0 : i32
          %dma_start3A_194 = arith.constant 0 : i32
          %dma_start3A_195 = tpu.memref_slice %arg24[%dma_start3A_193, %dma_start3A_194] : memref<10000x128xf32, #tpu.memory_space<vmem_shared>> -> memref<10000x128xf32, #tpu.memory_space<vmem_shared>>
          tpu.enqueue_indirect_dma source(%arg19 : memref<64x128xf32, #tpu.memory_space<vmem>>) target(%dma_start3A_195 : memref<10000x128xf32, #tpu.memory_space<vmem_shared>>) offsets(%arg14 : memref<64xi32, #tpu.memory_space<vmem>>) semaphore(%arg29 : memref<!tpu.dma_semaphore, #tpu.memory_space<semaphore_mem>>) {add = true}
        } else {
        }
      }
      %scan3A_78 = arith.constant 315 : i32
      %dma_wait3A = arith.constant 0 : i32
      %dma_wait3A_79 = arith.constant 0 : i32
      %dma_wait3A_80 = tpu.memref_slice %arg24[%dma_wait3A, %dma_wait3A_79] : memref<10000x128xf32, #tpu.memory_space<vmem_shared>> -> memref<10000x128xf32, #tpu.memory_space<vmem_shared>>
      tpu.wait_indirect_dma semaphore(%arg30 : memref<!tpu.dma_semaphore, #tpu.memory_space<semaphore_mem>>) src(%arg23 : memref<64x128xf32, #tpu.memory_space<vmem>>) dst(%dma_wait3A_80 : memref<10000x128xf32, #tpu.memory_space<vmem_shared>>)
      %dma_wait3A_81 = arith.constant 0 : i32
      %dma_wait3A_82 = arith.constant 0 : i32
      %dma_wait3A_83 = tpu.memref_slice %arg24[%dma_wait3A_81, %dma_wait3A_82] : memref<10000x128xf32, #tpu.memory_space<vmem_shared>> -> memref<10000x128xf32, #tpu.memory_space<vmem_shared>>
      tpu.wait_indirect_dma semaphore(%arg29 : memref<!tpu.dma_semaphore, #tpu.memory_space<semaphore_mem>>) src(%arg19 : memref<64x128xf32, #tpu.memory_space<vmem>>) dst(%dma_wait3A_83 : memref<10000x128xf32, #tpu.memory_space<vmem_shared>>)
    } else {
    }
    %barrier3A_43 = arith.constant 0 : index
    tpu.barrier barrier_id(%barrier3A_43)
    %eq3A_44 = arith.constant 0 : i32
    %eq3A_45 = arith.cmpi eq, %arg0, %eq3A_44 : i32
    %convert_element_type3A_46 = arith.extui %eq3A_45 : i1 to i32
    %cond3A_47 = arith.constant 0 : i32
    %cond3A_48 = arith.cmpi ne, %convert_element_type3A_46, %cond3A_47 : i32
    scf.if %cond3A_48 {
      %lt3A_54 = arith.constant 15 : i32
      %lt3A_55 = arith.cmpi slt, %arg1, %lt3A_54 : i32
      %convert_element_type3A_56 = arith.extui %lt3A_55 : i1 to i32
      %cond3A_57 = arith.constant 0 : i32
      %cond3A_58 = arith.cmpi ne, %convert_element_type3A_56, %cond3A_57 : i32
      scf.if %cond3A_58 {
        %mul3A_64 = arith.constant 640 : i32
        %mul3A_65 = arith.muli %arg1, %mul3A_64 : i32
        %mul3A_66 = arith.constant 640 : i32
        %mul3A_67 = arith.muli %arg1, %mul3A_66 : i32
        "tpu.region"() ({
          %run_scoped3A = tpu.sem_alloc : memref<!tpu.dma_semaphore, #tpu.memory_space<semaphore_mem>>
          %dma_start3A = arith.constant 0 : i32
          %dma_start3A_68 = tpu.memref_slice %arg10[%mul3A_67, %dma_start3A] : memref<10000x128xf32, #tpu.memory_space<hbm>> -> memref<640x128xf32, #tpu.memory_space<hbm>>
          %dma_start3A_69 = arith.constant 0 : i32
          %dma_start3A_70 = tpu.memref_slice %arg24[%mul3A_65, %dma_start3A_69] : memref<10000x128xf32, #tpu.memory_space<vmem_shared>> -> memref<640x128xf32, #tpu.memory_space<vmem_shared>>
          tpu.enqueue_dma source(%dma_start3A_70 : memref<640x128xf32, #tpu.memory_space<vmem_shared>>) target(%dma_start3A_68 : memref<640x128xf32, #tpu.memory_space<hbm>>) target_semaphore(%run_scoped3A : memref<!tpu.dma_semaphore, #tpu.memory_space<semaphore_mem>>)
          %dma_wait3A = arith.constant 0 : i32
          %dma_wait3A_71 = tpu.memref_slice %arg10[%mul3A_67, %dma_wait3A] : memref<10000x128xf32, #tpu.memory_space<hbm>> -> memref<640x128xf32, #tpu.memory_space<hbm>>
          %dma_wait3A_72 = arith.constant 0 : i32
          %dma_wait3A_73 = tpu.memref_slice %arg24[%mul3A_65, %dma_wait3A_72] : memref<10000x128xf32, #tpu.memory_space<vmem_shared>> -> memref<640x128xf32, #tpu.memory_space<vmem_shared>>
          tpu.wait_dma2 semaphore(%run_scoped3A : memref<!tpu.dma_semaphore, #tpu.memory_space<semaphore_mem>>) src(%dma_wait3A_73 : memref<640x128xf32, #tpu.memory_space<vmem_shared>>) dst(%dma_wait3A_71 : memref<640x128xf32, #tpu.memory_space<hbm>>)
          tpu.yield
        }) : () -> ()
      } else {
      }
      %eq3A_59 = arith.constant 15 : i32
      %eq3A_60 = arith.cmpi eq, %arg1, %eq3A_59 : i32
      %convert_element_type3A_61 = arith.extui %eq3A_60 : i1 to i32
      %cond3A_62 = arith.constant 0 : i32
      %cond3A_63 = arith.cmpi ne, %convert_element_type3A_61, %cond3A_62 : i32
      scf.if %cond3A_63 {
        %mul3A_64 = arith.constant 640 : i32
        %mul3A_65 = arith.muli %arg1, %mul3A_64 : i32
        %mul3A_66 = arith.constant 640 : i32
        %mul3A_67 = arith.muli %arg1, %mul3A_66 : i32
        "tpu.region"() ({
          %run_scoped3A = tpu.sem_alloc : memref<!tpu.dma_semaphore, #tpu.memory_space<semaphore_mem>>
          %dma_start3A = arith.constant 0 : i32
          %dma_start3A_68 = tpu.memref_slice %arg10[%mul3A_67, %dma_start3A] : memref<10000x128xf32, #tpu.memory_space<hbm>> -> memref<400x128xf32, #tpu.memory_space<hbm>>
          %dma_start3A_69 = arith.constant 0 : i32
          %dma_start3A_70 = tpu.memref_slice %arg24[%mul3A_65, %dma_start3A_69] : memref<10000x128xf32, #tpu.memory_space<vmem_shared>> -> memref<400x128xf32, #tpu.memory_space<vmem_shared>>
          tpu.enqueue_dma source(%dma_start3A_70 : memref<400x128xf32, #tpu.memory_space<vmem_shared>>) target(%dma_start3A_68 : memref<400x128xf32, #tpu.memory_space<hbm>>) target_semaphore(%run_scoped3A : memref<!tpu.dma_semaphore, #tpu.memory_space<semaphore_mem>>)
          %dma_wait3A = arith.constant 0 : i32
          %dma_wait3A_71 = tpu.memref_slice %arg10[%mul3A_67, %dma_wait3A] : memref<10000x128xf32, #tpu.memory_space<hbm>> -> memref<400x128xf32, #tpu.memory_space<hbm>>
          %dma_wait3A_72 = arith.constant 0 : i32
          %dma_wait3A_73 = tpu.memref_slice %arg24[%mul3A_65, %dma_wait3A_72] : memref<10000x128xf32, #tpu.memory_space<vmem_shared>> -> memref<400x128xf32, #tpu.memory_space<vmem_shared>>
          tpu.wait_dma2 semaphore(%run_scoped3A : memref<!tpu.dma_semaphore, #tpu.memory_space<semaphore_mem>>) src(%dma_wait3A_73 : memref<400x128xf32, #tpu.memory_space<vmem_shared>>) dst(%dma_wait3A_71 : memref<400x128xf32, #tpu.memory_space<hbm>>)
          tpu.yield
        }) : () -> ()
      } else {
      }
    } else {
    }
    %eq3A_49 = arith.constant 1 : i32
    %eq3A_50 = arith.cmpi eq, %arg0, %eq3A_49 : i32
    %convert_element_type3A_51 = arith.extui %eq3A_50 : i1 to i32
    %cond3A_52 = arith.constant 0 : i32
    %cond3A_53 = arith.cmpi ne, %convert_element_type3A_51, %cond3A_52 : i32
    scf.if %cond3A_53 {
      %lt3A_54 = arith.constant 15 : i32
      %lt3A_55 = arith.cmpi slt, %arg1, %lt3A_54 : i32
      %convert_element_type3A_56 = arith.extui %lt3A_55 : i1 to i32
      %cond3A_57 = arith.constant 0 : i32
      %cond3A_58 = arith.cmpi ne, %convert_element_type3A_56, %cond3A_57 : i32
      scf.if %cond3A_58 {
        %mul3A_64 = arith.constant 640 : i32
        %mul3A_65 = arith.muli %arg1, %mul3A_64 : i32
        %mul3A_66 = arith.constant 640 : i32
        %mul3A_67 = arith.muli %arg1, %mul3A_66 : i32
        "tpu.region"() ({
          %run_scoped3A = tpu.sem_alloc : memref<!tpu.dma_semaphore, #tpu.memory_space<semaphore_mem>>
          %dma_start3A = arith.constant 0 : i32
          %dma_start3A_68 = tpu.memref_slice %arg11[%mul3A_67, %dma_start3A] : memref<10000x128xf32, #tpu.memory_space<hbm>> -> memref<640x128xf32, #tpu.memory_space<hbm>>
          %dma_start3A_69 = arith.constant 0 : i32
          %dma_start3A_70 = tpu.memref_slice %arg24[%mul3A_65, %dma_start3A_69] : memref<10000x128xf32, #tpu.memory_space<vmem_shared>> -> memref<640x128xf32, #tpu.memory_space<vmem_shared>>
          tpu.enqueue_dma source(%dma_start3A_70 : memref<640x128xf32, #tpu.memory_space<vmem_shared>>) target(%dma_start3A_68 : memref<640x128xf32, #tpu.memory_space<hbm>>) target_semaphore(%run_scoped3A : memref<!tpu.dma_semaphore, #tpu.memory_space<semaphore_mem>>)
          %dma_wait3A = arith.constant 0 : i32
          %dma_wait3A_71 = tpu.memref_slice %arg11[%mul3A_67, %dma_wait3A] : memref<10000x128xf32, #tpu.memory_space<hbm>> -> memref<640x128xf32, #tpu.memory_space<hbm>>
          %dma_wait3A_72 = arith.constant 0 : i32
          %dma_wait3A_73 = tpu.memref_slice %arg24[%mul3A_65, %dma_wait3A_72] : memref<10000x128xf32, #tpu.memory_space<vmem_shared>> -> memref<640x128xf32, #tpu.memory_space<vmem_shared>>
          tpu.wait_dma2 semaphore(%run_scoped3A : memref<!tpu.dma_semaphore, #tpu.memory_space<semaphore_mem>>) src(%dma_wait3A_73 : memref<640x128xf32, #tpu.memory_space<vmem_shared>>) dst(%dma_wait3A_71 : memref<640x128xf32, #tpu.memory_space<hbm>>)
          tpu.yield
        }) : () -> ()
      } else {
      }
      %eq3A_59 = arith.constant 15 : i32
      %eq3A_60 = arith.cmpi eq, %arg1, %eq3A_59 : i32
      %convert_element_type3A_61 = arith.extui %eq3A_60 : i1 to i32
      %cond3A_62 = arith.constant 0 : i32
      %cond3A_63 = arith.cmpi ne, %convert_element_type3A_61, %cond3A_62 : i32
      scf.if %cond3A_63 {
        %mul3A_64 = arith.constant 640 : i32
        %mul3A_65 = arith.muli %arg1, %mul3A_64 : i32
        %mul3A_66 = arith.constant 640 : i32
        %mul3A_67 = arith.muli %arg1, %mul3A_66 : i32
        "tpu.region"() ({
          %run_scoped3A = tpu.sem_alloc : memref<!tpu.dma_semaphore, #tpu.memory_space<semaphore_mem>>
          %dma_start3A = arith.constant 0 : i32
          %dma_start3A_68 = tpu.memref_slice %arg11[%mul3A_67, %dma_start3A] : memref<10000x128xf32, #tpu.memory_space<hbm>> -> memref<400x128xf32, #tpu.memory_space<hbm>>
          %dma_start3A_69 = arith.constant 0 : i32
          %dma_start3A_70 = tpu.memref_slice %arg24[%mul3A_65, %dma_start3A_69] : memref<10000x128xf32, #tpu.memory_space<vmem_shared>> -> memref<400x128xf32, #tpu.memory_space<vmem_shared>>
          tpu.enqueue_dma source(%dma_start3A_70 : memref<400x128xf32, #tpu.memory_space<vmem_shared>>) target(%dma_start3A_68 : memref<400x128xf32, #tpu.memory_space<hbm>>) target_semaphore(%run_scoped3A : memref<!tpu.dma_semaphore, #tpu.memory_space<semaphore_mem>>)
          %dma_wait3A = arith.constant 0 : i32
          %dma_wait3A_71 = tpu.memref_slice %arg11[%mul3A_67, %dma_wait3A] : memref<10000x128xf32, #tpu.memory_space<hbm>> -> memref<400x128xf32, #tpu.memory_space<hbm>>
          %dma_wait3A_72 = arith.constant 0 : i32
          %dma_wait3A_73 = tpu.memref_slice %arg24[%mul3A_65, %dma_wait3A_72] : memref<10000x128xf32, #tpu.memory_space<vmem_shared>> -> memref<400x128xf32, #tpu.memory_space<vmem_shared>>
          tpu.wait_dma2 semaphore(%run_scoped3A : memref<!tpu.dma_semaphore, #tpu.memory_space<semaphore_mem>>) src(%dma_wait3A_73 : memref<400x128xf32, #tpu.memory_space<vmem_shared>>) dst(%dma_wait3A_71 : memref<400x128xf32, #tpu.memory_space<hbm>>)
          tpu.yield
        }) : () -> ()
      } else {
      }
    } else {
    }
    return
  }
}

module attributes {stable_mosaic.version = 14 : i64} {
  func.func @_prep_body(%arg0: i32, %arg1: memref<1000x128xf32, #tpu.memory_space<vmem>>, %arg2: memref<1000x128xf32, #tpu.memory_space<vmem>>, %arg3: memref<128x128xf32, #tpu.memory_space<vmem>>, %arg4: memref<1x128xf32, #tpu.memory_space<vmem>>, %arg5: memref<128x128xf32, #tpu.memory_space<vmem>>, %arg6: memref<1x128xf32, #tpu.memory_space<vmem>>, %arg7: memref<128x128xf32, #tpu.memory_space<vmem>>, %arg8: memref<1x128xf32, #tpu.memory_space<vmem>>, %arg9: memref<128x128xf32, #tpu.memory_space<vmem>>, %arg10: memref<1x128xf32, #tpu.memory_space<vmem>>, %arg11: memref<64x64xf32, #tpu.memory_space<vmem>>, %arg12: memref<64x128xf32, #tpu.memory_space<vmem>>, %arg13: memref<1x128xf32, #tpu.memory_space<vmem>>, %arg14: memref<64x128xf32, #tpu.memory_space<vmem>>, %arg15: memref<1x128xf32, #tpu.memory_space<vmem>>, %arg16: memref<1000x64xi32, #tpu.memory_space<vmem>>, %arg17: memref<1000x64xi32, #tpu.memory_space<vmem>>, %arg18: memref<1000x64xi32, #tpu.memory_space<vmem>>, %arg19: memref<1000x64xi32, #tpu.memory_space<vmem>>, %arg20: memref<64x64xi32, #tpu.memory_space<vmem>>, %arg21: memref<64x64xi32, #tpu.memory_space<vmem>>) attributes {dimension_semantics = [#tpu.dimension_semantics<arbitrary>], iteration_bounds = array<i64: 10>, scalar_prefetch = 0 : i64, scratch_operands = 0 : i64, tpu.core_type = #tpu.core_type<tc>, window_params = [{transform_indices = @transform_0, window_bounds = array<i64: 1000, 128>}, {transform_indices = @transform_1, window_bounds = array<i64: 1000, 128>}, {pipeline_mode = #tpu.pipeline_mode<synchronous>, transform_indices = @transform_2, window_bounds = array<i64: 128, 128>}, {pipeline_mode = #tpu.pipeline_mode<synchronous>, transform_indices = @transform_3, window_bounds = array<i64: 1, 128>}, {pipeline_mode = #tpu.pipeline_mode<synchronous>, transform_indices = @transform_4, window_bounds = array<i64: 128, 128>}, {pipeline_mode = #tpu.pipeline_mode<synchronous>, transform_indices = @transform_5, window_bounds = array<i64: 1, 128>}, {pipeline_mode = #tpu.pipeline_mode<synchronous>, transform_indices = @transform_6, window_bounds = array<i64: 128, 128>}, {pipeline_mode = #tpu.pipeline_mode<synchronous>, transform_indices = @transform_7, window_bounds = array<i64: 1, 128>}, {pipeline_mode = #tpu.pipeline_mode<synchronous>, transform_indices = @transform_8, window_bounds = array<i64: 128, 128>}, {pipeline_mode = #tpu.pipeline_mode<synchronous>, transform_indices = @transform_9, window_bounds = array<i64: 1, 128>}, {pipeline_mode = #tpu.pipeline_mode<synchronous>, transform_indices = @transform_10, window_bounds = array<i64: 64, 64>}, {pipeline_mode = #tpu.pipeline_mode<synchronous>, transform_indices = @transform_11, window_bounds = array<i64: 64, 128>}, {pipeline_mode = #tpu.pipeline_mode<synchronous>, transform_indices = @transform_12, window_bounds = array<i64: 1, 128>}, {pipeline_mode = #tpu.pipeline_mode<synchronous>, transform_indices = @transform_13, window_bounds = array<i64: 64, 128>}, {pipeline_mode = #tpu.pipeline_mode<synchronous>, transform_indices = @transform_14, window_bounds = array<i64: 1, 128>}, {transform_indices = @transform_15, window_bounds = array<i64: 1000, 64>}, {transform_indices = @transform_16, window_bounds = array<i64: 1000, 64>}, {transform_indices = @transform_17, window_bounds = array<i64: 1000, 64>}, {transform_indices = @transform_18, window_bounds = array<i64: 1000, 64>}, {pipeline_mode = #tpu.pipeline_mode<synchronous>, transform_indices = @transform_19, window_bounds = array<i64: 64, 64>}, {pipeline_mode = #tpu.pipeline_mode<synchronous>, transform_indices = @transform_20, window_bounds = array<i64: 64, 64>}]} {
    %get3A = arith.constant 0 : index
    %get3A_0 = arith.constant 0 : index
    %get3A_1 = vector.load %arg1[%get3A, %get3A_0] : memref<1000x128xf32, #tpu.memory_space<vmem>>, vector<1000x128xf32>
    %get3A_2 = arith.constant 0 : index
    %get3A_3 = arith.constant 0 : index
    %get3A_4 = vector.load %arg2[%get3A_2, %get3A_3] : memref<1000x128xf32, #tpu.memory_space<vmem>>, vector<1000x128xf32>
    %get3A_5 = arith.constant 0 : index
    %get3A_6 = arith.constant 0 : index
    %get3A_7 = vector.load %arg3[%get3A_5, %get3A_6] : memref<128x128xf32, #tpu.memory_space<vmem>>, vector<128x128xf32>
    %dot_general3A = arith.constant dense<0.000000e+00> : vector<1000x128xf32>
    %dot_general3A_8 = tpu.matmul %get3A_1, %get3A_7, %dot_general3A {dimension_numbers = #tpu.dot_dimension_numbers<[1], [0], [0], [1], [0, 0, 1, 1], [], []>, transpose_lhs_hint = false} : vector<1000x128xf32>, vector<128x128xf32>, vector<1000x128xf32> -> vector<1000x128xf32>
    %get3A_9 = arith.constant 0 : index
    %get3A_10 = arith.constant 0 : index
    %get3A_11 = vector.load %arg4[%get3A_9, %get3A_10] : memref<1x128xf32, #tpu.memory_space<vmem>>, vector<1x128xf32>
    %add3A = vector.broadcast %get3A_11 : vector<1x128xf32> to vector<1000x128xf32>
    %add3A_12 = arith.addf %dot_general3A_8, %add3A : vector<1000x128xf32>
    %bitcast_convert_type3A = tpu.bitcast %add3A_12 : vector<1000x128xf32> -> vector<1000x128xi32>
    %add3A_13 = arith.constant 32767 : i32
    %add3A_14 = vector.broadcast %add3A_13 : i32 to vector<1000x128xi32>
    %add3A_15 = arith.addi %bitcast_convert_type3A, %add3A_14 : vector<1000x128xi32>
    %shift_right_arithmetic3A = arith.constant 16 : i32
    %shift_right_arithmetic3A_16 = vector.broadcast %shift_right_arithmetic3A : i32 to vector<1000x128xi32>
    %shift_right_arithmetic3A_17 = arith.shrsi %bitcast_convert_type3A, %shift_right_arithmetic3A_16 : vector<1000x128xi32>
    %and3A = arith.constant 1 : i32
    %and3A_18 = vector.broadcast %and3A : i32 to vector<1000x128xi32>
    %and3A_19 = arith.andi %shift_right_arithmetic3A_17, %and3A_18 : vector<1000x128xi32>
    %add3A_20 = arith.addi %add3A_15, %and3A_19 : vector<1000x128xi32>
    %shift_right_arithmetic3A_21 = arith.constant 16 : i32
    %shift_right_arithmetic3A_22 = vector.broadcast %shift_right_arithmetic3A_21 : i32 to vector<1000x128xi32>
    %shift_right_arithmetic3A_23 = arith.shrsi %add3A_20, %shift_right_arithmetic3A_22 : vector<1000x128xi32>
    %slice3A = vector.extract_strided_slice %shift_right_arithmetic3A_23 {offsets = [0, 0], sizes = [1000, 64], strides = [1, 1]} : vector<1000x128xi32> to vector<1000x64xi32>
    %and3A_24 = arith.constant 65535 : i32
    %and3A_25 = vector.broadcast %and3A_24 : i32 to vector<1000x64xi32>
    %and3A_26 = arith.andi %slice3A, %and3A_25 : vector<1000x64xi32>
    %slice3A_27 = vector.extract_strided_slice %shift_right_arithmetic3A_23 {offsets = [0, 64], sizes = [1000, 64], strides = [1, 1]} : vector<1000x128xi32> to vector<1000x64xi32>
    %shift_left3A = arith.constant 16 : i32
    %shift_left3A_28 = vector.broadcast %shift_left3A : i32 to vector<1000x64xi32>
    %shift_left3A_29 = arith.shli %slice3A_27, %shift_left3A_28 : vector<1000x64xi32>
    %or3A = arith.ori %and3A_26, %shift_left3A_29 : vector<1000x64xi32>
    %swap3A = arith.constant 0 : index
    %swap3A_30 = arith.constant 0 : index
    %swap3A_31 = vector.load %arg16[%swap3A, %swap3A_30] : memref<1000x64xi32, #tpu.memory_space<vmem>>, vector<1000x64xi32>
    tpu.vector_store %arg16[%swap3A, %swap3A_30], %or3A {strides = array<i32>} : memref<1000x64xi32, #tpu.memory_space<vmem>>, vector<1000x64xi32>,
    %get3A_32 = arith.constant 0 : index
    %get3A_33 = arith.constant 0 : index
    %get3A_34 = vector.load %arg5[%get3A_32, %get3A_33] : memref<128x128xf32, #tpu.memory_space<vmem>>, vector<128x128xf32>
    %dot_general3A_35 = arith.constant dense<0.000000e+00> : vector<1000x128xf32>
    %dot_general3A_36 = tpu.matmul %get3A_4, %get3A_34, %dot_general3A_35 {dimension_numbers = #tpu.dot_dimension_numbers<[1], [0], [0], [1], [0, 0, 1, 1], [], []>, transpose_lhs_hint = false} : vector<1000x128xf32>, vector<128x128xf32>, vector<1000x128xf32> -> vector<1000x128xf32>
    %get3A_37 = arith.constant 0 : index
    %get3A_38 = arith.constant 0 : index
    %get3A_39 = vector.load %arg6[%get3A_37, %get3A_38] : memref<1x128xf32, #tpu.memory_space<vmem>>, vector<1x128xf32>
    %add3A_40 = vector.broadcast %get3A_39 : vector<1x128xf32> to vector<1000x128xf32>
    %add3A_41 = arith.addf %dot_general3A_36, %add3A_40 : vector<1000x128xf32>
    %bitcast_convert_type3A_42 = tpu.bitcast %add3A_41 : vector<1000x128xf32> -> vector<1000x128xi32>
    %add3A_43 = arith.constant 32767 : i32
    %add3A_44 = vector.broadcast %add3A_43 : i32 to vector<1000x128xi32>
    %add3A_45 = arith.addi %bitcast_convert_type3A_42, %add3A_44 : vector<1000x128xi32>
    %shift_right_arithmetic3A_46 = arith.constant 16 : i32
    %shift_right_arithmetic3A_47 = vector.broadcast %shift_right_arithmetic3A_46 : i32 to vector<1000x128xi32>
    %shift_right_arithmetic3A_48 = arith.shrsi %bitcast_convert_type3A_42, %shift_right_arithmetic3A_47 : vector<1000x128xi32>
    %and3A_49 = arith.constant 1 : i32
    %and3A_50 = vector.broadcast %and3A_49 : i32 to vector<1000x128xi32>
    %and3A_51 = arith.andi %shift_right_arithmetic3A_48, %and3A_50 : vector<1000x128xi32>
    %add3A_52 = arith.addi %add3A_45, %and3A_51 : vector<1000x128xi32>
    %shift_right_arithmetic3A_53 = arith.constant 16 : i32
    %shift_right_arithmetic3A_54 = vector.broadcast %shift_right_arithmetic3A_53 : i32 to vector<1000x128xi32>
    %shift_right_arithmetic3A_55 = arith.shrsi %add3A_52, %shift_right_arithmetic3A_54 : vector<1000x128xi32>
    %slice3A_56 = vector.extract_strided_slice %shift_right_arithmetic3A_55 {offsets = [0, 0], sizes = [1000, 64], strides = [1, 1]} : vector<1000x128xi32> to vector<1000x64xi32>
    %and3A_57 = arith.constant 65535 : i32
    %and3A_58 = vector.broadcast %and3A_57 : i32 to vector<1000x64xi32>
    %and3A_59 = arith.andi %slice3A_56, %and3A_58 : vector<1000x64xi32>
    %slice3A_60 = vector.extract_strided_slice %shift_right_arithmetic3A_55 {offsets = [0, 64], sizes = [1000, 64], strides = [1, 1]} : vector<1000x128xi32> to vector<1000x64xi32>
    %shift_left3A_61 = arith.constant 16 : i32
    %shift_left3A_62 = vector.broadcast %shift_left3A_61 : i32 to vector<1000x64xi32>
    %shift_left3A_63 = arith.shli %slice3A_60, %shift_left3A_62 : vector<1000x64xi32>
    %or3A_64 = arith.ori %and3A_59, %shift_left3A_63 : vector<1000x64xi32>
    %swap3A_65 = arith.constant 0 : index
    %swap3A_66 = arith.constant 0 : index
    %swap3A_67 = vector.load %arg17[%swap3A_65, %swap3A_66] : memref<1000x64xi32, #tpu.memory_space<vmem>>, vector<1000x64xi32>
    tpu.vector_store %arg17[%swap3A_65, %swap3A_66], %or3A_64 {strides = array<i32>} : memref<1000x64xi32, #tpu.memory_space<vmem>>, vector<1000x64xi32>,
    %get3A_68 = arith.constant 0 : index
    %get3A_69 = arith.constant 0 : index
    %get3A_70 = vector.load %arg7[%get3A_68, %get3A_69] : memref<128x128xf32, #tpu.memory_space<vmem>>, vector<128x128xf32>
    %dot_general3A_71 = arith.constant dense<0.000000e+00> : vector<1000x128xf32>
    %dot_general3A_72 = tpu.matmul %get3A_4, %get3A_70, %dot_general3A_71 {dimension_numbers = #tpu.dot_dimension_numbers<[1], [0], [0], [1], [0, 0, 1, 1], [], []>, transpose_lhs_hint = false} : vector<1000x128xf32>, vector<128x128xf32>, vector<1000x128xf32> -> vector<1000x128xf32>
    %get3A_73 = arith.constant 0 : index
    %get3A_74 = arith.constant 0 : index
    %get3A_75 = vector.load %arg8[%get3A_73, %get3A_74] : memref<1x128xf32, #tpu.memory_space<vmem>>, vector<1x128xf32>
    %add3A_76 = vector.broadcast %get3A_75 : vector<1x128xf32> to vector<1000x128xf32>
    %add3A_77 = arith.addf %dot_general3A_72, %add3A_76 : vector<1000x128xf32>
    %bitcast_convert_type3A_78 = tpu.bitcast %add3A_77 : vector<1000x128xf32> -> vector<1000x128xi32>
    %add3A_79 = arith.constant 32767 : i32
    %add3A_80 = vector.broadcast %add3A_79 : i32 to vector<1000x128xi32>
    %add3A_81 = arith.addi %bitcast_convert_type3A_78, %add3A_80 : vector<1000x128xi32>
    %shift_right_arithmetic3A_82 = arith.constant 16 : i32
    %shift_right_arithmetic3A_83 = vector.broadcast %shift_right_arithmetic3A_82 : i32 to vector<1000x128xi32>
    %shift_right_arithmetic3A_84 = arith.shrsi %bitcast_convert_type3A_78, %shift_right_arithmetic3A_83 : vector<1000x128xi32>
    %and3A_85 = arith.constant 1 : i32
    %and3A_86 = vector.broadcast %and3A_85 : i32 to vector<1000x128xi32>
    %and3A_87 = arith.andi %shift_right_arithmetic3A_84, %and3A_86 : vector<1000x128xi32>
    %add3A_88 = arith.addi %add3A_81, %and3A_87 : vector<1000x128xi32>
    %shift_right_arithmetic3A_89 = arith.constant 16 : i32
    %shift_right_arithmetic3A_90 = vector.broadcast %shift_right_arithmetic3A_89 : i32 to vector<1000x128xi32>
    %shift_right_arithmetic3A_91 = arith.shrsi %add3A_88, %shift_right_arithmetic3A_90 : vector<1000x128xi32>
    %slice3A_92 = vector.extract_strided_slice %shift_right_arithmetic3A_91 {offsets = [0, 0], sizes = [1000, 64], strides = [1, 1]} : vector<1000x128xi32> to vector<1000x64xi32>
    %and3A_93 = arith.constant 65535 : i32
    %and3A_94 = vector.broadcast %and3A_93 : i32 to vector<1000x64xi32>
    %and3A_95 = arith.andi %slice3A_92, %and3A_94 : vector<1000x64xi32>
    %slice3A_96 = vector.extract_strided_slice %shift_right_arithmetic3A_91 {offsets = [0, 64], sizes = [1000, 64], strides = [1, 1]} : vector<1000x128xi32> to vector<1000x64xi32>
    %shift_left3A_97 = arith.constant 16 : i32
    %shift_left3A_98 = vector.broadcast %shift_left3A_97 : i32 to vector<1000x64xi32>
    %shift_left3A_99 = arith.shli %slice3A_96, %shift_left3A_98 : vector<1000x64xi32>
    %or3A_100 = arith.ori %and3A_95, %shift_left3A_99 : vector<1000x64xi32>
    %swap3A_101 = arith.constant 0 : index
    %swap3A_102 = arith.constant 0 : index
    %swap3A_103 = vector.load %arg18[%swap3A_101, %swap3A_102] : memref<1000x64xi32, #tpu.memory_space<vmem>>, vector<1000x64xi32>
    tpu.vector_store %arg18[%swap3A_101, %swap3A_102], %or3A_100 {strides = array<i32>} : memref<1000x64xi32, #tpu.memory_space<vmem>>, vector<1000x64xi32>,
    %get3A_104 = arith.constant 0 : index
    %get3A_105 = arith.constant 0 : index
    %get3A_106 = vector.load %arg9[%get3A_104, %get3A_105] : memref<128x128xf32, #tpu.memory_space<vmem>>, vector<128x128xf32>
    %dot_general3A_107 = arith.constant dense<0.000000e+00> : vector<1000x128xf32>
    %dot_general3A_108 = tpu.matmul %get3A_1, %get3A_106, %dot_general3A_107 {dimension_numbers = #tpu.dot_dimension_numbers<[1], [0], [0], [1], [0, 0, 1, 1], [], []>, transpose_lhs_hint = false} : vector<1000x128xf32>, vector<128x128xf32>, vector<1000x128xf32> -> vector<1000x128xf32>
    %get3A_109 = arith.constant 0 : index
    %get3A_110 = arith.constant 0 : index
    %get3A_111 = vector.load %arg10[%get3A_109, %get3A_110] : memref<1x128xf32, #tpu.memory_space<vmem>>, vector<1x128xf32>
    %add3A_112 = vector.broadcast %get3A_111 : vector<1x128xf32> to vector<1000x128xf32>
    %add3A_113 = arith.addf %dot_general3A_108, %add3A_112 : vector<1000x128xf32>
    %bitcast_convert_type3A_114 = tpu.bitcast %add3A_113 : vector<1000x128xf32> -> vector<1000x128xi32>
    %add3A_115 = arith.constant 32767 : i32
    %add3A_116 = vector.broadcast %add3A_115 : i32 to vector<1000x128xi32>
    %add3A_117 = arith.addi %bitcast_convert_type3A_114, %add3A_116 : vector<1000x128xi32>
    %shift_right_arithmetic3A_118 = arith.constant 16 : i32
    %shift_right_arithmetic3A_119 = vector.broadcast %shift_right_arithmetic3A_118 : i32 to vector<1000x128xi32>
    %shift_right_arithmetic3A_120 = arith.shrsi %bitcast_convert_type3A_114, %shift_right_arithmetic3A_119 : vector<1000x128xi32>
    %and3A_121 = arith.constant 1 : i32
    %and3A_122 = vector.broadcast %and3A_121 : i32 to vector<1000x128xi32>
    %and3A_123 = arith.andi %shift_right_arithmetic3A_120, %and3A_122 : vector<1000x128xi32>
    %add3A_124 = arith.addi %add3A_117, %and3A_123 : vector<1000x128xi32>
    %shift_right_arithmetic3A_125 = arith.constant 16 : i32
    %shift_right_arithmetic3A_126 = vector.broadcast %shift_right_arithmetic3A_125 : i32 to vector<1000x128xi32>
    %shift_right_arithmetic3A_127 = arith.shrsi %add3A_124, %shift_right_arithmetic3A_126 : vector<1000x128xi32>
    %slice3A_128 = vector.extract_strided_slice %shift_right_arithmetic3A_127 {offsets = [0, 0], sizes = [1000, 64], strides = [1, 1]} : vector<1000x128xi32> to vector<1000x64xi32>
    %and3A_129 = arith.constant 65535 : i32
    %and3A_130 = vector.broadcast %and3A_129 : i32 to vector<1000x64xi32>
    %and3A_131 = arith.andi %slice3A_128, %and3A_130 : vector<1000x64xi32>
    %slice3A_132 = vector.extract_strided_slice %shift_right_arithmetic3A_127 {offsets = [0, 64], sizes = [1000, 64], strides = [1, 1]} : vector<1000x128xi32> to vector<1000x64xi32>
    %shift_left3A_133 = arith.constant 16 : i32
    %shift_left3A_134 = vector.broadcast %shift_left3A_133 : i32 to vector<1000x64xi32>
    %shift_left3A_135 = arith.shli %slice3A_132, %shift_left3A_134 : vector<1000x64xi32>
    %or3A_136 = arith.ori %and3A_131, %shift_left3A_135 : vector<1000x64xi32>
    %swap3A_137 = arith.constant 0 : index
    %swap3A_138 = arith.constant 0 : index
    %swap3A_139 = vector.load %arg19[%swap3A_137, %swap3A_138] : memref<1000x64xi32, #tpu.memory_space<vmem>>, vector<1000x64xi32>
    tpu.vector_store %arg19[%swap3A_137, %swap3A_138], %or3A_136 {strides = array<i32>} : memref<1000x64xi32, #tpu.memory_space<vmem>>, vector<1000x64xi32>,
    %eq3A = arith.constant 0 : i32
    %eq3A_140 = arith.cmpi eq, %arg0, %eq3A : i32
    %convert_element_type3A = arith.extui %eq3A_140 : i1 to i32
    %cond3A = arith.constant 0 : i32
    %cond3A_141 = arith.cmpi ne, %convert_element_type3A, %cond3A : i32
    scf.if %cond3A_141 {
      %get3A_142 = arith.constant 0 : index
      %get3A_143 = arith.constant 0 : index
      %get3A_144 = vector.load %arg11[%get3A_142, %get3A_143] : memref<64x64xf32, #tpu.memory_space<vmem>>, vector<64x64xf32>
      %iota3A = tpu.iota {dimensions = array<i32: 0>} : vector<64x128xi32>
      %lt3A = arith.constant 50 : i32
      %lt3A_145 = vector.broadcast %lt3A : i32 to vector<64x128xi32>
      %lt3A_146 = arith.cmpi slt, %iota3A, %lt3A_145 : vector<64x128xi32>
      %get3A_147 = arith.constant 0 : index
      %get3A_148 = arith.constant 0 : index
      %get3A_149 = vector.load %arg12[%get3A_147, %get3A_148] : memref<64x128xf32, #tpu.memory_space<vmem>>, vector<64x128xf32>
      %dot_general3A_150 = arith.constant dense<0.000000e+00> : vector<64x128xf32>
      %dot_general3A_151 = tpu.matmul %get3A_144, %get3A_149, %dot_general3A_150 {dimension_numbers = #tpu.dot_dimension_numbers<[1], [0], [0], [1], [0, 0, 1, 1], [], []>, transpose_lhs_hint = false} : vector<64x64xf32>, vector<64x128xf32>, vector<64x128xf32> -> vector<64x128xf32>
      %get3A_152 = arith.constant 0 : index
      %get3A_153 = arith.constant 0 : index
      %get3A_154 = vector.load %arg13[%get3A_152, %get3A_153] : memref<1x128xf32, #tpu.memory_space<vmem>>, vector<1x128xf32>
      %add3A_155 = vector.broadcast %get3A_154 : vector<1x128xf32> to vector<64x128xf32>
      %add3A_156 = arith.addf %dot_general3A_151, %add3A_155 : vector<64x128xf32>
      %neg3A = arith.constant 0.000000e+00 : f32
      %neg3A_157 = vector.broadcast %neg3A : f32 to vector<64x128xf32>
      %neg3A_158 = arith.subf %neg3A_157, %add3A_156 : vector<64x128xf32>
      %exp3A = math.exp %neg3A_158 : vector<64x128xf32>
      %add3A_159 = arith.constant 1.000000e+00 : f32
      %add3A_160 = vector.broadcast %add3A_159 : f32 to vector<64x128xf32>
      %add3A_161 = arith.addf %add3A_160, %exp3A : vector<64x128xf32>
      %div3A = arith.constant 1.000000e+00 : f32
      %div3A_162 = vector.broadcast %div3A : f32 to vector<64x128xf32>
      %div3A_163 = arith.divf %div3A_162, %add3A_161 : vector<64x128xf32>
      %mul3A = arith.constant 2.500000e-01 : f32
      %mul3A_164 = vector.broadcast %mul3A : f32 to vector<64x128xf32>
      %mul3A_165 = arith.mulf %div3A_163, %mul3A_164 : vector<64x128xf32>
      %jit3A = arith.constant 0.000000e+00 : f32
      %broadcast_in_dim3A = vector.broadcast %jit3A : f32 to vector<64x128xf32>
      %select_n3A = arith.select %lt3A_146, %mul3A_165, %broadcast_in_dim3A : vector<64x128xi1>, vector<64x128xf32>
      %bitcast_convert_type3A_166 = tpu.bitcast %select_n3A : vector<64x128xf32> -> vector<64x128xi32>
      %add3A_167 = arith.constant 32767 : i32
      %add3A_168 = vector.broadcast %add3A_167 : i32 to vector<64x128xi32>
      %add3A_169 = arith.addi %bitcast_convert_type3A_166, %add3A_168 : vector<64x128xi32>
      %shift_right_arithmetic3A_170 = arith.constant 16 : i32
      %shift_right_arithmetic3A_171 = vector.broadcast %shift_right_arithmetic3A_170 : i32 to vector<64x128xi32>
      %shift_right_arithmetic3A_172 = arith.shrsi %bitcast_convert_type3A_166, %shift_right_arithmetic3A_171 : vector<64x128xi32>
      %and3A_173 = arith.constant 1 : i32
      %and3A_174 = vector.broadcast %and3A_173 : i32 to vector<64x128xi32>
      %and3A_175 = arith.andi %shift_right_arithmetic3A_172, %and3A_174 : vector<64x128xi32>
      %add3A_176 = arith.addi %add3A_169, %and3A_175 : vector<64x128xi32>
      %shift_right_arithmetic3A_177 = arith.constant 16 : i32
      %shift_right_arithmetic3A_178 = vector.broadcast %shift_right_arithmetic3A_177 : i32 to vector<64x128xi32>
      %shift_right_arithmetic3A_179 = arith.shrsi %add3A_176, %shift_right_arithmetic3A_178 : vector<64x128xi32>
      %slice3A_180 = vector.extract_strided_slice %shift_right_arithmetic3A_179 {offsets = [0, 0], sizes = [64, 64], strides = [1, 1]} : vector<64x128xi32> to vector<64x64xi32>
      %and3A_181 = arith.constant 65535 : i32
      %and3A_182 = vector.broadcast %and3A_181 : i32 to vector<64x64xi32>
      %and3A_183 = arith.andi %slice3A_180, %and3A_182 : vector<64x64xi32>
      %slice3A_184 = vector.extract_strided_slice %shift_right_arithmetic3A_179 {offsets = [0, 64], sizes = [64, 64], strides = [1, 1]} : vector<64x128xi32> to vector<64x64xi32>
      %shift_left3A_185 = arith.constant 16 : i32
      %shift_left3A_186 = vector.broadcast %shift_left3A_185 : i32 to vector<64x64xi32>
      %shift_left3A_187 = arith.shli %slice3A_184, %shift_left3A_186 : vector<64x64xi32>
      %or3A_188 = arith.ori %and3A_183, %shift_left3A_187 : vector<64x64xi32>
      %swap3A_189 = arith.constant 0 : index
      %swap3A_190 = arith.constant 0 : index
      %swap3A_191 = vector.load %arg20[%swap3A_189, %swap3A_190] : memref<64x64xi32, #tpu.memory_space<vmem>>, vector<64x64xi32>
      tpu.vector_store %arg20[%swap3A_189, %swap3A_190], %or3A_188 {strides = array<i32>} : memref<64x64xi32, #tpu.memory_space<vmem>>, vector<64x64xi32>,
      %get3A_192 = arith.constant 0 : index
      %get3A_193 = arith.constant 0 : index
      %get3A_194 = vector.load %arg14[%get3A_192, %get3A_193] : memref<64x128xf32, #tpu.memory_space<vmem>>, vector<64x128xf32>
      %dot_general3A_195 = arith.constant dense<0.000000e+00> : vector<64x128xf32>
      %dot_general3A_196 = tpu.matmul %get3A_144, %get3A_194, %dot_general3A_195 {dimension_numbers = #tpu.dot_dimension_numbers<[1], [0], [0], [1], [0, 0, 1, 1], [], []>, transpose_lhs_hint = false} : vector<64x64xf32>, vector<64x128xf32>, vector<64x128xf32> -> vector<64x128xf32>
      %get3A_197 = arith.constant 0 : index
      %get3A_198 = arith.constant 0 : index
      %get3A_199 = vector.load %arg15[%get3A_197, %get3A_198] : memref<1x128xf32, #tpu.memory_space<vmem>>, vector<1x128xf32>
      %add3A_200 = vector.broadcast %get3A_199 : vector<1x128xf32> to vector<64x128xf32>
      %add3A_201 = arith.addf %dot_general3A_196, %add3A_200 : vector<64x128xf32>
      %neg3A_202 = arith.constant 0.000000e+00 : f32
      %neg3A_203 = vector.broadcast %neg3A_202 : f32 to vector<64x128xf32>
      %neg3A_204 = arith.subf %neg3A_203, %add3A_201 : vector<64x128xf32>
      %exp3A_205 = math.exp %neg3A_204 : vector<64x128xf32>
      %add3A_206 = arith.constant 1.000000e+00 : f32
      %add3A_207 = vector.broadcast %add3A_206 : f32 to vector<64x128xf32>
      %add3A_208 = arith.addf %add3A_207, %exp3A_205 : vector<64x128xf32>
      %div3A_209 = arith.constant 1.000000e+00 : f32
      %div3A_210 = vector.broadcast %div3A_209 : f32 to vector<64x128xf32>
      %div3A_211 = arith.divf %div3A_210, %add3A_208 : vector<64x128xf32>
      %mul3A_212 = arith.constant 2.500000e-01 : f32
      %mul3A_213 = vector.broadcast %mul3A_212 : f32 to vector<64x128xf32>
      %mul3A_214 = arith.mulf %div3A_211, %mul3A_213 : vector<64x128xf32>
      %jit3A_215 = arith.constant 0.000000e+00 : f32
      %broadcast_in_dim3A_216 = vector.broadcast %jit3A_215 : f32 to vector<64x128xf32>
      %select_n3A_217 = arith.select %lt3A_146, %mul3A_214, %broadcast_in_dim3A_216 : vector<64x128xi1>, vector<64x128xf32>
      %bitcast_convert_type3A_218 = tpu.bitcast %select_n3A_217 : vector<64x128xf32> -> vector<64x128xi32>
      %add3A_219 = arith.constant 32767 : i32
      %add3A_220 = vector.broadcast %add3A_219 : i32 to vector<64x128xi32>
      %add3A_221 = arith.addi %bitcast_convert_type3A_218, %add3A_220 : vector<64x128xi32>
      %shift_right_arithmetic3A_222 = arith.constant 16 : i32
      %shift_right_arithmetic3A_223 = vector.broadcast %shift_right_arithmetic3A_222 : i32 to vector<64x128xi32>
      %shift_right_arithmetic3A_224 = arith.shrsi %bitcast_convert_type3A_218, %shift_right_arithmetic3A_223 : vector<64x128xi32>
      %and3A_225 = arith.constant 1 : i32
      %and3A_226 = vector.broadcast %and3A_225 : i32 to vector<64x128xi32>
      %and3A_227 = arith.andi %shift_right_arithmetic3A_224, %and3A_226 : vector<64x128xi32>
      %add3A_228 = arith.addi %add3A_221, %and3A_227 : vector<64x128xi32>
      %shift_right_arithmetic3A_229 = arith.constant 16 : i32
      %shift_right_arithmetic3A_230 = vector.broadcast %shift_right_arithmetic3A_229 : i32 to vector<64x128xi32>
      %shift_right_arithmetic3A_231 = arith.shrsi %add3A_228, %shift_right_arithmetic3A_230 : vector<64x128xi32>
      %slice3A_232 = vector.extract_strided_slice %shift_right_arithmetic3A_231 {offsets = [0, 0], sizes = [64, 64], strides = [1, 1]} : vector<64x128xi32> to vector<64x64xi32>
      %and3A_233 = arith.constant 65535 : i32
      %and3A_234 = vector.broadcast %and3A_233 : i32 to vector<64x64xi32>
      %and3A_235 = arith.andi %slice3A_232, %and3A_234 : vector<64x64xi32>
      %slice3A_236 = vector.extract_strided_slice %shift_right_arithmetic3A_231 {offsets = [0, 64], sizes = [64, 64], strides = [1, 1]} : vector<64x128xi32> to vector<64x64xi32>
      %shift_left3A_237 = arith.constant 16 : i32
      %shift_left3A_238 = vector.broadcast %shift_left3A_237 : i32 to vector<64x64xi32>
      %shift_left3A_239 = arith.shli %slice3A_236, %shift_left3A_238 : vector<64x64xi32>
      %or3A_240 = arith.ori %and3A_235, %shift_left3A_239 : vector<64x64xi32>
      %swap3A_241 = arith.constant 0 : index
      %swap3A_242 = arith.constant 0 : index
      %swap3A_243 = vector.load %arg21[%swap3A_241, %swap3A_242] : memref<64x64xi32, #tpu.memory_space<vmem>>, vector<64x64xi32>
      tpu.vector_store %arg21[%swap3A_241, %swap3A_242], %or3A_240 {strides = array<i32>} : memref<64x64xi32, #tpu.memory_space<vmem>>, vector<64x64xi32>,
    } else {
    }
    return
  }
  func.func @transform_0(%arg0: i32) -> (i32, i32) {
    %c0_i32 = arith.constant 0 : i32
    %c0_i32_0 = arith.constant 0 : i32
    return %arg0, %c0_i32 : i32, i32
  }
  func.func @transform_1(%arg0: i32) -> (i32, i32) {
    %c0_i32 = arith.constant 0 : i32
    %c0_i32_0 = arith.constant 0 : i32
    return %arg0, %c0_i32 : i32, i32
  }
  func.func @transform_2(%arg0: i32) -> (i32, i32) {
    %c0_i32 = arith.constant 0 : i32
    %c0_i32_0 = arith.constant 0 : i32
    %c0_i32_1 = arith.constant 0 : i32
    return %c0_i32, %c0_i32_0 : i32, i32
  }
  func.func @transform_3(%arg0: i32) -> (i32, i32) {
    %c0_i32 = arith.constant 0 : i32
    %c0_i32_0 = arith.constant 0 : i32
    %c0_i32_1 = arith.constant 0 : i32
    return %c0_i32, %c0_i32_0 : i32, i32
  }
  func.func @transform_4(%arg0: i32) -> (i32, i32) {
    %c0_i32 = arith.constant 0 : i32
    %c0_i32_0 = arith.constant 0 : i32
    %c0_i32_1 = arith.constant 0 : i32
    return %c0_i32, %c0_i32_0 : i32, i32
  }
  func.func @transform_5(%arg0: i32) -> (i32, i32) {
    %c0_i32 = arith.constant 0 : i32
    %c0_i32_0 = arith.constant 0 : i32
    %c0_i32_1 = arith.constant 0 : i32
    return %c0_i32, %c0_i32_0 : i32, i32
  }
  func.func @transform_6(%arg0: i32) -> (i32, i32) {
    %c0_i32 = arith.constant 0 : i32
    %c0_i32_0 = arith.constant 0 : i32
    %c0_i32_1 = arith.constant 0 : i32
    return %c0_i32, %c0_i32_0 : i32, i32
  }
  func.func @transform_7(%arg0: i32) -> (i32, i32) {
    %c0_i32 = arith.constant 0 : i32
    %c0_i32_0 = arith.constant 0 : i32
    %c0_i32_1 = arith.constant 0 : i32
    return %c0_i32, %c0_i32_0 : i32, i32
  }
  func.func @transform_8(%arg0: i32) -> (i32, i32) {
    %c0_i32 = arith.constant 0 : i32
    %c0_i32_0 = arith.constant 0 : i32
    %c0_i32_1 = arith.constant 0 : i32
    return %c0_i32, %c0_i32_0 : i32, i32
  }
  func.func @transform_9(%arg0: i32) -> (i32, i32) {
    %c0_i32 = arith.constant 0 : i32
    %c0_i32_0 = arith.constant 0 : i32
    %c0_i32_1 = arith.constant 0 : i32
    return %c0_i32, %c0_i32_0 : i32, i32
  }
  func.func @transform_10(%arg0: i32) -> (i32, i32) {
    %c0_i32 = arith.constant 0 : i32
    %c0_i32_0 = arith.constant 0 : i32
    %c0_i32_1 = arith.constant 0 : i32
    return %c0_i32, %c0_i32_0 : i32, i32
  }
  func.func @transform_11(%arg0: i32) -> (i32, i32) {
    %c0_i32 = arith.constant 0 : i32
    %c0_i32_0 = arith.constant 0 : i32
    %c0_i32_1 = arith.constant 0 : i32
    return %c0_i32, %c0_i32_0 : i32, i32
  }
  func.func @transform_12(%arg0: i32) -> (i32, i32) {
    %c0_i32 = arith.constant 0 : i32
    %c0_i32_0 = arith.constant 0 : i32
    %c0_i32_1 = arith.constant 0 : i32
    return %c0_i32, %c0_i32_0 : i32, i32
  }
  func.func @transform_13(%arg0: i32) -> (i32, i32) {
    %c0_i32 = arith.constant 0 : i32
    %c0_i32_0 = arith.constant 0 : i32
    %c0_i32_1 = arith.constant 0 : i32
    return %c0_i32, %c0_i32_0 : i32, i32
  }
  func.func @transform_14(%arg0: i32) -> (i32, i32) {
    %c0_i32 = arith.constant 0 : i32
    %c0_i32_0 = arith.constant 0 : i32
    %c0_i32_1 = arith.constant 0 : i32
    return %c0_i32, %c0_i32_0 : i32, i32
  }
  func.func @transform_15(%arg0: i32) -> (i32, i32) {
    %c0_i32 = arith.constant 0 : i32
    %c0_i32_0 = arith.constant 0 : i32
    return %arg0, %c0_i32 : i32, i32
  }
  func.func @transform_16(%arg0: i32) -> (i32, i32) {
    %c0_i32 = arith.constant 0 : i32
    %c0_i32_0 = arith.constant 0 : i32
    return %arg0, %c0_i32 : i32, i32
  }
  func.func @transform_17(%arg0: i32) -> (i32, i32) {
    %c0_i32 = arith.constant 0 : i32
    %c0_i32_0 = arith.constant 0 : i32
    return %arg0, %c0_i32 : i32, i32
  }
  func.func @transform_18(%arg0: i32) -> (i32, i32) {
    %c0_i32 = arith.constant 0 : i32
    %c0_i32_0 = arith.constant 0 : i32
    return %arg0, %c0_i32 : i32, i32
  }
  func.func @transform_19(%arg0: i32) -> (i32, i32) {
    %c0_i32 = arith.constant 0 : i32
    %c0_i32_0 = arith.constant 0 : i32
    %c0_i32_1 = arith.constant 0 : i32
    return %c0_i32, %c0_i32_0 : i32, i32
  }
  func.func @transform_20(%arg0: i32) -> (i32, i32) {
    %c0_i32 = arith.constant 0 : i32
    %c0_i32_0 = arith.constant 0 : i32
    %c0_i32_1 = arith.constant 0 : i32
    return %c0_i32, %c0_i32_0 : i32, i32
  }
}

module attributes {stable_mosaic.version = 14 : i64} {
  func.func @_out_body(%arg0: i32, %arg1: memref<1000x128xf32, #tpu.memory_space<vmem>>, %arg2: memref<128x128xf32, #tpu.memory_space<vmem>>, %arg3: memref<1x128xf32, #tpu.memory_space<vmem>>, %arg4: memref<1000x128xf32, #tpu.memory_space<vmem>>, %arg5: memref<128x128xf32, #tpu.memory_space<vmem>>, %arg6: memref<1x128xf32, #tpu.memory_space<vmem>>, %arg7: memref<1000x128xf32, #tpu.memory_space<vmem>>, %arg8: memref<1000x128xf32, #tpu.memory_space<vmem>>) attributes {dimension_semantics = [#tpu.dimension_semantics<arbitrary>], iteration_bounds = array<i64: 10>, scalar_prefetch = 0 : i64, scratch_operands = 0 : i64, tpu.core_type = #tpu.core_type<tc>, window_params = [{transform_indices = @transform_0, window_bounds = array<i64: 1000, 128>}, {pipeline_mode = #tpu.pipeline_mode<synchronous>, transform_indices = @transform_1, window_bounds = array<i64: 128, 128>}, {pipeline_mode = #tpu.pipeline_mode<synchronous>, transform_indices = @transform_2, window_bounds = array<i64: 1, 128>}, {transform_indices = @transform_3, window_bounds = array<i64: 1000, 128>}, {pipeline_mode = #tpu.pipeline_mode<synchronous>, transform_indices = @transform_4, window_bounds = array<i64: 128, 128>}, {pipeline_mode = #tpu.pipeline_mode<synchronous>, transform_indices = @transform_5, window_bounds = array<i64: 1, 128>}, {transform_indices = @transform_6, window_bounds = array<i64: 1000, 128>}, {transform_indices = @transform_7, window_bounds = array<i64: 1000, 128>}]} {
    %get3A = arith.constant 0 : index
    %get3A_0 = arith.constant 0 : index
    %get3A_1 = vector.load %arg1[%get3A, %get3A_0] : memref<1000x128xf32, #tpu.memory_space<vmem>>, vector<1000x128xf32>
    %get3A_2 = arith.constant 0 : index
    %get3A_3 = arith.constant 0 : index
    %get3A_4 = vector.load %arg2[%get3A_2, %get3A_3] : memref<128x128xf32, #tpu.memory_space<vmem>>, vector<128x128xf32>
    %dot_general3A = arith.constant dense<0.000000e+00> : vector<1000x128xf32>
    %dot_general3A_5 = tpu.matmul %get3A_1, %get3A_4, %dot_general3A {dimension_numbers = #tpu.dot_dimension_numbers<[1], [0], [0], [1], [0, 0, 1, 1], [], []>, transpose_lhs_hint = false} : vector<1000x128xf32>, vector<128x128xf32>, vector<1000x128xf32> -> vector<1000x128xf32>
    %get3A_6 = arith.constant 0 : index
    %get3A_7 = arith.constant 0 : index
    %get3A_8 = vector.load %arg3[%get3A_6, %get3A_7] : memref<1x128xf32, #tpu.memory_space<vmem>>, vector<1x128xf32>
    %add3A = vector.broadcast %get3A_8 : vector<1x128xf32> to vector<1000x128xf32>
    %add3A_9 = arith.addf %dot_general3A_5, %add3A : vector<1000x128xf32>
    %swap3A = arith.constant 0 : index
    %swap3A_10 = arith.constant 0 : index
    %swap3A_11 = vector.load %arg7[%swap3A, %swap3A_10] : memref<1000x128xf32, #tpu.memory_space<vmem>>, vector<1000x128xf32>
    tpu.vector_store %arg7[%swap3A, %swap3A_10], %add3A_9 {strides = array<i32>} : memref<1000x128xf32, #tpu.memory_space<vmem>>, vector<1000x128xf32>,
    %get3A_12 = arith.constant 0 : index
    %get3A_13 = arith.constant 0 : index
    %get3A_14 = vector.load %arg4[%get3A_12, %get3A_13] : memref<1000x128xf32, #tpu.memory_space<vmem>>, vector<1000x128xf32>
    %get3A_15 = arith.constant 0 : index
    %get3A_16 = arith.constant 0 : index
    %get3A_17 = vector.load %arg5[%get3A_15, %get3A_16] : memref<128x128xf32, #tpu.memory_space<vmem>>, vector<128x128xf32>
    %dot_general3A_18 = arith.constant dense<0.000000e+00> : vector<1000x128xf32>
    %dot_general3A_19 = tpu.matmul %get3A_14, %get3A_17, %dot_general3A_18 {dimension_numbers = #tpu.dot_dimension_numbers<[1], [0], [0], [1], [0, 0, 1, 1], [], []>, transpose_lhs_hint = false} : vector<1000x128xf32>, vector<128x128xf32>, vector<1000x128xf32> -> vector<1000x128xf32>
    %get3A_20 = arith.constant 0 : index
    %get3A_21 = arith.constant 0 : index
    %get3A_22 = vector.load %arg6[%get3A_20, %get3A_21] : memref<1x128xf32, #tpu.memory_space<vmem>>, vector<1x128xf32>
    %add3A_23 = vector.broadcast %get3A_22 : vector<1x128xf32> to vector<1000x128xf32>
    %add3A_24 = arith.addf %dot_general3A_19, %add3A_23 : vector<1000x128xf32>
    %swap3A_25 = arith.constant 0 : index
    %swap3A_26 = arith.constant 0 : index
    %swap3A_27 = vector.load %arg8[%swap3A_25, %swap3A_26] : memref<1000x128xf32, #tpu.memory_space<vmem>>, vector<1000x128xf32>
    tpu.vector_store %arg8[%swap3A_25, %swap3A_26], %add3A_24 {strides = array<i32>} : memref<1000x128xf32, #tpu.memory_space<vmem>>, vector<1000x128xf32>,
    return
  }
  func.func @transform_0(%arg0: i32) -> (i32, i32) {
    %c0_i32 = arith.constant 0 : i32
    %c0_i32_0 = arith.constant 0 : i32
    return %arg0, %c0_i32 : i32, i32
  }
  func.func @transform_1(%arg0: i32) -> (i32, i32) {
    %c0_i32 = arith.constant 0 : i32
    %c0_i32_0 = arith.constant 0 : i32
    %c0_i32_1 = arith.constant 0 : i32
    return %c0_i32, %c0_i32_0 : i32, i32
  }
  func.func @transform_2(%arg0: i32) -> (i32, i32) {
    %c0_i32 = arith.constant 0 : i32
    %c0_i32_0 = arith.constant 0 : i32
    %c0_i32_1 = arith.constant 0 : i32
    return %c0_i32, %c0_i32_0 : i32, i32
  }
  func.func @transform_3(%arg0: i32) -> (i32, i32) {
    %c0_i32 = arith.constant 0 : i32
    %c0_i32_0 = arith.constant 0 : i32
    return %arg0, %c0_i32 : i32, i32
  }
  func.func @transform_4(%arg0: i32) -> (i32, i32) {
    %c0_i32 = arith.constant 0 : i32
    %c0_i32_0 = arith.constant 0 : i32
    %c0_i32_1 = arith.constant 0 : i32
    return %c0_i32, %c0_i32_0 : i32, i32
  }
  func.func @transform_5(%arg0: i32) -> (i32, i32) {
    %c0_i32 = arith.constant 0 : i32
    %c0_i32_0 = arith.constant 0 : i32
    %c0_i32_1 = arith.constant 0 : i32
    return %c0_i32, %c0_i32_0 : i32, i32
  }
  func.func @transform_6(%arg0: i32) -> (i32, i32) {
    %c0_i32 = arith.constant 0 : i32
    %c0_i32_0 = arith.constant 0 : i32
    return %arg0, %c0_i32 : i32, i32
  }
  func.func @transform_7(%arg0: i32) -> (i32, i32) {
    %c0_i32 = arith.constant 0 : i32
    %c0_i32_0 = arith.constant 0 : i32
    return %arg0, %c0_i32 : i32, i32
  }
}

</mosaic_0001>

<sc_bundles>
// kernel: kernel.5.cloned.1.call-start
scs
__scs_entry_jumppad:
0x0: {  	(pc) =	sbr.rel $0x88, $3  }
0x1: {  	(tag) =	ssettag $0x0;
	lr =	simm.s32 $0x1  }
0x2: {  	[smem:$0x3F89] =	sst lr;
	_ =	strace $0xD0000000  }
0x3: {  	_ = 	snop  }
0x4: {  	_ = 	snop  }
0x5: {  	_ = 	snop  }
0x6: {  	_ = 	snop  }
0x7: {  	_ = 	snop  }
__scs_overlays_trampoline_lowered:
0x8: {  	[smem:$0x3F98] =	sst s0  }
0x9: {  	[smem:$0x3F99] =	sst s1  }
0xa: {  	[smem:$0x3F9A] =	sst s2  }
0xb: {  	[smem:$0x3F9B] =	sst s3  }
0xc: {  	[smem:$0x3F9C] =	sst s4  }
0xd: {  	[smem:$0x3F9D] =	sst s5  }
0xe: {  	[smem:$0x3F9E] =	sst s6  }
0xf: {  	[smem:$0x3F9F] =	sst s7  }
0x10: {  	[smem:$0x3FA0] =	sst s8  }
0x11: {  	[smem:$0x3FA1] =	sst s9;
	s0 =	simm.s32 @!p0 $0x0  }
0x12: {  	s1 =	sld [smem:$0x3F87];
	s0 =	simm.s32 @p0 $0x1  }
0x13: {  	[smem:$0x3FA2] =	sst s0;
	s0 =	simm.s32 @!p1 $0x0  }
0x14: {  	s2 =	sld [smem:$0x3F86];
	s0 =	simm.s32 @p1 $0x1  }
0x15: {  	[smem:$0x3FA3] =	sst s0;
	s0 =	simm.s32 @!p2 $0x0  }
0x16: {  	s3 =	sld [smem:$0x3FDB];
	s0 =	simm.s32 @p2 $0x1  }
0x17: {  	s4 =	simm.s32 $0x1BF5;
	[smem:$0x3FA5] =	sst s0  }
0x18: {  	s0 =	sld [smem:$0x3F88];
	_ =	swait.ge [sflag:s4], $0x0  }
0x19: {  	s7 =	sld [smem:$0x3F89]  }
0x1a: {  	s8 =	sadd.s32 $0xFFFFE003, lr  }
0x1b: {  	s9 =	sadd.s32 $0xFFFFFEF7, lr;
	s5 =	simm.s32 $0xFFFFFFFF;
	p2 =	slt.u32 s8, $0xFFFFF086  }
0x1c: {  	p1 =	slt.u32 s9, $0xF7A;
	s5 =	simm.s32 @!p2 $0x0  }
0x1d: {  	s5 =	simm.s32 @p1 $0x1;
	p0 =	seq.s32 s7, s2  }
0x1e: {  	s7 =	smul.u32 @!p0 $0xF7A, s2;
	p2 =	seq.s32 @!p0 s5, $0x0  }
0x1f: {  	s9 =	smul.u32 $0xF7A, s1;
	s8 =	simm.s32 @!p0 $0x1BF5;
	p2 =	por !p2, p0  }
0x20: {  	[sflag:s8] =	ssyncset.s32 @!p0 $0xFFFFF086;
	s6 =	sadd.s32 @!p0 s3, s7;
	s7 =	simm.s32 @!p0 $0x108  }
0x21: {  	s3 =	sadd.s32 s3, s9;
	s6 =	sadd.s32 @!p0 $0x88, s6;
	s7 =	simm.s32 @p2 $0x1082  }
0x22: {  	[simem:s7], [sflag:s8] =	dma.local @!p0 [hbm:s6], $0xF7A  }
0x23: {  	s9 =	sor.u32 $0xD0000000, s2;
	s6 =	simm.s32 $0x108;
	_ =	swait.ge @!p0 [sflag:s8], $0x0  }
0x24: {  	s3 =	sadd.s32 $0x88, s3;
	s6 =	simm.s32 @!p1 $0x1082;
	[sflag:s4] =	ssyncset.s32 $0xFFFFF086  }
0x25: {  	[simem:s6], [sflag:s4] =	dma.local [hbm:s3], $0xF7A  }
0x26: {  	[smem:$0x3F89] =	sst s1;
	(tag) =	ssettag s2;
	_ =	strace s9  }
0x27: {  	s1 =	sld [smem:$0x3F99]  }
0x28: {  	s2 =	sld [smem:$0x3F9A]  }
0x29: {  	s4 =	sld [smem:$0x3F9C]  }
0x2a: {  	p0 =	seq.s32 s5, $0x0;
	s5 =	sld [smem:$0x3F9D]  }
0x2b: {  	s6 =	sld [smem:$0x3F9E]  }
0x2c: {  	s7 =	sld [smem:$0x3F9F]  }
0x2d: {  	s3 =	simm.s32 $0x108;
	s8 =	sld [smem:$0x3FA0]  }
0x2e: {  	s3 =	simm.s32 @!p0 $0x1082;
	s9 =	sld [smem:$0x3FA1]  }
0x2f: {  	lr =	sadd.s32 s0, s3;
	s0 =	sld [smem:$0x3F98]  }
0x30: {  	s3 =	sld [smem:$0x3F9B]  }
0x31: {  	[smem:$0x3FA4] =	sst s10  }
0x32: {  	s10 =	sld [smem:$0x3FA2];
	_ =	sdelay $0x3  }
0x33: {  	p0 =	seq.s32 s10, $0x1;
	s10 =	sld [smem:$0x3FA4];
	_ =	sdelay $0x3  }
0x34: {  	[smem:$0x3FA4] =	sst s10  }
0x35: {  	s10 =	sld [smem:$0x3FA3];
	_ =	sdelay $0x3  }
0x36: {  	p1 =	seq.s32 s10, $0x1;
	s10 =	sld [smem:$0x3FA4];
	_ =	sdelay $0x3  }
0x37: {  	[smem:$0x3FA4] =	sst s10  }
0x38: {  	s10 =	sld [smem:$0x3FA5]  }
0x39: {  	_ = 	snop;
	(pc) =	sbr.ind lr, $3  }
0x3a: {  	_ = 	snop  }
0x3b: {  	_ = 	snop  }
0x3c: {  	p2 =	seq.s32 s10, $0x1;
	s10 =	sld [smem:$0x3FA4]  }
0x3d: {  	_ =	shalt  }
0x3e: {  	_ =	shalt  }
0x3f: {  	_ =	shalt  }
0x40: {  	_ =	shalt  }
0x41: {  	_ =	shalt  }
0x42: {  	_ =	shalt  }
0x43: {  	_ =	shalt  }
0x44: {  	_ =	shalt  }
0x45: {  	_ =	shalt  }
0x46: {  	_ =	shalt  }
0x47: {  	_ =	shalt  }
0x48: {  	_ =	shalt  }
0x49: {  	_ =	shalt  }
0x4a: {  	_ =	shalt  }
0x4b: {  	_ =	shalt  }
0x4c: {  	_ =	shalt  }
0x4d: {  	_ =	shalt  }
0x4e: {  	_ =	shalt  }
0x4f: {  	_ =	shalt  }
0x50: {  	_ =	shalt  }
0x51: {  	_ =	shalt  }
0x52: {  	_ =	shalt  }
0x53: {  	_ =	shalt  }
0x54: {  	_ =	shalt  }
0x55: {  	_ =	shalt  }
0x56: {  	_ =	shalt  }
0x57: {  	_ =	shalt  }
0x58: {  	_ =	shalt  }
0x59: {  	_ =	shalt  }
0x5a: {  	_ =	shalt  }
0x5b: {  	_ =	shalt  }
0x5c: {  	_ =	shalt  }
0x5d: {  	_ =	shalt  }
0x5e: {  	_ =	shalt  }
0x5f: {  	_ =	shalt  }
0x60: {  	_ =	shalt  }
0x61: {  	_ =	shalt  }
0x62: {  	_ =	shalt  }
0x63: {  	_ =	shalt  }
0x64: {  	_ =	shalt  }
0x65: {  	_ =	shalt  }
0x66: {  	_ =	shalt  }
0x67: {  	_ =	shalt  }
0x68: {  	_ =	shalt  }
0x69: {  	_ =	shalt  }
0x6a: {  	_ =	shalt  }
0x6b: {  	_ =	shalt  }
0x6c: {  	_ =	shalt  }
0x6d: {  	_ =	shalt  }
0x6e: {  	_ =	shalt  }
0x6f: {  	_ =	shalt  }
0x70: {  	_ =	shalt  }
0x71: {  	_ =	shalt  }
0x72: {  	_ =	shalt  }
0x73: {  	_ =	shalt  }
0x74: {  	_ =	shalt  }
0x75: {  	_ =	shalt  }
0x76: {  	_ =	shalt  }
0x77: {  	_ =	shalt  }
0x78: {  	_ =	shalt  }
0x79: {  	_ =	shalt  }
0x7a: {  	_ =	shalt  }
0x7b: {  	_ =	shalt  }
0x7c: {  	_ =	shalt  }
0x7d: {  	_ =	shalt  }
0x7e: {  	_ =	shalt  }
0x7f: {  	_ =	shalt  }
0x80: {  	_ =	shalt  }
0x81: {  	_ =	shalt  }
0x82: {  	_ =	shalt  }
0x83: {  	_ =	shalt  }
0x84: {  	_ =	shalt  }
0x85: {  	_ =	shalt  }
0x86: {  	_ =	shalt  }
0x87: {  	_ =	shalt  }
.Lfunc_end0:
.L_simem_size_0:
called_computation_lowered:
.L_overlay_start_0:
0x88: {  	s2 =	sld [smem:$0x3FD9]  }
0x89: {  	s3 =	sld [smem:$0x3FFE];
	_ =	sdelay $0x1  }
0x8a: {  	s1 =	srdreg.scid  }
0x8b: {  	s0 =	sand.u32 $0x1, s1  }
0x8c: {  	s14 =	sshll.u32 s0, $0xA;
	s2 =	sadd.s32 s3, s2  }
0x8d: {  	s2 =	sadd.s32 s2, s14  }
0x8e: {  	[smem:$0x3FB0] =	sst s2  }
0x8f: {  	_ = 	snop  }
0x90: {  	s2 =	sld [smem:$0x3FD0];
	_ =	sdelay $0x2  }
0x91: {  	s15 =	simm.s32 $0xA;
	s4 =	simm.s32 $0x10  }
0x92: {  	[smem:s4], [sflag:s15] =	dma.local [hbm:s2], $0x1  }
0x93: {  	_ =	swait.eq [sflag:s15], $0x1  }
0x94: {  	[sflag:s15] =	ssyncset.done $0x0  }
0x95: {  	s16 =	sld [smem:$0x10];
	[sflag:s15] =	ssyncadd.s32 $0xFFFFFFFF  }
0x96: {  	s17 =	sld [smem:$0x11];
	(tm) =	ssettm $0x1  }
0x97: {  	s18 =	sld [smem:$0x3FFB];
	_ =	sdelay $0x3  }
0x98: {  	_ =	strace s18  }
0x99: {  	s4 =	sld [smem:$0x3FFC];
	_ =	sdelay $0x3  }
0x9a: {  	_ =	strace s4  }
0x9b: {  	s4 =	sld [smem:$0x3FFD];
	_ =	sdelay $0x3  }
0x9c: {  	_ =	strace s4  }
0x9d: {  	_ =	strace $0x8FFFFFFF  }
0x9e: {  	s19 =	sld [smem:$0x3FDB];
	_ =	sdelay $0x1  }
0x9f: {  	s5 =	simm.s32 $_scs_section_size  }
0xa0: {  	s6 =	simm.s32 $_size__tile_overlayer_lowered;
	s7 =	simm.s32 $_tile_overlayer_lowered  }
0xa1: {  	s22 =	simm.s32 $0x1BFF;
	s21 =	sshll.u32 s7, $0x1;
	s4 =	sadd.s32 s5, s19  }
0xa2: {  	s8 =	simm.s32 $0x0;
	s20 =	sshll.u32 s6, $0x1;
	s6 =	sadd.s32 s21, s4  }
0xa3: {  	[timem:s8], [sflag:s22] =	dma.local [hbm:s6], s20  }
0xa4: {  	_ =	swait.ge [sflag:s22], s20  }
0xa5: {  	s5 =	ssub.s32 $0x0, s20;
	[sflag:s22] =	ssyncset.done $0x0  }
0xa6: {  	[sflag:s22] =	ssyncadd.s32 s5;
	_ =	sdelay $0x1  }
0xa7: {  	s23 =	simm.s32 $0x1B8B  }
0xa8: {  	_ =	swait.ge [sflag:s23], $0x1  }
0xa9: {  	[sflag:s23] =	ssyncset.done $0x0  }
0xaa: {  	s25 =	simm.s32 $0x1B8E;
	s24 =	sld [smem:$0x3FFE];
	[sflag:s23] =	ssyncadd.s32 $0xFFFFFFFF  }
0xab: {  	s26 =	simm.s32 $execute0_lowered;
	[smem:$0x3FD2] =	sst s25  }
0xac: {  	s6 =	sshll.u32 s26, $0x1;
	_ =	strace $0x80000046;
	[dreg:$0x1] =	wrdreg $0xFFFFFFFF  }
0xad: {  	s28 =	simm.s32 $_size_execute0_lowered;
	s4 =	sadd.s32 s4, s6;
	[dreg:$0x0] =	wrdreg $0x0  }
0xae: {  	s6 =	sshll.u32 s28, $0x1;
	[dreg:$0x2] =	wrdreg s4  }
0xaf: {  	[dreg:$0x3] =	wrdreg s6  }
0xb0: {  	[dreg:$0x4] =	wrdreg $0xC0  }
0xb1: {  	_ =	task [dreg:s8], $0x5FFFF  }
0xb2: {  	[dreg:$0x1] =	wrdreg $0xFFFFFFFF  }
0xb3: {  	[dreg:$0x0] =	wrdreg $0x60  }
0xb4: {  	[dreg:$0x2] =	wrdreg s24  }
0xb5: {  	[dreg:$0x3] =	wrdreg s17  }
0xb6: {  	[dreg:$0x4] =	wrdreg s16  }
0xb7: {  	[dreg:$0x5] =	wrdreg $0xA2000  }
0xb8: {  	[dreg:$0x6] =	wrdreg $0x9  }
0xb9: {  	_ =	task.clear_ibuf [dreg:s8], $0x7FFFF;
	_ =	strace $0x90000046  }
0xba: {  	s29 =	simm.s32 $0x9;
	_ =	strace $0x80000048  }
0xbb: {  	_ =	swait.ge [sflag:s29], $0x1  }
0xbc: {  	[sflag:s29] =	ssyncadd.s32 $0xFFFFFFFF  }
0xbd: {  	_ =	strace $0x90000048  }
0xbe: {  	_ =	sfence  }
0xbf: {  	s30 =	sld [smem:$0x0];
	_ =	sdelay $0x2  }
0xc0: {  	s31 =	sshll.u32 s1, $0xD;
	s1 =	sshrl.u32 s1, $0x2  }
0xc1: {  	s3 =	sand.u32 $0x4000, s31;
	s1 =	sadd.s32 s1, s30  }
0xc2: {  	s0 =	sor.u32 s3, s0;
	s1 =	sshll.u32 s1, $0x11  }
0xc3: {  	s0 =	sor.u32 s1, s0  }
0xc4: {  	s0 =	sadd.s32 $0x8F2B, s0  }
0xc5: {  	[sflag:s0] =	ssyncadd.remote.s32 $0x1  }
0xc6: {  	_ =	sfence.sel $0xFFFF  }
0xc7: {  	[dreg:$0x0] =	wrdreg $0xFFFFFFFF;
	(pc) =	sbr.abs _section_cstart, $3  }
0xc8: {  	[dreg:$0x1] =	wrdreg $0xFFFFFFFF  }
0xc9: {  	_ =	task.clear_ibuf [dreg:s8], $0x2FFFF;
	_ =	strace $0x9FFFFFFF  }
0xca: {  	(tm) =	ssettm $0x7FFFFFFF  }
0xcb: {  	_ =	shalt  }
tec
execute0_lowered:
.L_overlay_start_1:
0x0: {  	(tag) =	ssettag $0x1  }
0x1: {  	s0 =	rddreg [dreg:$0x0]  }
0x2: {  	s4 =	rddreg [dreg:$0x1]  }
0x3: {  	s12 =	rddreg [dreg:$0x2]  }
0x4: {  	s1 =	rddreg [dreg:$0x3];
	s2 =	simm.s32 $0x0;
	s9 =	srdreg.scid  }
0x5: {  	s17 =	stileid.u32;
	[smem:$0x7FF] =	sst s2;
	s3 =	sadd.s32 $0x3C600, s0  }
0x6: {  	s5 =	sadd.s32 $0x50400, s0;
	s6 =	sadd.s32 $0x50000, s0;
	s14 =	smul.u32 $0x50000, s17  }
0x7: {  	s7 =	sadd.s32 $0x1EE00, s0;
	s8 =	sadd.s32 $0x63E00, s0;
	s22 =	smul.u32 $0x14000, s17  }
0x8: {  	s13 =	sand.u32 $0x1, s9;
	s9 =	sadd.s32 $0x77800, s0;
	s14 =	sshrl.u32 s14, $0x2  }
0x9: {  	s10 =	sadd.s32 $0x50200, s0;
	s20 =	sadd.s32 s22, s1;
	s14 =	sadd.s32 s14, s1  }
0xa: {  	_ =	strace $0x80000047;
	[dreg:$0xe] =	wrdreg s20;
	s16 =	sadd.s32 $0x2000, s14  }
0xb: {  	s11 =	sadd.s32 $0x1600, s0;
	s23 =	sadd.s32 $0x4000, s14;
	[dreg:$0x5] =	wrdreg s16  }
0xc: {  	s29 =	smul.u32 $0xC0, s17;
	s24 =	sadd.s32 $0x6000, s14;
	[dreg:$0x6] =	wrdreg s23  }
0xd: {  	s15 =	ssub.s32 $0x2, s13;
	s25 =	sadd.s32 $0x8000, s14;
	[dreg:$0x7] =	wrdreg s24  }
0xe: {  	p0 =	sne.s32 s13, $0x0;
	s26 =	sadd.s32 $0xA000, s14;
	[dreg:$0x8] =	wrdreg s25  }
0xf: {  	s21 =	sshrl.u32 s15, $0x1;
	s18 =	sadd.s32 $0xC000, s14;
	[dreg:$0x9] =	wrdreg s26  }
0x10: {  	s19 =	sshrl.u32 s29, $0x3;
	s30 =	sadd.s32 $0xE000, s14;
	[dreg:$0xa] =	wrdreg s18  }
0x11: {  	s13 =	sadd.s32 $0x180, s19;
	s31 =	sadd.s32 $0x10000, s14;
	[dreg:$0xb] =	wrdreg s30  }
0x12: {  	s0 =	ssub.s32 s15, s21;
	s29 =	sadd.s32 s7, s13;
	[dreg:$0xc] =	wrdreg s31  }
0x13: {  	s0 =	smax.u32 s0, $0x1;
	[dreg:$0x14] =	wrdreg s29  }
0x14: {  	s21 =	sshrl.u32 s22, $0x3;
	s18 =	sadd.s32 $0x12000, s14;
	[dreg:$0x17] =	wrdreg s0  }
0x15: {  	s22 =	smul.u32 $0x18, s17;
	s23 =	sadd.s32 s12, s21;
	[dreg:$0xd] =	wrdreg s18  }
0x16: {  	s12 =	sadd.s32 $0x25800, s12;
	[dreg:$0xf] =	wrdreg s23  }
0x17: {  	s24 =	sadd.s32 s11, s22;
	[dreg:$0x10] =	wrdreg s12  }
0x18: {  	s25 =	sadd.s32 s7, s22;
	[dreg:$0x11] =	wrdreg s24  }
0x19: {  	s26 =	sadd.s32 s11, s13;
	[dreg:$0x12] =	wrdreg s25  }
0x1a: {  	s28 =	simm.s32 $0x180;
	s30 =	sadd.s32 s4, s21;
	[dreg:$0x13] =	wrdreg s26  }
.Ltmp0:
0x1b: {  	s4 =	sadd.s32 $0x25800, s4;
	[dreg:$0x15] =	wrdreg s30;
	(pc) =	sbr.rel .LBB2_1-.Ltmp0, $4  }
0x1c: {  	p1 =	seq.s32 s17, $0xF;
	s31 =	sadd.s32 $0x138000, s1;
	[dreg:$0x16] =	wrdreg s4  }
0x1d: {  	s22 =	sor.u32 $0x10, s17;
	s13 =	simm.s32 $0x8200;
	[dreg:$0x18] =	wrdreg s31  }
0x1e: {  	s23 =	simm.s32 $0x3200;
	s24 =	simm.s32 $0x7;
	s25 =	simm.s32 $0x3  }
0x1f: {  	v0 =	vimm.f32 $0.0e+00;
	s26 =	simm.s32 $0x40;
	s4 =	simm.s32 $0x4;
	s12 =	simm.s32 $0x1C0  }
.LBB2_25:
0x20: {  	s0 =	simm.s32 $0x6  }
0x21: {  	_ =	swait.ge [sflag:s0], $0x2000  }
0x22: {  	[sflag:s0] =	ssyncset.done $0x0  }
0x23: {  	s31 =	simm.s32 $0x5;
	[sflag:s0] =	ssyncadd.s32 $0xFFFFE000  }
0x24: {  	_ =	swait.ge [sflag:s31], $0x2000  }
0x25: {  	[sflag:s31] =	ssyncset.done $0x0  }
0x26: {  	[sflag:s31] =	ssyncadd.s32 $0xFFFFE000  }
0x27: {  	[bflag:$0x0] =	sbarrier.arrive $0xFFFF  }
0x28: {  	s14 =	rddreg [dreg:$0x10]  }
0x29: {  	s0 =	simm.s32 @p1 $0x1FC7;
	s15 =	rddreg [dreg:$0x1b]  }
0x2a: {  	[hbm:s14], [sflag:s0] =	dma.local @p1 [spmem:s15], $0x1900  }
0x2b: {  	s0 =	simm.s32 @p1 $0x7  }
0x2c: {  	_ =	swait.ge @p1 [sflag:s0], $0x1900  }
0x2d: {  	[sflag:s0] =	ssyncset.done @p1 $0x0;
	s14 =	rddreg [dreg:$0xf]  }
0x2e: {  	[sflag:s0] =	ssyncadd.s32 @p1 $0xFFFFE700;
	s0 =	rddreg [dreg:$0x1a]  }
0x2f: {  	s15 =	rddreg [dreg:$0x19];
	s0 =	sor.u32 @!p1 $0x1C07, s0  }
0x30: {  	[hbm:s14], [sflag:s0] =	dma.local @!p1 [spmem:s15], $0x2800  }
0x31: {  	s0 =	simm.s32 @!p1 $0x7  }
0x32: {  	_ =	swait.ge @!p1 [sflag:s0], $0x2800  }
0x33: {  	[sflag:s0] =	ssyncset.done @!p1 $0x0  }
0x34: {  	[sflag:s0] =	ssyncadd.s32 @!p1 $0xFFFFD800  }
.LBB2_26:
0x35: {  	s2 =	sadd.s32 $0x1, s2;
	s0 =	rddreg [dreg:$0x17]  }
0x36: {  	p2 =	sne.s32 s2, s0  }
.Ltmp1:
0x37: {  	_ = 	snop;
	(pc) =	sbr.rel @!p2 .LBB2_27-.Ltmp1, $1  }
0x38: {  	_ =	sdelay $0x3  }
.LBB2_1:
0x39: {  	s0 =	simm.s32 $0x0;
	s14 =	simm.s32 $0x200  }
.LBB2_2:
0x3a: {  	p2 =	sne.s32 s14, $0x7E00;
	[tilespmem:s0+$0x3270] =	vst v0  }
0x3b: {  	[tilespmem:s0+$0x3200] =	vst v0  }
0x3c: {  	[tilespmem:s0+$0x3210] =	vst v0  }
.Ltmp2:
0x3d: {  	[tilespmem:s0+$0x3220] =	vst v0;
	(pc) =	sbr.rel @p2 .LBB2_2-.Ltmp2, $4  }
0x3e: {  	[tilespmem:s0+$0x3230] =	vst v0  }
0x3f: {  	[tilespmem:s0+$0x3240] =	vst v0  }
0x40: {  	[tilespmem:s0+$0x3250] =	vst v0  }
0x41: {  	[tilespmem:s0+$0x3260] =	vst v0;
	s0 =	sshra.s32 s14, $0x2;
	s14 =	sadd.s32 $0x200, s14  }
0x42: {  	[tilespmem:s0+$0x3270] =	vst v0  }
0x43: {  	[tilespmem:s0+$0x3200] =	vst v0  }
0x44: {  	[tilespmem:s0+$0x3210] =	vst v0  }
0x45: {  	[tilespmem:s0+$0x3220] =	vst v0  }
0x46: {  	[tilespmem:s0+$0x3230] =	vst v0  }
0x47: {  	[tilespmem:s0+$0x3240] =	vst v0  }
0x48: {  	[tilespmem:s0+$0x3250] =	vst v0  }
0x49: {  	[tilespmem:s0+$0x3260] =	vst v0;
	s16 =	rddreg [dreg:$0xe]  }
0x4a: {  	[spmem:s16] =	stream.linear.scatter [tilespmem:s23], [sflag:$0x7], $0x2000, $0x38;
	[tilespmem:$0x1DA80] =	vst v63  }
0x4b: {  	_ =	swait.ge [sflag:s24], $0x2000  }
0x4c: {  	[sflag:s24] =	ssyncset.done $0x0  }
0x4d: {  	s20 =	rddreg [dreg:$0x5];
	[sflag:s24] =	ssyncadd.s32 $0xFFFFE000  }
0x4e: {  	[spmem:s20] =	stream.linear.scatter [tilespmem:s23], [sflag:$0x7], $0x2000, $0x38;
	[tilespmem:$0x1DA80] =	vst v63  }
0x4f: {  	_ =	swait.ge [sflag:s24], $0x2000  }
0x50: {  	[sflag:s24] =	ssyncset.done $0x0  }
0x51: {  	s21 =	rddreg [dreg:$0x6];
	[sflag:s24] =	ssyncadd.s32 $0xFFFFE000  }
0x52: {  	[spmem:s21] =	stream.linear.scatter [tilespmem:s23], [sflag:$0x7], $0x2000, $0x38;
	[tilespmem:$0x1DA80] =	vst v63  }
0x53: {  	_ =	swait.ge [sflag:s24], $0x2000  }
0x54: {  	[sflag:s24] =	ssyncset.done $0x0  }
0x55: {  	s29 =	rddreg [dreg:$0x7];
	[sflag:s24] =	ssyncadd.s32 $0xFFFFE000  }
0x56: {  	[spmem:s29] =	stream.linear.scatter [tilespmem:s23], [sflag:$0x7], $0x2000, $0x38;
	[tilespmem:$0x1DA80] =	vst v63  }
0x57: {  	_ =	swait.ge [sflag:s24], $0x2000  }
0x58: {  	[sflag:s24] =	ssyncset.done $0x0  }
0x59: {  	s30 =	rddreg [dreg:$0x8];
	[sflag:s24] =	ssyncadd.s32 $0xFFFFE000  }
0x5a: {  	[spmem:s30] =	stream.linear.scatter [tilespmem:s23], [sflag:$0x7], $0x2000, $0x38;
	[tilespmem:$0x1DA80] =	vst v63  }
0x5b: {  	_ =	swait.ge [sflag:s24], $0x2000  }
0x5c: {  	[sflag:s24] =	ssyncset.done $0x0  }
0x5d: {  	s31 =	rddreg [dreg:$0x9];
	[sflag:s24] =	ssyncadd.s32 $0xFFFFE000  }
0x5e: {  	[spmem:s31] =	stream.linear.scatter [tilespmem:s23], [sflag:$0x7], $0x2000, $0x38;
	[tilespmem:$0x1DA80] =	vst v63  }
0x5f: {  	_ =	swait.ge [sflag:s24], $0x2000  }
0x60: {  	[sflag:s24] =	ssyncset.done $0x0  }
0x61: {  	s0 =	simm.s32 @p1 $0x3200;
	s14 =	rddreg [dreg:$0x18];
	[sflag:s24] =	ssyncadd.s32 $0xFFFFE000  }
0x62: {  	[spmem:s14] =	stream.linear.scatter @p1 [tilespmem:s0], [sflag:$0x7], $0x800, $0x38;
	[tilespmem:$0x1DA80] =	vst v63  }
0x63: {  	s0 =	simm.s32 @p1 $0x7  }
0x64: {  	_ =	swait.ge @p1 [sflag:s0], $0x800  }
0x65: {  	[sflag:s0] =	ssyncset.done @p1 $0x0  }
0x66: {  	s14 =	rddreg [dreg:$0xa];
	[sflag:s0] =	ssyncadd.s32 @p1 $0xFFFFF800;
	s0 =	simm.s32 @!p1 $0x3200  }
0x67: {  	[spmem:s14] =	stream.linear.scatter @!p1 [tilespmem:s0], [sflag:$0x7], $0x2000, $0x38;
	[tilespmem:$0x1DA80] =	vst v63  }
0x68: {  	s14 =	simm.s32 @!p1 $0x7  }
0x69: {  	_ =	swait.ge @!p1 [sflag:s14], $0x2000  }
0x6a: {  	[sflag:s14] =	ssyncset.done @!p1 $0x0  }
0x6b: {  	s15 =	rddreg [dreg:$0xb];
	[sflag:s14] =	ssyncadd.s32 @!p1 $0xFFFFE000  }
0x6c: {  	[spmem:s15] =	stream.linear.scatter @!p1 [tilespmem:s0], [sflag:$0x7], $0x2000, $0x38;
	[tilespmem:$0x1DA80] =	vst v63  }
0x6d: {  	_ =	swait.ge @!p1 [sflag:s14], $0x2000  }
0x6e: {  	[sflag:s14] =	ssyncset.done @!p1 $0x0  }
0x6f: {  	s15 =	rddreg [dreg:$0xc];
	[sflag:s14] =	ssyncadd.s32 @!p1 $0xFFFFE000  }
0x70: {  	[spmem:s15] =	stream.linear.scatter @!p1 [tilespmem:s0], [sflag:$0x7], $0x2000, $0x38;
	[tilespmem:$0x1DA80] =	vst v63  }
0x71: {  	_ =	swait.ge @!p1 [sflag:s14], $0x2000  }
0x72: {  	[sflag:s14] =	ssyncset.done @!p1 $0x0  }
0x73: {  	s15 =	rddreg [dreg:$0xd];
	[sflag:s14] =	ssyncadd.s32 @!p1 $0xFFFFE000  }
0x74: {  	[spmem:s15] =	stream.linear.scatter @!p1 [tilespmem:s0], [sflag:$0x7], $0x2000, $0x38;
	[tilespmem:$0x1DA80] =	vst v63  }
0x75: {  	_ =	swait.ge @!p1 [sflag:s14], $0x2000  }
0x76: {  	[sflag:s14] =	ssyncset.done @!p1 $0x0  }
0x77: {  	[sflag:s14] =	ssyncadd.s32 @!p1 $0xFFFFE000  }
.Ltmp3:
0x78: {  	s0 =	sshrl.u32 @p1 s16, $0x3;
	[bflag:$0x0] =	sbarrier.arrive $0xFFFF;
	(pc) =	sbr.rel @p0 .LBB2_15-.Ltmp3, $4  }
0x79: {  	[dreg:$0x1b] =	wrdreg s0;
	s0 =	stileid.u32  }
0x7a: {  	s0 =	sshll.u32 @!p1 s0, $0x6  }
0x7b: {  	[dreg:$0x1a] =	wrdreg s0;
	s0 =	sshrl.u32 @!p1 s16, $0x3  }
0x7c: {  	s17 =	simm.s32 $0x0;
	[dreg:$0x19] =	wrdreg s0  }
.Ltmp4:
0x7d: {  	(pc) =	sbr.rel .LBB2_5-.Ltmp4, $4  }
0x7e: {  	s0 =	rddreg [dreg:$0x12]  }
0x7f: {  	[tilespmem:s17], [sflag:$0x1] =	stream.linear.gather [hbm4b:s0+s17], $0xC0, $0x38;
	[tilespmem:$0x1DA80] =	vst v63  }
0x80: {  	s31 =	rddreg [dreg:$0x14];
	s14 =	simm.s32 $0xC0  }
0x81: {  	[tilespmem:s14], [sflag:$0x2] =	stream.linear.gather [hbm4b:s31+s17], $0xC0, $0x38;
	[tilespmem:$0x1DA80] =	vst v63  }
.LBB2_13:
0x82: {  	s17 =	sadd.s32 $0x1, s17  }
0x83: {  	p2 =	sne.s32 s17, $0x13B  }
.Ltmp5:
0x84: {  	_ = 	snop;
	(pc) =	sbr.rel @!p2 .LBB2_14-.Ltmp5, $1  }
0x85: {  	_ =	sdelay $0x3  }
.LBB2_5:
0x86: {  	s18 =	sand.u32 $0x1, s17  }
0x87: {  	p2 =	seq.s32 s18, $0x1  }
.Ltmp6:
0x88: {  	_ = 	snop;
	(pc) =	sbr.rel @p2 .LBB2_10-.Ltmp6, $1  }
0x89: {  	_ =	sdelay $0x3  }
0x8a: {  	p2 =	seq.s32 s17, $0x13A  }
0x8b: {  	s0 =	simm.s32 @!p2 $0x1  }
0x8c: {  	_ =	swait.ge @!p2 [sflag:s0], $0xC0  }
0x8d: {  	s14 =	simm.s32 @!p2 $0x0;
	[sflag:s0] =	ssyncset.done @!p2 $0x0  }
0x8e: {  	s15 =	simm.s32 @!p2 $0x200;
	[sflag:s0] =	ssyncadd.s32 @!p2 $0xFFFFFF40;
	s0 =	simm.s32 @!p2 $0x40  }
0x8f: {  	[tilespmem:s15], [sflag:$0x3] =	stream.indirect.gather @!p2 [hbm4b:s3+s0], $0x40, s14, s0, $0xb8;
	[tilespmem:$0x1DA80] =	vst v63  }
0x90: {  	s14 =	simm.s32 @!p2 $0x1200  }
0x91: {  	[tilespmem:s14], [sflag:$0x3] =	stream.indirect.gather @!p2 [hbm4b:s5+s0], $0x40, s0, s0, $0xb8;
	[tilespmem:$0x1DA80] =	vst v63  }
0x92: {  	p3 =	seq.s32 @!p2 s17, $0x0;
	s15 =	simm.s32 @!p2 $0x2200;
	s14 =	simm.s32 @!p2 $0x80  }
0x93: {  	[tilespmem:s15], [sflag:$0x3] =	stream.indirect.gather @!p2 [hbm4b:s6+s0], $0x40, s14, s0, $0xb8;
	[tilespmem:$0x1DA80] =	vst v63  }
0x94: {  	p2 =	por p2, !p3  }
.Ltmp7:
0x95: {  	_ = 	snop;
	(pc) =	sbr.rel @!p2 .LBB2_13-.Ltmp7, $1  }
0x96: {  	_ =	sdelay $0x3  }
0x97: {  	_ =	swait.ge [sflag:s4], $0x1000  }
0x98: {  	[sflag:s4] =	ssyncset.done $0x0  }
0x99: {  	[sflag:s4] =	ssyncadd.s32 $0xFFFFF000  }
0x9a: {  	_ =	swait.ge [sflag:s4], $0x1000  }
0x9b: {  	[sflag:s4] =	ssyncset.done $0x0  }
0x9c: {  	[sflag:s4] =	ssyncadd.s32 $0xFFFFF000  }
0x9d: {  	_ =	swait.ge [sflag:s4], $0x1000  }
0x9e: {  	p2 =	slt.u32 s17, $0x3;
	[sflag:s4] =	ssyncset.done $0x0  }
0x9f: {  	s0 =	simm.s32 @!p2 $0x6;
	[sflag:s4] =	ssyncadd.s32 $0xFFFFF000  }
0xa0: {  	_ =	swait.ge @!p2 [sflag:s0], $0x2000  }
0xa1: {  	[sflag:s0] =	ssyncset.done @!p2 $0x0  }
0xa2: {  	[sflag:s0] =	ssyncadd.s32 @!p2 $0xFFFFE000  }
0xa3: {  	v1 =	vld [tilespmem:$0x100]  }
0xa4: {  	v2 =	vld [tilespmem:$0x110]  }
0xa5: {  	v3 =	vld [tilespmem:$0x120]  }
0xa6: {  	p2 =	sgt.u32 s17, $0x138;
	v4 =	vld [tilespmem:$0x130]  }
0xa7: {  	s0 =	sshll.u32 @!p2 s17, $0x4  }
0xa8: {  	s0 =	sor.u32 @!p2 s22, s0;
	[tilespmem:$0x1C0] =	vst v1  }
0xa9: {  	s0 =	smul.u32 @!p2 $0x18, s0;
	[tilespmem:$0x1D0] =	vst v2  }
0xaa: {  	s16 =	simm.s32 $0x5240;
	[tilespmem:$0x1E0] =	vst v3  }
0xab: {  	s14 =	simm.s32 @!p2 $0x0;
	s15 =	simm.s32 @!p2 $0xC0;
	s0 =	sadd.s32 @!p2 s7, s0;
	[tilespmem:$0x1F0] =	vst v4  }
0xac: {  	[tilespmem:s15], [sflag:$0x2] =	stream.linear.gather @!p2 [hbm4b:s0+s14], $0xC0, $0x38;
	[tilespmem:$0x1DA80] =	vst v63  }
0xad: {  	s21 =	simm.s32 $0x6240;
	v1 =	vld [tilespmem:s16+$0x0]  }
0xae: {  	v2 =	vld [tilespmem:s21+$0x0]  }
0xaf: {  	s14 =	simm.s32 $0x7240  }
0xb0: {  	v3 =	vld [tilespmem:s14+$0x0];
	_ =	sdelay $0x2  }
0xb1: {  	v4 =	vld [tilespmem:s21+$0xFFFFFFC0];
	v5 =	vshll.u32 v1, $0x10;
	v6 =	vshll.u32 v2, $0x10  }
0xb2: {  	v7 =	vld [tilespmem:s16+$0xFFFFFFC0];
	v1 =	vand.u32 $0xFFFF0000, v1;
	v2 =	vand.u32 $0xFFFF0000, v2;
	v5 =	vadd.f32 v6, v5  }
0xb3: {  	v6 =	vshll.u32 v3, $0x10;
	v1 =	vadd.f32 v2, v1  }
0xb4: {  	v2 =	vld [tilespmem:s14+$0xFFFFFFC0];
	v3 =	vand.u32 $0xFFFF0000, v3;
	v5 =	vmul.f32 v6, v5  }
0xb5: {  	s19 =	simm.s32 $0x8280;
	v1 =	vmul.f32 v3, v1  }
0xb6: {  	[tilespmem:s19+$0x0] =	vst v5  }
0xb7: {  	v3 =	vshll.u32 v7, $0x10;
	v5 =	vshll.u32 v4, $0x10;
	[tilespmem:s19+$0x40] =	vst v1  }
0xb8: {  	v1 =	vand.u32 $0xFFFF0000, v7;
	v4 =	vand.u32 $0xFFFF0000, v4;
	v3 =	vadd.f32 v5, v3;
	v5 =	vld [tilespmem:s16+$0x10]  }
0xb9: {  	v6 =	vshll.u32 v2, $0x10;
	v1 =	vadd.f32 v4, v1;
	v4 =	vld [tilespmem:s21+$0x10]  }
0xba: {  	v2 =	vand.u32 $0xFFFF0000, v2;
	v3 =	vmul.f32 v6, v3  }
0xbb: {  	v1 =	vmul.f32 v2, v1;
	v2 =	vld [tilespmem:s14+$0x10]  }
0xbc: {  	[tilespmem:s19+$0xFFFFFF80] =	vst v3  }
0xbd: {  	[tilespmem:s19+$0xFFFFFFC0] =	vst v1  }
0xbe: {  	v1 =	vld [tilespmem:s16+$0xFFFFFFD0];
	v3 =	vshll.u32 v5, $0x10;
	v6 =	vshll.u32 v4, $0x10  }
0xbf: {  	v7 =	vld [tilespmem:s21+$0xFFFFFFD0];
	v5 =	vand.u32 $0xFFFF0000, v5;
	v4 =	vand.u32 $0xFFFF0000, v4;
	v3 =	vadd.f32 v6, v3  }
0xc0: {  	v4 =	vadd.f32 v4, v5;
	v6 =	vshll.u32 v2, $0x10  }
0xc1: {  	s20 =	simm.s32 $0x52C0;
	v5 =	vld [tilespmem:s14+$0xFFFFFFD0];
	v2 =	vand.u32 $0xFFFF0000, v2;
	v3 =	vmul.f32 v6, v3  }
0xc2: {  	s31 =	simm.s32 $0x62C0;
	v6 =	vld [tilespmem:s20+$0x0];
	v2 =	vmul.f32 v2, v4  }
0xc3: {  	s0 =	simm.s32 $0x72C0;
	v4 =	vld [tilespmem:s31+$0x0];
	[tilespmem:s19+$0x10] =	vst v3  }
0xc4: {  	v9 =	vld [tilespmem:s0+$0x0];
	v3 =	vshll.u32 v1, $0x10;
	v8 =	vshll.u32 v7, $0x10;
	[tilespmem:s19+$0x50] =	vst v2  }
0xc5: {  	v1 =	vand.u32 $0xFFFF0000, v1;
	v2 =	vand.u32 $0xFFFF0000, v7;
	v3 =	vadd.f32 v8, v3;
	v7 =	vld [tilespmem:s16+$0x20]  }
0xc6: {  	v8 =	vshll.u32 v5, $0x10;
	v1 =	vadd.f32 v2, v1;
	v2 =	vld [tilespmem:s21+$0x20]  }
0xc7: {  	v5 =	vand.u32 $0xFFFF0000, v5;
	v3 =	vmul.f32 v8, v3  }
0xc8: {  	v10 =	vld [tilespmem:s14+$0x20];
	v1 =	vmul.f32 v5, v1;
	v5 =	vshll.u32 v6, $0x10;
	v8 =	vshll.u32 v4, $0x10  }
0xc9: {  	v6 =	vand.u32 $0xFFFF0000, v6;
	v4 =	vand.u32 $0xFFFF0000, v4;
	v5 =	vadd.f32 v8, v5  }
0xca: {  	v11 =	vshll.u32 v9, $0x10;
	v9 =	vand.u32 $0xFFFF0000, v9;
	v8 =	vld [tilespmem:s31+$0xFFFFFFC0];
	v4 =	vadd.f32 v4, v6  }
0xcb: {  	[tilespmem:s19+$0xFFFFFF90] =	vst v3;
	v3 =	vld [tilespmem:s20+$0xFFFFFFC0];
	v5 =	vmul.f32 v11, v5;
	v6 =	vshll.u32 v7, $0x10;
	v11 =	vshll.u32 v2, $0x10  }
0xcc: {  	[tilespmem:s19+$0xFFFFFFD0] =	vst v1;
	v1 =	vld [tilespmem:s0+$0xFFFFFFC0];
	v7 =	vand.u32 $0xFFFF0000, v7;
	v2 =	vand.u32 $0xFFFF0000, v2;
	v6 =	vadd.f32 v11, v6  }
0xcd: {  	s30 =	simm.s32 $0x8380;
	v4 =	vmul.f32 v9, v4;
	v9 =	vshll.u32 v10, $0x10;
	v11 =	vld [tilespmem:s16+$0xFFFFFFE0];
	v2 =	vadd.f32 v2, v7  }
0xce: {  	v7 =	vld [tilespmem:s21+$0xFFFFFFE0];
	[tilespmem:s30+$0x0] =	vst v5;
	v5 =	vand.u32 $0xFFFF0000, v10;
	v6 =	vmul.f32 v9, v6  }
0xcf: {  	[tilespmem:s30+$0x40] =	vst v4;
	v2 =	vmul.f32 v5, v2  }
0xd0: {  	v4 =	vld [tilespmem:s14+$0xFFFFFFE0];
	v9 =	vshll.u32 v8, $0x10;
	v8 =	vand.u32 $0xFFFF0000, v8;
	v5 =	vshll.u32 v3, $0x10;
	[tilespmem:s19+$0x20] =	vst v6  }
0xd1: {  	v12 =	vld [tilespmem:s20+$0x10];
	v3 =	vand.u32 $0xFFFF0000, v3;
	v6 =	vshll.u32 v1, $0x10;
	v5 =	vadd.f32 v9, v5;
	[tilespmem:s19+$0x60] =	vst v2  }
0xd2: {  	v1 =	vand.u32 $0xFFFF0000, v1;
	v3 =	vadd.f32 v8, v3;
	v8 =	vshll.u32 v11, $0x10;
	v9 =	vld [tilespmem:s16+$0x30]  }
0xd3: {  	v10 =	vand.u32 $0xFFFF0000, v11;
	v2 =	vld [tilespmem:s21+$0x30];
	v5 =	vmul.f32 v6, v5;
	v6 =	vshll.u32 v7, $0x10  }
0xd4: {  	v3 =	vmul.f32 v1, v3;
	v1 =	vand.u32 $0xFFFF0000, v7;
	v7 =	vld [tilespmem:s31+$0x10];
	v6 =	vadd.f32 v6, v8  }
0xd5: {  	v8 =	vadd.f32 v1, v10;
	v1 =	vld [tilespmem:s14+$0x30];
	[tilespmem:s30+$0xFFFFFF80] =	vst v5;
	v5 =	vshll.u32 v4, $0x10  }
0xd6: {  	v13 =	vld [tilespmem:s0+$0x10];
	v4 =	vand.u32 $0xFFFF0000, v4;
	[tilespmem:s30+$0xFFFFFFC0] =	vst v3;
	v3 =	vmul.f32 v5, v6  }
0xd7: {  	v5 =	vmul.f32 v4, v8;
	v8 =	vld [tilespmem:s20+$0xFFFFFFD0];
	v4 =	vshll.u32 v9, $0x10  }
0xd8: {  	v10 =	vld [tilespmem:s31+$0xFFFFFFD0];
	v6 =	vand.u32 $0xFFFF0000, v9;
	v11 =	vand.u32 $0xFFFF0000, v2;
	[tilespmem:s19+$0xFFFFFFA0] =	vst v3;
	v3 =	vshll.u32 v12, $0x10  }
0xd9: {  	v9 =	vld [tilespmem:s0+$0xFFFFFFD0];
	[tilespmem:s19+$0xFFFFFFE0] =	vst v5;
	v5 =	vshll.u32 v7, $0x10;
	v12 =	vand.u32 $0xFFFF0000, v12;
	v14 =	vadd.f32 v11, v6  }
0xda: {  	v6 =	vand.u32 $0xFFFF0000, v7;
	v3 =	vadd.f32 v5, v3;
	v5 =	vld [tilespmem:s16+$0xFFFFFFF0];
	v7 =	vand.u32 $0xFFFF0000, v1  }
0xdb: {  	s29 =	simm.s32 $0x8380;
	s15 =	simm.s32 $0x62C0;
	v15 =	vshll.u32 v13, $0x10;
	v11 =	vadd.f32 v6, v12;
	v6 =	vld [tilespmem:s21+$0xFFFFFFF0];
	v7 =	vmul.f32 v7, v14  }
0xdc: {  	s16 =	simm.s32 $0x2;
	s21 =	simm.s32 $0x5340;
	v14 =	vand.u32 $0xFFFF0000, v13;
	v12 =	vshll.u32 v8, $0x10;
	v13 =	vmul.f32 v15, v3;
	v3 =	vld [tilespmem:s14+$0xFFFFFFF0];
	s14 =	simm.s32 $0x72C0  }
.LBB2_8:
0xdd: {  	v15 =	vld [tilespmem:s21+$0x0];
	v16 =	vshll.u32 v10, $0x10;
	v8 =	vand.u32 $0xFFFF0000, v8;
	v11 =	vmul.f32 v14, v11;
	s31 =	sadd.s32 $0x80, s31;
	[tilespmem:s19+$0x70] =	vst v7  }
0xde: {  	v10 =	vand.u32 $0xFFFF0000, v10;
	s0 =	sadd.s32 $0x80, s0;
	v7 =	vld [tilespmem:s31+$0x0];
	v14 =	vshll.u32 v9, $0x10;
	v12 =	vadd.f32 v16, v12;
	[tilespmem:s30+$0x10] =	vst v13  }
0xdf: {  	v9 =	vand.u32 $0xFFFF0000, v9;
	v8 =	vadd.f32 v10, v8;
	v13 =	vld [tilespmem:s0+$0x0];
	[tilespmem:s30+$0x50] =	vst v11;
	v10 =	vshll.u32 v5, $0x10  }
0xe0: {  	v5 =	vand.u32 $0xFFFF0000, v5;
	v11 =	vmul.f32 v14, v12;
	v12 =	vld [tilespmem:s20+$0x20];
	v14 =	vshll.u32 v6, $0x10  }
0xe1: {  	v2 =	vshll.u32 v2, $0x10;
	v8 =	vmul.f32 v9, v8;
	v6 =	vand.u32 $0xFFFF0000, v6;
	v9 =	vld [tilespmem:s15+$0x20]  }
0xe2: {  	v10 =	vadd.f32 v14, v10;
	v5 =	vadd.f32 v6, v5;
	v16 =	vld [tilespmem:s31+$0xFFFFFFC0];
	[tilespmem:s30+$0xFFFFFF90] =	vst v11;
	v11 =	vshll.u32 v3, $0x10  }
0xe3: {  	v17 =	vadd.f32 v2, v4;
	v6 =	vshll.u32 v15, $0x10;
	v14 =	vshll.u32 v7, $0x10;
	[tilespmem:s30+$0xFFFFFFD0] =	vst v8;
	v8 =	vld [tilespmem:s14+$0x20]  }
0xe4: {  	v4 =	vand.u32 $0xFFFF0000, v15;
	v7 =	vand.u32 $0xFFFF0000, v7;
	v2 =	vld [tilespmem:s21+$0xFFFFFFC0];
	v6 =	vadd.f32 v14, v6  }
0xe5: {  	v15 =	vshll.u32 v13, $0x10;
	v13 =	vand.u32 $0xFFFF0000, v13;
	v4 =	vadd.f32 v7, v4;
	v14 =	vld [tilespmem:s0+$0xFFFFFFC0]  }
0xe6: {  	v6 =	vmul.f32 v15, v6;
	v7 =	vld [tilespmem:s20+$0xFFFFFFE0];
	v15 =	vshll.u32 v12, $0x10;
	v18 =	vshll.u32 v9, $0x10  }
0xe7: {  	v12 =	vand.u32 $0xFFFF0000, v12;
	v9 =	vand.u32 $0xFFFF0000, v9;
	v19 =	vld [tilespmem:s15+$0xFFFFFFE0];
	v15 =	vadd.f32 v18, v15  }
0xe8: {  	s16 =	sadd.s32 $0x2, s16;
	s30 =	sadd.s32 $0x100, s30;
	v4 =	vmul.f32 v13, v4;
	v9 =	vadd.f32 v9, v12;
	v13 =	vld [tilespmem:s14+$0xFFFFFFE0];
	v18 =	vshll.u32 v8, $0x10  }
0xe9: {  	p2 =	slt.u32 s16, $0x3E;
	v12 =	vshll.u32 v2, $0x10;
	[tilespmem:s30+$0x0] =	vst v6;
	v6 =	vand.u32 $0xFFFF0000, v8;
	v8 =	vmul.f32 v18, v15  }
0xea: {  	v15 =	vshll.u32 v16, $0x10;
	v2 =	vand.u32 $0xFFFF0000, v2;
	[tilespmem:s30+$0x40] =	vst v4;
	v4 =	vmul.f32 v6, v9  }
0xeb: {  	v6 =	vshll.u32 v14, $0x10;
	v9 =	vand.u32 $0xFFFF0000, v16;
	v12 =	vadd.f32 v15, v12;
	[tilespmem:s29+$0x20] =	vst v8  }
0xec: {  	v8 =	vand.u32 $0xFFFF0000, v14;
	v2 =	vadd.f32 v9, v2;
	v9 =	vshll.u32 v7, $0x10;
	v14 =	vld [tilespmem:s21+$0x10];
	[tilespmem:s29+$0x60] =	vst v4  }
0xed: {  	v7 =	vand.u32 $0xFFFF0000, v7;
	v4 =	vmul.f32 v6, v12;
	v6 =	vshll.u32 v19, $0x10;
	v12 =	vld [tilespmem:s20+$0x30]  }
0xee: {  	v15 =	vand.u32 $0xFFFF0000, v19;
	v8 =	vmul.f32 v8, v2;
	v6 =	vadd.f32 v6, v9;
	v2 =	vld [tilespmem:s15+$0x30]  }
0xef: {  	v9 =	vand.u32 $0xFFFF0000, v13;
	v7 =	vadd.f32 v15, v7;
	[tilespmem:s30+$0xFFFFFF80] =	vst v4;
	v16 =	vld [tilespmem:s31+$0x10];
	v4 =	vshll.u32 v13, $0x10  }
0xf0: {  	v3 =	vand.u32 $0xFFFF0000, v3;
	[tilespmem:s30+$0xFFFFFFC0] =	vst v8;
	v4 =	vmul.f32 v4, v6;
	v6 =	vshll.u32 v1, $0x10;
	v1 =	vld [tilespmem:s14+$0x30]  }
0xf1: {  	v11 =	vmul.f32 v11, v10;
	v7 =	vmul.f32 v9, v7;
	v13 =	vld [tilespmem:s0+$0x10]  }
0xf2: {  	v3 =	vmul.f32 v3, v5;
	v15 =	vmul.f32 v6, v17;
	v8 =	vld [tilespmem:s21+$0xFFFFFFD0];
	[tilespmem:s29+$0xFFFFFFA0] =	vst v4;
	v4 =	vshll.u32 v12, $0x10  }
.Ltmp8:
0xf3: {  	v5 =	vshll.u32 v14, $0x10;
	v6 =	vand.u32 $0xFFFF0000, v12;
	v10 =	vld [tilespmem:s31+$0xFFFFFFD0];
	[tilespmem:s29+$0xFFFFFFE0] =	vst v7;
	v7 =	vand.u32 $0xFFFF0000, v2;
	(pc) =	sbr.rel @p2 .LBB2_8-.Ltmp8, $4  }
0xf4: {  	v14 =	vand.u32 $0xFFFF0000, v14;
	v9 =	vld [tilespmem:s0+$0xFFFFFFD0];
	v12 =	vshll.u32 v16, $0x10;
	v7 =	vadd.f32 v7, v6;
	[tilespmem:s19+$0xFFFFFFB0] =	vst v11  }
0xf5: {  	v6 =	vand.u32 $0xFFFF0000, v16;
	v16 =	vadd.f32 v12, v5;
	v5 =	vld [tilespmem:s20+$0xFFFFFFF0];
	v12 =	vand.u32 $0xFFFF0000, v1;
	[tilespmem:s19+$0xFFFFFFF0] =	vst v3;
	s20 =	smov.u32 s21  }
0xf6: {  	v11 =	vadd.f32 v6, v14;
	v3 =	vshll.u32 v13, $0x10;
	v6 =	vld [tilespmem:s15+$0xFFFFFFF0];
	v7 =	vmul.f32 v12, v7;
	[tilespmem:s19+$0x30] =	vst v15;
	s15 =	smov.u32 s31;
	s19 =	smov.u32 s29;
	s29 =	smov.u32 s30  }
0xf7: {  	s21 =	sadd.s32 $0x80, s21;
	v14 =	vand.u32 $0xFFFF0000, v13;
	v12 =	vshll.u32 v8, $0x10;
	v13 =	vmul.f32 v3, v16;
	v3 =	vld [tilespmem:s14+$0xFFFFFFF0];
	s14 =	smov.u32 s0  }
0xf8: {  	v15 =	vshll.u32 v10, $0x10;
	v11 =	vmul.f32 v14, v11  }
0xf9: {  	v8 =	vand.u32 $0xFFFF0000, v8;
	v30 =	vand.u32 $0xFFFF0000, v10;
	v12 =	vadd.f32 v15, v12;
	[tilespmem:s30+$0x10] =	vst v13  }
0xfa: {  	v31 =	vshll.u32 v9, $0x10;
	v8 =	vadd.f32 v30, v8;
	[tilespmem:s30+$0x50] =	vst v11  }
0xfb: {  	v32 =	vand.u32 $0xFFFF0000, v9;
	v33 =	vmul.f32 v31, v12;
	v11 =	vld [tilespmem:s20+$0x20]  }
0xfc: {  	v8 =	vmul.f32 v32, v8;
	v34 =	vld [tilespmem:s15+$0x20]  }
0xfd: {  	[tilespmem:s30+$0xFFFFFF90] =	vst v33  }
0xfe: {  	v35 =	vld [tilespmem:s14+$0x20];
	[tilespmem:s30+$0xFFFFFFD0] =	vst v8  }
0xff: {  	v10 =	vld [tilespmem:s20+$0xFFFFFFE0]  }
0x100: {  	v36 =	vld [tilespmem:s15+$0xFFFFFFE0]  }
0x101: {  	v37 =	vshll.u32 v11, $0x10;
	v38 =	vshll.u32 v34, $0x10  }
0x102: {  	v39 =	vld [tilespmem:s14+$0xFFFFFFE0];
	v11 =	vand.u32 $0xFFFF0000, v11;
	v9 =	vand.u32 $0xFFFF0000, v34;
	v13 =	vadd.f32 v38, v37  }
0x103: {  	v40 =	vshll.u32 v35, $0x10;
	v9 =	vadd.f32 v9, v11  }
0x104: {  	v8 =	vand.u32 $0xFFFF0000, v35;
	v41 =	vmul.f32 v40, v13  }
0x105: {  	v8 =	vmul.f32 v8, v9;
	v42 =	vshll.u32 v10, $0x10;
	v43 =	vshll.u32 v36, $0x10  }
0x106: {  	v10 =	vand.u32 $0xFFFF0000, v10;
	v12 =	vand.u32 $0xFFFF0000, v36;
	v9 =	vadd.f32 v43, v42  }
0x107: {  	v44 =	vshll.u32 v39, $0x10;
	v10 =	vadd.f32 v12, v10;
	[tilespmem:s29+$0x20] =	vst v41  }
0x108: {  	v45 =	vand.u32 $0xFFFF0000, v39;
	[tilespmem:s29+$0x60] =	vst v8;
	v9 =	vmul.f32 v44, v9  }
0x109: {  	v46 =	vld [tilespmem:s20+$0x30];
	v8 =	vmul.f32 v45, v10  }
0x10a: {  	v47 =	vld [tilespmem:s15+$0x30];
	[tilespmem:s29+$0xFFFFFFA0] =	vst v9  }
0x10b: {  	v2 =	vshll.u32 v2, $0x10;
	v49 =	vld [tilespmem:s14+$0x30];
	[tilespmem:s29+$0xFFFFFFE0] =	vst v8  }
0x10c: {  	v1 =	vshll.u32 v1, $0x10;
	v2 =	vadd.f32 v2, v4;
	v48 =	vshll.u32 v5, $0x10;
	v53 =	vld [tilespmem:s20+$0xFFFFFFF0]  }
0x10d: {  	v51 =	vand.u32 $0xFFFF0000, v5;
	v50 =	vshll.u32 v6, $0x10;
	v52 =	vand.u32 $0xFFFF0000, v6;
	v55 =	vld [tilespmem:s15+$0xFFFFFFF0]  }
0x10e: {  	v54 =	vshll.u32 v3, $0x10;
	v5 =	vadd.f32 v52, v51;
	v3 =	vand.u32 $0xFFFF0000, v3  }
0x10f: {  	v8 =	vadd.f32 v50, v48;
	v58 =	vld [tilespmem:s14+$0xFFFFFFF0];
	v56 =	vand.u32 $0xFFFF0000, v46;
	v57 =	vand.u32 $0xFFFF0000, v47  }
0x110: {  	v1 =	vmul.f32 v1, v2;
	v3 =	vmul.f32 v3, v5;
	v4 =	vadd.f32 v57, v56  }
0x111: {  	v8 =	vmul.f32 v54, v8;
	v11 =	vshll.u32 v46, $0x10;
	v2 =	vand.u32 $0xFFFF0000, v49  }
0x112: {  	[tilespmem:s19+$0x70] =	vst v7;
	v2 =	vmul.f32 v2, v4;
	v59 =	vshll.u32 v53, $0x10;
	v60 =	vshll.u32 v55, $0x10  }
0x113: {  	[tilespmem:s19+$0x30] =	vst v1;
	v61 =	vand.u32 $0xFFFF0000, v53;
	v62 =	vand.u32 $0xFFFF0000, v55;
	v4 =	vadd.f32 v60, v59  }
0x114: {  	[tilespmem:s19+$0xFFFFFFF0] =	vst v3;
	v3 =	vshll.u32 v47, $0x10;
	v63 =	vshll.u32 v58, $0x10;
	v6 =	vadd.f32 v62, v61  }
0x115: {  	p2 =	seq.s32 s18, $0x0;
	[tilespmem:s19+$0xFFFFFFB0] =	vst v8;
	v1 =	vadd.f32 v3, v11;
	v3 =	vand.u32 $0xFFFF0000, v58;
	v4 =	vmul.f32 v63, v4  }
.Ltmp9:
0x116: {  	[tilespmem:s29+$0x70] =	vst v2;
	v2 =	vshll.u32 v49, $0x10;
	v3 =	vmul.f32 v3, v6;
	(pc) =	sbr.rel @p2 .LBB2_13-.Ltmp9, $4  }
0x117: {  	v1 =	vmul.f32 v2, v1;
	[tilespmem:s29+$0xFFFFFFB0] =	vst v4  }
0x118: {  	[tilespmem:s29+$0xFFFFFFF0] =	vst v3  }
0x119: {  	[tilespmem:s29+$0x30] =	vst v1  }
0x11a: {  	[spmem:s1] =	stream.indirect.scatter.add.f32 [tilespmem:s13], [sflag:$0x6], $0x80, s12, s26, $0xb8;
	[tilespmem:$0x1DA80] =	vst v63  }
.LBB2_10:
0x11b: {  	p2 =	seq.s32 s17, $0x13A  }
0x11c: {  	s0 =	simm.s32 @!p2 $0x2  }
0x11d: {  	_ =	swait.ge @!p2 [sflag:s0], $0xC0  }
0x11e: {  	s14 =	simm.s32 @!p2 $0xC0;
	[sflag:s0] =	ssyncset.done @!p2 $0x0  }
0x11f: {  	s15 =	simm.s32 @!p2 $0x5200;
	[sflag:s0] =	ssyncadd.s32 @!p2 $0xFFFFFF40;
	s0 =	simm.s32 @!p2 $0x40  }
0x120: {  	[tilespmem:s15], [sflag:$0x4] =	stream.indirect.gather @!p2 [hbm4b:s3+s0], $0x40, s14, s0, $0xb8;
	[tilespmem:$0x1DA80] =	vst v63  }
0x121: {  	s14 =	simm.s32 @!p2 $0x100;
	s15 =	simm.s32 @!p2 $0x6200  }
0x122: {  	[tilespmem:s15], [sflag:$0x4] =	stream.indirect.gather @!p2 [hbm4b:s5+s0], $0x40, s14, s0, $0xb8;
	[tilespmem:$0x1DA80] =	vst v63  }
0x123: {  	s14 =	simm.s32 @!p2 $0x140;
	s15 =	simm.s32 @!p2 $0x7200  }
0x124: {  	[tilespmem:s15], [sflag:$0x4] =	stream.indirect.gather @!p2 [hbm4b:s6+s0], $0x40, s14, s0, $0xb8;
	[tilespmem:$0x1DA80] =	vst v63  }
0x125: {  	_ =	swait.ge [sflag:s25], $0x1000  }
0x126: {  	[sflag:s25] =	ssyncset.done $0x0  }
0x127: {  	[sflag:s25] =	ssyncadd.s32 $0xFFFFF000  }
0x128: {  	_ =	swait.ge [sflag:s25], $0x1000  }
0x129: {  	[sflag:s25] =	ssyncset.done $0x0  }
0x12a: {  	[sflag:s25] =	ssyncadd.s32 $0xFFFFF000  }
0x12b: {  	_ =	swait.ge [sflag:s25], $0x1000  }
0x12c: {  	p2 =	slt.u32 s17, $0x3;
	[sflag:s25] =	ssyncset.done $0x0  }
0x12d: {  	s0 =	simm.s32 @!p2 $0x5;
	[sflag:s25] =	ssyncadd.s32 $0xFFFFF000  }
0x12e: {  	_ =	swait.ge @!p2 [sflag:s0], $0x2000  }
0x12f: {  	[sflag:s0] =	ssyncset.done @!p2 $0x0  }
0x130: {  	[sflag:s0] =	ssyncadd.s32 @!p2 $0xFFFFE000  }
0x131: {  	v1 =	vld [tilespmem:$0x40]  }
0x132: {  	v2 =	vld [tilespmem:$0x50]  }
0x133: {  	v3 =	vld [tilespmem:$0x60]  }
0x134: {  	p2 =	sgt.u32 s17, $0x138;
	v4 =	vld [tilespmem:$0x70]  }
0x135: {  	s0 =	sshll.u32 @!p2 s17, $0x4  }
0x136: {  	s0 =	sadd.s32 @!p2 s22, s0;
	[tilespmem:$0x180] =	vst v1  }
0x137: {  	s0 =	smul.u32 @!p2 $0x18, s0;
	[tilespmem:$0x190] =	vst v2  }
0x138: {  	[tilespmem:$0x1A0] =	vst v3  }
0x139: {  	s16 =	simm.s32 $0x240;
	s14 =	simm.s32 @!p2 $0x0;
	s0 =	sadd.s32 @!p2 s7, s0;
	[tilespmem:$0x1B0] =	vst v4  }
0x13a: {  	[tilespmem:s14], [sflag:$0x1] =	stream.linear.gather @!p2 [hbm4b:s0+s14], $0xC0, $0x38;
	[tilespmem:$0x1DA80] =	vst v63  }
0x13b: {  	s21 =	simm.s32 $0x1240;
	v1 =	vld [tilespmem:s16+$0x0]  }
0x13c: {  	v2 =	vld [tilespmem:s21+$0x0]  }
0x13d: {  	s31 =	simm.s32 $0x2240  }
0x13e: {  	v3 =	vld [tilespmem:s31+$0x0];
	_ =	sdelay $0x2  }
0x13f: {  	v4 =	vld [tilespmem:s21+$0xFFFFFFC0];
	v5 =	vshll.u32 v1, $0x10;
	v6 =	vshll.u32 v2, $0x10  }
0x140: {  	v7 =	vld [tilespmem:s16+$0xFFFFFFC0];
	v1 =	vand.u32 $0xFFFF0000, v1;
	v2 =	vand.u32 $0xFFFF0000, v2;
	v5 =	vadd.f32 v6, v5  }
0x141: {  	v6 =	vshll.u32 v3, $0x10;
	v1 =	vadd.f32 v2, v1  }
0x142: {  	v2 =	vld [tilespmem:s31+$0xFFFFFFC0];
	v3 =	vand.u32 $0xFFFF0000, v3;
	v5 =	vmul.f32 v6, v5  }
0x143: {  	s18 =	simm.s32 $0x3280;
	v1 =	vmul.f32 v3, v1  }
0x144: {  	[tilespmem:s18+$0x0] =	vst v5  }
0x145: {  	v3 =	vshll.u32 v7, $0x10;
	v5 =	vshll.u32 v4, $0x10;
	[tilespmem:s18+$0x40] =	vst v1  }
0x146: {  	v1 =	vand.u32 $0xFFFF0000, v7;
	v4 =	vand.u32 $0xFFFF0000, v4;
	v3 =	vadd.f32 v5, v3;
	v5 =	vld [tilespmem:s16+$0x10]  }
0x147: {  	v6 =	vshll.u32 v2, $0x10;
	v1 =	vadd.f32 v4, v1;
	v4 =	vld [tilespmem:s21+$0x10]  }
0x148: {  	v2 =	vand.u32 $0xFFFF0000, v2;
	v3 =	vmul.f32 v6, v3  }
0x149: {  	v1 =	vmul.f32 v2, v1;
	v2 =	vld [tilespmem:s31+$0x10]  }
0x14a: {  	[tilespmem:s18+$0xFFFFFF80] =	vst v3  }
0x14b: {  	[tilespmem:s18+$0xFFFFFFC0] =	vst v1  }
0x14c: {  	v1 =	vld [tilespmem:s16+$0xFFFFFFD0];
	v3 =	vshll.u32 v5, $0x10;
	v6 =	vshll.u32 v4, $0x10  }
0x14d: {  	v7 =	vld [tilespmem:s21+$0xFFFFFFD0];
	v5 =	vand.u32 $0xFFFF0000, v5;
	v4 =	vand.u32 $0xFFFF0000, v4;
	v3 =	vadd.f32 v6, v3  }
0x14e: {  	v4 =	vadd.f32 v4, v5;
	v6 =	vshll.u32 v2, $0x10  }
0x14f: {  	s19 =	simm.s32 $0x2C0;
	v5 =	vld [tilespmem:s31+$0xFFFFFFD0];
	v2 =	vand.u32 $0xFFFF0000, v2;
	v3 =	vmul.f32 v6, v3  }
0x150: {  	s20 =	simm.s32 $0x12C0;
	v6 =	vld [tilespmem:s19+$0x0];
	v2 =	vmul.f32 v2, v4  }
0x151: {  	s0 =	simm.s32 $0x22C0;
	v4 =	vld [tilespmem:s20+$0x0];
	[tilespmem:s18+$0x10] =	vst v3  }
0x152: {  	v9 =	vld [tilespmem:s0+$0x0];
	v3 =	vshll.u32 v1, $0x10;
	v8 =	vshll.u32 v7, $0x10;
	[tilespmem:s18+$0x50] =	vst v2  }
0x153: {  	v1 =	vand.u32 $0xFFFF0000, v1;
	v2 =	vand.u32 $0xFFFF0000, v7;
	v3 =	vadd.f32 v8, v3;
	v7 =	vld [tilespmem:s16+$0x20]  }
0x154: {  	v8 =	vshll.u32 v5, $0x10;
	v1 =	vadd.f32 v2, v1;
	v2 =	vld [tilespmem:s21+$0x20]  }
0x155: {  	v5 =	vand.u32 $0xFFFF0000, v5;
	v3 =	vmul.f32 v8, v3  }
0x156: {  	v10 =	vld [tilespmem:s31+$0x20];
	v1 =	vmul.f32 v5, v1;
	v5 =	vshll.u32 v6, $0x10;
	v8 =	vshll.u32 v4, $0x10  }
0x157: {  	v6 =	vand.u32 $0xFFFF0000, v6;
	v4 =	vand.u32 $0xFFFF0000, v4;
	v5 =	vadd.f32 v8, v5  }
0x158: {  	v11 =	vshll.u32 v9, $0x10;
	v9 =	vand.u32 $0xFFFF0000, v9;
	v8 =	vld [tilespmem:s20+$0xFFFFFFC0];
	v4 =	vadd.f32 v4, v6  }
0x159: {  	[tilespmem:s18+$0xFFFFFF90] =	vst v3;
	v3 =	vld [tilespmem:s19+$0xFFFFFFC0];
	v5 =	vmul.f32 v11, v5;
	v6 =	vshll.u32 v7, $0x10;
	v11 =	vshll.u32 v2, $0x10  }
0x15a: {  	[tilespmem:s18+$0xFFFFFFD0] =	vst v1;
	v1 =	vld [tilespmem:s0+$0xFFFFFFC0];
	v7 =	vand.u32 $0xFFFF0000, v7;
	v2 =	vand.u32 $0xFFFF0000, v2;
	v6 =	vadd.f32 v11, v6  }
0x15b: {  	s30 =	simm.s32 $0x3380;
	v4 =	vmul.f32 v9, v4;
	v9 =	vshll.u32 v10, $0x10;
	v11 =	vld [tilespmem:s16+$0xFFFFFFE0];
	v2 =	vadd.f32 v2, v7  }
0x15c: {  	v7 =	vld [tilespmem:s21+$0xFFFFFFE0];
	[tilespmem:s30+$0x0] =	vst v5;
	v5 =	vand.u32 $0xFFFF0000, v10;
	v6 =	vmul.f32 v9, v6  }
0x15d: {  	[tilespmem:s30+$0x40] =	vst v4;
	v2 =	vmul.f32 v5, v2  }
0x15e: {  	v4 =	vld [tilespmem:s31+$0xFFFFFFE0];
	v9 =	vshll.u32 v8, $0x10;
	v8 =	vand.u32 $0xFFFF0000, v8;
	v5 =	vshll.u32 v3, $0x10;
	[tilespmem:s18+$0x20] =	vst v6  }
0x15f: {  	v12 =	vld [tilespmem:s19+$0x10];
	v3 =	vand.u32 $0xFFFF0000, v3;
	v6 =	vshll.u32 v1, $0x10;
	v5 =	vadd.f32 v9, v5;
	[tilespmem:s18+$0x60] =	vst v2  }
0x160: {  	v1 =	vand.u32 $0xFFFF0000, v1;
	v3 =	vadd.f32 v8, v3;
	v8 =	vshll.u32 v11, $0x10;
	v9 =	vld [tilespmem:s16+$0x30]  }
0x161: {  	v10 =	vand.u32 $0xFFFF0000, v11;
	v2 =	vld [tilespmem:s21+$0x30];
	v5 =	vmul.f32 v6, v5;
	v6 =	vshll.u32 v7, $0x10  }
0x162: {  	v3 =	vmul.f32 v1, v3;
	v1 =	vand.u32 $0xFFFF0000, v7;
	v7 =	vld [tilespmem:s20+$0x10];
	v6 =	vadd.f32 v6, v8  }
0x163: {  	v8 =	vadd.f32 v1, v10;
	v1 =	vld [tilespmem:s31+$0x30];
	[tilespmem:s30+$0xFFFFFF80] =	vst v5;
	v5 =	vshll.u32 v4, $0x10  }
0x164: {  	v13 =	vld [tilespmem:s0+$0x10];
	v4 =	vand.u32 $0xFFFF0000, v4;
	[tilespmem:s30+$0xFFFFFFC0] =	vst v3;
	v3 =	vmul.f32 v5, v6  }
0x165: {  	v5 =	vmul.f32 v4, v8;
	v8 =	vld [tilespmem:s19+$0xFFFFFFD0];
	v4 =	vshll.u32 v9, $0x10  }
0x166: {  	v10 =	vld [tilespmem:s20+$0xFFFFFFD0];
	v6 =	vand.u32 $0xFFFF0000, v9;
	v11 =	vand.u32 $0xFFFF0000, v2;
	[tilespmem:s18+$0xFFFFFFA0] =	vst v3;
	v3 =	vshll.u32 v12, $0x10  }
0x167: {  	v9 =	vld [tilespmem:s0+$0xFFFFFFD0];
	[tilespmem:s18+$0xFFFFFFE0] =	vst v5;
	v5 =	vshll.u32 v7, $0x10;
	v12 =	vand.u32 $0xFFFF0000, v12;
	v14 =	vadd.f32 v11, v6  }
0x168: {  	v6 =	vand.u32 $0xFFFF0000, v7;
	v3 =	vadd.f32 v5, v3;
	v5 =	vld [tilespmem:s16+$0xFFFFFFF0];
	v7 =	vand.u32 $0xFFFF0000, v1  }
0x169: {  	s29 =	simm.s32 $0x3380;
	s15 =	simm.s32 $0x12C0;
	v15 =	vshll.u32 v13, $0x10;
	v11 =	vadd.f32 v6, v12;
	v6 =	vld [tilespmem:s21+$0xFFFFFFF0];
	v7 =	vmul.f32 v7, v14  }
0x16a: {  	s14 =	simm.s32 $0x22C0;
	s16 =	simm.s32 $0x2;
	s21 =	simm.s32 $0x340;
	v14 =	vand.u32 $0xFFFF0000, v13;
	v12 =	vshll.u32 v8, $0x10;
	v13 =	vmul.f32 v15, v3;
	v3 =	vld [tilespmem:s31+$0xFFFFFFF0]  }
.LBB2_11:
0x16b: {  	v15 =	vld [tilespmem:s21+$0x0];
	v16 =	vshll.u32 v10, $0x10;
	v8 =	vand.u32 $0xFFFF0000, v8;
	v11 =	vmul.f32 v14, v11;
	s20 =	sadd.s32 $0x80, s20;
	[tilespmem:s18+$0x70] =	vst v7  }
0x16c: {  	v10 =	vand.u32 $0xFFFF0000, v10;
	s0 =	sadd.s32 $0x80, s0;
	v7 =	vld [tilespmem:s20+$0x0];
	v14 =	vshll.u32 v9, $0x10;
	v12 =	vadd.f32 v16, v12;
	[tilespmem:s30+$0x10] =	vst v13  }
0x16d: {  	v9 =	vand.u32 $0xFFFF0000, v9;
	v8 =	vadd.f32 v10, v8;
	v13 =	vld [tilespmem:s0+$0x0];
	[tilespmem:s30+$0x50] =	vst v11;
	v10 =	vshll.u32 v5, $0x10  }
0x16e: {  	v5 =	vand.u32 $0xFFFF0000, v5;
	v11 =	vmul.f32 v14, v12;
	v12 =	vld [tilespmem:s19+$0x20];
	v14 =	vshll.u32 v6, $0x10  }
0x16f: {  	v2 =	vshll.u32 v2, $0x10;
	v8 =	vmul.f32 v9, v8;
	v6 =	vand.u32 $0xFFFF0000, v6;
	v9 =	vld [tilespmem:s15+$0x20]  }
0x170: {  	v10 =	vadd.f32 v14, v10;
	v5 =	vadd.f32 v6, v5;
	v16 =	vld [tilespmem:s20+$0xFFFFFFC0];
	[tilespmem:s30+$0xFFFFFF90] =	vst v11;
	v11 =	vshll.u32 v3, $0x10  }
0x171: {  	v17 =	vadd.f32 v2, v4;
	v6 =	vshll.u32 v15, $0x10;
	v14 =	vshll.u32 v7, $0x10;
	[tilespmem:s30+$0xFFFFFFD0] =	vst v8;
	v8 =	vld [tilespmem:s14+$0x20]  }
0x172: {  	v4 =	vand.u32 $0xFFFF0000, v15;
	v7 =	vand.u32 $0xFFFF0000, v7;
	v2 =	vld [tilespmem:s21+$0xFFFFFFC0];
	v6 =	vadd.f32 v14, v6  }
0x173: {  	v15 =	vshll.u32 v13, $0x10;
	v13 =	vand.u32 $0xFFFF0000, v13;
	v4 =	vadd.f32 v7, v4;
	v14 =	vld [tilespmem:s0+$0xFFFFFFC0]  }
0x174: {  	v6 =	vmul.f32 v15, v6;
	v7 =	vld [tilespmem:s19+$0xFFFFFFE0];
	v15 =	vshll.u32 v12, $0x10;
	v18 =	vshll.u32 v9, $0x10  }
0x175: {  	v12 =	vand.u32 $0xFFFF0000, v12;
	v9 =	vand.u32 $0xFFFF0000, v9;
	v19 =	vld [tilespmem:s15+$0xFFFFFFE0];
	v15 =	vadd.f32 v18, v15  }
0x176: {  	s16 =	sadd.s32 $0x2, s16;
	s30 =	sadd.s32 $0x100, s30;
	v4 =	vmul.f32 v13, v4;
	v9 =	vadd.f32 v9, v12;
	v13 =	vld [tilespmem:s14+$0xFFFFFFE0];
	v18 =	vshll.u32 v8, $0x10  }
0x177: {  	p2 =	slt.u32 s16, $0x3E;
	v12 =	vshll.u32 v2, $0x10;
	[tilespmem:s30+$0x0] =	vst v6;
	v6 =	vand.u32 $0xFFFF0000, v8;
	v8 =	vmul.f32 v18, v15  }
0x178: {  	v15 =	vshll.u32 v16, $0x10;
	v2 =	vand.u32 $0xFFFF0000, v2;
	[tilespmem:s30+$0x40] =	vst v4;
	v4 =	vmul.f32 v6, v9  }
0x179: {  	v6 =	vshll.u32 v14, $0x10;
	v9 =	vand.u32 $0xFFFF0000, v16;
	v12 =	vadd.f32 v15, v12;
	[tilespmem:s29+$0x20] =	vst v8  }
0x17a: {  	v8 =	vand.u32 $0xFFFF0000, v14;
	v2 =	vadd.f32 v9, v2;
	v9 =	vshll.u32 v7, $0x10;
	v14 =	vld [tilespmem:s21+$0x10];
	[tilespmem:s29+$0x60] =	vst v4  }
0x17b: {  	v7 =	vand.u32 $0xFFFF0000, v7;
	v4 =	vmul.f32 v6, v12;
	v6 =	vshll.u32 v19, $0x10;
	v12 =	vld [tilespmem:s19+$0x30]  }
0x17c: {  	v15 =	vand.u32 $0xFFFF0000, v19;
	v8 =	vmul.f32 v8, v2;
	v6 =	vadd.f32 v6, v9;
	v2 =	vld [tilespmem:s15+$0x30]  }
0x17d: {  	v9 =	vand.u32 $0xFFFF0000, v13;
	v7 =	vadd.f32 v15, v7;
	[tilespmem:s30+$0xFFFFFF80] =	vst v4;
	v16 =	vld [tilespmem:s20+$0x10];
	v4 =	vshll.u32 v13, $0x10  }
0x17e: {  	v3 =	vand.u32 $0xFFFF0000, v3;
	[tilespmem:s30+$0xFFFFFFC0] =	vst v8;
	v4 =	vmul.f32 v4, v6;
	v6 =	vshll.u32 v1, $0x10;
	v1 =	vld [tilespmem:s14+$0x30]  }
0x17f: {  	v11 =	vmul.f32 v11, v10;
	v7 =	vmul.f32 v9, v7;
	v13 =	vld [tilespmem:s0+$0x10]  }
0x180: {  	v3 =	vmul.f32 v3, v5;
	v15 =	vmul.f32 v6, v17;
	v8 =	vld [tilespmem:s21+$0xFFFFFFD0];
	[tilespmem:s29+$0xFFFFFFA0] =	vst v4;
	v4 =	vshll.u32 v12, $0x10  }
.Ltmp10:
0x181: {  	v5 =	vshll.u32 v14, $0x10;
	v6 =	vand.u32 $0xFFFF0000, v12;
	v10 =	vld [tilespmem:s20+$0xFFFFFFD0];
	[tilespmem:s29+$0xFFFFFFE0] =	vst v7;
	v7 =	vand.u32 $0xFFFF0000, v2;
	(pc) =	sbr.rel @p2 .LBB2_11-.Ltmp10, $4  }
0x182: {  	v14 =	vand.u32 $0xFFFF0000, v14;
	v9 =	vld [tilespmem:s0+$0xFFFFFFD0];
	v12 =	vshll.u32 v16, $0x10;
	v7 =	vadd.f32 v7, v6;
	[tilespmem:s18+$0xFFFFFFB0] =	vst v11  }
0x183: {  	v6 =	vand.u32 $0xFFFF0000, v16;
	v16 =	vadd.f32 v12, v5;
	v5 =	vld [tilespmem:s19+$0xFFFFFFF0];
	v12 =	vand.u32 $0xFFFF0000, v1;
	[tilespmem:s18+$0xFFFFFFF0] =	vst v3;
	s19 =	smov.u32 s21  }
0x184: {  	v11 =	vadd.f32 v6, v14;
	v3 =	vshll.u32 v13, $0x10;
	v6 =	vld [tilespmem:s15+$0xFFFFFFF0];
	v7 =	vmul.f32 v12, v7;
	[tilespmem:s18+$0x30] =	vst v15;
	s15 =	smov.u32 s20;
	s18 =	smov.u32 s29;
	s29 =	smov.u32 s30  }
0x185: {  	s21 =	sadd.s32 $0x80, s21;
	v14 =	vand.u32 $0xFFFF0000, v13;
	v12 =	vshll.u32 v8, $0x10;
	v13 =	vmul.f32 v3, v16;
	v3 =	vld [tilespmem:s14+$0xFFFFFFF0];
	s14 =	smov.u32 s0  }
0x186: {  	v15 =	vshll.u32 v10, $0x10;
	v11 =	vmul.f32 v14, v11  }
0x187: {  	v8 =	vand.u32 $0xFFFF0000, v8;
	v30 =	vand.u32 $0xFFFF0000, v10;
	v12 =	vadd.f32 v15, v12;
	[tilespmem:s30+$0x10] =	vst v13  }
0x188: {  	v31 =	vshll.u32 v9, $0x10;
	v8 =	vadd.f32 v30, v8;
	[tilespmem:s30+$0x50] =	vst v11  }
0x189: {  	v32 =	vand.u32 $0xFFFF0000, v9;
	v33 =	vmul.f32 v31, v12;
	v11 =	vld [tilespmem:s19+$0x20]  }
0x18a: {  	v8 =	vmul.f32 v32, v8;
	v34 =	vld [tilespmem:s15+$0x20]  }
0x18b: {  	[tilespmem:s30+$0xFFFFFF90] =	vst v33  }
0x18c: {  	v35 =	vld [tilespmem:s14+$0x20];
	[tilespmem:s30+$0xFFFFFFD0] =	vst v8  }
0x18d: {  	v10 =	vld [tilespmem:s19+$0xFFFFFFE0]  }
0x18e: {  	v36 =	vld [tilespmem:s15+$0xFFFFFFE0]  }
0x18f: {  	v37 =	vshll.u32 v11, $0x10;
	v38 =	vshll.u32 v34, $0x10  }
0x190: {  	v39 =	vld [tilespmem:s14+$0xFFFFFFE0];
	v11 =	vand.u32 $0xFFFF0000, v11;
	v9 =	vand.u32 $0xFFFF0000, v34;
	v13 =	vadd.f32 v38, v37  }
0x191: {  	v40 =	vshll.u32 v35, $0x10;
	v9 =	vadd.f32 v9, v11  }
0x192: {  	v8 =	vand.u32 $0xFFFF0000, v35;
	v41 =	vmul.f32 v40, v13  }
0x193: {  	v8 =	vmul.f32 v8, v9;
	v42 =	vshll.u32 v10, $0x10;
	v43 =	vshll.u32 v36, $0x10  }
0x194: {  	v10 =	vand.u32 $0xFFFF0000, v10;
	v12 =	vand.u32 $0xFFFF0000, v36;
	v9 =	vadd.f32 v43, v42  }
0x195: {  	v44 =	vshll.u32 v39, $0x10;
	v10 =	vadd.f32 v12, v10;
	[tilespmem:s29+$0x20] =	vst v41  }
0x196: {  	v45 =	vand.u32 $0xFFFF0000, v39;
	[tilespmem:s29+$0x60] =	vst v8;
	v9 =	vmul.f32 v44, v9  }
0x197: {  	v46 =	vld [tilespmem:s19+$0x30];
	v8 =	vmul.f32 v45, v10  }
0x198: {  	v47 =	vld [tilespmem:s15+$0x30];
	[tilespmem:s29+$0xFFFFFFA0] =	vst v9  }
0x199: {  	v2 =	vshll.u32 v2, $0x10;
	v49 =	vld [tilespmem:s14+$0x30];
	[tilespmem:s29+$0xFFFFFFE0] =	vst v8  }
0x19a: {  	v1 =	vshll.u32 v1, $0x10;
	v2 =	vadd.f32 v2, v4;
	v48 =	vshll.u32 v5, $0x10;
	v53 =	vld [tilespmem:s19+$0xFFFFFFF0]  }
0x19b: {  	v51 =	vand.u32 $0xFFFF0000, v5;
	v50 =	vshll.u32 v6, $0x10;
	v52 =	vand.u32 $0xFFFF0000, v6;
	v55 =	vld [tilespmem:s15+$0xFFFFFFF0]  }
0x19c: {  	v54 =	vshll.u32 v3, $0x10;
	v5 =	vadd.f32 v52, v51;
	v3 =	vand.u32 $0xFFFF0000, v3  }
0x19d: {  	v8 =	vadd.f32 v50, v48;
	v58 =	vld [tilespmem:s14+$0xFFFFFFF0];
	v56 =	vand.u32 $0xFFFF0000, v46;
	v57 =	vand.u32 $0xFFFF0000, v47  }
0x19e: {  	v1 =	vmul.f32 v1, v2;
	v3 =	vmul.f32 v3, v5;
	v4 =	vadd.f32 v57, v56  }
0x19f: {  	v8 =	vmul.f32 v54, v8;
	v11 =	vshll.u32 v46, $0x10;
	v2 =	vand.u32 $0xFFFF0000, v49  }
0x1a0: {  	[tilespmem:s18+$0x70] =	vst v7;
	v2 =	vmul.f32 v2, v4;
	v59 =	vshll.u32 v53, $0x10;
	v60 =	vshll.u32 v55, $0x10  }
0x1a1: {  	[tilespmem:s18+$0x30] =	vst v1;
	v61 =	vand.u32 $0xFFFF0000, v53;
	v62 =	vand.u32 $0xFFFF0000, v55;
	v4 =	vadd.f32 v60, v59  }
0x1a2: {  	[tilespmem:s18+$0xFFFFFFF0] =	vst v3;
	v3 =	vshll.u32 v47, $0x10;
	v63 =	vshll.u32 v58, $0x10;
	v6 =	vadd.f32 v62, v61  }
0x1a3: {  	[tilespmem:s18+$0xFFFFFFB0] =	vst v8;
	v1 =	vadd.f32 v3, v11;
	v3 =	vand.u32 $0xFFFF0000, v58;
	v4 =	vmul.f32 v63, v4  }
.Ltmp11:
0x1a4: {  	[tilespmem:s29+$0x70] =	vst v2;
	v2 =	vshll.u32 v49, $0x10;
	v3 =	vmul.f32 v3, v6;
	(pc) =	sbr.rel .LBB2_13-.Ltmp11, $4  }
0x1a5: {  	v1 =	vmul.f32 v2, v1;
	[tilespmem:s29+$0xFFFFFFB0] =	vst v4  }
0x1a6: {  	[tilespmem:s29+$0xFFFFFFF0] =	vst v3  }
0x1a7: {  	[tilespmem:s29+$0x30] =	vst v1  }
0x1a8: {  	[spmem:s1] =	stream.indirect.scatter.add.f32 [tilespmem:s23], [sflag:$0x5], $0x80, s28, s26, $0xb8;
	[tilespmem:$0x1DA80] =	vst v63  }
.LBB2_15:
.Ltmp12:
0x1a9: {  	(pc) =	sbr.rel .LBB2_16-.Ltmp12, $4  }
0x1aa: {  	s0 =	rddreg [dreg:$0x11]  }
0x1ab: {  	[tilespmem:s17], [sflag:$0x1] =	stream.linear.gather [hbm4b:s0+s17], $0xC0, $0x38;
	[tilespmem:$0x1DA80] =	vst v63  }
0x1ac: {  	s31 =	rddreg [dreg:$0x13];
	s14 =	simm.s32 $0xC0  }
0x1ad: {  	[tilespmem:s14], [sflag:$0x2] =	stream.linear.gather [hbm4b:s31+s17], $0xC0, $0x38;
	[tilespmem:$0x1DA80] =	vst v63  }
.LBB2_23:
0x1ae: {  	v15 =	vshll.u32 v10, $0x10;
	v11 =	vmul.f32 v14, v11  }
0x1af: {  	v8 =	vand.u32 $0xFFFF0000, v8;
	v30 =	vand.u32 $0xFFFF0000, v10;
	[tilespmem:s30+$0x10] =	vst v13;
	v12 =	vadd.f32 v15, v12  }
0x1b0: {  	v31 =	vshll.u32 v9, $0x10;
	v8 =	vadd.f32 v30, v8;
	[tilespmem:s30+$0x50] =	vst v11  }
0x1b1: {  	v32 =	vand.u32 $0xFFFF0000, v9;
	v33 =	vmul.f32 v31, v12;
	v11 =	vld [tilespmem:s19+$0x20]  }
0x1b2: {  	v8 =	vmul.f32 v32, v8;
	v34 =	vld [tilespmem:s15+$0x20]  }
0x1b3: {  	[tilespmem:s30+$0xFFFFFF90] =	vst v33  }
0x1b4: {  	v35 =	vld [tilespmem:s14+$0x20];
	[tilespmem:s30+$0xFFFFFFD0] =	vst v8  }
0x1b5: {  	v10 =	vld [tilespmem:s19+$0xFFFFFFE0]  }
0x1b6: {  	v36 =	vld [tilespmem:s15+$0xFFFFFFE0]  }
0x1b7: {  	v37 =	vshll.u32 v11, $0x10;
	v38 =	vshll.u32 v34, $0x10  }
0x1b8: {  	v39 =	vld [tilespmem:s14+$0xFFFFFFE0];
	v11 =	vand.u32 $0xFFFF0000, v11;
	v9 =	vand.u32 $0xFFFF0000, v34;
	v13 =	vadd.f32 v38, v37  }
0x1b9: {  	v40 =	vshll.u32 v35, $0x10;
	v9 =	vadd.f32 v9, v11  }
0x1ba: {  	v8 =	vand.u32 $0xFFFF0000, v35;
	v41 =	vmul.f32 v40, v13  }
0x1bb: {  	v8 =	vmul.f32 v8, v9;
	v42 =	vshll.u32 v10, $0x10;
	v43 =	vshll.u32 v36, $0x10  }
0x1bc: {  	v10 =	vand.u32 $0xFFFF0000, v10;
	v12 =	vand.u32 $0xFFFF0000, v36;
	v9 =	vadd.f32 v43, v42  }
0x1bd: {  	v44 =	vshll.u32 v39, $0x10;
	v10 =	vadd.f32 v12, v10;
	[tilespmem:s29+$0x20] =	vst v41  }
0x1be: {  	v45 =	vand.u32 $0xFFFF0000, v39;
	[tilespmem:s29+$0x60] =	vst v8;
	v9 =	vmul.f32 v44, v9  }
0x1bf: {  	v46 =	vld [tilespmem:s19+$0x30];
	v8 =	vmul.f32 v45, v10  }
0x1c0: {  	v47 =	vld [tilespmem:s15+$0x30];
	[tilespmem:s29+$0xFFFFFFA0] =	vst v9  }
0x1c1: {  	v48 =	vshll.u32 v5, $0x10;
	v49 =	vld [tilespmem:s14+$0x30];
	[tilespmem:s29+$0xFFFFFFE0] =	vst v8  }
0x1c2: {  	v50 =	vshll.u32 v6, $0x10;
	v51 =	vand.u32 $0xFFFF0000, v5;
	v52 =	vand.u32 $0xFFFF0000, v6;
	v53 =	vld [tilespmem:s19+$0xFFFFFFF0]  }
0x1c3: {  	v2 =	vshll.u32 v2, $0x10;
	v54 =	vshll.u32 v3, $0x10;
	v3 =	vand.u32 $0xFFFF0000, v3;
	v55 =	vld [tilespmem:s15+$0xFFFFFFF0]  }
0x1c4: {  	v1 =	vshll.u32 v1, $0x10;
	v5 =	vadd.f32 v52, v51;
	v2 =	vadd.f32 v2, v4  }
0x1c5: {  	v8 =	vadd.f32 v50, v48;
	v58 =	vld [tilespmem:s14+$0xFFFFFFF0];
	v56 =	vand.u32 $0xFFFF0000, v46;
	v57 =	vand.u32 $0xFFFF0000, v47  }
0x1c6: {  	v3 =	vmul.f32 v3, v5;
	v1 =	vmul.f32 v1, v2;
	v4 =	vadd.f32 v57, v56  }
0x1c7: {  	v8 =	vmul.f32 v54, v8;
	v11 =	vshll.u32 v46, $0x10;
	v2 =	vand.u32 $0xFFFF0000, v49  }
0x1c8: {  	[tilespmem:s18+$0x70] =	vst v7;
	v2 =	vmul.f32 v2, v4;
	v59 =	vshll.u32 v53, $0x10;
	v60 =	vshll.u32 v55, $0x10  }
0x1c9: {  	[tilespmem:s18+$0xFFFFFFF0] =	vst v3;
	v61 =	vand.u32 $0xFFFF0000, v53;
	v62 =	vand.u32 $0xFFFF0000, v55;
	v4 =	vadd.f32 v60, v59  }
0x1ca: {  	[tilespmem:s18+$0x30] =	vst v1;
	v3 =	vshll.u32 v47, $0x10;
	v63 =	vshll.u32 v58, $0x10;
	v6 =	vadd.f32 v62, v61  }
0x1cb: {  	[tilespmem:s18+$0xFFFFFFB0] =	vst v8;
	v1 =	vadd.f32 v3, v11;
	v3 =	vand.u32 $0xFFFF0000, v58;
	v4 =	vmul.f32 v63, v4  }
0x1cc: {  	[tilespmem:s29+$0x70] =	vst v2;
	v2 =	vshll.u32 v49, $0x10;
	v3 =	vmul.f32 v3, v6  }
0x1cd: {  	v1 =	vmul.f32 v2, v1;
	[tilespmem:s29+$0xFFFFFFB0] =	vst v4  }
0x1ce: {  	[tilespmem:s29+$0xFFFFFFF0] =	vst v3  }
0x1cf: {  	[tilespmem:s29+$0x30] =	vst v1  }
0x1d0: {  	[spmem:s1] =	stream.indirect.scatter.add.f32 [tilespmem:s23], [sflag:$0x5], $0x80, s28, s26, $0xb8;
	[tilespmem:$0x1DA80] =	vst v63  }
.LBB2_24:
0x1d1: {  	s17 =	sadd.s32 $0x1, s17  }
0x1d2: {  	p2 =	sne.s32 s17, $0x13B  }
.Ltmp13:
0x1d3: {  	_ = 	snop;
	(pc) =	sbr.rel @!p2 .LBB2_25-.Ltmp13, $1  }
0x1d4: {  	_ =	sdelay $0x3  }
.LBB2_16:
0x1d5: {  	s18 =	sand.u32 $0x1, s17  }
0x1d6: {  	p2 =	seq.s32 s18, $0x1  }
.Ltmp14:
0x1d7: {  	_ = 	snop;
	(pc) =	sbr.rel @p2 .LBB2_21-.Ltmp14, $1  }
0x1d8: {  	_ =	sdelay $0x3  }
0x1d9: {  	p2 =	seq.s32 s17, $0x13A  }
0x1da: {  	s0 =	simm.s32 @!p2 $0x1  }
0x1db: {  	_ =	swait.ge @!p2 [sflag:s0], $0xC0  }
0x1dc: {  	s14 =	simm.s32 @!p2 $0x0;
	[sflag:s0] =	ssyncset.done @!p2 $0x0  }
0x1dd: {  	s15 =	simm.s32 @!p2 $0x200;
	[sflag:s0] =	ssyncadd.s32 @!p2 $0xFFFFFF40;
	s0 =	simm.s32 @!p2 $0x40  }
0x1de: {  	[tilespmem:s15], [sflag:$0x3] =	stream.indirect.gather @!p2 [hbm4b:s8+s0], $0x40, s14, s0, $0xb8;
	[tilespmem:$0x1DA80] =	vst v63  }
0x1df: {  	s14 =	simm.s32 @!p2 $0x1200  }
0x1e0: {  	[tilespmem:s14], [sflag:$0x3] =	stream.indirect.gather @!p2 [hbm4b:s9+s0], $0x40, s0, s0, $0xb8;
	[tilespmem:$0x1DA80] =	vst v63  }
0x1e1: {  	p3 =	seq.s32 @!p2 s17, $0x0;
	s15 =	simm.s32 @!p2 $0x2200;
	s14 =	simm.s32 @!p2 $0x80  }
0x1e2: {  	[tilespmem:s15], [sflag:$0x3] =	stream.indirect.gather @!p2 [hbm4b:s10+s0], $0x40, s14, s0, $0xb8;
	[tilespmem:$0x1DA80] =	vst v63  }
0x1e3: {  	p2 =	por p2, !p3  }
.Ltmp15:
0x1e4: {  	_ = 	snop;
	(pc) =	sbr.rel @!p2 .LBB2_24-.Ltmp15, $1  }
0x1e5: {  	_ =	sdelay $0x3  }
0x1e6: {  	_ =	swait.ge [sflag:s4], $0x1000  }
0x1e7: {  	[sflag:s4] =	ssyncset.done $0x0  }
0x1e8: {  	[sflag:s4] =	ssyncadd.s32 $0xFFFFF000  }
0x1e9: {  	_ =	swait.ge [sflag:s4], $0x1000  }
0x1ea: {  	[sflag:s4] =	ssyncset.done $0x0  }
0x1eb: {  	[sflag:s4] =	ssyncadd.s32 $0xFFFFF000  }
0x1ec: {  	_ =	swait.ge [sflag:s4], $0x1000  }
0x1ed: {  	p2 =	slt.u32 s17, $0x3;
	[sflag:s4] =	ssyncset.done $0x0  }
0x1ee: {  	s0 =	simm.s32 @!p2 $0x6;
	[sflag:s4] =	ssyncadd.s32 $0xFFFFF000  }
0x1ef: {  	_ =	swait.ge @!p2 [sflag:s0], $0x2000  }
0x1f0: {  	[sflag:s0] =	ssyncset.done @!p2 $0x0  }
0x1f1: {  	[sflag:s0] =	ssyncadd.s32 @!p2 $0xFFFFE000  }
0x1f2: {  	v1 =	vld [tilespmem:$0x100]  }
0x1f3: {  	v2 =	vld [tilespmem:$0x110]  }
0x1f4: {  	v3 =	vld [tilespmem:$0x120]  }
0x1f5: {  	p2 =	sgt.u32 s17, $0x138;
	v4 =	vld [tilespmem:$0x130]  }
0x1f6: {  	s0 =	sshll.u32 @!p2 s17, $0x4  }
0x1f7: {  	s0 =	sor.u32 @!p2 s22, s0;
	[tilespmem:$0x1C0] =	vst v1  }
0x1f8: {  	s0 =	smul.u32 @!p2 $0x18, s0;
	[tilespmem:$0x1D0] =	vst v2  }
0x1f9: {  	s16 =	simm.s32 $0x5240;
	[tilespmem:$0x1E0] =	vst v3  }
0x1fa: {  	s14 =	simm.s32 @!p2 $0x0;
	s15 =	simm.s32 @!p2 $0xC0;
	s0 =	sadd.s32 @!p2 s11, s0;
	[tilespmem:$0x1F0] =	vst v4  }
0x1fb: {  	[tilespmem:s15], [sflag:$0x2] =	stream.linear.gather @!p2 [hbm4b:s0+s14], $0xC0, $0x38;
	[tilespmem:$0x1DA80] =	vst v63  }
0x1fc: {  	s21 =	simm.s32 $0x6240;
	v1 =	vld [tilespmem:s16+$0x0]  }
0x1fd: {  	v2 =	vld [tilespmem:s21+$0x0]  }
0x1fe: {  	s14 =	simm.s32 $0x7240  }
0x1ff: {  	v3 =	vld [tilespmem:s14+$0x0];
	_ =	sdelay $0x2  }
0x200: {  	v4 =	vld [tilespmem:s21+$0xFFFFFFC0];
	v5 =	vshll.u32 v1, $0x10;
	v6 =	vshll.u32 v2, $0x10  }
0x201: {  	v7 =	vld [tilespmem:s16+$0xFFFFFFC0];
	v1 =	vand.u32 $0xFFFF0000, v1;
	v2 =	vand.u32 $0xFFFF0000, v2;
	v5 =	vadd.f32 v6, v5  }
0x202: {  	v6 =	vshll.u32 v3, $0x10;
	v1 =	vadd.f32 v2, v1  }
0x203: {  	v2 =	vld [tilespmem:s14+$0xFFFFFFC0];
	v3 =	vand.u32 $0xFFFF0000, v3;
	v5 =	vmul.f32 v6, v5  }
0x204: {  	s19 =	simm.s32 $0x8280;
	v1 =	vmul.f32 v3, v1  }
0x205: {  	[tilespmem:s19+$0x0] =	vst v5  }
0x206: {  	v3 =	vshll.u32 v7, $0x10;
	v5 =	vshll.u32 v4, $0x10;
	[tilespmem:s19+$0x40] =	vst v1  }
0x207: {  	v1 =	vand.u32 $0xFFFF0000, v7;
	v4 =	vand.u32 $0xFFFF0000, v4;
	v3 =	vadd.f32 v5, v3;
	v5 =	vld [tilespmem:s16+$0x10]  }
0x208: {  	v6 =	vshll.u32 v2, $0x10;
	v1 =	vadd.f32 v4, v1;
	v4 =	vld [tilespmem:s21+$0x10]  }
0x209: {  	v2 =	vand.u32 $0xFFFF0000, v2;
	v3 =	vmul.f32 v6, v3  }
0x20a: {  	v1 =	vmul.f32 v2, v1;
	v2 =	vld [tilespmem:s14+$0x10]  }
0x20b: {  	[tilespmem:s19+$0xFFFFFF80] =	vst v3  }
0x20c: {  	[tilespmem:s19+$0xFFFFFFC0] =	vst v1  }
0x20d: {  	v1 =	vld [tilespmem:s16+$0xFFFFFFD0];
	v3 =	vshll.u32 v5, $0x10;
	v6 =	vshll.u32 v4, $0x10  }
0x20e: {  	v7 =	vld [tilespmem:s21+$0xFFFFFFD0];
	v5 =	vand.u32 $0xFFFF0000, v5;
	v4 =	vand.u32 $0xFFFF0000, v4;
	v3 =	vadd.f32 v6, v3  }
0x20f: {  	v4 =	vadd.f32 v4, v5;
	v6 =	vshll.u32 v2, $0x10  }
0x210: {  	s20 =	simm.s32 $0x52C0;
	v5 =	vld [tilespmem:s14+$0xFFFFFFD0];
	v2 =	vand.u32 $0xFFFF0000, v2;
	v3 =	vmul.f32 v6, v3  }
0x211: {  	s31 =	simm.s32 $0x62C0;
	v6 =	vld [tilespmem:s20+$0x0];
	v2 =	vmul.f32 v2, v4  }
0x212: {  	s0 =	simm.s32 $0x72C0;
	v4 =	vld [tilespmem:s31+$0x0];
	[tilespmem:s19+$0x10] =	vst v3  }
0x213: {  	v9 =	vld [tilespmem:s0+$0x0];
	v3 =	vshll.u32 v1, $0x10;
	v8 =	vshll.u32 v7, $0x10;
	[tilespmem:s19+$0x50] =	vst v2  }
0x214: {  	v1 =	vand.u32 $0xFFFF0000, v1;
	v2 =	vand.u32 $0xFFFF0000, v7;
	v3 =	vadd.f32 v8, v3;
	v7 =	vld [tilespmem:s16+$0x20]  }
0x215: {  	v8 =	vshll.u32 v5, $0x10;
	v1 =	vadd.f32 v2, v1;
	v2 =	vld [tilespmem:s21+$0x20]  }
0x216: {  	v5 =	vand.u32 $0xFFFF0000, v5;
	v3 =	vmul.f32 v8, v3  }
0x217: {  	v10 =	vld [tilespmem:s14+$0x20];
	v1 =	vmul.f32 v5, v1;
	v5 =	vshll.u32 v6, $0x10;
	v8 =	vshll.u32 v4, $0x10  }
0x218: {  	v6 =	vand.u32 $0xFFFF0000, v6;
	v4 =	vand.u32 $0xFFFF0000, v4;
	v5 =	vadd.f32 v8, v5  }
0x219: {  	v11 =	vshll.u32 v9, $0x10;
	v9 =	vand.u32 $0xFFFF0000, v9;
	v8 =	vld [tilespmem:s31+$0xFFFFFFC0];
	v4 =	vadd.f32 v4, v6  }
0x21a: {  	[tilespmem:s19+$0xFFFFFF90] =	vst v3;
	v3 =	vld [tilespmem:s20+$0xFFFFFFC0];
	v5 =	vmul.f32 v11, v5;
	v6 =	vshll.u32 v7, $0x10;
	v11 =	vshll.u32 v2, $0x10  }
0x21b: {  	[tilespmem:s19+$0xFFFFFFD0] =	vst v1;
	v1 =	vld [tilespmem:s0+$0xFFFFFFC0];
	v7 =	vand.u32 $0xFFFF0000, v7;
	v2 =	vand.u32 $0xFFFF0000, v2;
	v6 =	vadd.f32 v11, v6  }
0x21c: {  	s30 =	simm.s32 $0x8380;
	v4 =	vmul.f32 v9, v4;
	v9 =	vshll.u32 v10, $0x10;
	v11 =	vld [tilespmem:s16+$0xFFFFFFE0];
	v2 =	vadd.f32 v2, v7  }
0x21d: {  	v7 =	vld [tilespmem:s21+$0xFFFFFFE0];
	[tilespmem:s30+$0x0] =	vst v5;
	v5 =	vand.u32 $0xFFFF0000, v10;
	v6 =	vmul.f32 v9, v6  }
0x21e: {  	[tilespmem:s30+$0x40] =	vst v4;
	v2 =	vmul.f32 v5, v2  }
0x21f: {  	v4 =	vld [tilespmem:s14+$0xFFFFFFE0];
	v9 =	vshll.u32 v8, $0x10;
	v8 =	vand.u32 $0xFFFF0000, v8;
	v5 =	vshll.u32 v3, $0x10;
	[tilespmem:s19+$0x20] =	vst v6  }
0x220: {  	v12 =	vld [tilespmem:s20+$0x10];
	v3 =	vand.u32 $0xFFFF0000, v3;
	v6 =	vshll.u32 v1, $0x10;
	v5 =	vadd.f32 v9, v5;
	[tilespmem:s19+$0x60] =	vst v2  }
0x221: {  	v1 =	vand.u32 $0xFFFF0000, v1;
	v3 =	vadd.f32 v8, v3;
	v8 =	vshll.u32 v11, $0x10;
	v9 =	vld [tilespmem:s16+$0x30]  }
0x222: {  	v10 =	vand.u32 $0xFFFF0000, v11;
	v2 =	vld [tilespmem:s21+$0x30];
	v5 =	vmul.f32 v6, v5;
	v6 =	vshll.u32 v7, $0x10  }
0x223: {  	v3 =	vmul.f32 v1, v3;
	v1 =	vand.u32 $0xFFFF0000, v7;
	v7 =	vld [tilespmem:s31+$0x10];
	v6 =	vadd.f32 v6, v8  }
0x224: {  	v8 =	vadd.f32 v1, v10;
	v1 =	vld [tilespmem:s14+$0x30];
	[tilespmem:s30+$0xFFFFFF80] =	vst v5;
	v5 =	vshll.u32 v4, $0x10  }
0x225: {  	v13 =	vld [tilespmem:s0+$0x10];
	v4 =	vand.u32 $0xFFFF0000, v4;
	[tilespmem:s30+$0xFFFFFFC0] =	vst v3;
	v3 =	vmul.f32 v5, v6  }
0x226: {  	v5 =	vmul.f32 v4, v8;
	v8 =	vld [tilespmem:s20+$0xFFFFFFD0];
	v4 =	vshll.u32 v9, $0x10  }
0x227: {  	v10 =	vld [tilespmem:s31+$0xFFFFFFD0];
	v6 =	vand.u32 $0xFFFF0000, v9;
	v11 =	vand.u32 $0xFFFF0000, v2;
	[tilespmem:s19+$0xFFFFFFA0] =	vst v3;
	v3 =	vshll.u32 v12, $0x10  }
0x228: {  	v9 =	vld [tilespmem:s0+$0xFFFFFFD0];
	[tilespmem:s19+$0xFFFFFFE0] =	vst v5;
	v5 =	vshll.u32 v7, $0x10;
	v12 =	vand.u32 $0xFFFF0000, v12;
	v14 =	vadd.f32 v11, v6  }
0x229: {  	v6 =	vand.u32 $0xFFFF0000, v7;
	v3 =	vadd.f32 v5, v3;
	v5 =	vld [tilespmem:s16+$0xFFFFFFF0];
	v7 =	vand.u32 $0xFFFF0000, v1  }
0x22a: {  	s29 =	simm.s32 $0x8380;
	s15 =	simm.s32 $0x62C0;
	v15 =	vshll.u32 v13, $0x10;
	v11 =	vadd.f32 v6, v12;
	v6 =	vld [tilespmem:s21+$0xFFFFFFF0];
	v7 =	vmul.f32 v7, v14  }
0x22b: {  	s16 =	simm.s32 $0x2;
	s21 =	simm.s32 $0x5340;
	v14 =	vand.u32 $0xFFFF0000, v13;
	v12 =	vshll.u32 v8, $0x10;
	v13 =	vmul.f32 v15, v3;
	v3 =	vld [tilespmem:s14+$0xFFFFFFF0];
	s14 =	simm.s32 $0x72C0  }
.LBB2_19:
0x22c: {  	v15 =	vld [tilespmem:s21+$0x0];
	v16 =	vshll.u32 v10, $0x10;
	v8 =	vand.u32 $0xFFFF0000, v8;
	v11 =	vmul.f32 v14, v11;
	s31 =	sadd.s32 $0x80, s31;
	[tilespmem:s19+$0x70] =	vst v7  }
0x22d: {  	v10 =	vand.u32 $0xFFFF0000, v10;
	s0 =	sadd.s32 $0x80, s0;
	v7 =	vld [tilespmem:s31+$0x0];
	v14 =	vshll.u32 v9, $0x10;
	v12 =	vadd.f32 v16, v12;
	[tilespmem:s30+$0x10] =	vst v13  }
0x22e: {  	v9 =	vand.u32 $0xFFFF0000, v9;
	v8 =	vadd.f32 v10, v8;
	v13 =	vld [tilespmem:s0+$0x0];
	[tilespmem:s30+$0x50] =	vst v11;
	v10 =	vshll.u32 v5, $0x10  }
0x22f: {  	v5 =	vand.u32 $0xFFFF0000, v5;
	v11 =	vmul.f32 v14, v12;
	v12 =	vld [tilespmem:s20+$0x20];
	v14 =	vshll.u32 v6, $0x10  }
0x230: {  	v2 =	vshll.u32 v2, $0x10;
	v8 =	vmul.f32 v9, v8;
	v6 =	vand.u32 $0xFFFF0000, v6;
	v9 =	vld [tilespmem:s15+$0x20]  }
0x231: {  	v10 =	vadd.f32 v14, v10;
	v5 =	vadd.f32 v6, v5;
	v16 =	vld [tilespmem:s31+$0xFFFFFFC0];
	[tilespmem:s30+$0xFFFFFF90] =	vst v11;
	v11 =	vshll.u32 v3, $0x10  }
0x232: {  	v17 =	vadd.f32 v2, v4;
	v6 =	vshll.u32 v15, $0x10;
	v14 =	vshll.u32 v7, $0x10;
	[tilespmem:s30+$0xFFFFFFD0] =	vst v8;
	v8 =	vld [tilespmem:s14+$0x20]  }
0x233: {  	v4 =	vand.u32 $0xFFFF0000, v15;
	v7 =	vand.u32 $0xFFFF0000, v7;
	v2 =	vld [tilespmem:s21+$0xFFFFFFC0];
	v6 =	vadd.f32 v14, v6  }
0x234: {  	v15 =	vshll.u32 v13, $0x10;
	v13 =	vand.u32 $0xFFFF0000, v13;
	v4 =	vadd.f32 v7, v4;
	v14 =	vld [tilespmem:s0+$0xFFFFFFC0]  }
0x235: {  	v6 =	vmul.f32 v15, v6;
	v7 =	vld [tilespmem:s20+$0xFFFFFFE0];
	v15 =	vshll.u32 v12, $0x10;
	v18 =	vshll.u32 v9, $0x10  }
0x236: {  	v12 =	vand.u32 $0xFFFF0000, v12;
	v9 =	vand.u32 $0xFFFF0000, v9;
	v19 =	vld [tilespmem:s15+$0xFFFFFFE0];
	v15 =	vadd.f32 v18, v15  }
0x237: {  	s16 =	sadd.s32 $0x2, s16;
	s30 =	sadd.s32 $0x100, s30;
	v4 =	vmul.f32 v13, v4;
	v9 =	vadd.f32 v9, v12;
	v13 =	vld [tilespmem:s14+$0xFFFFFFE0];
	v18 =	vshll.u32 v8, $0x10  }
0x238: {  	p2 =	slt.u32 s16, $0x3E;
	v12 =	vshll.u32 v2, $0x10;
	[tilespmem:s30+$0x0] =	vst v6;
	v6 =	vand.u32 $0xFFFF0000, v8;
	v8 =	vmul.f32 v18, v15  }
0x239: {  	v15 =	vshll.u32 v16, $0x10;
	v2 =	vand.u32 $0xFFFF0000, v2;
	[tilespmem:s30+$0x40] =	vst v4;
	v4 =	vmul.f32 v6, v9  }
0x23a: {  	v6 =	vshll.u32 v14, $0x10;
	v9 =	vand.u32 $0xFFFF0000, v16;
	v12 =	vadd.f32 v15, v12;
	[tilespmem:s29+$0x20] =	vst v8  }
0x23b: {  	v8 =	vand.u32 $0xFFFF0000, v14;
	v2 =	vadd.f32 v9, v2;
	v9 =	vshll.u32 v7, $0x10;
	v14 =	vld [tilespmem:s21+$0x10];
	[tilespmem:s29+$0x60] =	vst v4  }
0x23c: {  	v7 =	vand.u32 $0xFFFF0000, v7;
	v4 =	vmul.f32 v6, v12;
	v6 =	vshll.u32 v19, $0x10;
	v12 =	vld [tilespmem:s20+$0x30]  }
0x23d: {  	v15 =	vand.u32 $0xFFFF0000, v19;
	v8 =	vmul.f32 v8, v2;
	v6 =	vadd.f32 v6, v9;
	v2 =	vld [tilespmem:s15+$0x30]  }
0x23e: {  	v9 =	vand.u32 $0xFFFF0000, v13;
	v7 =	vadd.f32 v15, v7;
	[tilespmem:s30+$0xFFFFFF80] =	vst v4;
	v16 =	vld [tilespmem:s31+$0x10];
	v4 =	vshll.u32 v13, $0x10  }
0x23f: {  	v3 =	vand.u32 $0xFFFF0000, v3;
	[tilespmem:s30+$0xFFFFFFC0] =	vst v8;
	v4 =	vmul.f32 v4, v6;
	v6 =	vshll.u32 v1, $0x10;
	v1 =	vld [tilespmem:s14+$0x30]  }
0x240: {  	v11 =	vmul.f32 v11, v10;
	v7 =	vmul.f32 v9, v7;
	v13 =	vld [tilespmem:s0+$0x10]  }
0x241: {  	v3 =	vmul.f32 v3, v5;
	v15 =	vmul.f32 v6, v17;
	v8 =	vld [tilespmem:s21+$0xFFFFFFD0];
	[tilespmem:s29+$0xFFFFFFA0] =	vst v4;
	v4 =	vshll.u32 v12, $0x10  }
.Ltmp16:
0x242: {  	v5 =	vshll.u32 v14, $0x10;
	v6 =	vand.u32 $0xFFFF0000, v12;
	v10 =	vld [tilespmem:s31+$0xFFFFFFD0];
	[tilespmem:s29+$0xFFFFFFE0] =	vst v7;
	v7 =	vand.u32 $0xFFFF0000, v2;
	(pc) =	sbr.rel @p2 .LBB2_19-.Ltmp16, $4  }
0x243: {  	v14 =	vand.u32 $0xFFFF0000, v14;
	v9 =	vld [tilespmem:s0+$0xFFFFFFD0];
	v12 =	vshll.u32 v16, $0x10;
	v7 =	vadd.f32 v7, v6;
	[tilespmem:s19+$0xFFFFFFB0] =	vst v11  }
0x244: {  	v6 =	vand.u32 $0xFFFF0000, v16;
	v16 =	vadd.f32 v12, v5;
	v5 =	vld [tilespmem:s20+$0xFFFFFFF0];
	v12 =	vand.u32 $0xFFFF0000, v1;
	[tilespmem:s19+$0xFFFFFFF0] =	vst v3;
	s20 =	smov.u32 s21  }
0x245: {  	v11 =	vadd.f32 v6, v14;
	v3 =	vshll.u32 v13, $0x10;
	v6 =	vld [tilespmem:s15+$0xFFFFFFF0];
	v7 =	vmul.f32 v12, v7;
	[tilespmem:s19+$0x30] =	vst v15;
	s15 =	smov.u32 s31;
	s19 =	smov.u32 s29;
	s29 =	smov.u32 s30  }
0x246: {  	s21 =	sadd.s32 $0x80, s21;
	v14 =	vand.u32 $0xFFFF0000, v13;
	v12 =	vshll.u32 v8, $0x10;
	v13 =	vmul.f32 v3, v16;
	v3 =	vld [tilespmem:s14+$0xFFFFFFF0];
	s14 =	smov.u32 s0  }
0x247: {  	v15 =	vshll.u32 v10, $0x10;
	v11 =	vmul.f32 v14, v11  }
0x248: {  	v8 =	vand.u32 $0xFFFF0000, v8;
	v30 =	vand.u32 $0xFFFF0000, v10;
	v12 =	vadd.f32 v15, v12;
	[tilespmem:s30+$0x10] =	vst v13  }
0x249: {  	v31 =	vshll.u32 v9, $0x10;
	v8 =	vadd.f32 v30, v8;
	[tilespmem:s30+$0x50] =	vst v11  }
0x24a: {  	v32 =	vand.u32 $0xFFFF0000, v9;
	v33 =	vmul.f32 v31, v12;
	v11 =	vld [tilespmem:s20+$0x20]  }
0x24b: {  	v8 =	vmul.f32 v32, v8;
	v34 =	vld [tilespmem:s15+$0x20]  }
0x24c: {  	[tilespmem:s30+$0xFFFFFF90] =	vst v33  }
0x24d: {  	v35 =	vld [tilespmem:s14+$0x20];
	[tilespmem:s30+$0xFFFFFFD0] =	vst v8  }
0x24e: {  	v10 =	vld [tilespmem:s20+$0xFFFFFFE0]  }
0x24f: {  	v36 =	vld [tilespmem:s15+$0xFFFFFFE0]  }
0x250: {  	v37 =	vshll.u32 v11, $0x10;
	v38 =	vshll.u32 v34, $0x10  }
0x251: {  	v39 =	vld [tilespmem:s14+$0xFFFFFFE0];
	v11 =	vand.u32 $0xFFFF0000, v11;
	v9 =	vand.u32 $0xFFFF0000, v34;
	v13 =	vadd.f32 v38, v37  }
0x252: {  	v40 =	vshll.u32 v35, $0x10;
	v9 =	vadd.f32 v9, v11  }
0x253: {  	v8 =	vand.u32 $0xFFFF0000, v35;
	v41 =	vmul.f32 v40, v13  }
0x254: {  	v8 =	vmul.f32 v8, v9;
	v42 =	vshll.u32 v10, $0x10;
	v43 =	vshll.u32 v36, $0x10  }
0x255: {  	v10 =	vand.u32 $0xFFFF0000, v10;
	v12 =	vand.u32 $0xFFFF0000, v36;
	v9 =	vadd.f32 v43, v42  }
0x256: {  	v44 =	vshll.u32 v39, $0x10;
	v10 =	vadd.f32 v12, v10;
	[tilespmem:s29+$0x20] =	vst v41  }
0x257: {  	v45 =	vand.u32 $0xFFFF0000, v39;
	[tilespmem:s29+$0x60] =	vst v8;
	v9 =	vmul.f32 v44, v9  }
0x258: {  	v46 =	vld [tilespmem:s20+$0x30];
	v8 =	vmul.f32 v45, v10  }
0x259: {  	v47 =	vld [tilespmem:s15+$0x30];
	[tilespmem:s29+$0xFFFFFFA0] =	vst v9  }
0x25a: {  	v2 =	vshll.u32 v2, $0x10;
	v49 =	vld [tilespmem:s14+$0x30];
	[tilespmem:s29+$0xFFFFFFE0] =	vst v8  }
0x25b: {  	v1 =	vshll.u32 v1, $0x10;
	v2 =	vadd.f32 v2, v4;
	v48 =	vshll.u32 v5, $0x10;
	v53 =	vld [tilespmem:s20+$0xFFFFFFF0]  }
0x25c: {  	v51 =	vand.u32 $0xFFFF0000, v5;
	v50 =	vshll.u32 v6, $0x10;
	v52 =	vand.u32 $0xFFFF0000, v6;
	v55 =	vld [tilespmem:s15+$0xFFFFFFF0]  }
0x25d: {  	v54 =	vshll.u32 v3, $0x10;
	v5 =	vadd.f32 v52, v51;
	v3 =	vand.u32 $0xFFFF0000, v3  }
0x25e: {  	v8 =	vadd.f32 v50, v48;
	v58 =	vld [tilespmem:s14+$0xFFFFFFF0];
	v56 =	vand.u32 $0xFFFF0000, v46;
	v57 =	vand.u32 $0xFFFF0000, v47  }
0x25f: {  	v1 =	vmul.f32 v1, v2;
	v3 =	vmul.f32 v3, v5;
	v4 =	vadd.f32 v57, v56  }
0x260: {  	v8 =	vmul.f32 v54, v8;
	v11 =	vshll.u32 v46, $0x10;
	v2 =	vand.u32 $0xFFFF0000, v49  }
0x261: {  	[tilespmem:s19+$0x70] =	vst v7;
	v2 =	vmul.f32 v2, v4;
	v59 =	vshll.u32 v53, $0x10;
	v60 =	vshll.u32 v55, $0x10  }
0x262: {  	[tilespmem:s19+$0x30] =	vst v1;
	v61 =	vand.u32 $0xFFFF0000, v53;
	v62 =	vand.u32 $0xFFFF0000, v55;
	v4 =	vadd.f32 v60, v59  }
0x263: {  	[tilespmem:s19+$0xFFFFFFF0] =	vst v3;
	v3 =	vshll.u32 v47, $0x10;
	v63 =	vshll.u32 v58, $0x10;
	v6 =	vadd.f32 v62, v61  }
0x264: {  	p2 =	seq.s32 s18, $0x0;
	[tilespmem:s19+$0xFFFFFFB0] =	vst v8;
	v1 =	vadd.f32 v3, v11;
	v3 =	vand.u32 $0xFFFF0000, v58;
	v4 =	vmul.f32 v63, v4  }
.Ltmp17:
0x265: {  	[tilespmem:s29+$0x70] =	vst v2;
	v2 =	vshll.u32 v49, $0x10;
	v3 =	vmul.f32 v3, v6;
	(pc) =	sbr.rel @p2 .LBB2_24-.Ltmp17, $4  }
0x266: {  	v1 =	vmul.f32 v2, v1;
	[tilespmem:s29+$0xFFFFFFB0] =	vst v4  }
0x267: {  	[tilespmem:s29+$0xFFFFFFF0] =	vst v3  }
0x268: {  	[tilespmem:s29+$0x30] =	vst v1  }
0x269: {  	[spmem:s1] =	stream.indirect.scatter.add.f32 [tilespmem:s13], [sflag:$0x6], $0x80, s12, s26, $0xb8;
	[tilespmem:$0x1DA80] =	vst v63  }
.LBB2_21:
0x26a: {  	p2 =	seq.s32 s17, $0x13A  }
0x26b: {  	s0 =	simm.s32 @!p2 $0x2  }
0x26c: {  	_ =	swait.ge @!p2 [sflag:s0], $0xC0  }
0x26d: {  	s14 =	simm.s32 @!p2 $0xC0;
	[sflag:s0] =	ssyncset.done @!p2 $0x0  }
0x26e: {  	s15 =	simm.s32 @!p2 $0x5200;
	[sflag:s0] =	ssyncadd.s32 @!p2 $0xFFFFFF40;
	s0 =	simm.s32 @!p2 $0x40  }
0x26f: {  	[tilespmem:s15], [sflag:$0x4] =	stream.indirect.gather @!p2 [hbm4b:s8+s0], $0x40, s14, s0, $0xb8;
	[tilespmem:$0x1DA80] =	vst v63  }
0x270: {  	s14 =	simm.s32 @!p2 $0x100;
	s15 =	simm.s32 @!p2 $0x6200  }
0x271: {  	[tilespmem:s15], [sflag:$0x4] =	stream.indirect.gather @!p2 [hbm4b:s9+s0], $0x40, s14, s0, $0xb8;
	[tilespmem:$0x1DA80] =	vst v63  }
0x272: {  	s14 =	simm.s32 @!p2 $0x140;
	s15 =	simm.s32 @!p2 $0x7200  }
0x273: {  	[tilespmem:s15], [sflag:$0x4] =	stream.indirect.gather @!p2 [hbm4b:s10+s0], $0x40, s14, s0, $0xb8;
	[tilespmem:$0x1DA80] =	vst v63  }
0x274: {  	_ =	swait.ge [sflag:s25], $0x1000  }
0x275: {  	[sflag:s25] =	ssyncset.done $0x0  }
0x276: {  	[sflag:s25] =	ssyncadd.s32 $0xFFFFF000  }
0x277: {  	_ =	swait.ge [sflag:s25], $0x1000  }
0x278: {  	[sflag:s25] =	ssyncset.done $0x0  }
0x279: {  	[sflag:s25] =	ssyncadd.s32 $0xFFFFF000  }
0x27a: {  	_ =	swait.ge [sflag:s25], $0x1000  }
0x27b: {  	p2 =	slt.u32 s17, $0x3;
	[sflag:s25] =	ssyncset.done $0x0  }
0x27c: {  	s0 =	simm.s32 @!p2 $0x5;
	[sflag:s25] =	ssyncadd.s32 $0xFFFFF000  }
0x27d: {  	_ =	swait.ge @!p2 [sflag:s0], $0x2000  }
0x27e: {  	[sflag:s0] =	ssyncset.done @!p2 $0x0  }
0x27f: {  	[sflag:s0] =	ssyncadd.s32 @!p2 $0xFFFFE000  }
0x280: {  	v1 =	vld [tilespmem:$0x40]  }
0x281: {  	v2 =	vld [tilespmem:$0x50]  }
0x282: {  	v3 =	vld [tilespmem:$0x60]  }
0x283: {  	p2 =	sgt.u32 s17, $0x138;
	v4 =	vld [tilespmem:$0x70]  }
0x284: {  	s0 =	sshll.u32 @!p2 s17, $0x4  }
0x285: {  	s0 =	sadd.s32 @!p2 s22, s0;
	[tilespmem:$0x180] =	vst v1  }
0x286: {  	s0 =	smul.u32 @!p2 $0x18, s0;
	[tilespmem:$0x190] =	vst v2  }
0x287: {  	[tilespmem:$0x1A0] =	vst v3  }
0x288: {  	s16 =	simm.s32 $0x240;
	s14 =	simm.s32 @!p2 $0x0;
	s0 =	sadd.s32 @!p2 s11, s0;
	[tilespmem:$0x1B0] =	vst v4  }
0x289: {  	[tilespmem:s14], [sflag:$0x1] =	stream.linear.gather @!p2 [hbm4b:s0+s14], $0xC0, $0x38;
	[tilespmem:$0x1DA80] =	vst v63  }
0x28a: {  	s21 =	simm.s32 $0x1240;
	v1 =	vld [tilespmem:s16+$0x0]  }
0x28b: {  	v2 =	vld [tilespmem:s21+$0x0]  }
0x28c: {  	s31 =	simm.s32 $0x2240  }
0x28d: {  	v3 =	vld [tilespmem:s31+$0x0];
	_ =	sdelay $0x2  }
0x28e: {  	v4 =	vld [tilespmem:s21+$0xFFFFFFC0];
	v5 =	vshll.u32 v1, $0x10;
	v6 =	vshll.u32 v2, $0x10  }
0x28f: {  	v7 =	vld [tilespmem:s16+$0xFFFFFFC0];
	v1 =	vand.u32 $0xFFFF0000, v1;
	v2 =	vand.u32 $0xFFFF0000, v2;
	v5 =	vadd.f32 v6, v5  }
0x290: {  	v6 =	vshll.u32 v3, $0x10;
	v1 =	vadd.f32 v2, v1  }
0x291: {  	v2 =	vld [tilespmem:s31+$0xFFFFFFC0];
	v3 =	vand.u32 $0xFFFF0000, v3;
	v5 =	vmul.f32 v6, v5  }
0x292: {  	s18 =	simm.s32 $0x3280;
	v1 =	vmul.f32 v3, v1  }
0x293: {  	[tilespmem:s18+$0x0] =	vst v5  }
0x294: {  	v3 =	vshll.u32 v7, $0x10;
	v5 =	vshll.u32 v4, $0x10;
	[tilespmem:s18+$0x40] =	vst v1  }
0x295: {  	v1 =	vand.u32 $0xFFFF0000, v7;
	v4 =	vand.u32 $0xFFFF0000, v4;
	v3 =	vadd.f32 v5, v3;
	v5 =	vld [tilespmem:s16+$0x10]  }
0x296: {  	v6 =	vshll.u32 v2, $0x10;
	v1 =	vadd.f32 v4, v1;
	v4 =	vld [tilespmem:s21+$0x10]  }
0x297: {  	v2 =	vand.u32 $0xFFFF0000, v2;
	v3 =	vmul.f32 v6, v3  }
0x298: {  	v1 =	vmul.f32 v2, v1;
	v2 =	vld [tilespmem:s31+$0x10]  }
0x299: {  	[tilespmem:s18+$0xFFFFFF80] =	vst v3  }
0x29a: {  	[tilespmem:s18+$0xFFFFFFC0] =	vst v1  }
0x29b: {  	v1 =	vld [tilespmem:s16+$0xFFFFFFD0];
	v3 =	vshll.u32 v5, $0x10;
	v6 =	vshll.u32 v4, $0x10  }
0x29c: {  	v7 =	vld [tilespmem:s21+$0xFFFFFFD0];
	v5 =	vand.u32 $0xFFFF0000, v5;
	v4 =	vand.u32 $0xFFFF0000, v4;
	v3 =	vadd.f32 v6, v3  }
0x29d: {  	v4 =	vadd.f32 v4, v5;
	v6 =	vshll.u32 v2, $0x10  }
0x29e: {  	s19 =	simm.s32 $0x2C0;
	v5 =	vld [tilespmem:s31+$0xFFFFFFD0];
	v2 =	vand.u32 $0xFFFF0000, v2;
	v3 =	vmul.f32 v6, v3  }
0x29f: {  	s20 =	simm.s32 $0x12C0;
	v6 =	vld [tilespmem:s19+$0x0];
	v2 =	vmul.f32 v2, v4  }
0x2a0: {  	s0 =	simm.s32 $0x22C0;
	v4 =	vld [tilespmem:s20+$0x0];
	[tilespmem:s18+$0x10] =	vst v3  }
0x2a1: {  	v9 =	vld [tilespmem:s0+$0x0];
	v3 =	vshll.u32 v1, $0x10;
	v8 =	vshll.u32 v7, $0x10;
	[tilespmem:s18+$0x50] =	vst v2  }
0x2a2: {  	v1 =	vand.u32 $0xFFFF0000, v1;
	v2 =	vand.u32 $0xFFFF0000, v7;
	v3 =	vadd.f32 v8, v3;
	v7 =	vld [tilespmem:s16+$0x20]  }
0x2a3: {  	v8 =	vshll.u32 v5, $0x10;
	v1 =	vadd.f32 v2, v1;
	v2 =	vld [tilespmem:s21+$0x20]  }
0x2a4: {  	v5 =	vand.u32 $0xFFFF0000, v5;
	v3 =	vmul.f32 v8, v3  }
0x2a5: {  	v10 =	vld [tilespmem:s31+$0x20];
	v1 =	vmul.f32 v5, v1;
	v5 =	vshll.u32 v6, $0x10;
	v8 =	vshll.u32 v4, $0x10  }
0x2a6: {  	v6 =	vand.u32 $0xFFFF0000, v6;
	v4 =	vand.u32 $0xFFFF0000, v4;
	v5 =	vadd.f32 v8, v5  }
0x2a7: {  	v11 =	vshll.u32 v9, $0x10;
	v9 =	vand.u32 $0xFFFF0000, v9;
	v8 =	vld [tilespmem:s20+$0xFFFFFFC0];
	v4 =	vadd.f32 v4, v6  }
0x2a8: {  	[tilespmem:s18+$0xFFFFFF90] =	vst v3;
	v3 =	vld [tilespmem:s19+$0xFFFFFFC0];
	v5 =	vmul.f32 v11, v5;
	v6 =	vshll.u32 v7, $0x10;
	v11 =	vshll.u32 v2, $0x10  }
0x2a9: {  	[tilespmem:s18+$0xFFFFFFD0] =	vst v1;
	v1 =	vld [tilespmem:s0+$0xFFFFFFC0];
	v7 =	vand.u32 $0xFFFF0000, v7;
	v2 =	vand.u32 $0xFFFF0000, v2;
	v6 =	vadd.f32 v11, v6  }
0x2aa: {  	s30 =	simm.s32 $0x3380;
	v4 =	vmul.f32 v9, v4;
	v9 =	vshll.u32 v10, $0x10;
	v11 =	vld [tilespmem:s16+$0xFFFFFFE0];
	v2 =	vadd.f32 v2, v7  }
0x2ab: {  	v7 =	vld [tilespmem:s21+$0xFFFFFFE0];
	[tilespmem:s30+$0x0] =	vst v5;
	v5 =	vand.u32 $0xFFFF0000, v10;
	v6 =	vmul.f32 v9, v6  }
0x2ac: {  	[tilespmem:s30+$0x40] =	vst v4;
	v2 =	vmul.f32 v5, v2  }
0x2ad: {  	v4 =	vld [tilespmem:s31+$0xFFFFFFE0];
	v9 =	vshll.u32 v8, $0x10;
	v8 =	vand.u32 $0xFFFF0000, v8;
	v5 =	vshll.u32 v3, $0x10;
	[tilespmem:s18+$0x20] =	vst v6  }
0x2ae: {  	v12 =	vld [tilespmem:s19+$0x10];
	v3 =	vand.u32 $0xFFFF0000, v3;
	v6 =	vshll.u32 v1, $0x10;
	v5 =	vadd.f32 v9, v5;
	[tilespmem:s18+$0x60] =	vst v2  }
0x2af: {  	v1 =	vand.u32 $0xFFFF0000, v1;
	v3 =	vadd.f32 v8, v3;
	v8 =	vshll.u32 v11, $0x10;
	v9 =	vld [tilespmem:s16+$0x30]  }
0x2b0: {  	v10 =	vand.u32 $0xFFFF0000, v11;
	v2 =	vld [tilespmem:s21+$0x30];
	v5 =	vmul.f32 v6, v5;
	v6 =	vshll.u32 v7, $0x10  }
0x2b1: {  	v3 =	vmul.f32 v1, v3;
	v1 =	vand.u32 $0xFFFF0000, v7;
	v7 =	vld [tilespmem:s20+$0x10];
	v6 =	vadd.f32 v6, v8  }
0x2b2: {  	v8 =	vadd.f32 v1, v10;
	v1 =	vld [tilespmem:s31+$0x30];
	[tilespmem:s30+$0xFFFFFF80] =	vst v5;
	v5 =	vshll.u32 v4, $0x10  }
0x2b3: {  	v13 =	vld [tilespmem:s0+$0x10];
	v4 =	vand.u32 $0xFFFF0000, v4;
	[tilespmem:s30+$0xFFFFFFC0] =	vst v3;
	v3 =	vmul.f32 v5, v6  }
0x2b4: {  	v5 =	vmul.f32 v4, v8;
	v8 =	vld [tilespmem:s19+$0xFFFFFFD0];
	v4 =	vshll.u32 v9, $0x10  }
0x2b5: {  	v10 =	vld [tilespmem:s20+$0xFFFFFFD0];
	v6 =	vand.u32 $0xFFFF0000, v9;
	v11 =	vand.u32 $0xFFFF0000, v2;
	[tilespmem:s18+$0xFFFFFFA0] =	vst v3;
	v3 =	vshll.u32 v12, $0x10  }
0x2b6: {  	v9 =	vld [tilespmem:s0+$0xFFFFFFD0];
	[tilespmem:s18+$0xFFFFFFE0] =	vst v5;
	v5 =	vshll.u32 v7, $0x10;
	v12 =	vand.u32 $0xFFFF0000, v12;
	v14 =	vadd.f32 v11, v6  }
0x2b7: {  	v6 =	vand.u32 $0xFFFF0000, v7;
	v3 =	vadd.f32 v5, v3;
	v5 =	vld [tilespmem:s16+$0xFFFFFFF0];
	v7 =	vand.u32 $0xFFFF0000, v1  }
0x2b8: {  	s29 =	simm.s32 $0x3380;
	s15 =	simm.s32 $0x12C0;
	v15 =	vshll.u32 v13, $0x10;
	v11 =	vadd.f32 v6, v12;
	v6 =	vld [tilespmem:s21+$0xFFFFFFF0];
	v7 =	vmul.f32 v7, v14  }
0x2b9: {  	s14 =	simm.s32 $0x22C0;
	s16 =	simm.s32 $0x2;
	s21 =	simm.s32 $0x340;
	v14 =	vand.u32 $0xFFFF0000, v13;
	v12 =	vshll.u32 v8, $0x10;
	v13 =	vmul.f32 v15, v3;
	v3 =	vld [tilespmem:s31+$0xFFFFFFF0]  }
.LBB2_22:
0x2ba: {  	v15 =	vld [tilespmem:s21+$0x0];
	v16 =	vshll.u32 v10, $0x10;
	v8 =	vand.u32 $0xFFFF0000, v8;
	v11 =	vmul.f32 v14, v11;
	s20 =	sadd.s32 $0x80, s20;
	[tilespmem:s18+$0x70] =	vst v7  }
0x2bb: {  	v14 =	vshll.u32 v9, $0x10;
	v10 =	vand.u32 $0xFFFF0000, v10;
	s0 =	sadd.s32 $0x80, s0;
	v7 =	vld [tilespmem:s20+$0x0];
	v12 =	vadd.f32 v16, v12;
	[tilespmem:s30+$0x10] =	vst v13  }
0x2bc: {  	v9 =	vand.u32 $0xFFFF0000, v9;
	v8 =	vadd.f32 v10, v8;
	v10 =	vshll.u32 v5, $0x10;
	v13 =	vld [tilespmem:s0+$0x0];
	[tilespmem:s30+$0x50] =	vst v11  }
0x2bd: {  	v5 =	vand.u32 $0xFFFF0000, v5;
	v11 =	vmul.f32 v14, v12;
	v12 =	vld [tilespmem:s19+$0x20];
	v14 =	vshll.u32 v6, $0x10  }
0x2be: {  	v2 =	vshll.u32 v2, $0x10;
	v8 =	vmul.f32 v9, v8;
	v6 =	vand.u32 $0xFFFF0000, v6;
	v9 =	vld [tilespmem:s15+$0x20]  }
0x2bf: {  	v10 =	vadd.f32 v14, v10;
	v5 =	vadd.f32 v6, v5;
	v16 =	vld [tilespmem:s20+$0xFFFFFFC0];
	[tilespmem:s30+$0xFFFFFF90] =	vst v11;
	v11 =	vshll.u32 v3, $0x10  }
0x2c0: {  	v17 =	vadd.f32 v2, v4;
	v6 =	vshll.u32 v15, $0x10;
	v14 =	vshll.u32 v7, $0x10;
	[tilespmem:s30+$0xFFFFFFD0] =	vst v8;
	v8 =	vld [tilespmem:s14+$0x20]  }
0x2c1: {  	v4 =	vand.u32 $0xFFFF0000, v15;
	v7 =	vand.u32 $0xFFFF0000, v7;
	v2 =	vld [tilespmem:s21+$0xFFFFFFC0];
	v6 =	vadd.f32 v14, v6  }
0x2c2: {  	v15 =	vshll.u32 v13, $0x10;
	v13 =	vand.u32 $0xFFFF0000, v13;
	v4 =	vadd.f32 v7, v4;
	v14 =	vld [tilespmem:s0+$0xFFFFFFC0]  }
0x2c3: {  	v6 =	vmul.f32 v15, v6;
	v7 =	vld [tilespmem:s19+$0xFFFFFFE0];
	v15 =	vshll.u32 v12, $0x10;
	v18 =	vshll.u32 v9, $0x10  }
0x2c4: {  	v12 =	vand.u32 $0xFFFF0000, v12;
	v9 =	vand.u32 $0xFFFF0000, v9;
	v19 =	vld [tilespmem:s15+$0xFFFFFFE0];
	v15 =	vadd.f32 v18, v15  }
0x2c5: {  	s16 =	sadd.s32 $0x2, s16;
	s30 =	sadd.s32 $0x100, s30;
	v4 =	vmul.f32 v13, v4;
	v9 =	vadd.f32 v9, v12;
	v13 =	vld [tilespmem:s14+$0xFFFFFFE0];
	v18 =	vshll.u32 v8, $0x10  }
0x2c6: {  	p2 =	slt.u32 s16, $0x3E;
	v12 =	vshll.u32 v2, $0x10;
	[tilespmem:s30+$0x0] =	vst v6;
	v6 =	vand.u32 $0xFFFF0000, v8;
	v8 =	vmul.f32 v18, v15  }
0x2c7: {  	v15 =	vshll.u32 v16, $0x10;
	v2 =	vand.u32 $0xFFFF0000, v2;
	[tilespmem:s30+$0x40] =	vst v4;
	v4 =	vmul.f32 v6, v9  }
0x2c8: {  	v6 =	vshll.u32 v14, $0x10;
	v9 =	vand.u32 $0xFFFF0000, v16;
	v12 =	vadd.f32 v15, v12;
	[tilespmem:s29+$0x20] =	vst v8  }
0x2c9: {  	v8 =	vand.u32 $0xFFFF0000, v14;
	v2 =	vadd.f32 v9, v2;
	v9 =	vshll.u32 v7, $0x10;
	v14 =	vld [tilespmem:s21+$0x10];
	[tilespmem:s29+$0x60] =	vst v4  }
0x2ca: {  	v7 =	vand.u32 $0xFFFF0000, v7;
	v4 =	vmul.f32 v6, v12;
	v6 =	vshll.u32 v19, $0x10;
	v12 =	vld [tilespmem:s19+$0x30]  }
0x2cb: {  	v15 =	vand.u32 $0xFFFF0000, v19;
	v8 =	vmul.f32 v8, v2;
	v6 =	vadd.f32 v6, v9;
	v2 =	vld [tilespmem:s15+$0x30]  }
0x2cc: {  	v9 =	vand.u32 $0xFFFF0000, v13;
	v7 =	vadd.f32 v15, v7;
	[tilespmem:s30+$0xFFFFFF80] =	vst v4;
	v16 =	vld [tilespmem:s20+$0x10];
	v4 =	vshll.u32 v13, $0x10  }
0x2cd: {  	v3 =	vand.u32 $0xFFFF0000, v3;
	[tilespmem:s30+$0xFFFFFFC0] =	vst v8;
	v4 =	vmul.f32 v4, v6;
	v6 =	vshll.u32 v1, $0x10;
	v1 =	vld [tilespmem:s14+$0x30]  }
0x2ce: {  	v11 =	vmul.f32 v11, v10;
	v7 =	vmul.f32 v9, v7;
	v13 =	vld [tilespmem:s0+$0x10]  }
0x2cf: {  	v3 =	vmul.f32 v3, v5;
	v15 =	vmul.f32 v6, v17;
	v8 =	vld [tilespmem:s21+$0xFFFFFFD0];
	[tilespmem:s29+$0xFFFFFFA0] =	vst v4;
	v4 =	vshll.u32 v12, $0x10  }
.Ltmp18:
0x2d0: {  	v5 =	vshll.u32 v14, $0x10;
	v6 =	vand.u32 $0xFFFF0000, v12;
	v10 =	vld [tilespmem:s20+$0xFFFFFFD0];
	[tilespmem:s29+$0xFFFFFFE0] =	vst v7;
	v7 =	vand.u32 $0xFFFF0000, v2;
	(pc) =	sbr.rel @p2 .LBB2_22-.Ltmp18, $4  }
0x2d1: {  	v14 =	vand.u32 $0xFFFF0000, v14;
	v9 =	vld [tilespmem:s0+$0xFFFFFFD0];
	v12 =	vshll.u32 v16, $0x10;
	v7 =	vadd.f32 v7, v6;
	[tilespmem:s18+$0xFFFFFFB0] =	vst v11  }
0x2d2: {  	v6 =	vand.u32 $0xFFFF0000, v16;
	v16 =	vadd.f32 v12, v5;
	v5 =	vld [tilespmem:s19+$0xFFFFFFF0];
	v12 =	vand.u32 $0xFFFF0000, v1;
	[tilespmem:s18+$0xFFFFFFF0] =	vst v3;
	s19 =	smov.u32 s21  }
0x2d3: {  	v11 =	vadd.f32 v6, v14;
	v3 =	vshll.u32 v13, $0x10;
	v6 =	vld [tilespmem:s15+$0xFFFFFFF0];
	v7 =	vmul.f32 v12, v7;
	[tilespmem:s18+$0x30] =	vst v15;
	s15 =	smov.u32 s20;
	s18 =	smov.u32 s29;
	s29 =	smov.u32 s30  }
0x2d4: {  	s21 =	sadd.s32 $0x80, s21;
	v14 =	vand.u32 $0xFFFF0000, v13;
	v12 =	vshll.u32 v8, $0x10;
	v13 =	vmul.f32 v3, v16;
	v3 =	vld [tilespmem:s14+$0xFFFFFFF0];
	s14 =	smov.u32 s0  }
.Ltmp19:
0x2d5: {  	_ = 	snop;
	(pc) =	sbr.rel .LBB2_23-.Ltmp19, $1  }
0x2d6: {  	_ =	sdelay $0x3  }
.LBB2_14:
0x2d7: {  	s0 =	simm.s32 $0x6  }
0x2d8: {  	_ =	swait.ge [sflag:s0], $0x2000  }
0x2d9: {  	[sflag:s0] =	ssyncset.done $0x0  }
0x2da: {  	s31 =	simm.s32 $0x5;
	[sflag:s0] =	ssyncadd.s32 $0xFFFFE000  }
0x2db: {  	_ =	swait.ge [sflag:s31], $0x2000  }
0x2dc: {  	[sflag:s31] =	ssyncset.done $0x0  }
0x2dd: {  	[sflag:s31] =	ssyncadd.s32 $0xFFFFE000  }
0x2de: {  	[bflag:$0x0] =	sbarrier.arrive $0xFFFF  }
0x2df: {  	s14 =	rddreg [dreg:$0x16]  }
0x2e0: {  	s0 =	simm.s32 @p1 $0x1FC7;
	s15 =	rddreg [dreg:$0x1b]  }
0x2e1: {  	[hbm:s14], [sflag:s0] =	dma.local @p1 [spmem:s15], $0x1900  }
0x2e2: {  	s0 =	simm.s32 @p1 $0x7  }
0x2e3: {  	_ =	swait.ge @p1 [sflag:s0], $0x1900  }
0x2e4: {  	[sflag:s0] =	ssyncset.done @p1 $0x0;
	s14 =	rddreg [dreg:$0x15]  }
0x2e5: {  	[sflag:s0] =	ssyncadd.s32 @p1 $0xFFFFE700;
	s0 =	rddreg [dreg:$0x1a]  }
0x2e6: {  	s15 =	rddreg [dreg:$0x19];
	s0 =	sor.u32 @!p1 $0x1C07, s0  }
0x2e7: {  	[hbm:s14], [sflag:s0] =	dma.local @!p1 [spmem:s15], $0x2800  }
.Ltmp20:
0x2e8: {  	_ = 	snop;
	(pc) =	sbr.rel .LBB2_26-.Ltmp20, $4  }
0x2e9: {  	s0 =	simm.s32 @!p1 $0x7  }
0x2ea: {  	_ =	swait.ge @!p1 [sflag:s0], $0x2800  }
0x2eb: {  	[sflag:s0] =	ssyncset.done @!p1 $0x0  }
0x2ec: {  	[sflag:s0] =	ssyncadd.s32 @!p1 $0xFFFFD800  }
.LBB2_27:
0x2ed: {  	_ =	sfence.sel $0x180000  }
0x2ee: {  	[bflag:$0x0] =	sbarrier.arrive $0xFFFF  }
0x2ef: {  	_ =	strace $0x90000047  }
0x2f0: {  	s0 =	stileid.u32;
	[bflag:$0x2] =	sbarrier.arrive $0xFFFF  }
0x2f1: {  	p0 =	sne.s32 s0, $0x0;
	s0 =	rddreg [dreg:$0x4]  }
0x2f2: {  	s0 =	sadd.s32 @!p0 $0x100000, s0  }
0x2f3: {  	[sflag:s0] =	ssyncadd.tile.s32 @!p0 $0x1;
	_ =	shalt  }
.Lfunc_end2:
_tile_overlayer_lowered:
.L_overlay_start_2:
0x2f4: {  	(tag) =	ssettag $0x2  }
0x2f5: {  	s0 =	rddreg [dreg:$0x0];
	s2 =	stileid.u32  }
0x2f6: {  	s1 =	rddreg [dreg:$0x1];
	p0 =	sne.s32 s2, $0x0  }
0x2f7: {  	s3 =	rddreg [dreg:$0x2];
	[bflag:$0x3] =	sbarrier.arrive $0xFFFF;
	s2 =	simm.s32 @!p0 $0x1C07  }
0x2f8: {  	[timem:s3], [sflag:s2] =	dma.local @!p0 [hbm:s0], s1  }
0x2f9: {  	s0 =	simm.s32 @!p0 $0x7  }
0x2fa: {  	_ =	swait.ge @!p0 [sflag:s0], s1  }
0x2fb: {  	s1 =	ssub.s32 @!p0 $0x0, s1;
	[sflag:s0] =	ssyncset.done @!p0 $0x0  }
0x2fc: {  	[sflag:s0] =	ssyncadd.s32 @!p0 s1  }
0x2fd: {  	[bflag:$0x3] =	sbarrier.arrive $0xFFFF  }
0x2fe: {  	_ =	shalt  }

</sc_bundles>
